<compile_context>
chip_gen: v7x
topology: tpu7x:2x2x1
jax: 0.10.2.dev20260603
libtpu: 0.0.44.dev20260713+nightly
codegen_flags: <defaults>
</compile_context>

<pallas_src>
import functools

import jax
import jax.numpy as jnp
from jax import lax
from jax.experimental import pallas as pl
from jax.experimental.pallas import tpu as pltpu
from jax.experimental.pallas import tpu_sc as plsc

N = 10000
NPAD = 10240
H = 128
BLK = 512
NBLK = NPAD // BLK

NC = 2
NS = 16
EB = 128
KB = 158
EPAD = NS * KB * EB
RPT = NPAD // NS
HH = H // 2


def _ln(u, g, b):
    mu = jnp.mean(u, axis=-1, keepdims=True)
    var = jnp.mean((u - mu) ** 2, axis=-1, keepdims=True)
    return (u - mu) / jnp.sqrt(var + 1e-5) * g + b


def _store_ep(ep_ref, e, p):
    ep_ref[0, 0] = e[:, :HH]
    ep_ref[0, 1] = e[:, HH:]
    ep_ref[1, 0] = p[:, :HH]
    ep_ref[1, 1] = p[:, HH:]


def _agg_from_sw(sw_ref):
    return jnp.concatenate(
        [sw_ref[1, 0] / (sw_ref[0, 0] + 1e-16),
         sw_ref[1, 1] / (sw_ref[0, 1] + 1e-16)], axis=-1)


def _embed(xp, fc_w, fc_b, t0):
    def body(t_ref, x_ref, w_ref, b_ref, h_ref, ep_ref):
        h = jnp.maximum(
            jnp.dot(x_ref[...], w_ref[...], preferred_element_type=jnp.float32)
            + b_ref[...], 0.0)
        h_ref[...] = h
        m = h + 1e-7
        e = jnp.exp(t_ref[0, 0] * m)
        _store_ep(ep_ref, e, m * e)

    return pl.pallas_call(
        body,
        grid=(NBLK,),
        in_specs=[
            pl.BlockSpec(memory_space=pltpu.SMEM),
            pl.BlockSpec((BLK, H), lambda b: (b, 0)),
            pl.BlockSpec((H, H), lambda b: (0, 0)),
            pl.BlockSpec((1, H), lambda b: (0, 0)),
        ],
        out_specs=[
            pl.BlockSpec((BLK, H), lambda b: (b, 0)),
            pl.BlockSpec((2, 2, BLK, HH), lambda b: (0, 0, b, 0)),
        ],
        out_shape=[
            jax.ShapeDtypeStruct((NPAD, H), jnp.float32),
            jax.ShapeDtypeStruct((2, 2, NPAD, HH), jnp.float32),
        ],
    )(t0, xp, fc_w, fc_b.reshape(1, -1))


def _conv(h, sw, cp, t_next, residual):
    has_next = t_next is not None

    def body(*refs):
        if residual:
            (t_ref, h_ref, sw_ref, w1, b1, g1, be1, w2, b2, ng, nb) = refs[:11]
            outs = refs[11:]
        else:
            (t_ref, h_ref, sw_ref, w1, b1, g1, be1, w2, b2) = refs[:9]
            outs = refs[9:]
        h_out_ref = outs[0]
        agg = _agg_from_sw(sw_ref)
        h_in = h_ref[...]
        z = agg + h_in
        u = jnp.dot(z, w1[...], preferred_element_type=jnp.float32) + b1[...]
        u = jnp.maximum(_ln(u, g1[...], be1[...]), 0.0)
        v = jnp.dot(u, w2[...], preferred_element_type=jnp.float32) + b2[...]
        if residual:
            h_new = h_in + jnp.maximum(_ln(v, ng[...], nb[...]), 0.0)
        else:
            h_new = v
        h_out_ref[...] = h_new
        if has_next:
            ep_ref = outs[1]
            m = jnp.maximum(h_new, 0.0) + 1e-7
            e = jnp.exp(t_ref[0, 0] * m)
            _store_ep(ep_ref, e, m * e)

    row = lambda shp: pl.BlockSpec(shp, lambda b: (0, 0))
    in_specs = [
        pl.BlockSpec(memory_space=pltpu.SMEM),
        pl.BlockSpec((BLK, H), lambda b: (b, 0)),
        pl.BlockSpec((2, 2, BLK, HH), lambda b: (0, 0, b, 0)),
        row((H, 2 * H)), row((1, 2 * H)), row((1, 2 * H)), row((1, 2 * H)),
        row((2 * H, H)), row((1, H)),
    ]
    args = [
        jnp.ones((1, 1), jnp.float32) if t_next is None else t_next,
        h, sw,
        cp["w1"], cp["b1"].reshape(1, -1),
        cp["ln_g"].reshape(1, -1), cp["ln_b"].reshape(1, -1),
        cp["w2"], cp["b2"].reshape(1, -1),
    ]
    if residual:
        in_specs += [row((1, H)), row((1, H))]
        args += [cp["nrm_g"].reshape(1, -1), cp["nrm_b"].reshape(1, -1)]
    out_specs = [pl.BlockSpec((BLK, H), lambda b: (b, 0))]
    out_shape = [jax.ShapeDtypeStruct((NPAD, H), jnp.float32)]
    if has_next:
        out_specs.append(pl.BlockSpec((2, 2, BLK, HH), lambda b: (0, 0, b, 0)))
        out_shape.append(jax.ShapeDtypeStruct((2, 2, NPAD, HH), jnp.float32))

    res = pl.pallas_call(
        body, grid=(NBLK,),
        in_specs=in_specs, out_specs=out_specs, out_shape=out_shape,
    )(*args)
    return res if has_next else (res[0], None)


def _segsum(v4, srcb, dstb):
    mesh = plsc.VectorSubcoreMesh(core_axis_name="c", subcore_axis_name="s")

    @functools.partial(
        pl.kernel,
        out_type=jax.ShapeDtypeStruct((NC, 2, NPAD, HH), jnp.float32),
        mesh=mesh,
        compiler_params=pltpu.CompilerParams(use_tc_tiling_on_sc=False),
        scratch_types=[
            pltpu.VMEM((KB, EB), jnp.int32),
            pltpu.VMEM((KB, EB), jnp.int32),
            pltpu.VMEM((2, EB, HH), jnp.float32),
            pltpu.VMEM((EB, HH), jnp.float32),
            pltpu.VMEM_SHARED((NPAD, HH), jnp.float32),
            pltpu.SemaphoreType.DMA((2,)),
        ],
    )
    def k(v4_hbm, srcb_hbm, dstb_hbm, out_hbm, src_v, dst_v, rows_v, zb_v,
          acc, gsem):
        c = lax.axis_index("c")
        s = lax.axis_index("s")
        pltpu.sync_copy(dstb_hbm.at[s], dst_v)

        zeros16 = jnp.zeros((16,), jnp.float32)

        def zrow(i, carry):
            for j in range(HH // 16):
                zb_v[i, pl.ds(j * 16, 16)] = zeros16
            return carry

        lax.fori_loop(0, EB, zrow, 0)

        def gather_cp(j, b):
            return pltpu.make_async_copy(
                v4_hbm.at[src_v.at[j]], rows_v.at[b], gsem.at[b])

        for h in range(2):
            pltpu.sync_copy(srcb_hbm.at[c, h, s], src_v)
            for r in range(RPT // EB):
                pltpu.sync_copy(zb_v, acc.at[pl.ds(s * RPT + r * EB, EB)])
            plsc.subcore_barrier()

            gather_cp(0, 0).start()
            gather_cp(1, 1).start()

            def step(g, carry):
                for b in range(2):
                    j = g * 2 + b
                    gather_cp(j, b).wait()
                    pltpu.sync_copy(rows_v.at[b], acc.at[dst_v.at[j]],
                                    add=True)

                    @pl.when(j + 2 < KB)
                    def _():
                        gather_cp(j + 2, b).start()
                return carry

            lax.fori_loop(0, KB // 2, step, 0)
            plsc.subcore_barrier()
            pltpu.sync_copy(acc.at[pl.ds(s * RPT, RPT)],
                            out_hbm.at[c, h, pl.ds(s * RPT, RPT)])

    return k(v4, srcb, dstb)


def _attn(hs, p):
    def body(h0r, h1r, h2r, h3r, phw, phb, awr, abr, bwr, bbr, cwr, cbr,
             rwr, rbr, clw, clb, out_ref, vacc, msc, zsc):
        b = pl.program_id(0)

        @pl.when(b == 0)
        def _():
            msc[0, 0] = -1e30
            zsc[0, 0] = 0.0
            vacc[...] = jnp.zeros_like(vacc)

        hp = jnp.maximum(
            jnp.dot(h0r[...], phw[0:H], preferred_element_type=jnp.float32)
            + jnp.dot(h1r[...], phw[H:2 * H], preferred_element_type=jnp.float32)
            + jnp.dot(h2r[...], phw[2 * H:3 * H], preferred_element_type=jnp.float32)
            + jnp.dot(h3r[...], phw[3 * H:], preferred_element_type=jnp.float32)
            + phb[...], 0.0)
        a = jnp.tanh(jnp.dot(hp, awr[...], preferred_element_type=jnp.float32)
                     + abr[...])
        g = jax.nn.sigmoid(jnp.dot(hp, bwr[...], preferred_element_type=jnp.float32)
                           + bbr[...])
        sc = jnp.dot(a * g, cwr[...], preferred_element_type=jnp.float32) + cbr[...]
        rows = b * BLK + lax.broadcasted_iota(jnp.int32, (BLK, 1), 0)
        sc = jnp.where(rows < N, sc, -1e30)

        m_old = msc[0, 0]
        m_new = jnp.maximum(m_old, jnp.max(sc))
        scale = jnp.exp(m_old - m_new)
        e = jnp.exp(sc - m_new)
        zsc[0, 0] = zsc[0, 0] * scale + jnp.sum(e)
        vacc[...] = vacc[...] * scale + jnp.sum(hp * e, axis=0, keepdims=True)
        msc[0, 0] = m_new

        hpool = vacc[...] / zsc[0, 0]
        hres = jnp.maximum(
            jnp.dot(hpool, rwr[...], preferred_element_type=jnp.float32)
            + rbr[...], 0.0)
        logit = jnp.dot(hres, clw[...], preferred_element_type=jnp.float32) + clb[...]
        out_ref[...] = jax.nn.sigmoid(logit)

    D4 = 4 * H
    row = lambda shp: pl.BlockSpec(shp, lambda b: (0, 0))
    hblk = pl.BlockSpec((BLK, H), lambda b: (b, 0))
    return pl.pallas_call(
        body,
        grid=(NBLK,),
        in_specs=[hblk, hblk, hblk, hblk,
                  row((D4, D4)), row((1, D4)),
                  row((D4, D4)), row((1, D4)),
                  row((D4, D4)), row((1, D4)),
                  row((D4, 1)), row((1, 1)),
                  row((D4, D4)), row((1, D4)),
                  row((D4, 1)), row((1, 1))],
        out_specs=pl.BlockSpec((1, 1), lambda b: (0, 0)),
        out_shape=jax.ShapeDtypeStruct((1, 1), jnp.float32),
        scratch_shapes=[
            pltpu.VMEM((1, D4), jnp.float32),
            pltpu.SMEM((1, 1), jnp.float32),
            pltpu.SMEM((1, 1), jnp.float32),
        ],
    )(hs[0], hs[1], hs[2], hs[3],
      p["phi_w"], p["phi_b"].reshape(1, -1),
      p["aw"], p["ab"].reshape(1, -1),
      p["bw"], p["bb"].reshape(1, -1),
      p["cw"], p["cb"].reshape(1, 1),
      p["rho_w"], p["rho_b"].reshape(1, -1),
      p["cls_w"], p["cls_b"].reshape(1, 1))


def kernel(x, edge_index, batch, params):
    src = edge_index[0]
    dst = edge_index[1]
    pad = EPAD - src.shape[0]
    srcp = jnp.concatenate([src, jnp.full((pad,), N, jnp.int32)])
    dstp = jnp.concatenate([dst, jnp.full((pad,), N, jnp.int32)])
    srcb = (srcp[None, None] +
            (jnp.arange(4, dtype=jnp.int32) * NPAD).reshape(2, 2, 1)
            ).reshape(NC, 2, NS, KB, EB)
    dstb = dstp.reshape(NS, KB, EB)
    xp = jnp.pad(x, ((0, NPAD - N), (0, 0)))

    cs = params["convs"]
    t = [c["t"].reshape(1, 1) for c in cs]

    h0, ep0 = _embed(xp, params["fc_w"], params["fc_b"], t[0])
    sw0 = _segsum(ep0.reshape(4 * NPAD, HH), srcb, dstb)
    h1, ep1 = _conv(h0, sw0, cs[0], t[1], residual=False)
    sw1 = _segsum(ep1.reshape(4 * NPAD, HH), srcb, dstb)
    h2, ep2 = _conv(h1, sw1, cs[1], t[2], residual=True)
    sw2 = _segsum(ep2.reshape(4 * NPAD, HH), srcb, dstb)
    h3, _ = _conv(h2, sw2, cs[2], None, residual=True)
    return _attn((h0, h1, h2, h3), params)

# --- scband reference (transcript-rebuilt; emitter-appended) ---
"""Pipeline reference for scband-patch-gcn-surv-18605798326620 (READ-ONLY COPY).

The authoritative reference and input builder live on the scoring server;
editing this copy changes nothing except your own understanding.
"""

import jax, jax.numpy as jnp
import numpy as np

N = 10000
E = 320000
D_IN = 128
H = 128

def _w(key, shape, scale=0.05):
    return jax.random.normal(key, shape, dtype=jnp.float32) * scale

def _make_params(key):
    ks = iter(jax.random.split(key, 64))
    p = {}
    p["fc_w"] = _w(next(ks), (D_IN, H))
    p["fc_b"] = jnp.zeros((H,), jnp.float32)
    convs = []
    for _ in range(3):
        c = {
            "t": jnp.array(1.0, jnp.float32),
            "w1": _w(next(ks), (H, 2 * H)),
            "b1": jnp.zeros((2 * H,), jnp.float32),
            "ln_g": jnp.ones((2 * H,), jnp.float32),
            "ln_b": jnp.zeros((2 * H,), jnp.float32),
            "w2": _w(next(ks), (2 * H, H)),
            "b2": jnp.zeros((H,), jnp.float32),
            "nrm_g": jnp.ones((H,), jnp.float32),
            "nrm_b": jnp.zeros((H,), jnp.float32),
        }
        convs.append(c)
    p["convs"] = convs
    D4 = 4 * H
    p["phi_w"] = _w(next(ks), (D4, D4)); p["phi_b"] = jnp.zeros((D4,), jnp.float32)
    p["aw"] = _w(next(ks), (D4, D4)); p["ab"] = jnp.zeros((D4,), jnp.float32)
    p["bw"] = _w(next(ks), (D4, D4)); p["bb"] = jnp.zeros((D4,), jnp.float32)
    p["cw"] = _w(next(ks), (D4, 1)); p["cb"] = jnp.zeros((1,), jnp.float32)
    p["rho_w"] = _w(next(ks), (D4, D4)); p["rho_b"] = jnp.zeros((D4,), jnp.float32)
    p["cls_w"] = _w(next(ks), (D4, 1)); p["cls_b"] = jnp.zeros((1,), jnp.float32)
    return p

def setup_inputs(seed: int = 0):
    key = jax.random.key(seed)
    k1, k2, k3 = jax.random.split(key, 3)
    x = jax.random.normal(k1, (N, D_IN), dtype=jnp.float32)
    edge_index = jax.random.randint(k2, (2, E), 0, N, dtype=jnp.int32)
    batch = jnp.zeros((N,), jnp.int32)
    params = _make_params(k3)
    return {"x": x, "edge_index": edge_index, "batch": batch, "params": params}

def _layer_norm(x, g, b, eps=1e-5):
    mu = jnp.mean(x, axis=-1, keepdims=True)
    var = jnp.mean((x - mu) ** 2, axis=-1, keepdims=True)
    return (x - mu) / jnp.sqrt(var + eps) * g + b

def _segment_softmax(scores, seg, num_segments):
    m = jax.ops.segment_max(scores, seg, num_segments=num_segments)
    m = jnp.where(jnp.isfinite(m), m, 0.0)
    e = jnp.exp(scores - m[seg])
    s = jax.ops.segment_sum(e, seg, num_segments=num_segments)
    return e / (s[seg] + 1e-16)

def _gen_conv(x, src, dst, p):
    # GENConv(aggr='softmax', t learnable, eps=1e-7, MLP: Lin->LN->ReLU->Lin)
    msg = jax.nn.relu(x[src]) + 1e-7
    alpha = _segment_softmax(msg * p["t"], dst, N)
    agg = jax.ops.segment_sum(msg * alpha, dst, num_segments=N)
    out = agg + x
    h = out @ p["w1"] + p["b1"]
    h = _layer_norm(h, p["ln_g"], p["ln_b"])
    h = jax.nn.relu(h)
    h = h @ p["w2"] + p["b2"]
    return h

def _forward(x, edge_index, params):
    src = edge_index[0]
    dst = edge_index[1]
    # fc (dropout is identity at inference)
    h = jax.nn.relu(x @ params["fc_w"] + params["fc_b"])
    x_cat = h
    # layer 0: conv only (no norm/act/residual), per PatchGCN forward
    h = _gen_conv(h, src, dst, params["convs"][0])
    x_cat = jnp.concatenate([x_cat, h], axis=1)
    # layers 1..2: full DeepGCNLayer block='res': x + relu(LN(conv(x)))
    for i in (1, 2):
        p = params["convs"][i]
        out = _gen_conv(h, src, dst, p)
        out = _layer_norm(out, p["nrm_g"], p["nrm_b"])
        out = jax.nn.relu(out)
        h = h + out
        x_cat = jnp.concatenate([x_cat, h], axis=1)
    hp = jax.nn.relu(x_cat @ params["phi_w"] + params["phi_b"])
    a = jnp.tanh(hp @ params["aw"] + params["ab"])
    bgate = jax.nn.sigmoid(hp @ params["bw"] + params["bb"])
    A = (a * bgate) @ params["cw"] + params["cb"]
    A = jnp.transpose(A)
    A = jax.nn.softmax(A, axis=1)
    hpool = A @ hp
    hres = jax.nn.relu(hpool @ params["rho_w"] + params["rho_b"])
    hres = jnp.squeeze(hres)
    logits = (hres @ params["cls_w"] + params["cls_b"])[None, :]
    hazards = jax.nn.sigmoid(logits)
    return hazards

def reference(x, edge_index, batch, params):
    return _forward(x, edge_index, params)

if __name__ == "__main__":
    import jax
    _d = setup_inputs()
    print(jax.jit(kernel)(*tuple(_d.values())))

</pallas_src>

<mosaic_0001>
#map = affine_map<(d0, d1) -> (0, 0)>
#map1 = affine_map<(d0, d1) -> (0, 0, 0, 0, 0)>
#map2 = affine_map<(d0, d1) -> (0, 0, 0)>
#map3 = affine_map<(d0, d1) -> (0, 0, 0, 0)>
module attributes {stable_mosaic.version = 14 : i64} {
  func.func @k(%arg0: i32, %arg1: i32, %arg2: memref<40960x64xf32, #tpu.memory_space<hbm>>, %arg3: memref<2x2x16x158x128xi32, #tpu.memory_space<hbm>>, %arg4: memref<16x158x128xi32, #tpu.memory_space<hbm>>, %arg5: memref<2x2x10240x64xf32, #tpu.memory_space<hbm>>, %arg6: memref<158x128xi32, #tpu.memory_space<vmem>>, %arg7: memref<158x128xi32, #tpu.memory_space<vmem>>, %arg8: memref<2x128x64xf32, #tpu.memory_space<vmem>>, %arg9: memref<128x64xf32, #tpu.memory_space<vmem>>, %arg10: memref<10240x64xf32, #tpu.memory_space<vmem_shared>>, %arg11: memref<2x!tpu.dma_semaphore, #tpu.memory_space<semaphore_mem>>) attributes {dimension_semantics = [#tpu.dimension_semantics<core_parallel>, #tpu.dimension_semantics<subcore_parallel>], iteration_bounds = array<i64: 2, 16>, scalar_prefetch = 0 : i64, scratch_operands = 6 : i64, tpu.core_type = #tpu.core_type<sc_vector_subcore>, window_params = [{transform_indices = #map}, {transform_indices = #map1}, {transform_indices = #map2}, {transform_indices = #map3}]} {
    "tpu.region"() ({
      %run_scoped3A_129 = tpu.sem_alloc : memref<!tpu.dma_semaphore, #tpu.memory_space<semaphore_mem>>
      %dma_start3A_130 = arith.constant 0 : i32
      %dma_start3A_131 = arith.constant 0 : i32
      %dma_start3A_132 = tpu.memref_slice %arg4[%arg1, %dma_start3A_130, %dma_start3A_131] : memref<16x158x128xi32, #tpu.memory_space<hbm>> -> memref<1x158x128xi32, #tpu.memory_space<hbm>>
      %dma_start3A_133 = tpu.memref_squeeze %dma_start3A_132 : memref<1x158x128xi32, #tpu.memory_space<hbm>> -> memref<158x128xi32, #tpu.memory_space<hbm>>
      %dma_start3A_134 = arith.constant 0 : i32
      %dma_start3A_135 = arith.constant 0 : i32
      %dma_start3A_136 = tpu.memref_slice %arg4[%arg1, %dma_start3A_134, %dma_start3A_135] : memref<16x158x128xi32, #tpu.memory_space<hbm>> -> memref<1x158x128xi32, #tpu.memory_space<hbm>>
      %dma_start3A_137 = tpu.memref_squeeze %dma_start3A_136 : memref<1x158x128xi32, #tpu.memory_space<hbm>> -> memref<158x128xi32, #tpu.memory_space<hbm>>
      tpu.enqueue_dma source(%dma_start3A_137 : memref<158x128xi32, #tpu.memory_space<hbm>>) target(%arg7 : memref<158x128xi32, #tpu.memory_space<vmem>>) target_semaphore(%run_scoped3A_129 : memref<!tpu.dma_semaphore, #tpu.memory_space<semaphore_mem>>)
      %dma_wait3A = arith.constant 0 : i32
      %dma_wait3A_138 = arith.constant 0 : i32
      %dma_wait3A_139 = tpu.memref_slice %arg4[%arg1, %dma_wait3A, %dma_wait3A_138] : memref<16x158x128xi32, #tpu.memory_space<hbm>> -> memref<1x158x128xi32, #tpu.memory_space<hbm>>
      %dma_wait3A_140 = tpu.memref_squeeze %dma_wait3A_139 : memref<1x158x128xi32, #tpu.memory_space<hbm>> -> memref<158x128xi32, #tpu.memory_space<hbm>>
      %dma_wait3A_141 = arith.constant 0 : i32
      %dma_wait3A_142 = arith.constant 0 : i32
      %dma_wait3A_143 = tpu.memref_slice %arg4[%arg1, %dma_wait3A_141, %dma_wait3A_142] : memref<16x158x128xi32, #tpu.memory_space<hbm>> -> memref<1x158x128xi32, #tpu.memory_space<hbm>>
      %dma_wait3A_144 = tpu.memref_squeeze %dma_wait3A_143 : memref<1x158x128xi32, #tpu.memory_space<hbm>> -> memref<158x128xi32, #tpu.memory_space<hbm>>
      tpu.wait_dma2 semaphore(%run_scoped3A_129 : memref<!tpu.dma_semaphore, #tpu.memory_space<semaphore_mem>>) src(%dma_wait3A_144 : memref<158x128xi32, #tpu.memory_space<hbm>>) dst(%arg7 : memref<158x128xi32, #tpu.memory_space<vmem>>)
      tpu.yield
    }) : () -> ()
    %broadcast_in_dim3A = arith.constant 0.000000e+00 : f32
    %broadcast_in_dim3A_0 = vector.broadcast %broadcast_in_dim3A : f32 to vector<16xf32>
    %scan3A = arith.constant 0 : i32
    %scan3A_1 = arith.constant 0 : i32
    %scan3A_2 = arith.constant 128 : i32
    %scan3A_3 = arith.addi %scan3A_1, %scan3A_2 : i32
    %scan3A_4 = arith.constant 1 : i32
    scf.for %scan3A_129 = %scan3A_1 to %scan3A_3 step %scan3A_4  : i32 {
      %swap3A = arith.index_cast %scan3A_129 : i32 to index
      %swap3A_130 = arith.constant 0 : index
      %swap3A_131 = tpu.vector_load %arg9[%swap3A, %swap3A_130] {strides = array<i32>} : memref<128x64xf32, #tpu.memory_space<vmem>>, vector<1x16xf32>,
      %swap3A_132 = vector.shape_cast %swap3A_131 : vector<1x16xf32> to vector<16xf32>
      %swap3A_133 = vector.shape_cast %broadcast_in_dim3A_0 : vector<16xf32> to vector<1x16xf32>
      tpu.vector_store %arg9[%swap3A, %swap3A_130], %swap3A_133 {strides = array<i32>} : memref<128x64xf32, #tpu.memory_space<vmem>>, vector<1x16xf32>,
      %swap3A_134 = arith.index_cast %scan3A_129 : i32 to index
      %swap3A_135 = arith.constant 16 : index
      %swap3A_136 = tpu.vector_load %arg9[%swap3A_134, %swap3A_135] {strides = array<i32>} : memref<128x64xf32, #tpu.memory_space<vmem>>, vector<1x16xf32>,
      %swap3A_137 = vector.shape_cast %swap3A_136 : vector<1x16xf32> to vector<16xf32>
      %swap3A_138 = vector.shape_cast %broadcast_in_dim3A_0 : vector<16xf32> to vector<1x16xf32>
      tpu.vector_store %arg9[%swap3A_134, %swap3A_135], %swap3A_138 {strides = array<i32>} : memref<128x64xf32, #tpu.memory_space<vmem>>, vector<1x16xf32>,
      %swap3A_139 = arith.index_cast %scan3A_129 : i32 to index
      %swap3A_140 = arith.constant 32 : index
      %swap3A_141 = tpu.vector_load %arg9[%swap3A_139, %swap3A_140] {strides = array<i32>} : memref<128x64xf32, #tpu.memory_space<vmem>>, vector<1x16xf32>,
      %swap3A_142 = vector.shape_cast %swap3A_141 : vector<1x16xf32> to vector<16xf32>
      %swap3A_143 = vector.shape_cast %broadcast_in_dim3A_0 : vector<16xf32> to vector<1x16xf32>
      tpu.vector_store %arg9[%swap3A_139, %swap3A_140], %swap3A_143 {strides = array<i32>} : memref<128x64xf32, #tpu.memory_space<vmem>>, vector<1x16xf32>,
      %swap3A_144 = arith.index_cast %scan3A_129 : i32 to index
      %swap3A_145 = arith.constant 48 : index
      %swap3A_146 = tpu.vector_load %arg9[%swap3A_144, %swap3A_145] {strides = array<i32>} : memref<128x64xf32, #tpu.memory_space<vmem>>, vector<1x16xf32>,
      %swap3A_147 = vector.shape_cast %swap3A_146 : vector<1x16xf32> to vector<16xf32>
      %swap3A_148 = vector.shape_cast %broadcast_in_dim3A_0 : vector<16xf32> to vector<1x16xf32>
      tpu.vector_store %arg9[%swap3A_144, %swap3A_145], %swap3A_148 {strides = array<i32>} : memref<128x64xf32, #tpu.memory_space<vmem>>, vector<1x16xf32>,
    }
    %scan3A_5 = arith.constant 128 : i32
    %run_scoped3A = arith.constant 0 : i32
    "tpu.region"() ({
      %run_scoped3A_129 = tpu.sem_alloc : memref<!tpu.dma_semaphore, #tpu.memory_space<semaphore_mem>>
      %dma_start3A_130 = arith.constant 0 : i32
      %dma_start3A_131 = arith.constant 0 : i32
      %dma_start3A_132 = tpu.memref_slice %arg3[%arg0, %run_scoped3A, %arg1, %dma_start3A_130, %dma_start3A_131] : memref<2x2x16x158x128xi32, #tpu.memory_space<hbm>> -> memref<1x1x1x158x128xi32, #tpu.memory_space<hbm>>
      %dma_start3A_133 = tpu.memref_squeeze %dma_start3A_132 : memref<1x1x1x158x128xi32, #tpu.memory_space<hbm>> -> memref<158x128xi32, #tpu.memory_space<hbm>>
      %dma_start3A_134 = arith.constant 0 : i32
      %dma_start3A_135 = arith.constant 0 : i32
      %dma_start3A_136 = tpu.memref_slice %arg3[%arg0, %run_scoped3A, %arg1, %dma_start3A_134, %dma_start3A_135] : memref<2x2x16x158x128xi32, #tpu.memory_space<hbm>> -> memref<1x1x1x158x128xi32, #tpu.memory_space<hbm>>
      %dma_start3A_137 = tpu.memref_squeeze %dma_start3A_136 : memref<1x1x1x158x128xi32, #tpu.memory_space<hbm>> -> memref<158x128xi32, #tpu.memory_space<hbm>>
      tpu.enqueue_dma source(%dma_start3A_137 : memref<158x128xi32, #tpu.memory_space<hbm>>) target(%arg6 : memref<158x128xi32, #tpu.memory_space<vmem>>) target_semaphore(%run_scoped3A_129 : memref<!tpu.dma_semaphore, #tpu.memory_space<semaphore_mem>>)
      %dma_wait3A = arith.constant 0 : i32
      %dma_wait3A_138 = arith.constant 0 : i32
      %dma_wait3A_139 = tpu.memref_slice %arg3[%arg0, %run_scoped3A, %arg1, %dma_wait3A, %dma_wait3A_138] : memref<2x2x16x158x128xi32, #tpu.memory_space<hbm>> -> memref<1x1x1x158x128xi32, #tpu.memory_space<hbm>>
      %dma_wait3A_140 = tpu.memref_squeeze %dma_wait3A_139 : memref<1x1x1x158x128xi32, #tpu.memory_space<hbm>> -> memref<158x128xi32, #tpu.memory_space<hbm>>
      %dma_wait3A_141 = arith.constant 0 : i32
      %dma_wait3A_142 = arith.constant 0 : i32
      %dma_wait3A_143 = tpu.memref_slice %arg3[%arg0, %run_scoped3A, %arg1, %dma_wait3A_141, %dma_wait3A_142] : memref<2x2x16x158x128xi32, #tpu.memory_space<hbm>> -> memref<1x1x1x158x128xi32, #tpu.memory_space<hbm>>
      %dma_wait3A_144 = tpu.memref_squeeze %dma_wait3A_143 : memref<1x1x1x158x128xi32, #tpu.memory_space<hbm>> -> memref<158x128xi32, #tpu.memory_space<hbm>>
      tpu.wait_dma2 semaphore(%run_scoped3A_129 : memref<!tpu.dma_semaphore, #tpu.memory_space<semaphore_mem>>) src(%dma_wait3A_144 : memref<158x128xi32, #tpu.memory_space<hbm>>) dst(%arg6 : memref<158x128xi32, #tpu.memory_space<vmem>>)
      tpu.yield
    }) : () -> ()
    %mul3A = arith.constant 640 : i32
    %mul3A_6 = arith.muli %arg1, %mul3A : i32
    %add3A = arith.constant 0 : i32
    %add3A_7 = arith.addi %mul3A_6, %add3A : i32
    "tpu.region"() ({
      %run_scoped3A_129 = tpu.sem_alloc : memref<!tpu.dma_semaphore, #tpu.memory_space<semaphore_mem>>
      %dma_start3A_130 = arith.constant 0 : i32
      %dma_start3A_131 = tpu.memref_slice %arg10[%add3A_7, %dma_start3A_130] : memref<10240x64xf32, #tpu.memory_space<vmem_shared>> -> memref<128x64xf32, #tpu.memory_space<vmem_shared>>
      %dma_start3A_132 = arith.constant 0 : i32
      %dma_start3A_133 = tpu.memref_slice %arg10[%add3A_7, %dma_start3A_132] : memref<10240x64xf32, #tpu.memory_space<vmem_shared>> -> memref<128x64xf32, #tpu.memory_space<vmem_shared>>
      tpu.enqueue_dma source(%arg9 : memref<128x64xf32, #tpu.memory_space<vmem>>) target(%dma_start3A_133 : memref<128x64xf32, #tpu.memory_space<vmem_shared>>) target_semaphore(%run_scoped3A_129 : memref<!tpu.dma_semaphore, #tpu.memory_space<semaphore_mem>>)
      %dma_wait3A = arith.constant 0 : i32
      %dma_wait3A_134 = tpu.memref_slice %arg10[%add3A_7, %dma_wait3A] : memref<10240x64xf32, #tpu.memory_space<vmem_shared>> -> memref<128x64xf32, #tpu.memory_space<vmem_shared>>
      %dma_wait3A_135 = arith.constant 0 : i32
      %dma_wait3A_136 = tpu.memref_slice %arg10[%add3A_7, %dma_wait3A_135] : memref<10240x64xf32, #tpu.memory_space<vmem_shared>> -> memref<128x64xf32, #tpu.memory_space<vmem_shared>>
      tpu.wait_dma2 semaphore(%run_scoped3A_129 : memref<!tpu.dma_semaphore, #tpu.memory_space<semaphore_mem>>) src(%arg9 : memref<128x64xf32, #tpu.memory_space<vmem>>) dst(%dma_wait3A_136 : memref<128x64xf32, #tpu.memory_space<vmem_shared>>)
      tpu.yield
    }) : () -> ()
    %mul3A_8 = arith.constant 640 : i32
    %mul3A_9 = arith.muli %arg1, %mul3A_8 : i32
    %add3A_10 = arith.constant 128 : i32
    %add3A_11 = arith.addi %mul3A_9, %add3A_10 : i32
    "tpu.region"() ({
      %run_scoped3A_129 = tpu.sem_alloc : memref<!tpu.dma_semaphore, #tpu.memory_space<semaphore_mem>>
      %dma_start3A_130 = arith.constant 0 : i32
      %dma_start3A_131 = tpu.memref_slice %arg10[%add3A_11, %dma_start3A_130] : memref<10240x64xf32, #tpu.memory_space<vmem_shared>> -> memref<128x64xf32, #tpu.memory_space<vmem_shared>>
      %dma_start3A_132 = arith.constant 0 : i32
      %dma_start3A_133 = tpu.memref_slice %arg10[%add3A_11, %dma_start3A_132] : memref<10240x64xf32, #tpu.memory_space<vmem_shared>> -> memref<128x64xf32, #tpu.memory_space<vmem_shared>>
      tpu.enqueue_dma source(%arg9 : memref<128x64xf32, #tpu.memory_space<vmem>>) target(%dma_start3A_133 : memref<128x64xf32, #tpu.memory_space<vmem_shared>>) target_semaphore(%run_scoped3A_129 : memref<!tpu.dma_semaphore, #tpu.memory_space<semaphore_mem>>)
      %dma_wait3A = arith.constant 0 : i32
      %dma_wait3A_134 = tpu.memref_slice %arg10[%add3A_11, %dma_wait3A] : memref<10240x64xf32, #tpu.memory_space<vmem_shared>> -> memref<128x64xf32, #tpu.memory_space<vmem_shared>>
      %dma_wait3A_135 = arith.constant 0 : i32
      %dma_wait3A_136 = tpu.memref_slice %arg10[%add3A_11, %dma_wait3A_135] : memref<10240x64xf32, #tpu.memory_space<vmem_shared>> -> memref<128x64xf32, #tpu.memory_space<vmem_shared>>
      tpu.wait_dma2 semaphore(%run_scoped3A_129 : memref<!tpu.dma_semaphore, #tpu.memory_space<semaphore_mem>>) src(%arg9 : memref<128x64xf32, #tpu.memory_space<vmem>>) dst(%dma_wait3A_136 : memref<128x64xf32, #tpu.memory_space<vmem_shared>>)
      tpu.yield
    }) : () -> ()
    %mul3A_12 = arith.constant 640 : i32
    %mul3A_13 = arith.muli %arg1, %mul3A_12 : i32
    %add3A_14 = arith.constant 256 : i32
    %add3A_15 = arith.addi %mul3A_13, %add3A_14 : i32
    "tpu.region"() ({
      %run_scoped3A_129 = tpu.sem_alloc : memref<!tpu.dma_semaphore, #tpu.memory_space<semaphore_mem>>
      %dma_start3A_130 = arith.constant 0 : i32
      %dma_start3A_131 = tpu.memref_slice %arg10[%add3A_15, %dma_start3A_130] : memref<10240x64xf32, #tpu.memory_space<vmem_shared>> -> memref<128x64xf32, #tpu.memory_space<vmem_shared>>
      %dma_start3A_132 = arith.constant 0 : i32
      %dma_start3A_133 = tpu.memref_slice %arg10[%add3A_15, %dma_start3A_132] : memref<10240x64xf32, #tpu.memory_space<vmem_shared>> -> memref<128x64xf32, #tpu.memory_space<vmem_shared>>
      tpu.enqueue_dma source(%arg9 : memref<128x64xf32, #tpu.memory_space<vmem>>) target(%dma_start3A_133 : memref<128x64xf32, #tpu.memory_space<vmem_shared>>) target_semaphore(%run_scoped3A_129 : memref<!tpu.dma_semaphore, #tpu.memory_space<semaphore_mem>>)
      %dma_wait3A = arith.constant 0 : i32
      %dma_wait3A_134 = tpu.memref_slice %arg10[%add3A_15, %dma_wait3A] : memref<10240x64xf32, #tpu.memory_space<vmem_shared>> -> memref<128x64xf32, #tpu.memory_space<vmem_shared>>
      %dma_wait3A_135 = arith.constant 0 : i32
      %dma_wait3A_136 = tpu.memref_slice %arg10[%add3A_15, %dma_wait3A_135] : memref<10240x64xf32, #tpu.memory_space<vmem_shared>> -> memref<128x64xf32, #tpu.memory_space<vmem_shared>>
      tpu.wait_dma2 semaphore(%run_scoped3A_129 : memref<!tpu.dma_semaphore, #tpu.memory_space<semaphore_mem>>) src(%arg9 : memref<128x64xf32, #tpu.memory_space<vmem>>) dst(%dma_wait3A_136 : memref<128x64xf32, #tpu.memory_space<vmem_shared>>)
      tpu.yield
    }) : () -> ()
    %mul3A_16 = arith.constant 640 : i32
    %mul3A_17 = arith.muli %arg1, %mul3A_16 : i32
    %add3A_18 = arith.constant 384 : i32
    %add3A_19 = arith.addi %mul3A_17, %add3A_18 : i32
    "tpu.region"() ({
      %run_scoped3A_129 = tpu.sem_alloc : memref<!tpu.dma_semaphore, #tpu.memory_space<semaphore_mem>>
      %dma_start3A_130 = arith.constant 0 : i32
      %dma_start3A_131 = tpu.memref_slice %arg10[%add3A_19, %dma_start3A_130] : memref<10240x64xf32, #tpu.memory_space<vmem_shared>> -> memref<128x64xf32, #tpu.memory_space<vmem_shared>>
      %dma_start3A_132 = arith.constant 0 : i32
      %dma_start3A_133 = tpu.memref_slice %arg10[%add3A_19, %dma_start3A_132] : memref<10240x64xf32, #tpu.memory_space<vmem_shared>> -> memref<128x64xf32, #tpu.memory_space<vmem_shared>>
      tpu.enqueue_dma source(%arg9 : memref<128x64xf32, #tpu.memory_space<vmem>>) target(%dma_start3A_133 : memref<128x64xf32, #tpu.memory_space<vmem_shared>>) target_semaphore(%run_scoped3A_129 : memref<!tpu.dma_semaphore, #tpu.memory_space<semaphore_mem>>)
      %dma_wait3A = arith.constant 0 : i32
      %dma_wait3A_134 = tpu.memref_slice %arg10[%add3A_19, %dma_wait3A] : memref<10240x64xf32, #tpu.memory_space<vmem_shared>> -> memref<128x64xf32, #tpu.memory_space<vmem_shared>>
      %dma_wait3A_135 = arith.constant 0 : i32
      %dma_wait3A_136 = tpu.memref_slice %arg10[%add3A_19, %dma_wait3A_135] : memref<10240x64xf32, #tpu.memory_space<vmem_shared>> -> memref<128x64xf32, #tpu.memory_space<vmem_shared>>
      tpu.wait_dma2 semaphore(%run_scoped3A_129 : memref<!tpu.dma_semaphore, #tpu.memory_space<semaphore_mem>>) src(%arg9 : memref<128x64xf32, #tpu.memory_space<vmem>>) dst(%dma_wait3A_136 : memref<128x64xf32, #tpu.memory_space<vmem_shared>>)
      tpu.yield
    }) : () -> ()
    %mul3A_20 = arith.constant 640 : i32
    %mul3A_21 = arith.muli %arg1, %mul3A_20 : i32
    %add3A_22 = arith.constant 512 : i32
    %add3A_23 = arith.addi %mul3A_21, %add3A_22 : i32
    "tpu.region"() ({
      %run_scoped3A_129 = tpu.sem_alloc : memref<!tpu.dma_semaphore, #tpu.memory_space<semaphore_mem>>
      %dma_start3A_130 = arith.constant 0 : i32
      %dma_start3A_131 = tpu.memref_slice %arg10[%add3A_23, %dma_start3A_130] : memref<10240x64xf32, #tpu.memory_space<vmem_shared>> -> memref<128x64xf32, #tpu.memory_space<vmem_shared>>
      %dma_start3A_132 = arith.constant 0 : i32
      %dma_start3A_133 = tpu.memref_slice %arg10[%add3A_23, %dma_start3A_132] : memref<10240x64xf32, #tpu.memory_space<vmem_shared>> -> memref<128x64xf32, #tpu.memory_space<vmem_shared>>
      tpu.enqueue_dma source(%arg9 : memref<128x64xf32, #tpu.memory_space<vmem>>) target(%dma_start3A_133 : memref<128x64xf32, #tpu.memory_space<vmem_shared>>) target_semaphore(%run_scoped3A_129 : memref<!tpu.dma_semaphore, #tpu.memory_space<semaphore_mem>>)
      %dma_wait3A = arith.constant 0 : i32
      %dma_wait3A_134 = tpu.memref_slice %arg10[%add3A_23, %dma_wait3A] : memref<10240x64xf32, #tpu.memory_space<vmem_shared>> -> memref<128x64xf32, #tpu.memory_space<vmem_shared>>
      %dma_wait3A_135 = arith.constant 0 : i32
      %dma_wait3A_136 = tpu.memref_slice %arg10[%add3A_23, %dma_wait3A_135] : memref<10240x64xf32, #tpu.memory_space<vmem_shared>> -> memref<128x64xf32, #tpu.memory_space<vmem_shared>>
      tpu.wait_dma2 semaphore(%run_scoped3A_129 : memref<!tpu.dma_semaphore, #tpu.memory_space<semaphore_mem>>) src(%arg9 : memref<128x64xf32, #tpu.memory_space<vmem>>) dst(%dma_wait3A_136 : memref<128x64xf32, #tpu.memory_space<vmem_shared>>)
      tpu.yield
    }) : () -> ()
    %barrier3A = arith.constant 0 : index
    tpu.barrier barrier_id(%barrier3A)
    %dma_start3A = arith.constant 0 : i32
    %dma_start3A_24 = arith.constant 0 : i32
    %dma_start3A_25 = arith.constant 0 : i32
    %dma_start3A_26 = arith.constant 0 : i32
    %dma_start3A_27 = arith.constant 0 : i32
    %dma_start3A_28 = tpu.memref_slice %arg8[%dma_start3A_24, %dma_start3A_26, %dma_start3A_27] : memref<2x128x64xf32, #tpu.memory_space<vmem>> -> memref<1x128x64xf32, #tpu.memory_space<vmem>>
    %dma_start3A_29 = tpu.memref_squeeze %dma_start3A_28 : memref<1x128x64xf32, #tpu.memory_space<vmem>> -> memref<128x64xf32, #tpu.memory_space<vmem>>
    %dma_start3A_30 = arith.constant 0 : i32
    %dma_start3A_31 = tpu.memref_slice %arg6[%dma_start3A, %dma_start3A_30] : memref<158x128xi32, #tpu.memory_space<vmem>> -> memref<1x128xi32, #tpu.memory_space<vmem>>
    %dma_start3A_32 = tpu.memref_squeeze %dma_start3A_31 : memref<1x128xi32, #tpu.memory_space<vmem>> -> memref<128xi32, #tpu.memory_space<vmem>>
    %dma_start3A_33 = arith.constant 0 : i32
    %dma_start3A_34 = arith.constant 0 : i32
    %dma_start3A_35 = tpu.memref_slice %arg2[%dma_start3A_33, %dma_start3A_34] : memref<40960x64xf32, #tpu.memory_space<hbm>> -> memref<40960x64xf32, #tpu.memory_space<hbm>>
    %dma_start3A_36 = tpu.memref_slice %arg11[%dma_start3A_25] : memref<2x!tpu.dma_semaphore, #tpu.memory_space<semaphore_mem>> -> memref<1x!tpu.dma_semaphore, #tpu.memory_space<semaphore_mem>>
    %dma_start3A_37 = tpu.memref_squeeze %dma_start3A_36 : memref<1x!tpu.dma_semaphore, #tpu.memory_space<semaphore_mem>> -> memref<!tpu.dma_semaphore, #tpu.memory_space<semaphore_mem>>
    tpu.enqueue_indirect_dma source(%dma_start3A_35 : memref<40960x64xf32, #tpu.memory_space<hbm>>) target(%dma_start3A_29 : memref<128x64xf32, #tpu.memory_space<vmem>>) offsets(%dma_start3A_32 : memref<128xi32, #tpu.memory_space<vmem>>) semaphore(%dma_start3A_37 : memref<!tpu.dma_semaphore, #tpu.memory_space<semaphore_mem>>)
    %dma_start3A_38 = arith.constant 1 : i32
    %dma_start3A_39 = arith.constant 1 : i32
    %dma_start3A_40 = arith.constant 1 : i32
    %dma_start3A_41 = arith.constant 0 : i32
    %dma_start3A_42 = arith.constant 0 : i32
    %dma_start3A_43 = tpu.memref_slice %arg8[%dma_start3A_39, %dma_start3A_41, %dma_start3A_42] : memref<2x128x64xf32, #tpu.memory_space<vmem>> -> memref<1x128x64xf32, #tpu.memory_space<vmem>>
    %dma_start3A_44 = tpu.memref_squeeze %dma_start3A_43 : memref<1x128x64xf32, #tpu.memory_space<vmem>> -> memref<128x64xf32, #tpu.memory_space<vmem>>
    %dma_start3A_45 = arith.constant 0 : i32
    %dma_start3A_46 = tpu.memref_slice %arg6[%dma_start3A_38, %dma_start3A_45] : memref<158x128xi32, #tpu.memory_space<vmem>> -> memref<1x128xi32, #tpu.memory_space<vmem>>
    %dma_start3A_47 = tpu.memref_squeeze %dma_start3A_46 : memref<1x128xi32, #tpu.memory_space<vmem>> -> memref<128xi32, #tpu.memory_space<vmem>>
    %dma_start3A_48 = arith.constant 0 : i32
    %dma_start3A_49 = arith.constant 0 : i32
    %dma_start3A_50 = tpu.memref_slice %arg2[%dma_start3A_48, %dma_start3A_49] : memref<40960x64xf32, #tpu.memory_space<hbm>> -> memref<40960x64xf32, #tpu.memory_space<hbm>>
    %dma_start3A_51 = tpu.memref_slice %arg11[%dma_start3A_40] : memref<2x!tpu.dma_semaphore, #tpu.memory_space<semaphore_mem>> -> memref<1x!tpu.dma_semaphore, #tpu.memory_space<semaphore_mem>>
    %dma_start3A_52 = tpu.memref_squeeze %dma_start3A_51 : memref<1x!tpu.dma_semaphore, #tpu.memory_space<semaphore_mem>> -> memref<!tpu.dma_semaphore, #tpu.memory_space<semaphore_mem>>
    tpu.enqueue_indirect_dma source(%dma_start3A_50 : memref<40960x64xf32, #tpu.memory_space<hbm>>) target(%dma_start3A_44 : memref<128x64xf32, #tpu.memory_space<vmem>>) offsets(%dma_start3A_47 : memref<128xi32, #tpu.memory_space<vmem>>) semaphore(%dma_start3A_52 : memref<!tpu.dma_semaphore, #tpu.memory_space<semaphore_mem>>)
    %scan3A_53 = arith.constant 0 : i32
    %scan3A_54 = arith.constant 0 : i32
    %scan3A_55 = arith.constant 79 : i32
    %scan3A_56 = arith.addi %scan3A_54, %scan3A_55 : i32
    %scan3A_57 = arith.constant 1 : i32
    scf.for %scan3A_129 = %scan3A_54 to %scan3A_56 step %scan3A_57  : i32 {
      %mul3A_130 = arith.constant 2 : i32
      %mul3A_131 = arith.muli %scan3A_129, %mul3A_130 : i32
      %add3A_132 = arith.constant 0 : i32
      %add3A_133 = arith.addi %mul3A_131, %add3A_132 : i32
      %dma_wait3A = arith.constant 0 : i32
      %dma_wait3A_134 = arith.constant 0 : i32
      %dma_wait3A_135 = arith.constant 0 : i32
      %dma_wait3A_136 = arith.constant 0 : i32
      %dma_wait3A_137 = tpu.memref_slice %arg8[%dma_wait3A, %dma_wait3A_135, %dma_wait3A_136] : memref<2x128x64xf32, #tpu.memory_space<vmem>> -> memref<1x128x64xf32, #tpu.memory_space<vmem>>
      %dma_wait3A_138 = tpu.memref_squeeze %dma_wait3A_137 : memref<1x128x64xf32, #tpu.memory_space<vmem>> -> memref<128x64xf32, #tpu.memory_space<vmem>>
      %dma_wait3A_139 = arith.constant 0 : i32
      %dma_wait3A_140 = tpu.memref_slice %arg6[%add3A_133, %dma_wait3A_139] : memref<158x128xi32, #tpu.memory_space<vmem>> -> memref<1x128xi32, #tpu.memory_space<vmem>>
      %dma_wait3A_141 = tpu.memref_squeeze %dma_wait3A_140 : memref<1x128xi32, #tpu.memory_space<vmem>> -> memref<128xi32, #tpu.memory_space<vmem>>
      %dma_wait3A_142 = arith.constant 0 : i32
      %dma_wait3A_143 = arith.constant 0 : i32
      %dma_wait3A_144 = tpu.memref_slice %arg2[%dma_wait3A_142, %dma_wait3A_143] : memref<40960x64xf32, #tpu.memory_space<hbm>> -> memref<40960x64xf32, #tpu.memory_space<hbm>>
      %dma_wait3A_145 = tpu.memref_slice %arg11[%dma_wait3A_134] : memref<2x!tpu.dma_semaphore, #tpu.memory_space<semaphore_mem>> -> memref<1x!tpu.dma_semaphore, #tpu.memory_space<semaphore_mem>>
      %dma_wait3A_146 = tpu.memref_squeeze %dma_wait3A_145 : memref<1x!tpu.dma_semaphore, #tpu.memory_space<semaphore_mem>> -> memref<!tpu.dma_semaphore, #tpu.memory_space<semaphore_mem>>
      tpu.wait_indirect_dma semaphore(%dma_wait3A_146 : memref<!tpu.dma_semaphore, #tpu.memory_space<semaphore_mem>>) src(%dma_wait3A_144 : memref<40960x64xf32, #tpu.memory_space<hbm>>) dst(%dma_wait3A_138 : memref<128x64xf32, #tpu.memory_space<vmem>>)
      %run_scoped3A_147 = arith.constant 0 : i32
      "tpu.region"() ({
        %run_scoped3A_178 = tpu.sem_alloc : memref<!tpu.dma_semaphore, #tpu.memory_space<semaphore_mem>>
        %dma_start3A_179 = arith.constant 0 : i32
        %dma_start3A_180 = arith.constant 0 : i32
        %dma_start3A_181 = tpu.memref_slice %arg8[%run_scoped3A_147, %dma_start3A_179, %dma_start3A_180] : memref<2x128x64xf32, #tpu.memory_space<vmem>> -> memref<1x128x64xf32, #tpu.memory_space<vmem>>
        %dma_start3A_182 = tpu.memref_squeeze %dma_start3A_181 : memref<1x128x64xf32, #tpu.memory_space<vmem>> -> memref<128x64xf32, #tpu.memory_space<vmem>>
        %dma_start3A_183 = arith.constant 0 : i32
        %dma_start3A_184 = tpu.memref_slice %arg7[%add3A_133, %dma_start3A_183] : memref<158x128xi32, #tpu.memory_space<vmem>> -> memref<1x128xi32, #tpu.memory_space<vmem>>
        %dma_start3A_185 = tpu.memref_squeeze %dma_start3A_184 : memref<1x128xi32, #tpu.memory_space<vmem>> -> memref<128xi32, #tpu.memory_space<vmem>>
        %dma_start3A_186 = arith.constant 0 : i32
        %dma_start3A_187 = arith.constant 0 : i32
        %dma_start3A_188 = tpu.memref_slice %arg10[%dma_start3A_186, %dma_start3A_187] : memref<10240x64xf32, #tpu.memory_space<vmem_shared>> -> memref<10240x64xf32, #tpu.memory_space<vmem_shared>>
        tpu.enqueue_indirect_dma source(%dma_start3A_182 : memref<128x64xf32, #tpu.memory_space<vmem>>) target(%dma_start3A_188 : memref<10240x64xf32, #tpu.memory_space<vmem_shared>>) offsets(%dma_start3A_185 : memref<128xi32, #tpu.memory_space<vmem>>) semaphore(%run_scoped3A_178 : memref<!tpu.dma_semaphore, #tpu.memory_space<semaphore_mem>>) {add = true}
        %dma_wait3A_189 = arith.constant 0 : i32
        %dma_wait3A_190 = arith.constant 0 : i32
        %dma_wait3A_191 = tpu.memref_slice %arg8[%run_scoped3A_147, %dma_wait3A_189, %dma_wait3A_190] : memref<2x128x64xf32, #tpu.memory_space<vmem>> -> memref<1x128x64xf32, #tpu.memory_space<vmem>>
        %dma_wait3A_192 = tpu.memref_squeeze %dma_wait3A_191 : memref<1x128x64xf32, #tpu.memory_space<vmem>> -> memref<128x64xf32, #tpu.memory_space<vmem>>
        %dma_wait3A_193 = arith.constant 0 : i32
        %dma_wait3A_194 = tpu.memref_slice %arg7[%add3A_133, %dma_wait3A_193] : memref<158x128xi32, #tpu.memory_space<vmem>> -> memref<1x128xi32, #tpu.memory_space<vmem>>
        %dma_wait3A_195 = tpu.memref_squeeze %dma_wait3A_194 : memref<1x128xi32, #tpu.memory_space<vmem>> -> memref<128xi32, #tpu.memory_space<vmem>>
        %dma_wait3A_196 = arith.constant 0 : i32
        %dma_wait3A_197 = arith.constant 0 : i32
        %dma_wait3A_198 = tpu.memref_slice %arg10[%dma_wait3A_196, %dma_wait3A_197] : memref<10240x64xf32, #tpu.memory_space<vmem_shared>> -> memref<10240x64xf32, #tpu.memory_space<vmem_shared>>
        tpu.wait_indirect_dma semaphore(%run_scoped3A_178 : memref<!tpu.dma_semaphore, #tpu.memory_space<semaphore_mem>>) src(%dma_wait3A_192 : memref<128x64xf32, #tpu.memory_space<vmem>>) dst(%dma_wait3A_198 : memref<10240x64xf32, #tpu.memory_space<vmem_shared>>)
        tpu.yield
      }) : () -> ()
      %add3A_148 = arith.constant 2 : i32
      %add3A_149 = arith.addi %add3A_133, %add3A_148 : i32
      %lt3A = arith.constant 158 : i32
      %lt3A_150 = arith.cmpi slt, %add3A_149, %lt3A : i32
      %convert_element_type3A = arith.extui %lt3A_150 : i1 to i32
      %cond3A = arith.constant 0 : i32
      %cond3A_151 = arith.cmpi ne, %convert_element_type3A, %cond3A : i32
      scf.if %cond3A_151 {
        %add3A_178 = arith.constant 2 : i32
        %add3A_179 = arith.addi %add3A_133, %add3A_178 : i32
        %dma_start3A_180 = arith.constant 0 : i32
        %dma_start3A_181 = arith.constant 0 : i32
        %dma_start3A_182 = arith.constant 0 : i32
        %dma_start3A_183 = arith.constant 0 : i32
        %dma_start3A_184 = tpu.memref_slice %arg8[%dma_start3A_180, %dma_start3A_182, %dma_start3A_183] : memref<2x128x64xf32, #tpu.memory_space<vmem>> -> memref<1x128x64xf32, #tpu.memory_space<vmem>>
        %dma_start3A_185 = tpu.memref_squeeze %dma_start3A_184 : memref<1x128x64xf32, #tpu.memory_space<vmem>> -> memref<128x64xf32, #tpu.memory_space<vmem>>
        %dma_start3A_186 = arith.constant 0 : i32
        %dma_start3A_187 = tpu.memref_slice %arg6[%add3A_179, %dma_start3A_186] : memref<158x128xi32, #tpu.memory_space<vmem>> -> memref<1x128xi32, #tpu.memory_space<vmem>>
        %dma_start3A_188 = tpu.memref_squeeze %dma_start3A_187 : memref<1x128xi32, #tpu.memory_space<vmem>> -> memref<128xi32, #tpu.memory_space<vmem>>
        %dma_start3A_189 = arith.constant 0 : i32
        %dma_start3A_190 = arith.constant 0 : i32
        %dma_start3A_191 = tpu.memref_slice %arg2[%dma_start3A_189, %dma_start3A_190] : memref<40960x64xf32, #tpu.memory_space<hbm>> -> memref<40960x64xf32, #tpu.memory_space<hbm>>
        %dma_start3A_192 = tpu.memref_slice %arg11[%dma_start3A_181] : memref<2x!tpu.dma_semaphore, #tpu.memory_space<semaphore_mem>> -> memref<1x!tpu.dma_semaphore, #tpu.memory_space<semaphore_mem>>
        %dma_start3A_193 = tpu.memref_squeeze %dma_start3A_192 : memref<1x!tpu.dma_semaphore, #tpu.memory_space<semaphore_mem>> -> memref<!tpu.dma_semaphore, #tpu.memory_space<semaphore_mem>>
        tpu.enqueue_indirect_dma source(%dma_start3A_191 : memref<40960x64xf32, #tpu.memory_space<hbm>>) target(%dma_start3A_185 : memref<128x64xf32, #tpu.memory_space<vmem>>) offsets(%dma_start3A_188 : memref<128xi32, #tpu.memory_space<vmem>>) semaphore(%dma_start3A_193 : memref<!tpu.dma_semaphore, #tpu.memory_space<semaphore_mem>>)
      } else {
      }
      %mul3A_152 = arith.constant 2 : i32
      %mul3A_153 = arith.muli %scan3A_129, %mul3A_152 : i32
      %add3A_154 = arith.constant 1 : i32
      %add3A_155 = arith.addi %mul3A_153, %add3A_154 : i32
      %dma_wait3A_156 = arith.constant 1 : i32
      %dma_wait3A_157 = arith.constant 1 : i32
      %dma_wait3A_158 = arith.constant 0 : i32
      %dma_wait3A_159 = arith.constant 0 : i32
      %dma_wait3A_160 = tpu.memref_slice %arg8[%dma_wait3A_156, %dma_wait3A_158, %dma_wait3A_159] : memref<2x128x64xf32, #tpu.memory_space<vmem>> -> memref<1x128x64xf32, #tpu.memory_space<vmem>>
      %dma_wait3A_161 = tpu.memref_squeeze %dma_wait3A_160 : memref<1x128x64xf32, #tpu.memory_space<vmem>> -> memref<128x64xf32, #tpu.memory_space<vmem>>
      %dma_wait3A_162 = arith.constant 0 : i32
      %dma_wait3A_163 = tpu.memref_slice %arg6[%add3A_155, %dma_wait3A_162] : memref<158x128xi32, #tpu.memory_space<vmem>> -> memref<1x128xi32, #tpu.memory_space<vmem>>
      %dma_wait3A_164 = tpu.memref_squeeze %dma_wait3A_163 : memref<1x128xi32, #tpu.memory_space<vmem>> -> memref<128xi32, #tpu.memory_space<vmem>>
      %dma_wait3A_165 = arith.constant 0 : i32
      %dma_wait3A_166 = arith.constant 0 : i32
      %dma_wait3A_167 = tpu.memref_slice %arg2[%dma_wait3A_165, %dma_wait3A_166] : memref<40960x64xf32, #tpu.memory_space<hbm>> -> memref<40960x64xf32, #tpu.memory_space<hbm>>
      %dma_wait3A_168 = tpu.memref_slice %arg11[%dma_wait3A_157] : memref<2x!tpu.dma_semaphore, #tpu.memory_space<semaphore_mem>> -> memref<1x!tpu.dma_semaphore, #tpu.memory_space<semaphore_mem>>
      %dma_wait3A_169 = tpu.memref_squeeze %dma_wait3A_168 : memref<1x!tpu.dma_semaphore, #tpu.memory_space<semaphore_mem>> -> memref<!tpu.dma_semaphore, #tpu.memory_space<semaphore_mem>>
      tpu.wait_indirect_dma semaphore(%dma_wait3A_169 : memref<!tpu.dma_semaphore, #tpu.memory_space<semaphore_mem>>) src(%dma_wait3A_167 : memref<40960x64xf32, #tpu.memory_space<hbm>>) dst(%dma_wait3A_161 : memref<128x64xf32, #tpu.memory_space<vmem>>)
      %run_scoped3A_170 = arith.constant 1 : i32
      "tpu.region"() ({
        %run_scoped3A_178 = tpu.sem_alloc : memref<!tpu.dma_semaphore, #tpu.memory_space<semaphore_mem>>
        %dma_start3A_179 = arith.constant 0 : i32
        %dma_start3A_180 = arith.constant 0 : i32
        %dma_start3A_181 = tpu.memref_slice %arg8[%run_scoped3A_170, %dma_start3A_179, %dma_start3A_180] : memref<2x128x64xf32, #tpu.memory_space<vmem>> -> memref<1x128x64xf32, #tpu.memory_space<vmem>>
        %dma_start3A_182 = tpu.memref_squeeze %dma_start3A_181 : memref<1x128x64xf32, #tpu.memory_space<vmem>> -> memref<128x64xf32, #tpu.memory_space<vmem>>
        %dma_start3A_183 = arith.constant 0 : i32
        %dma_start3A_184 = tpu.memref_slice %arg7[%add3A_155, %dma_start3A_183] : memref<158x128xi32, #tpu.memory_space<vmem>> -> memref<1x128xi32, #tpu.memory_space<vmem>>
        %dma_start3A_185 = tpu.memref_squeeze %dma_start3A_184 : memref<1x128xi32, #tpu.memory_space<vmem>> -> memref<128xi32, #tpu.memory_space<vmem>>
        %dma_start3A_186 = arith.constant 0 : i32
        %dma_start3A_187 = arith.constant 0 : i32
        %dma_start3A_188 = tpu.memref_slice %arg10[%dma_start3A_186, %dma_start3A_187] : memref<10240x64xf32, #tpu.memory_space<vmem_shared>> -> memref<10240x64xf32, #tpu.memory_space<vmem_shared>>
        tpu.enqueue_indirect_dma source(%dma_start3A_182 : memref<128x64xf32, #tpu.memory_space<vmem>>) target(%dma_start3A_188 : memref<10240x64xf32, #tpu.memory_space<vmem_shared>>) offsets(%dma_start3A_185 : memref<128xi32, #tpu.memory_space<vmem>>) semaphore(%run_scoped3A_178 : memref<!tpu.dma_semaphore, #tpu.memory_space<semaphore_mem>>) {add = true}
        %dma_wait3A_189 = arith.constant 0 : i32
        %dma_wait3A_190 = arith.constant 0 : i32
        %dma_wait3A_191 = tpu.memref_slice %arg8[%run_scoped3A_170, %dma_wait3A_189, %dma_wait3A_190] : memref<2x128x64xf32, #tpu.memory_space<vmem>> -> memref<1x128x64xf32, #tpu.memory_space<vmem>>
        %dma_wait3A_192 = tpu.memref_squeeze %dma_wait3A_191 : memref<1x128x64xf32, #tpu.memory_space<vmem>> -> memref<128x64xf32, #tpu.memory_space<vmem>>
        %dma_wait3A_193 = arith.constant 0 : i32
        %dma_wait3A_194 = tpu.memref_slice %arg7[%add3A_155, %dma_wait3A_193] : memref<158x128xi32, #tpu.memory_space<vmem>> -> memref<1x128xi32, #tpu.memory_space<vmem>>
        %dma_wait3A_195 = tpu.memref_squeeze %dma_wait3A_194 : memref<1x128xi32, #tpu.memory_space<vmem>> -> memref<128xi32, #tpu.memory_space<vmem>>
        %dma_wait3A_196 = arith.constant 0 : i32
        %dma_wait3A_197 = arith.constant 0 : i32
        %dma_wait3A_198 = tpu.memref_slice %arg10[%dma_wait3A_196, %dma_wait3A_197] : memref<10240x64xf32, #tpu.memory_space<vmem_shared>> -> memref<10240x64xf32, #tpu.memory_space<vmem_shared>>
        tpu.wait_indirect_dma semaphore(%run_scoped3A_178 : memref<!tpu.dma_semaphore, #tpu.memory_space<semaphore_mem>>) src(%dma_wait3A_192 : memref<128x64xf32, #tpu.memory_space<vmem>>) dst(%dma_wait3A_198 : memref<10240x64xf32, #tpu.memory_space<vmem_shared>>)
        tpu.yield
      }) : () -> ()
      %add3A_171 = arith.constant 2 : i32
      %add3A_172 = arith.addi %add3A_155, %add3A_171 : i32
      %lt3A_173 = arith.constant 158 : i32
      %lt3A_174 = arith.cmpi slt, %add3A_172, %lt3A_173 : i32
      %convert_element_type3A_175 = arith.extui %lt3A_174 : i1 to i32
      %cond3A_176 = arith.constant 0 : i32
      %cond3A_177 = arith.cmpi ne, %convert_element_type3A_175, %cond3A_176 : i32
      scf.if %cond3A_177 {
        %add3A_178 = arith.constant 2 : i32
        %add3A_179 = arith.addi %add3A_155, %add3A_178 : i32
        %dma_start3A_180 = arith.constant 1 : i32
        %dma_start3A_181 = arith.constant 1 : i32
        %dma_start3A_182 = arith.constant 0 : i32
        %dma_start3A_183 = arith.constant 0 : i32
        %dma_start3A_184 = tpu.memref_slice %arg8[%dma_start3A_180, %dma_start3A_182, %dma_start3A_183] : memref<2x128x64xf32, #tpu.memory_space<vmem>> -> memref<1x128x64xf32, #tpu.memory_space<vmem>>
        %dma_start3A_185 = tpu.memref_squeeze %dma_start3A_184 : memref<1x128x64xf32, #tpu.memory_space<vmem>> -> memref<128x64xf32, #tpu.memory_space<vmem>>
        %dma_start3A_186 = arith.constant 0 : i32
        %dma_start3A_187 = tpu.memref_slice %arg6[%add3A_179, %dma_start3A_186] : memref<158x128xi32, #tpu.memory_space<vmem>> -> memref<1x128xi32, #tpu.memory_space<vmem>>
        %dma_start3A_188 = tpu.memref_squeeze %dma_start3A_187 : memref<1x128xi32, #tpu.memory_space<vmem>> -> memref<128xi32, #tpu.memory_space<vmem>>
        %dma_start3A_189 = arith.constant 0 : i32
        %dma_start3A_190 = arith.constant 0 : i32
        %dma_start3A_191 = tpu.memref_slice %arg2[%dma_start3A_189, %dma_start3A_190] : memref<40960x64xf32, #tpu.memory_space<hbm>> -> memref<40960x64xf32, #tpu.memory_space<hbm>>
        %dma_start3A_192 = tpu.memref_slice %arg11[%dma_start3A_181] : memref<2x!tpu.dma_semaphore, #tpu.memory_space<semaphore_mem>> -> memref<1x!tpu.dma_semaphore, #tpu.memory_space<semaphore_mem>>
        %dma_start3A_193 = tpu.memref_squeeze %dma_start3A_192 : memref<1x!tpu.dma_semaphore, #tpu.memory_space<semaphore_mem>> -> memref<!tpu.dma_semaphore, #tpu.memory_space<semaphore_mem>>
        tpu.enqueue_indirect_dma source(%dma_start3A_191 : memref<40960x64xf32, #tpu.memory_space<hbm>>) target(%dma_start3A_185 : memref<128x64xf32, #tpu.memory_space<vmem>>) offsets(%dma_start3A_188 : memref<128xi32, #tpu.memory_space<vmem>>) semaphore(%dma_start3A_193 : memref<!tpu.dma_semaphore, #tpu.memory_space<semaphore_mem>>)
      } else {
      }
    }
    %scan3A_58 = arith.constant 79 : i32
    %barrier3A_59 = arith.constant 0 : index
    tpu.barrier barrier_id(%barrier3A_59)
    %mul3A_60 = arith.constant 640 : i32
    %mul3A_61 = arith.muli %arg1, %mul3A_60 : i32
    %mul3A_62 = arith.constant 640 : i32
    %mul3A_63 = arith.muli %arg1, %mul3A_62 : i32
    %run_scoped3A_64 = arith.constant 0 : i32
    "tpu.region"() ({
      %run_scoped3A_129 = tpu.sem_alloc : memref<!tpu.dma_semaphore, #tpu.memory_space<semaphore_mem>>
      %dma_start3A_130 = arith.constant 0 : i32
      %dma_start3A_131 = tpu.memref_slice %arg5[%arg0, %run_scoped3A_64, %mul3A_63, %dma_start3A_130] : memref<2x2x10240x64xf32, #tpu.memory_space<hbm>> -> memref<1x1x640x64xf32, #tpu.memory_space<hbm>>
      %dma_start3A_132 = tpu.memref_squeeze %dma_start3A_131 : memref<1x1x640x64xf32, #tpu.memory_space<hbm>> -> memref<640x64xf32, #tpu.memory_space<hbm>>
      %dma_start3A_133 = arith.constant 0 : i32
      %dma_start3A_134 = tpu.memref_slice %arg10[%mul3A_61, %dma_start3A_133] : memref<10240x64xf32, #tpu.memory_space<vmem_shared>> -> memref<640x64xf32, #tpu.memory_space<vmem_shared>>
      tpu.enqueue_dma source(%dma_start3A_134 : memref<640x64xf32, #tpu.memory_space<vmem_shared>>) target(%dma_start3A_132 : memref<640x64xf32, #tpu.memory_space<hbm>>) target_semaphore(%run_scoped3A_129 : memref<!tpu.dma_semaphore, #tpu.memory_space<semaphore_mem>>)
      %dma_wait3A = arith.constant 0 : i32
      %dma_wait3A_135 = tpu.memref_slice %arg5[%arg0, %run_scoped3A_64, %mul3A_63, %dma_wait3A] : memref<2x2x10240x64xf32, #tpu.memory_space<hbm>> -> memref<1x1x640x64xf32, #tpu.memory_space<hbm>>
      %dma_wait3A_136 = tpu.memref_squeeze %dma_wait3A_135 : memref<1x1x640x64xf32, #tpu.memory_space<hbm>> -> memref<640x64xf32, #tpu.memory_space<hbm>>
      %dma_wait3A_137 = arith.constant 0 : i32
      %dma_wait3A_138 = tpu.memref_slice %arg10[%mul3A_61, %dma_wait3A_137] : memref<10240x64xf32, #tpu.memory_space<vmem_shared>> -> memref<640x64xf32, #tpu.memory_space<vmem_shared>>
      tpu.wait_dma2 semaphore(%run_scoped3A_129 : memref<!tpu.dma_semaphore, #tpu.memory_space<semaphore_mem>>) src(%dma_wait3A_138 : memref<640x64xf32, #tpu.memory_space<vmem_shared>>) dst(%dma_wait3A_136 : memref<640x64xf32, #tpu.memory_space<hbm>>)
      tpu.yield
    }) : () -> ()
    %run_scoped3A_65 = arith.constant 1 : i32
    "tpu.region"() ({
      %run_scoped3A_129 = tpu.sem_alloc : memref<!tpu.dma_semaphore, #tpu.memory_space<semaphore_mem>>
      %dma_start3A_130 = arith.constant 0 : i32
      %dma_start3A_131 = arith.constant 0 : i32
      %dma_start3A_132 = tpu.memref_slice %arg3[%arg0, %run_scoped3A_65, %arg1, %dma_start3A_130, %dma_start3A_131] : memref<2x2x16x158x128xi32, #tpu.memory_space<hbm>> -> memref<1x1x1x158x128xi32, #tpu.memory_space<hbm>>
      %dma_start3A_133 = tpu.memref_squeeze %dma_start3A_132 : memref<1x1x1x158x128xi32, #tpu.memory_space<hbm>> -> memref<158x128xi32, #tpu.memory_space<hbm>>
      %dma_start3A_134 = arith.constant 0 : i32
      %dma_start3A_135 = arith.constant 0 : i32
      %dma_start3A_136 = tpu.memref_slice %arg3[%arg0, %run_scoped3A_65, %arg1, %dma_start3A_134, %dma_start3A_135] : memref<2x2x16x158x128xi32, #tpu.memory_space<hbm>> -> memref<1x1x1x158x128xi32, #tpu.memory_space<hbm>>
      %dma_start3A_137 = tpu.memref_squeeze %dma_start3A_136 : memref<1x1x1x158x128xi32, #tpu.memory_space<hbm>> -> memref<158x128xi32, #tpu.memory_space<hbm>>
      tpu.enqueue_dma source(%dma_start3A_137 : memref<158x128xi32, #tpu.memory_space<hbm>>) target(%arg6 : memref<158x128xi32, #tpu.memory_space<vmem>>) target_semaphore(%run_scoped3A_129 : memref<!tpu.dma_semaphore, #tpu.memory_space<semaphore_mem>>)
      %dma_wait3A = arith.constant 0 : i32
      %dma_wait3A_138 = arith.constant 0 : i32
      %dma_wait3A_139 = tpu.memref_slice %arg3[%arg0, %run_scoped3A_65, %arg1, %dma_wait3A, %dma_wait3A_138] : memref<2x2x16x158x128xi32, #tpu.memory_space<hbm>> -> memref<1x1x1x158x128xi32, #tpu.memory_space<hbm>>
      %dma_wait3A_140 = tpu.memref_squeeze %dma_wait3A_139 : memref<1x1x1x158x128xi32, #tpu.memory_space<hbm>> -> memref<158x128xi32, #tpu.memory_space<hbm>>
      %dma_wait3A_141 = arith.constant 0 : i32
      %dma_wait3A_142 = arith.constant 0 : i32
      %dma_wait3A_143 = tpu.memref_slice %arg3[%arg0, %run_scoped3A_65, %arg1, %dma_wait3A_141, %dma_wait3A_142] : memref<2x2x16x158x128xi32, #tpu.memory_space<hbm>> -> memref<1x1x1x158x128xi32, #tpu.memory_space<hbm>>
      %dma_wait3A_144 = tpu.memref_squeeze %dma_wait3A_143 : memref<1x1x1x158x128xi32, #tpu.memory_space<hbm>> -> memref<158x128xi32, #tpu.memory_space<hbm>>
      tpu.wait_dma2 semaphore(%run_scoped3A_129 : memref<!tpu.dma_semaphore, #tpu.memory_space<semaphore_mem>>) src(%dma_wait3A_144 : memref<158x128xi32, #tpu.memory_space<hbm>>) dst(%arg6 : memref<158x128xi32, #tpu.memory_space<vmem>>)
      tpu.yield
    }) : () -> ()
    %mul3A_66 = arith.constant 640 : i32
    %mul3A_67 = arith.muli %arg1, %mul3A_66 : i32
    %add3A_68 = arith.constant 0 : i32
    %add3A_69 = arith.addi %mul3A_67, %add3A_68 : i32
    "tpu.region"() ({
      %run_scoped3A_129 = tpu.sem_alloc : memref<!tpu.dma_semaphore, #tpu.memory_space<semaphore_mem>>
      %dma_start3A_130 = arith.constant 0 : i32
      %dma_start3A_131 = tpu.memref_slice %arg10[%add3A_69, %dma_start3A_130] : memref<10240x64xf32, #tpu.memory_space<vmem_shared>> -> memref<128x64xf32, #tpu.memory_space<vmem_shared>>
      %dma_start3A_132 = arith.constant 0 : i32
      %dma_start3A_133 = tpu.memref_slice %arg10[%add3A_69, %dma_start3A_132] : memref<10240x64xf32, #tpu.memory_space<vmem_shared>> -> memref<128x64xf32, #tpu.memory_space<vmem_shared>>
      tpu.enqueue_dma source(%arg9 : memref<128x64xf32, #tpu.memory_space<vmem>>) target(%dma_start3A_133 : memref<128x64xf32, #tpu.memory_space<vmem_shared>>) target_semaphore(%run_scoped3A_129 : memref<!tpu.dma_semaphore, #tpu.memory_space<semaphore_mem>>)
      %dma_wait3A = arith.constant 0 : i32
      %dma_wait3A_134 = tpu.memref_slice %arg10[%add3A_69, %dma_wait3A] : memref<10240x64xf32, #tpu.memory_space<vmem_shared>> -> memref<128x64xf32, #tpu.memory_space<vmem_shared>>
      %dma_wait3A_135 = arith.constant 0 : i32
      %dma_wait3A_136 = tpu.memref_slice %arg10[%add3A_69, %dma_wait3A_135] : memref<10240x64xf32, #tpu.memory_space<vmem_shared>> -> memref<128x64xf32, #tpu.memory_space<vmem_shared>>
      tpu.wait_dma2 semaphore(%run_scoped3A_129 : memref<!tpu.dma_semaphore, #tpu.memory_space<semaphore_mem>>) src(%arg9 : memref<128x64xf32, #tpu.memory_space<vmem>>) dst(%dma_wait3A_136 : memref<128x64xf32, #tpu.memory_space<vmem_shared>>)
      tpu.yield
    }) : () -> ()
    %mul3A_70 = arith.constant 640 : i32
    %mul3A_71 = arith.muli %arg1, %mul3A_70 : i32
    %add3A_72 = arith.constant 128 : i32
    %add3A_73 = arith.addi %mul3A_71, %add3A_72 : i32
    "tpu.region"() ({
      %run_scoped3A_129 = tpu.sem_alloc : memref<!tpu.dma_semaphore, #tpu.memory_space<semaphore_mem>>
      %dma_start3A_130 = arith.constant 0 : i32
      %dma_start3A_131 = tpu.memref_slice %arg10[%add3A_73, %dma_start3A_130] : memref<10240x64xf32, #tpu.memory_space<vmem_shared>> -> memref<128x64xf32, #tpu.memory_space<vmem_shared>>
      %dma_start3A_132 = arith.constant 0 : i32
      %dma_start3A_133 = tpu.memref_slice %arg10[%add3A_73, %dma_start3A_132] : memref<10240x64xf32, #tpu.memory_space<vmem_shared>> -> memref<128x64xf32, #tpu.memory_space<vmem_shared>>
      tpu.enqueue_dma source(%arg9 : memref<128x64xf32, #tpu.memory_space<vmem>>) target(%dma_start3A_133 : memref<128x64xf32, #tpu.memory_space<vmem_shared>>) target_semaphore(%run_scoped3A_129 : memref<!tpu.dma_semaphore, #tpu.memory_space<semaphore_mem>>)
      %dma_wait3A = arith.constant 0 : i32
      %dma_wait3A_134 = tpu.memref_slice %arg10[%add3A_73, %dma_wait3A] : memref<10240x64xf32, #tpu.memory_space<vmem_shared>> -> memref<128x64xf32, #tpu.memory_space<vmem_shared>>
      %dma_wait3A_135 = arith.constant 0 : i32
      %dma_wait3A_136 = tpu.memref_slice %arg10[%add3A_73, %dma_wait3A_135] : memref<10240x64xf32, #tpu.memory_space<vmem_shared>> -> memref<128x64xf32, #tpu.memory_space<vmem_shared>>
      tpu.wait_dma2 semaphore(%run_scoped3A_129 : memref<!tpu.dma_semaphore, #tpu.memory_space<semaphore_mem>>) src(%arg9 : memref<128x64xf32, #tpu.memory_space<vmem>>) dst(%dma_wait3A_136 : memref<128x64xf32, #tpu.memory_space<vmem_shared>>)
      tpu.yield
    }) : () -> ()
    %mul3A_74 = arith.constant 640 : i32
    %mul3A_75 = arith.muli %arg1, %mul3A_74 : i32
    %add3A_76 = arith.constant 256 : i32
    %add3A_77 = arith.addi %mul3A_75, %add3A_76 : i32
    "tpu.region"() ({
      %run_scoped3A_129 = tpu.sem_alloc : memref<!tpu.dma_semaphore, #tpu.memory_space<semaphore_mem>>
      %dma_start3A_130 = arith.constant 0 : i32
      %dma_start3A_131 = tpu.memref_slice %arg10[%add3A_77, %dma_start3A_130] : memref<10240x64xf32, #tpu.memory_space<vmem_shared>> -> memref<128x64xf32, #tpu.memory_space<vmem_shared>>
      %dma_start3A_132 = arith.constant 0 : i32
      %dma_start3A_133 = tpu.memref_slice %arg10[%add3A_77, %dma_start3A_132] : memref<10240x64xf32, #tpu.memory_space<vmem_shared>> -> memref<128x64xf32, #tpu.memory_space<vmem_shared>>
      tpu.enqueue_dma source(%arg9 : memref<128x64xf32, #tpu.memory_space<vmem>>) target(%dma_start3A_133 : memref<128x64xf32, #tpu.memory_space<vmem_shared>>) target_semaphore(%run_scoped3A_129 : memref<!tpu.dma_semaphore, #tpu.memory_space<semaphore_mem>>)
      %dma_wait3A = arith.constant 0 : i32
      %dma_wait3A_134 = tpu.memref_slice %arg10[%add3A_77, %dma_wait3A] : memref<10240x64xf32, #tpu.memory_space<vmem_shared>> -> memref<128x64xf32, #tpu.memory_space<vmem_shared>>
      %dma_wait3A_135 = arith.constant 0 : i32
      %dma_wait3A_136 = tpu.memref_slice %arg10[%add3A_77, %dma_wait3A_135] : memref<10240x64xf32, #tpu.memory_space<vmem_shared>> -> memref<128x64xf32, #tpu.memory_space<vmem_shared>>
      tpu.wait_dma2 semaphore(%run_scoped3A_129 : memref<!tpu.dma_semaphore, #tpu.memory_space<semaphore_mem>>) src(%arg9 : memref<128x64xf32, #tpu.memory_space<vmem>>) dst(%dma_wait3A_136 : memref<128x64xf32, #tpu.memory_space<vmem_shared>>)
      tpu.yield
    }) : () -> ()
    %mul3A_78 = arith.constant 640 : i32
    %mul3A_79 = arith.muli %arg1, %mul3A_78 : i32
    %add3A_80 = arith.constant 384 : i32
    %add3A_81 = arith.addi %mul3A_79, %add3A_80 : i32
    "tpu.region"() ({
      %run_scoped3A_129 = tpu.sem_alloc : memref<!tpu.dma_semaphore, #tpu.memory_space<semaphore_mem>>
      %dma_start3A_130 = arith.constant 0 : i32
      %dma_start3A_131 = tpu.memref_slice %arg10[%add3A_81, %dma_start3A_130] : memref<10240x64xf32, #tpu.memory_space<vmem_shared>> -> memref<128x64xf32, #tpu.memory_space<vmem_shared>>
      %dma_start3A_132 = arith.constant 0 : i32
      %dma_start3A_133 = tpu.memref_slice %arg10[%add3A_81, %dma_start3A_132] : memref<10240x64xf32, #tpu.memory_space<vmem_shared>> -> memref<128x64xf32, #tpu.memory_space<vmem_shared>>
      tpu.enqueue_dma source(%arg9 : memref<128x64xf32, #tpu.memory_space<vmem>>) target(%dma_start3A_133 : memref<128x64xf32, #tpu.memory_space<vmem_shared>>) target_semaphore(%run_scoped3A_129 : memref<!tpu.dma_semaphore, #tpu.memory_space<semaphore_mem>>)
      %dma_wait3A = arith.constant 0 : i32
      %dma_wait3A_134 = tpu.memref_slice %arg10[%add3A_81, %dma_wait3A] : memref<10240x64xf32, #tpu.memory_space<vmem_shared>> -> memref<128x64xf32, #tpu.memory_space<vmem_shared>>
      %dma_wait3A_135 = arith.constant 0 : i32
      %dma_wait3A_136 = tpu.memref_slice %arg10[%add3A_81, %dma_wait3A_135] : memref<10240x64xf32, #tpu.memory_space<vmem_shared>> -> memref<128x64xf32, #tpu.memory_space<vmem_shared>>
      tpu.wait_dma2 semaphore(%run_scoped3A_129 : memref<!tpu.dma_semaphore, #tpu.memory_space<semaphore_mem>>) src(%arg9 : memref<128x64xf32, #tpu.memory_space<vmem>>) dst(%dma_wait3A_136 : memref<128x64xf32, #tpu.memory_space<vmem_shared>>)
      tpu.yield
    }) : () -> ()
    %mul3A_82 = arith.constant 640 : i32
    %mul3A_83 = arith.muli %arg1, %mul3A_82 : i32
    %add3A_84 = arith.constant 512 : i32
    %add3A_85 = arith.addi %mul3A_83, %add3A_84 : i32
    "tpu.region"() ({
      %run_scoped3A_129 = tpu.sem_alloc : memref<!tpu.dma_semaphore, #tpu.memory_space<semaphore_mem>>
      %dma_start3A_130 = arith.constant 0 : i32
      %dma_start3A_131 = tpu.memref_slice %arg10[%add3A_85, %dma_start3A_130] : memref<10240x64xf32, #tpu.memory_space<vmem_shared>> -> memref<128x64xf32, #tpu.memory_space<vmem_shared>>
      %dma_start3A_132 = arith.constant 0 : i32
      %dma_start3A_133 = tpu.memref_slice %arg10[%add3A_85, %dma_start3A_132] : memref<10240x64xf32, #tpu.memory_space<vmem_shared>> -> memref<128x64xf32, #tpu.memory_space<vmem_shared>>
      tpu.enqueue_dma source(%arg9 : memref<128x64xf32, #tpu.memory_space<vmem>>) target(%dma_start3A_133 : memref<128x64xf32, #tpu.memory_space<vmem_shared>>) target_semaphore(%run_scoped3A_129 : memref<!tpu.dma_semaphore, #tpu.memory_space<semaphore_mem>>)
      %dma_wait3A = arith.constant 0 : i32
      %dma_wait3A_134 = tpu.memref_slice %arg10[%add3A_85, %dma_wait3A] : memref<10240x64xf32, #tpu.memory_space<vmem_shared>> -> memref<128x64xf32, #tpu.memory_space<vmem_shared>>
      %dma_wait3A_135 = arith.constant 0 : i32
      %dma_wait3A_136 = tpu.memref_slice %arg10[%add3A_85, %dma_wait3A_135] : memref<10240x64xf32, #tpu.memory_space<vmem_shared>> -> memref<128x64xf32, #tpu.memory_space<vmem_shared>>
      tpu.wait_dma2 semaphore(%run_scoped3A_129 : memref<!tpu.dma_semaphore, #tpu.memory_space<semaphore_mem>>) src(%arg9 : memref<128x64xf32, #tpu.memory_space<vmem>>) dst(%dma_wait3A_136 : memref<128x64xf32, #tpu.memory_space<vmem_shared>>)
      tpu.yield
    }) : () -> ()
    %barrier3A_86 = arith.constant 0 : index
    tpu.barrier barrier_id(%barrier3A_86)
    %dma_start3A_87 = arith.constant 0 : i32
    %dma_start3A_88 = arith.constant 0 : i32
    %dma_start3A_89 = arith.constant 0 : i32
    %dma_start3A_90 = arith.constant 0 : i32
    %dma_start3A_91 = arith.constant 0 : i32
    %dma_start3A_92 = tpu.memref_slice %arg8[%dma_start3A_88, %dma_start3A_90, %dma_start3A_91] : memref<2x128x64xf32, #tpu.memory_space<vmem>> -> memref<1x128x64xf32, #tpu.memory_space<vmem>>
    %dma_start3A_93 = tpu.memref_squeeze %dma_start3A_92 : memref<1x128x64xf32, #tpu.memory_space<vmem>> -> memref<128x64xf32, #tpu.memory_space<vmem>>
    %dma_start3A_94 = arith.constant 0 : i32
    %dma_start3A_95 = tpu.memref_slice %arg6[%dma_start3A_87, %dma_start3A_94] : memref<158x128xi32, #tpu.memory_space<vmem>> -> memref<1x128xi32, #tpu.memory_space<vmem>>
    %dma_start3A_96 = tpu.memref_squeeze %dma_start3A_95 : memref<1x128xi32, #tpu.memory_space<vmem>> -> memref<128xi32, #tpu.memory_space<vmem>>
    %dma_start3A_97 = arith.constant 0 : i32
    %dma_start3A_98 = arith.constant 0 : i32
    %dma_start3A_99 = tpu.memref_slice %arg2[%dma_start3A_97, %dma_start3A_98] : memref<40960x64xf32, #tpu.memory_space<hbm>> -> memref<40960x64xf32, #tpu.memory_space<hbm>>
    %dma_start3A_100 = tpu.memref_slice %arg11[%dma_start3A_89] : memref<2x!tpu.dma_semaphore, #tpu.memory_space<semaphore_mem>> -> memref<1x!tpu.dma_semaphore, #tpu.memory_space<semaphore_mem>>
    %dma_start3A_101 = tpu.memref_squeeze %dma_start3A_100 : memref<1x!tpu.dma_semaphore, #tpu.memory_space<semaphore_mem>> -> memref<!tpu.dma_semaphore, #tpu.memory_space<semaphore_mem>>
    tpu.enqueue_indirect_dma source(%dma_start3A_99 : memref<40960x64xf32, #tpu.memory_space<hbm>>) target(%dma_start3A_93 : memref<128x64xf32, #tpu.memory_space<vmem>>) offsets(%dma_start3A_96 : memref<128xi32, #tpu.memory_space<vmem>>) semaphore(%dma_start3A_101 : memref<!tpu.dma_semaphore, #tpu.memory_space<semaphore_mem>>)
    %dma_start3A_102 = arith.constant 1 : i32
    %dma_start3A_103 = arith.constant 1 : i32
    %dma_start3A_104 = arith.constant 1 : i32
    %dma_start3A_105 = arith.constant 0 : i32
    %dma_start3A_106 = arith.constant 0 : i32
    %dma_start3A_107 = tpu.memref_slice %arg8[%dma_start3A_103, %dma_start3A_105, %dma_start3A_106] : memref<2x128x64xf32, #tpu.memory_space<vmem>> -> memref<1x128x64xf32, #tpu.memory_space<vmem>>
    %dma_start3A_108 = tpu.memref_squeeze %dma_start3A_107 : memref<1x128x64xf32, #tpu.memory_space<vmem>> -> memref<128x64xf32, #tpu.memory_space<vmem>>
    %dma_start3A_109 = arith.constant 0 : i32
    %dma_start3A_110 = tpu.memref_slice %arg6[%dma_start3A_102, %dma_start3A_109] : memref<158x128xi32, #tpu.memory_space<vmem>> -> memref<1x128xi32, #tpu.memory_space<vmem>>
    %dma_start3A_111 = tpu.memref_squeeze %dma_start3A_110 : memref<1x128xi32, #tpu.memory_space<vmem>> -> memref<128xi32, #tpu.memory_space<vmem>>
    %dma_start3A_112 = arith.constant 0 : i32
    %dma_start3A_113 = arith.constant 0 : i32
    %dma_start3A_114 = tpu.memref_slice %arg2[%dma_start3A_112, %dma_start3A_113] : memref<40960x64xf32, #tpu.memory_space<hbm>> -> memref<40960x64xf32, #tpu.memory_space<hbm>>
    %dma_start3A_115 = tpu.memref_slice %arg11[%dma_start3A_104] : memref<2x!tpu.dma_semaphore, #tpu.memory_space<semaphore_mem>> -> memref<1x!tpu.dma_semaphore, #tpu.memory_space<semaphore_mem>>
    %dma_start3A_116 = tpu.memref_squeeze %dma_start3A_115 : memref<1x!tpu.dma_semaphore, #tpu.memory_space<semaphore_mem>> -> memref<!tpu.dma_semaphore, #tpu.memory_space<semaphore_mem>>
    tpu.enqueue_indirect_dma source(%dma_start3A_114 : memref<40960x64xf32, #tpu.memory_space<hbm>>) target(%dma_start3A_108 : memref<128x64xf32, #tpu.memory_space<vmem>>) offsets(%dma_start3A_111 : memref<128xi32, #tpu.memory_space<vmem>>) semaphore(%dma_start3A_116 : memref<!tpu.dma_semaphore, #tpu.memory_space<semaphore_mem>>)
    %scan3A_117 = arith.constant 0 : i32
    %scan3A_118 = arith.constant 0 : i32
    %scan3A_119 = arith.constant 79 : i32
    %scan3A_120 = arith.addi %scan3A_118, %scan3A_119 : i32
    %scan3A_121 = arith.constant 1 : i32
    scf.for %scan3A_129 = %scan3A_118 to %scan3A_120 step %scan3A_121  : i32 {
      %mul3A_130 = arith.constant 2 : i32
      %mul3A_131 = arith.muli %scan3A_129, %mul3A_130 : i32
      %add3A_132 = arith.constant 0 : i32
      %add3A_133 = arith.addi %mul3A_131, %add3A_132 : i32
      %dma_wait3A = arith.constant 0 : i32
      %dma_wait3A_134 = arith.constant 0 : i32
      %dma_wait3A_135 = arith.constant 0 : i32
      %dma_wait3A_136 = arith.constant 0 : i32
      %dma_wait3A_137 = tpu.memref_slice %arg8[%dma_wait3A, %dma_wait3A_135, %dma_wait3A_136] : memref<2x128x64xf32, #tpu.memory_space<vmem>> -> memref<1x128x64xf32, #tpu.memory_space<vmem>>
      %dma_wait3A_138 = tpu.memref_squeeze %dma_wait3A_137 : memref<1x128x64xf32, #tpu.memory_space<vmem>> -> memref<128x64xf32, #tpu.memory_space<vmem>>
      %dma_wait3A_139 = arith.constant 0 : i32
      %dma_wait3A_140 = tpu.memref_slice %arg6[%add3A_133, %dma_wait3A_139] : memref<158x128xi32, #tpu.memory_space<vmem>> -> memref<1x128xi32, #tpu.memory_space<vmem>>
      %dma_wait3A_141 = tpu.memref_squeeze %dma_wait3A_140 : memref<1x128xi32, #tpu.memory_space<vmem>> -> memref<128xi32, #tpu.memory_space<vmem>>
      %dma_wait3A_142 = arith.constant 0 : i32
      %dma_wait3A_143 = arith.constant 0 : i32
      %dma_wait3A_144 = tpu.memref_slice %arg2[%dma_wait3A_142, %dma_wait3A_143] : memref<40960x64xf32, #tpu.memory_space<hbm>> -> memref<40960x64xf32, #tpu.memory_space<hbm>>
      %dma_wait3A_145 = tpu.memref_slice %arg11[%dma_wait3A_134] : memref<2x!tpu.dma_semaphore, #tpu.memory_space<semaphore_mem>> -> memref<1x!tpu.dma_semaphore, #tpu.memory_space<semaphore_mem>>
      %dma_wait3A_146 = tpu.memref_squeeze %dma_wait3A_145 : memref<1x!tpu.dma_semaphore, #tpu.memory_space<semaphore_mem>> -> memref<!tpu.dma_semaphore, #tpu.memory_space<semaphore_mem>>
      tpu.wait_indirect_dma semaphore(%dma_wait3A_146 : memref<!tpu.dma_semaphore, #tpu.memory_space<semaphore_mem>>) src(%dma_wait3A_144 : memref<40960x64xf32, #tpu.memory_space<hbm>>) dst(%dma_wait3A_138 : memref<128x64xf32, #tpu.memory_space<vmem>>)
      %run_scoped3A_147 = arith.constant 0 : i32
      "tpu.region"() ({
        %run_scoped3A_178 = tpu.sem_alloc : memref<!tpu.dma_semaphore, #tpu.memory_space<semaphore_mem>>
        %dma_start3A_179 = arith.constant 0 : i32
        %dma_start3A_180 = arith.constant 0 : i32
        %dma_start3A_181 = tpu.memref_slice %arg8[%run_scoped3A_147, %dma_start3A_179, %dma_start3A_180] : memref<2x128x64xf32, #tpu.memory_space<vmem>> -> memref<1x128x64xf32, #tpu.memory_space<vmem>>
        %dma_start3A_182 = tpu.memref_squeeze %dma_start3A_181 : memref<1x128x64xf32, #tpu.memory_space<vmem>> -> memref<128x64xf32, #tpu.memory_space<vmem>>
        %dma_start3A_183 = arith.constant 0 : i32
        %dma_start3A_184 = tpu.memref_slice %arg7[%add3A_133, %dma_start3A_183] : memref<158x128xi32, #tpu.memory_space<vmem>> -> memref<1x128xi32, #tpu.memory_space<vmem>>
        %dma_start3A_185 = tpu.memref_squeeze %dma_start3A_184 : memref<1x128xi32, #tpu.memory_space<vmem>> -> memref<128xi32, #tpu.memory_space<vmem>>
        %dma_start3A_186 = arith.constant 0 : i32
        %dma_start3A_187 = arith.constant 0 : i32
        %dma_start3A_188 = tpu.memref_slice %arg10[%dma_start3A_186, %dma_start3A_187] : memref<10240x64xf32, #tpu.memory_space<vmem_shared>> -> memref<10240x64xf32, #tpu.memory_space<vmem_shared>>
        tpu.enqueue_indirect_dma source(%dma_start3A_182 : memref<128x64xf32, #tpu.memory_space<vmem>>) target(%dma_start3A_188 : memref<10240x64xf32, #tpu.memory_space<vmem_shared>>) offsets(%dma_start3A_185 : memref<128xi32, #tpu.memory_space<vmem>>) semaphore(%run_scoped3A_178 : memref<!tpu.dma_semaphore, #tpu.memory_space<semaphore_mem>>) {add = true}
        %dma_wait3A_189 = arith.constant 0 : i32
        %dma_wait3A_190 = arith.constant 0 : i32
        %dma_wait3A_191 = tpu.memref_slice %arg8[%run_scoped3A_147, %dma_wait3A_189, %dma_wait3A_190] : memref<2x128x64xf32, #tpu.memory_space<vmem>> -> memref<1x128x64xf32, #tpu.memory_space<vmem>>
        %dma_wait3A_192 = tpu.memref_squeeze %dma_wait3A_191 : memref<1x128x64xf32, #tpu.memory_space<vmem>> -> memref<128x64xf32, #tpu.memory_space<vmem>>
        %dma_wait3A_193 = arith.constant 0 : i32
        %dma_wait3A_194 = tpu.memref_slice %arg7[%add3A_133, %dma_wait3A_193] : memref<158x128xi32, #tpu.memory_space<vmem>> -> memref<1x128xi32, #tpu.memory_space<vmem>>
        %dma_wait3A_195 = tpu.memref_squeeze %dma_wait3A_194 : memref<1x128xi32, #tpu.memory_space<vmem>> -> memref<128xi32, #tpu.memory_space<vmem>>
        %dma_wait3A_196 = arith.constant 0 : i32
        %dma_wait3A_197 = arith.constant 0 : i32
        %dma_wait3A_198 = tpu.memref_slice %arg10[%dma_wait3A_196, %dma_wait3A_197] : memref<10240x64xf32, #tpu.memory_space<vmem_shared>> -> memref<10240x64xf32, #tpu.memory_space<vmem_shared>>
        tpu.wait_indirect_dma semaphore(%run_scoped3A_178 : memref<!tpu.dma_semaphore, #tpu.memory_space<semaphore_mem>>) src(%dma_wait3A_192 : memref<128x64xf32, #tpu.memory_space<vmem>>) dst(%dma_wait3A_198 : memref<10240x64xf32, #tpu.memory_space<vmem_shared>>)
        tpu.yield
      }) : () -> ()
      %add3A_148 = arith.constant 2 : i32
      %add3A_149 = arith.addi %add3A_133, %add3A_148 : i32
      %lt3A = arith.constant 158 : i32
      %lt3A_150 = arith.cmpi slt, %add3A_149, %lt3A : i32
      %convert_element_type3A = arith.extui %lt3A_150 : i1 to i32
      %cond3A = arith.constant 0 : i32
      %cond3A_151 = arith.cmpi ne, %convert_element_type3A, %cond3A : i32
      scf.if %cond3A_151 {
        %add3A_178 = arith.constant 2 : i32
        %add3A_179 = arith.addi %add3A_133, %add3A_178 : i32
        %dma_start3A_180 = arith.constant 0 : i32
        %dma_start3A_181 = arith.constant 0 : i32
        %dma_start3A_182 = arith.constant 0 : i32
        %dma_start3A_183 = arith.constant 0 : i32
        %dma_start3A_184 = tpu.memref_slice %arg8[%dma_start3A_180, %dma_start3A_182, %dma_start3A_183] : memref<2x128x64xf32, #tpu.memory_space<vmem>> -> memref<1x128x64xf32, #tpu.memory_space<vmem>>
        %dma_start3A_185 = tpu.memref_squeeze %dma_start3A_184 : memref<1x128x64xf32, #tpu.memory_space<vmem>> -> memref<128x64xf32, #tpu.memory_space<vmem>>
        %dma_start3A_186 = arith.constant 0 : i32
        %dma_start3A_187 = tpu.memref_slice %arg6[%add3A_179, %dma_start3A_186] : memref<158x128xi32, #tpu.memory_space<vmem>> -> memref<1x128xi32, #tpu.memory_space<vmem>>
        %dma_start3A_188 = tpu.memref_squeeze %dma_start3A_187 : memref<1x128xi32, #tpu.memory_space<vmem>> -> memref<128xi32, #tpu.memory_space<vmem>>
        %dma_start3A_189 = arith.constant 0 : i32
        %dma_start3A_190 = arith.constant 0 : i32
        %dma_start3A_191 = tpu.memref_slice %arg2[%dma_start3A_189, %dma_start3A_190] : memref<40960x64xf32, #tpu.memory_space<hbm>> -> memref<40960x64xf32, #tpu.memory_space<hbm>>
        %dma_start3A_192 = tpu.memref_slice %arg11[%dma_start3A_181] : memref<2x!tpu.dma_semaphore, #tpu.memory_space<semaphore_mem>> -> memref<1x!tpu.dma_semaphore, #tpu.memory_space<semaphore_mem>>
        %dma_start3A_193 = tpu.memref_squeeze %dma_start3A_192 : memref<1x!tpu.dma_semaphore, #tpu.memory_space<semaphore_mem>> -> memref<!tpu.dma_semaphore, #tpu.memory_space<semaphore_mem>>
        tpu.enqueue_indirect_dma source(%dma_start3A_191 : memref<40960x64xf32, #tpu.memory_space<hbm>>) target(%dma_start3A_185 : memref<128x64xf32, #tpu.memory_space<vmem>>) offsets(%dma_start3A_188 : memref<128xi32, #tpu.memory_space<vmem>>) semaphore(%dma_start3A_193 : memref<!tpu.dma_semaphore, #tpu.memory_space<semaphore_mem>>)
      } else {
      }
      %mul3A_152 = arith.constant 2 : i32
      %mul3A_153 = arith.muli %scan3A_129, %mul3A_152 : i32
      %add3A_154 = arith.constant 1 : i32
      %add3A_155 = arith.addi %mul3A_153, %add3A_154 : i32
      %dma_wait3A_156 = arith.constant 1 : i32
      %dma_wait3A_157 = arith.constant 1 : i32
      %dma_wait3A_158 = arith.constant 0 : i32
      %dma_wait3A_159 = arith.constant 0 : i32
      %dma_wait3A_160 = tpu.memref_slice %arg8[%dma_wait3A_156, %dma_wait3A_158, %dma_wait3A_159] : memref<2x128x64xf32, #tpu.memory_space<vmem>> -> memref<1x128x64xf32, #tpu.memory_space<vmem>>
      %dma_wait3A_161 = tpu.memref_squeeze %dma_wait3A_160 : memref<1x128x64xf32, #tpu.memory_space<vmem>> -> memref<128x64xf32, #tpu.memory_space<vmem>>
      %dma_wait3A_162 = arith.constant 0 : i32
      %dma_wait3A_163 = tpu.memref_slice %arg6[%add3A_155, %dma_wait3A_162] : memref<158x128xi32, #tpu.memory_space<vmem>> -> memref<1x128xi32, #tpu.memory_space<vmem>>
      %dma_wait3A_164 = tpu.memref_squeeze %dma_wait3A_163 : memref<1x128xi32, #tpu.memory_space<vmem>> -> memref<128xi32, #tpu.memory_space<vmem>>
      %dma_wait3A_165 = arith.constant 0 : i32
      %dma_wait3A_166 = arith.constant 0 : i32
      %dma_wait3A_167 = tpu.memref_slice %arg2[%dma_wait3A_165, %dma_wait3A_166] : memref<40960x64xf32, #tpu.memory_space<hbm>> -> memref<40960x64xf32, #tpu.memory_space<hbm>>
      %dma_wait3A_168 = tpu.memref_slice %arg11[%dma_wait3A_157] : memref<2x!tpu.dma_semaphore, #tpu.memory_space<semaphore_mem>> -> memref<1x!tpu.dma_semaphore, #tpu.memory_space<semaphore_mem>>
      %dma_wait3A_169 = tpu.memref_squeeze %dma_wait3A_168 : memref<1x!tpu.dma_semaphore, #tpu.memory_space<semaphore_mem>> -> memref<!tpu.dma_semaphore, #tpu.memory_space<semaphore_mem>>
      tpu.wait_indirect_dma semaphore(%dma_wait3A_169 : memref<!tpu.dma_semaphore, #tpu.memory_space<semaphore_mem>>) src(%dma_wait3A_167 : memref<40960x64xf32, #tpu.memory_space<hbm>>) dst(%dma_wait3A_161 : memref<128x64xf32, #tpu.memory_space<vmem>>)
      %run_scoped3A_170 = arith.constant 1 : i32
      "tpu.region"() ({
        %run_scoped3A_178 = tpu.sem_alloc : memref<!tpu.dma_semaphore, #tpu.memory_space<semaphore_mem>>
        %dma_start3A_179 = arith.constant 0 : i32
        %dma_start3A_180 = arith.constant 0 : i32
        %dma_start3A_181 = tpu.memref_slice %arg8[%run_scoped3A_170, %dma_start3A_179, %dma_start3A_180] : memref<2x128x64xf32, #tpu.memory_space<vmem>> -> memref<1x128x64xf32, #tpu.memory_space<vmem>>
        %dma_start3A_182 = tpu.memref_squeeze %dma_start3A_181 : memref<1x128x64xf32, #tpu.memory_space<vmem>> -> memref<128x64xf32, #tpu.memory_space<vmem>>
        %dma_start3A_183 = arith.constant 0 : i32
        %dma_start3A_184 = tpu.memref_slice %arg7[%add3A_155, %dma_start3A_183] : memref<158x128xi32, #tpu.memory_space<vmem>> -> memref<1x128xi32, #tpu.memory_space<vmem>>
        %dma_start3A_185 = tpu.memref_squeeze %dma_start3A_184 : memref<1x128xi32, #tpu.memory_space<vmem>> -> memref<128xi32, #tpu.memory_space<vmem>>
        %dma_start3A_186 = arith.constant 0 : i32
        %dma_start3A_187 = arith.constant 0 : i32
        %dma_start3A_188 = tpu.memref_slice %arg10[%dma_start3A_186, %dma_start3A_187] : memref<10240x64xf32, #tpu.memory_space<vmem_shared>> -> memref<10240x64xf32, #tpu.memory_space<vmem_shared>>
        tpu.enqueue_indirect_dma source(%dma_start3A_182 : memref<128x64xf32, #tpu.memory_space<vmem>>) target(%dma_start3A_188 : memref<10240x64xf32, #tpu.memory_space<vmem_shared>>) offsets(%dma_start3A_185 : memref<128xi32, #tpu.memory_space<vmem>>) semaphore(%run_scoped3A_178 : memref<!tpu.dma_semaphore, #tpu.memory_space<semaphore_mem>>) {add = true}
        %dma_wait3A_189 = arith.constant 0 : i32
        %dma_wait3A_190 = arith.constant 0 : i32
        %dma_wait3A_191 = tpu.memref_slice %arg8[%run_scoped3A_170, %dma_wait3A_189, %dma_wait3A_190] : memref<2x128x64xf32, #tpu.memory_space<vmem>> -> memref<1x128x64xf32, #tpu.memory_space<vmem>>
        %dma_wait3A_192 = tpu.memref_squeeze %dma_wait3A_191 : memref<1x128x64xf32, #tpu.memory_space<vmem>> -> memref<128x64xf32, #tpu.memory_space<vmem>>
        %dma_wait3A_193 = arith.constant 0 : i32
        %dma_wait3A_194 = tpu.memref_slice %arg7[%add3A_155, %dma_wait3A_193] : memref<158x128xi32, #tpu.memory_space<vmem>> -> memref<1x128xi32, #tpu.memory_space<vmem>>
        %dma_wait3A_195 = tpu.memref_squeeze %dma_wait3A_194 : memref<1x128xi32, #tpu.memory_space<vmem>> -> memref<128xi32, #tpu.memory_space<vmem>>
        %dma_wait3A_196 = arith.constant 0 : i32
        %dma_wait3A_197 = arith.constant 0 : i32
        %dma_wait3A_198 = tpu.memref_slice %arg10[%dma_wait3A_196, %dma_wait3A_197] : memref<10240x64xf32, #tpu.memory_space<vmem_shared>> -> memref<10240x64xf32, #tpu.memory_space<vmem_shared>>
        tpu.wait_indirect_dma semaphore(%run_scoped3A_178 : memref<!tpu.dma_semaphore, #tpu.memory_space<semaphore_mem>>) src(%dma_wait3A_192 : memref<128x64xf32, #tpu.memory_space<vmem>>) dst(%dma_wait3A_198 : memref<10240x64xf32, #tpu.memory_space<vmem_shared>>)
        tpu.yield
      }) : () -> ()
      %add3A_171 = arith.constant 2 : i32
      %add3A_172 = arith.addi %add3A_155, %add3A_171 : i32
      %lt3A_173 = arith.constant 158 : i32
      %lt3A_174 = arith.cmpi slt, %add3A_172, %lt3A_173 : i32
      %convert_element_type3A_175 = arith.extui %lt3A_174 : i1 to i32
      %cond3A_176 = arith.constant 0 : i32
      %cond3A_177 = arith.cmpi ne, %convert_element_type3A_175, %cond3A_176 : i32
      scf.if %cond3A_177 {
        %add3A_178 = arith.constant 2 : i32
        %add3A_179 = arith.addi %add3A_155, %add3A_178 : i32
        %dma_start3A_180 = arith.constant 1 : i32
        %dma_start3A_181 = arith.constant 1 : i32
        %dma_start3A_182 = arith.constant 0 : i32
        %dma_start3A_183 = arith.constant 0 : i32
        %dma_start3A_184 = tpu.memref_slice %arg8[%dma_start3A_180, %dma_start3A_182, %dma_start3A_183] : memref<2x128x64xf32, #tpu.memory_space<vmem>> -> memref<1x128x64xf32, #tpu.memory_space<vmem>>
        %dma_start3A_185 = tpu.memref_squeeze %dma_start3A_184 : memref<1x128x64xf32, #tpu.memory_space<vmem>> -> memref<128x64xf32, #tpu.memory_space<vmem>>
        %dma_start3A_186 = arith.constant 0 : i32
        %dma_start3A_187 = tpu.memref_slice %arg6[%add3A_179, %dma_start3A_186] : memref<158x128xi32, #tpu.memory_space<vmem>> -> memref<1x128xi32, #tpu.memory_space<vmem>>
        %dma_start3A_188 = tpu.memref_squeeze %dma_start3A_187 : memref<1x128xi32, #tpu.memory_space<vmem>> -> memref<128xi32, #tpu.memory_space<vmem>>
        %dma_start3A_189 = arith.constant 0 : i32
        %dma_start3A_190 = arith.constant 0 : i32
        %dma_start3A_191 = tpu.memref_slice %arg2[%dma_start3A_189, %dma_start3A_190] : memref<40960x64xf32, #tpu.memory_space<hbm>> -> memref<40960x64xf32, #tpu.memory_space<hbm>>
        %dma_start3A_192 = tpu.memref_slice %arg11[%dma_start3A_181] : memref<2x!tpu.dma_semaphore, #tpu.memory_space<semaphore_mem>> -> memref<1x!tpu.dma_semaphore, #tpu.memory_space<semaphore_mem>>
        %dma_start3A_193 = tpu.memref_squeeze %dma_start3A_192 : memref<1x!tpu.dma_semaphore, #tpu.memory_space<semaphore_mem>> -> memref<!tpu.dma_semaphore, #tpu.memory_space<semaphore_mem>>
        tpu.enqueue_indirect_dma source(%dma_start3A_191 : memref<40960x64xf32, #tpu.memory_space<hbm>>) target(%dma_start3A_185 : memref<128x64xf32, #tpu.memory_space<vmem>>) offsets(%dma_start3A_188 : memref<128xi32, #tpu.memory_space<vmem>>) semaphore(%dma_start3A_193 : memref<!tpu.dma_semaphore, #tpu.memory_space<semaphore_mem>>)
      } else {
      }
    }
    %scan3A_122 = arith.constant 79 : i32
    %barrier3A_123 = arith.constant 0 : index
    tpu.barrier barrier_id(%barrier3A_123)
    %mul3A_124 = arith.constant 640 : i32
    %mul3A_125 = arith.muli %arg1, %mul3A_124 : i32
    %mul3A_126 = arith.constant 640 : i32
    %mul3A_127 = arith.muli %arg1, %mul3A_126 : i32
    %run_scoped3A_128 = arith.constant 1 : i32
    "tpu.region"() ({
      %run_scoped3A_129 = tpu.sem_alloc : memref<!tpu.dma_semaphore, #tpu.memory_space<semaphore_mem>>
      %dma_start3A_130 = arith.constant 0 : i32
      %dma_start3A_131 = tpu.memref_slice %arg5[%arg0, %run_scoped3A_128, %mul3A_127, %dma_start3A_130] : memref<2x2x10240x64xf32, #tpu.memory_space<hbm>> -> memref<1x1x640x64xf32, #tpu.memory_space<hbm>>
      %dma_start3A_132 = tpu.memref_squeeze %dma_start3A_131 : memref<1x1x640x64xf32, #tpu.memory_space<hbm>> -> memref<640x64xf32, #tpu.memory_space<hbm>>
      %dma_start3A_133 = arith.constant 0 : i32
      %dma_start3A_134 = tpu.memref_slice %arg10[%mul3A_125, %dma_start3A_133] : memref<10240x64xf32, #tpu.memory_space<vmem_shared>> -> memref<640x64xf32, #tpu.memory_space<vmem_shared>>
      tpu.enqueue_dma source(%dma_start3A_134 : memref<640x64xf32, #tpu.memory_space<vmem_shared>>) target(%dma_start3A_132 : memref<640x64xf32, #tpu.memory_space<hbm>>) target_semaphore(%run_scoped3A_129 : memref<!tpu.dma_semaphore, #tpu.memory_space<semaphore_mem>>)
      %dma_wait3A = arith.constant 0 : i32
      %dma_wait3A_135 = tpu.memref_slice %arg5[%arg0, %run_scoped3A_128, %mul3A_127, %dma_wait3A] : memref<2x2x10240x64xf32, #tpu.memory_space<hbm>> -> memref<1x1x640x64xf32, #tpu.memory_space<hbm>>
      %dma_wait3A_136 = tpu.memref_squeeze %dma_wait3A_135 : memref<1x1x640x64xf32, #tpu.memory_space<hbm>> -> memref<640x64xf32, #tpu.memory_space<hbm>>
      %dma_wait3A_137 = arith.constant 0 : i32
      %dma_wait3A_138 = tpu.memref_slice %arg10[%mul3A_125, %dma_wait3A_137] : memref<10240x64xf32, #tpu.memory_space<vmem_shared>> -> memref<640x64xf32, #tpu.memory_space<vmem_shared>>
      tpu.wait_dma2 semaphore(%run_scoped3A_129 : memref<!tpu.dma_semaphore, #tpu.memory_space<semaphore_mem>>) src(%dma_wait3A_138 : memref<640x64xf32, #tpu.memory_space<vmem_shared>>) dst(%dma_wait3A_136 : memref<640x64xf32, #tpu.memory_space<hbm>>)
      tpu.yield
    }) : () -> ()
    return
  }
}

#map = affine_map<(d0, d1) -> (0, 0)>
#map1 = affine_map<(d0, d1) -> (0, 0, 0, 0, 0)>
#map2 = affine_map<(d0, d1) -> (0, 0, 0)>
#map3 = affine_map<(d0, d1) -> (0, 0, 0, 0)>
module attributes {stable_mosaic.version = 14 : i64} {
  func.func @k(%arg0: i32, %arg1: i32, %arg2: memref<40960x64xf32, #tpu.memory_space<hbm>>, %arg3: memref<2x2x16x158x128xi32, #tpu.memory_space<hbm>>, %arg4: memref<16x158x128xi32, #tpu.memory_space<hbm>>, %arg5: memref<2x2x10240x64xf32, #tpu.memory_space<hbm>>, %arg6: memref<158x128xi32, #tpu.memory_space<vmem>>, %arg7: memref<158x128xi32, #tpu.memory_space<vmem>>, %arg8: memref<2x128x64xf32, #tpu.memory_space<vmem>>, %arg9: memref<128x64xf32, #tpu.memory_space<vmem>>, %arg10: memref<10240x64xf32, #tpu.memory_space<vmem_shared>>, %arg11: memref<2x!tpu.dma_semaphore, #tpu.memory_space<semaphore_mem>>) attributes {dimension_semantics = [#tpu.dimension_semantics<core_parallel>, #tpu.dimension_semantics<subcore_parallel>], iteration_bounds = array<i64: 2, 16>, scalar_prefetch = 0 : i64, scratch_operands = 6 : i64, tpu.core_type = #tpu.core_type<sc_vector_subcore>, window_params = [{transform_indices = #map}, {transform_indices = #map1}, {transform_indices = #map2}, {transform_indices = #map3}]} {
    "tpu.region"() ({
      %run_scoped3A_129 = tpu.sem_alloc : memref<!tpu.dma_semaphore, #tpu.memory_space<semaphore_mem>>
      %dma_start3A_130 = arith.constant 0 : i32
      %dma_start3A_131 = arith.constant 0 : i32
      %dma_start3A_132 = tpu.memref_slice %arg4[%arg1, %dma_start3A_130, %dma_start3A_131] : memref<16x158x128xi32, #tpu.memory_space<hbm>> -> memref<1x158x128xi32, #tpu.memory_space<hbm>>
      %dma_start3A_133 = tpu.memref_squeeze %dma_start3A_132 : memref<1x158x128xi32, #tpu.memory_space<hbm>> -> memref<158x128xi32, #tpu.memory_space<hbm>>
      %dma_start3A_134 = arith.constant 0 : i32
      %dma_start3A_135 = arith.constant 0 : i32
      %dma_start3A_136 = tpu.memref_slice %arg4[%arg1, %dma_start3A_134, %dma_start3A_135] : memref<16x158x128xi32, #tpu.memory_space<hbm>> -> memref<1x158x128xi32, #tpu.memory_space<hbm>>
      %dma_start3A_137 = tpu.memref_squeeze %dma_start3A_136 : memref<1x158x128xi32, #tpu.memory_space<hbm>> -> memref<158x128xi32, #tpu.memory_space<hbm>>
      tpu.enqueue_dma source(%dma_start3A_137 : memref<158x128xi32, #tpu.memory_space<hbm>>) target(%arg7 : memref<158x128xi32, #tpu.memory_space<vmem>>) target_semaphore(%run_scoped3A_129 : memref<!tpu.dma_semaphore, #tpu.memory_space<semaphore_mem>>)
      %dma_wait3A = arith.constant 0 : i32
      %dma_wait3A_138 = arith.constant 0 : i32
      %dma_wait3A_139 = tpu.memref_slice %arg4[%arg1, %dma_wait3A, %dma_wait3A_138] : memref<16x158x128xi32, #tpu.memory_space<hbm>> -> memref<1x158x128xi32, #tpu.memory_space<hbm>>
      %dma_wait3A_140 = tpu.memref_squeeze %dma_wait3A_139 : memref<1x158x128xi32, #tpu.memory_space<hbm>> -> memref<158x128xi32, #tpu.memory_space<hbm>>
      %dma_wait3A_141 = arith.constant 0 : i32
      %dma_wait3A_142 = arith.constant 0 : i32
      %dma_wait3A_143 = tpu.memref_slice %arg4[%arg1, %dma_wait3A_141, %dma_wait3A_142] : memref<16x158x128xi32, #tpu.memory_space<hbm>> -> memref<1x158x128xi32, #tpu.memory_space<hbm>>
      %dma_wait3A_144 = tpu.memref_squeeze %dma_wait3A_143 : memref<1x158x128xi32, #tpu.memory_space<hbm>> -> memref<158x128xi32, #tpu.memory_space<hbm>>
      tpu.wait_dma2 semaphore(%run_scoped3A_129 : memref<!tpu.dma_semaphore, #tpu.memory_space<semaphore_mem>>) src(%dma_wait3A_144 : memref<158x128xi32, #tpu.memory_space<hbm>>) dst(%arg7 : memref<158x128xi32, #tpu.memory_space<vmem>>)
      tpu.yield
    }) : () -> ()
    %broadcast_in_dim3A = arith.constant 0.000000e+00 : f32
    %broadcast_in_dim3A_0 = vector.broadcast %broadcast_in_dim3A : f32 to vector<16xf32>
    %scan3A = arith.constant 0 : i32
    %scan3A_1 = arith.constant 0 : i32
    %scan3A_2 = arith.constant 128 : i32
    %scan3A_3 = arith.addi %scan3A_1, %scan3A_2 : i32
    %scan3A_4 = arith.constant 1 : i32
    scf.for %scan3A_129 = %scan3A_1 to %scan3A_3 step %scan3A_4  : i32 {
      %swap3A = arith.index_cast %scan3A_129 : i32 to index
      %swap3A_130 = arith.constant 0 : index
      %swap3A_131 = tpu.vector_load %arg9[%swap3A, %swap3A_130] {strides = array<i32>} : memref<128x64xf32, #tpu.memory_space<vmem>>, vector<1x16xf32>,
      %swap3A_132 = vector.shape_cast %swap3A_131 : vector<1x16xf32> to vector<16xf32>
      %swap3A_133 = vector.shape_cast %broadcast_in_dim3A_0 : vector<16xf32> to vector<1x16xf32>
      tpu.vector_store %arg9[%swap3A, %swap3A_130], %swap3A_133 {strides = array<i32>} : memref<128x64xf32, #tpu.memory_space<vmem>>, vector<1x16xf32>,
      %swap3A_134 = arith.index_cast %scan3A_129 : i32 to index
      %swap3A_135 = arith.constant 16 : index
      %swap3A_136 = tpu.vector_load %arg9[%swap3A_134, %swap3A_135] {strides = array<i32>} : memref<128x64xf32, #tpu.memory_space<vmem>>, vector<1x16xf32>,
      %swap3A_137 = vector.shape_cast %swap3A_136 : vector<1x16xf32> to vector<16xf32>
      %swap3A_138 = vector.shape_cast %broadcast_in_dim3A_0 : vector<16xf32> to vector<1x16xf32>
      tpu.vector_store %arg9[%swap3A_134, %swap3A_135], %swap3A_138 {strides = array<i32>} : memref<128x64xf32, #tpu.memory_space<vmem>>, vector<1x16xf32>,
      %swap3A_139 = arith.index_cast %scan3A_129 : i32 to index
      %swap3A_140 = arith.constant 32 : index
      %swap3A_141 = tpu.vector_load %arg9[%swap3A_139, %swap3A_140] {strides = array<i32>} : memref<128x64xf32, #tpu.memory_space<vmem>>, vector<1x16xf32>,
      %swap3A_142 = vector.shape_cast %swap3A_141 : vector<1x16xf32> to vector<16xf32>
      %swap3A_143 = vector.shape_cast %broadcast_in_dim3A_0 : vector<16xf32> to vector<1x16xf32>
      tpu.vector_store %arg9[%swap3A_139, %swap3A_140], %swap3A_143 {strides = array<i32>} : memref<128x64xf32, #tpu.memory_space<vmem>>, vector<1x16xf32>,
      %swap3A_144 = arith.index_cast %scan3A_129 : i32 to index
      %swap3A_145 = arith.constant 48 : index
      %swap3A_146 = tpu.vector_load %arg9[%swap3A_144, %swap3A_145] {strides = array<i32>} : memref<128x64xf32, #tpu.memory_space<vmem>>, vector<1x16xf32>,
      %swap3A_147 = vector.shape_cast %swap3A_146 : vector<1x16xf32> to vector<16xf32>
      %swap3A_148 = vector.shape_cast %broadcast_in_dim3A_0 : vector<16xf32> to vector<1x16xf32>
      tpu.vector_store %arg9[%swap3A_144, %swap3A_145], %swap3A_148 {strides = array<i32>} : memref<128x64xf32, #tpu.memory_space<vmem>>, vector<1x16xf32>,
    }
    %scan3A_5 = arith.constant 128 : i32
    %run_scoped3A = arith.constant 0 : i32
    "tpu.region"() ({
      %run_scoped3A_129 = tpu.sem_alloc : memref<!tpu.dma_semaphore, #tpu.memory_space<semaphore_mem>>
      %dma_start3A_130 = arith.constant 0 : i32
      %dma_start3A_131 = arith.constant 0 : i32
      %dma_start3A_132 = tpu.memref_slice %arg3[%arg0, %run_scoped3A, %arg1, %dma_start3A_130, %dma_start3A_131] : memref<2x2x16x158x128xi32, #tpu.memory_space<hbm>> -> memref<1x1x1x158x128xi32, #tpu.memory_space<hbm>>
      %dma_start3A_133 = tpu.memref_squeeze %dma_start3A_132 : memref<1x1x1x158x128xi32, #tpu.memory_space<hbm>> -> memref<158x128xi32, #tpu.memory_space<hbm>>
      %dma_start3A_134 = arith.constant 0 : i32
      %dma_start3A_135 = arith.constant 0 : i32
      %dma_start3A_136 = tpu.memref_slice %arg3[%arg0, %run_scoped3A, %arg1, %dma_start3A_134, %dma_start3A_135] : memref<2x2x16x158x128xi32, #tpu.memory_space<hbm>> -> memref<1x1x1x158x128xi32, #tpu.memory_space<hbm>>
      %dma_start3A_137 = tpu.memref_squeeze %dma_start3A_136 : memref<1x1x1x158x128xi32, #tpu.memory_space<hbm>> -> memref<158x128xi32, #tpu.memory_space<hbm>>
      tpu.enqueue_dma source(%dma_start3A_137 : memref<158x128xi32, #tpu.memory_space<hbm>>) target(%arg6 : memref<158x128xi32, #tpu.memory_space<vmem>>) target_semaphore(%run_scoped3A_129 : memref<!tpu.dma_semaphore, #tpu.memory_space<semaphore_mem>>)
      %dma_wait3A = arith.constant 0 : i32
      %dma_wait3A_138 = arith.constant 0 : i32
      %dma_wait3A_139 = tpu.memref_slice %arg3[%arg0, %run_scoped3A, %arg1, %dma_wait3A, %dma_wait3A_138] : memref<2x2x16x158x128xi32, #tpu.memory_space<hbm>> -> memref<1x1x1x158x128xi32, #tpu.memory_space<hbm>>
      %dma_wait3A_140 = tpu.memref_squeeze %dma_wait3A_139 : memref<1x1x1x158x128xi32, #tpu.memory_space<hbm>> -> memref<158x128xi32, #tpu.memory_space<hbm>>
      %dma_wait3A_141 = arith.constant 0 : i32
      %dma_wait3A_142 = arith.constant 0 : i32
      %dma_wait3A_143 = tpu.memref_slice %arg3[%arg0, %run_scoped3A, %arg1, %dma_wait3A_141, %dma_wait3A_142] : memref<2x2x16x158x128xi32, #tpu.memory_space<hbm>> -> memref<1x1x1x158x128xi32, #tpu.memory_space<hbm>>
      %dma_wait3A_144 = tpu.memref_squeeze %dma_wait3A_143 : memref<1x1x1x158x128xi32, #tpu.memory_space<hbm>> -> memref<158x128xi32, #tpu.memory_space<hbm>>
      tpu.wait_dma2 semaphore(%run_scoped3A_129 : memref<!tpu.dma_semaphore, #tpu.memory_space<semaphore_mem>>) src(%dma_wait3A_144 : memref<158x128xi32, #tpu.memory_space<hbm>>) dst(%arg6 : memref<158x128xi32, #tpu.memory_space<vmem>>)
      tpu.yield
    }) : () -> ()
    %mul3A = arith.constant 640 : i32
    %mul3A_6 = arith.muli %arg1, %mul3A : i32
    %add3A = arith.constant 0 : i32
    %add3A_7 = arith.addi %mul3A_6, %add3A : i32
    "tpu.region"() ({
      %run_scoped3A_129 = tpu.sem_alloc : memref<!tpu.dma_semaphore, #tpu.memory_space<semaphore_mem>>
      %dma_start3A_130 = arith.constant 0 : i32
      %dma_start3A_131 = tpu.memref_slice %arg10[%add3A_7, %dma_start3A_130] : memref<10240x64xf32, #tpu.memory_space<vmem_shared>> -> memref<128x64xf32, #tpu.memory_space<vmem_shared>>
      %dma_start3A_132 = arith.constant 0 : i32
      %dma_start3A_133 = tpu.memref_slice %arg10[%add3A_7, %dma_start3A_132] : memref<10240x64xf32, #tpu.memory_space<vmem_shared>> -> memref<128x64xf32, #tpu.memory_space<vmem_shared>>
      tpu.enqueue_dma source(%arg9 : memref<128x64xf32, #tpu.memory_space<vmem>>) target(%dma_start3A_133 : memref<128x64xf32, #tpu.memory_space<vmem_shared>>) target_semaphore(%run_scoped3A_129 : memref<!tpu.dma_semaphore, #tpu.memory_space<semaphore_mem>>)
      %dma_wait3A = arith.constant 0 : i32
      %dma_wait3A_134 = tpu.memref_slice %arg10[%add3A_7, %dma_wait3A] : memref<10240x64xf32, #tpu.memory_space<vmem_shared>> -> memref<128x64xf32, #tpu.memory_space<vmem_shared>>
      %dma_wait3A_135 = arith.constant 0 : i32
      %dma_wait3A_136 = tpu.memref_slice %arg10[%add3A_7, %dma_wait3A_135] : memref<10240x64xf32, #tpu.memory_space<vmem_shared>> -> memref<128x64xf32, #tpu.memory_space<vmem_shared>>
      tpu.wait_dma2 semaphore(%run_scoped3A_129 : memref<!tpu.dma_semaphore, #tpu.memory_space<semaphore_mem>>) src(%arg9 : memref<128x64xf32, #tpu.memory_space<vmem>>) dst(%dma_wait3A_136 : memref<128x64xf32, #tpu.memory_space<vmem_shared>>)
      tpu.yield
    }) : () -> ()
    %mul3A_8 = arith.constant 640 : i32
    %mul3A_9 = arith.muli %arg1, %mul3A_8 : i32
    %add3A_10 = arith.constant 128 : i32
    %add3A_11 = arith.addi %mul3A_9, %add3A_10 : i32
    "tpu.region"() ({
      %run_scoped3A_129 = tpu.sem_alloc : memref<!tpu.dma_semaphore, #tpu.memory_space<semaphore_mem>>
      %dma_start3A_130 = arith.constant 0 : i32
      %dma_start3A_131 = tpu.memref_slice %arg10[%add3A_11, %dma_start3A_130] : memref<10240x64xf32, #tpu.memory_space<vmem_shared>> -> memref<128x64xf32, #tpu.memory_space<vmem_shared>>
      %dma_start3A_132 = arith.constant 0 : i32
      %dma_start3A_133 = tpu.memref_slice %arg10[%add3A_11, %dma_start3A_132] : memref<10240x64xf32, #tpu.memory_space<vmem_shared>> -> memref<128x64xf32, #tpu.memory_space<vmem_shared>>
      tpu.enqueue_dma source(%arg9 : memref<128x64xf32, #tpu.memory_space<vmem>>) target(%dma_start3A_133 : memref<128x64xf32, #tpu.memory_space<vmem_shared>>) target_semaphore(%run_scoped3A_129 : memref<!tpu.dma_semaphore, #tpu.memory_space<semaphore_mem>>)
      %dma_wait3A = arith.constant 0 : i32
      %dma_wait3A_134 = tpu.memref_slice %arg10[%add3A_11, %dma_wait3A] : memref<10240x64xf32, #tpu.memory_space<vmem_shared>> -> memref<128x64xf32, #tpu.memory_space<vmem_shared>>
      %dma_wait3A_135 = arith.constant 0 : i32
      %dma_wait3A_136 = tpu.memref_slice %arg10[%add3A_11, %dma_wait3A_135] : memref<10240x64xf32, #tpu.memory_space<vmem_shared>> -> memref<128x64xf32, #tpu.memory_space<vmem_shared>>
      tpu.wait_dma2 semaphore(%run_scoped3A_129 : memref<!tpu.dma_semaphore, #tpu.memory_space<semaphore_mem>>) src(%arg9 : memref<128x64xf32, #tpu.memory_space<vmem>>) dst(%dma_wait3A_136 : memref<128x64xf32, #tpu.memory_space<vmem_shared>>)
      tpu.yield
    }) : () -> ()
    %mul3A_12 = arith.constant 640 : i32
    %mul3A_13 = arith.muli %arg1, %mul3A_12 : i32
    %add3A_14 = arith.constant 256 : i32
    %add3A_15 = arith.addi %mul3A_13, %add3A_14 : i32
    "tpu.region"() ({
      %run_scoped3A_129 = tpu.sem_alloc : memref<!tpu.dma_semaphore, #tpu.memory_space<semaphore_mem>>
      %dma_start3A_130 = arith.constant 0 : i32
      %dma_start3A_131 = tpu.memref_slice %arg10[%add3A_15, %dma_start3A_130] : memref<10240x64xf32, #tpu.memory_space<vmem_shared>> -> memref<128x64xf32, #tpu.memory_space<vmem_shared>>
      %dma_start3A_132 = arith.constant 0 : i32
      %dma_start3A_133 = tpu.memref_slice %arg10[%add3A_15, %dma_start3A_132] : memref<10240x64xf32, #tpu.memory_space<vmem_shared>> -> memref<128x64xf32, #tpu.memory_space<vmem_shared>>
      tpu.enqueue_dma source(%arg9 : memref<128x64xf32, #tpu.memory_space<vmem>>) target(%dma_start3A_133 : memref<128x64xf32, #tpu.memory_space<vmem_shared>>) target_semaphore(%run_scoped3A_129 : memref<!tpu.dma_semaphore, #tpu.memory_space<semaphore_mem>>)
      %dma_wait3A = arith.constant 0 : i32
      %dma_wait3A_134 = tpu.memref_slice %arg10[%add3A_15, %dma_wait3A] : memref<10240x64xf32, #tpu.memory_space<vmem_shared>> -> memref<128x64xf32, #tpu.memory_space<vmem_shared>>
      %dma_wait3A_135 = arith.constant 0 : i32
      %dma_wait3A_136 = tpu.memref_slice %arg10[%add3A_15, %dma_wait3A_135] : memref<10240x64xf32, #tpu.memory_space<vmem_shared>> -> memref<128x64xf32, #tpu.memory_space<vmem_shared>>
      tpu.wait_dma2 semaphore(%run_scoped3A_129 : memref<!tpu.dma_semaphore, #tpu.memory_space<semaphore_mem>>) src(%arg9 : memref<128x64xf32, #tpu.memory_space<vmem>>) dst(%dma_wait3A_136 : memref<128x64xf32, #tpu.memory_space<vmem_shared>>)
      tpu.yield
    }) : () -> ()
    %mul3A_16 = arith.constant 640 : i32
    %mul3A_17 = arith.muli %arg1, %mul3A_16 : i32
    %add3A_18 = arith.constant 384 : i32
    %add3A_19 = arith.addi %mul3A_17, %add3A_18 : i32
    "tpu.region"() ({
      %run_scoped3A_129 = tpu.sem_alloc : memref<!tpu.dma_semaphore, #tpu.memory_space<semaphore_mem>>
      %dma_start3A_130 = arith.constant 0 : i32
      %dma_start3A_131 = tpu.memref_slice %arg10[%add3A_19, %dma_start3A_130] : memref<10240x64xf32, #tpu.memory_space<vmem_shared>> -> memref<128x64xf32, #tpu.memory_space<vmem_shared>>
      %dma_start3A_132 = arith.constant 0 : i32
      %dma_start3A_133 = tpu.memref_slice %arg10[%add3A_19, %dma_start3A_132] : memref<10240x64xf32, #tpu.memory_space<vmem_shared>> -> memref<128x64xf32, #tpu.memory_space<vmem_shared>>
      tpu.enqueue_dma source(%arg9 : memref<128x64xf32, #tpu.memory_space<vmem>>) target(%dma_start3A_133 : memref<128x64xf32, #tpu.memory_space<vmem_shared>>) target_semaphore(%run_scoped3A_129 : memref<!tpu.dma_semaphore, #tpu.memory_space<semaphore_mem>>)
      %dma_wait3A = arith.constant 0 : i32
      %dma_wait3A_134 = tpu.memref_slice %arg10[%add3A_19, %dma_wait3A] : memref<10240x64xf32, #tpu.memory_space<vmem_shared>> -> memref<128x64xf32, #tpu.memory_space<vmem_shared>>
      %dma_wait3A_135 = arith.constant 0 : i32
      %dma_wait3A_136 = tpu.memref_slice %arg10[%add3A_19, %dma_wait3A_135] : memref<10240x64xf32, #tpu.memory_space<vmem_shared>> -> memref<128x64xf32, #tpu.memory_space<vmem_shared>>
      tpu.wait_dma2 semaphore(%run_scoped3A_129 : memref<!tpu.dma_semaphore, #tpu.memory_space<semaphore_mem>>) src(%arg9 : memref<128x64xf32, #tpu.memory_space<vmem>>) dst(%dma_wait3A_136 : memref<128x64xf32, #tpu.memory_space<vmem_shared>>)
      tpu.yield
    }) : () -> ()
    %mul3A_20 = arith.constant 640 : i32
    %mul3A_21 = arith.muli %arg1, %mul3A_20 : i32
    %add3A_22 = arith.constant 512 : i32
    %add3A_23 = arith.addi %mul3A_21, %add3A_22 : i32
    "tpu.region"() ({
      %run_scoped3A_129 = tpu.sem_alloc : memref<!tpu.dma_semaphore, #tpu.memory_space<semaphore_mem>>
      %dma_start3A_130 = arith.constant 0 : i32
      %dma_start3A_131 = tpu.memref_slice %arg10[%add3A_23, %dma_start3A_130] : memref<10240x64xf32, #tpu.memory_space<vmem_shared>> -> memref<128x64xf32, #tpu.memory_space<vmem_shared>>
      %dma_start3A_132 = arith.constant 0 : i32
      %dma_start3A_133 = tpu.memref_slice %arg10[%add3A_23, %dma_start3A_132] : memref<10240x64xf32, #tpu.memory_space<vmem_shared>> -> memref<128x64xf32, #tpu.memory_space<vmem_shared>>
      tpu.enqueue_dma source(%arg9 : memref<128x64xf32, #tpu.memory_space<vmem>>) target(%dma_start3A_133 : memref<128x64xf32, #tpu.memory_space<vmem_shared>>) target_semaphore(%run_scoped3A_129 : memref<!tpu.dma_semaphore, #tpu.memory_space<semaphore_mem>>)
      %dma_wait3A = arith.constant 0 : i32
      %dma_wait3A_134 = tpu.memref_slice %arg10[%add3A_23, %dma_wait3A] : memref<10240x64xf32, #tpu.memory_space<vmem_shared>> -> memref<128x64xf32, #tpu.memory_space<vmem_shared>>
      %dma_wait3A_135 = arith.constant 0 : i32
      %dma_wait3A_136 = tpu.memref_slice %arg10[%add3A_23, %dma_wait3A_135] : memref<10240x64xf32, #tpu.memory_space<vmem_shared>> -> memref<128x64xf32, #tpu.memory_space<vmem_shared>>
      tpu.wait_dma2 semaphore(%run_scoped3A_129 : memref<!tpu.dma_semaphore, #tpu.memory_space<semaphore_mem>>) src(%arg9 : memref<128x64xf32, #tpu.memory_space<vmem>>) dst(%dma_wait3A_136 : memref<128x64xf32, #tpu.memory_space<vmem_shared>>)
      tpu.yield
    }) : () -> ()
    %barrier3A = arith.constant 0 : index
    tpu.barrier barrier_id(%barrier3A)
    %dma_start3A = arith.constant 0 : i32
    %dma_start3A_24 = arith.constant 0 : i32
    %dma_start3A_25 = arith.constant 0 : i32
    %dma_start3A_26 = arith.constant 0 : i32
    %dma_start3A_27 = arith.constant 0 : i32
    %dma_start3A_28 = tpu.memref_slice %arg8[%dma_start3A_24, %dma_start3A_26, %dma_start3A_27] : memref<2x128x64xf32, #tpu.memory_space<vmem>> -> memref<1x128x64xf32, #tpu.memory_space<vmem>>
    %dma_start3A_29 = tpu.memref_squeeze %dma_start3A_28 : memref<1x128x64xf32, #tpu.memory_space<vmem>> -> memref<128x64xf32, #tpu.memory_space<vmem>>
    %dma_start3A_30 = arith.constant 0 : i32
    %dma_start3A_31 = tpu.memref_slice %arg6[%dma_start3A, %dma_start3A_30] : memref<158x128xi32, #tpu.memory_space<vmem>> -> memref<1x128xi32, #tpu.memory_space<vmem>>
    %dma_start3A_32 = tpu.memref_squeeze %dma_start3A_31 : memref<1x128xi32, #tpu.memory_space<vmem>> -> memref<128xi32, #tpu.memory_space<vmem>>
    %dma_start3A_33 = arith.constant 0 : i32
    %dma_start3A_34 = arith.constant 0 : i32
    %dma_start3A_35 = tpu.memref_slice %arg2[%dma_start3A_33, %dma_start3A_34] : memref<40960x64xf32, #tpu.memory_space<hbm>> -> memref<40960x64xf32, #tpu.memory_space<hbm>>
    %dma_start3A_36 = tpu.memref_slice %arg11[%dma_start3A_25] : memref<2x!tpu.dma_semaphore, #tpu.memory_space<semaphore_mem>> -> memref<1x!tpu.dma_semaphore, #tpu.memory_space<semaphore_mem>>
    %dma_start3A_37 = tpu.memref_squeeze %dma_start3A_36 : memref<1x!tpu.dma_semaphore, #tpu.memory_space<semaphore_mem>> -> memref<!tpu.dma_semaphore, #tpu.memory_space<semaphore_mem>>
    tpu.enqueue_indirect_dma source(%dma_start3A_35 : memref<40960x64xf32, #tpu.memory_space<hbm>>) target(%dma_start3A_29 : memref<128x64xf32, #tpu.memory_space<vmem>>) offsets(%dma_start3A_32 : memref<128xi32, #tpu.memory_space<vmem>>) semaphore(%dma_start3A_37 : memref<!tpu.dma_semaphore, #tpu.memory_space<semaphore_mem>>)
    %dma_start3A_38 = arith.constant 1 : i32
    %dma_start3A_39 = arith.constant 1 : i32
    %dma_start3A_40 = arith.constant 1 : i32
    %dma_start3A_41 = arith.constant 0 : i32
    %dma_start3A_42 = arith.constant 0 : i32
    %dma_start3A_43 = tpu.memref_slice %arg8[%dma_start3A_39, %dma_start3A_41, %dma_start3A_42] : memref<2x128x64xf32, #tpu.memory_space<vmem>> -> memref<1x128x64xf32, #tpu.memory_space<vmem>>
    %dma_start3A_44 = tpu.memref_squeeze %dma_start3A_43 : memref<1x128x64xf32, #tpu.memory_space<vmem>> -> memref<128x64xf32, #tpu.memory_space<vmem>>
    %dma_start3A_45 = arith.constant 0 : i32
    %dma_start3A_46 = tpu.memref_slice %arg6[%dma_start3A_38, %dma_start3A_45] : memref<158x128xi32, #tpu.memory_space<vmem>> -> memref<1x128xi32, #tpu.memory_space<vmem>>
    %dma_start3A_47 = tpu.memref_squeeze %dma_start3A_46 : memref<1x128xi32, #tpu.memory_space<vmem>> -> memref<128xi32, #tpu.memory_space<vmem>>
    %dma_start3A_48 = arith.constant 0 : i32
    %dma_start3A_49 = arith.constant 0 : i32
    %dma_start3A_50 = tpu.memref_slice %arg2[%dma_start3A_48, %dma_start3A_49] : memref<40960x64xf32, #tpu.memory_space<hbm>> -> memref<40960x64xf32, #tpu.memory_space<hbm>>
    %dma_start3A_51 = tpu.memref_slice %arg11[%dma_start3A_40] : memref<2x!tpu.dma_semaphore, #tpu.memory_space<semaphore_mem>> -> memref<1x!tpu.dma_semaphore, #tpu.memory_space<semaphore_mem>>
    %dma_start3A_52 = tpu.memref_squeeze %dma_start3A_51 : memref<1x!tpu.dma_semaphore, #tpu.memory_space<semaphore_mem>> -> memref<!tpu.dma_semaphore, #tpu.memory_space<semaphore_mem>>
    tpu.enqueue_indirect_dma source(%dma_start3A_50 : memref<40960x64xf32, #tpu.memory_space<hbm>>) target(%dma_start3A_44 : memref<128x64xf32, #tpu.memory_space<vmem>>) offsets(%dma_start3A_47 : memref<128xi32, #tpu.memory_space<vmem>>) semaphore(%dma_start3A_52 : memref<!tpu.dma_semaphore, #tpu.memory_space<semaphore_mem>>)
    %scan3A_53 = arith.constant 0 : i32
    %scan3A_54 = arith.constant 0 : i32
    %scan3A_55 = arith.constant 79 : i32
    %scan3A_56 = arith.addi %scan3A_54, %scan3A_55 : i32
    %scan3A_57 = arith.constant 1 : i32
    scf.for %scan3A_129 = %scan3A_54 to %scan3A_56 step %scan3A_57  : i32 {
      %mul3A_130 = arith.constant 2 : i32
      %mul3A_131 = arith.muli %scan3A_129, %mul3A_130 : i32
      %add3A_132 = arith.constant 0 : i32
      %add3A_133 = arith.addi %mul3A_131, %add3A_132 : i32
      %dma_wait3A = arith.constant 0 : i32
      %dma_wait3A_134 = arith.constant 0 : i32
      %dma_wait3A_135 = arith.constant 0 : i32
      %dma_wait3A_136 = arith.constant 0 : i32
      %dma_wait3A_137 = tpu.memref_slice %arg8[%dma_wait3A, %dma_wait3A_135, %dma_wait3A_136] : memref<2x128x64xf32, #tpu.memory_space<vmem>> -> memref<1x128x64xf32, #tpu.memory_space<vmem>>
      %dma_wait3A_138 = tpu.memref_squeeze %dma_wait3A_137 : memref<1x128x64xf32, #tpu.memory_space<vmem>> -> memref<128x64xf32, #tpu.memory_space<vmem>>
      %dma_wait3A_139 = arith.constant 0 : i32
      %dma_wait3A_140 = tpu.memref_slice %arg6[%add3A_133, %dma_wait3A_139] : memref<158x128xi32, #tpu.memory_space<vmem>> -> memref<1x128xi32, #tpu.memory_space<vmem>>
      %dma_wait3A_141 = tpu.memref_squeeze %dma_wait3A_140 : memref<1x128xi32, #tpu.memory_space<vmem>> -> memref<128xi32, #tpu.memory_space<vmem>>
      %dma_wait3A_142 = arith.constant 0 : i32
      %dma_wait3A_143 = arith.constant 0 : i32
      %dma_wait3A_144 = tpu.memref_slice %arg2[%dma_wait3A_142, %dma_wait3A_143] : memref<40960x64xf32, #tpu.memory_space<hbm>> -> memref<40960x64xf32, #tpu.memory_space<hbm>>
      %dma_wait3A_145 = tpu.memref_slice %arg11[%dma_wait3A_134] : memref<2x!tpu.dma_semaphore, #tpu.memory_space<semaphore_mem>> -> memref<1x!tpu.dma_semaphore, #tpu.memory_space<semaphore_mem>>
      %dma_wait3A_146 = tpu.memref_squeeze %dma_wait3A_145 : memref<1x!tpu.dma_semaphore, #tpu.memory_space<semaphore_mem>> -> memref<!tpu.dma_semaphore, #tpu.memory_space<semaphore_mem>>
      tpu.wait_indirect_dma semaphore(%dma_wait3A_146 : memref<!tpu.dma_semaphore, #tpu.memory_space<semaphore_mem>>) src(%dma_wait3A_144 : memref<40960x64xf32, #tpu.memory_space<hbm>>) dst(%dma_wait3A_138 : memref<128x64xf32, #tpu.memory_space<vmem>>)
      %run_scoped3A_147 = arith.constant 0 : i32
      "tpu.region"() ({
        %run_scoped3A_178 = tpu.sem_alloc : memref<!tpu.dma_semaphore, #tpu.memory_space<semaphore_mem>>
        %dma_start3A_179 = arith.constant 0 : i32
        %dma_start3A_180 = arith.constant 0 : i32
        %dma_start3A_181 = tpu.memref_slice %arg8[%run_scoped3A_147, %dma_start3A_179, %dma_start3A_180] : memref<2x128x64xf32, #tpu.memory_space<vmem>> -> memref<1x128x64xf32, #tpu.memory_space<vmem>>
        %dma_start3A_182 = tpu.memref_squeeze %dma_start3A_181 : memref<1x128x64xf32, #tpu.memory_space<vmem>> -> memref<128x64xf32, #tpu.memory_space<vmem>>
        %dma_start3A_183 = arith.constant 0 : i32
        %dma_start3A_184 = tpu.memref_slice %arg7[%add3A_133, %dma_start3A_183] : memref<158x128xi32, #tpu.memory_space<vmem>> -> memref<1x128xi32, #tpu.memory_space<vmem>>
        %dma_start3A_185 = tpu.memref_squeeze %dma_start3A_184 : memref<1x128xi32, #tpu.memory_space<vmem>> -> memref<128xi32, #tpu.memory_space<vmem>>
        %dma_start3A_186 = arith.constant 0 : i32
        %dma_start3A_187 = arith.constant 0 : i32
        %dma_start3A_188 = tpu.memref_slice %arg10[%dma_start3A_186, %dma_start3A_187] : memref<10240x64xf32, #tpu.memory_space<vmem_shared>> -> memref<10240x64xf32, #tpu.memory_space<vmem_shared>>
        tpu.enqueue_indirect_dma source(%dma_start3A_182 : memref<128x64xf32, #tpu.memory_space<vmem>>) target(%dma_start3A_188 : memref<10240x64xf32, #tpu.memory_space<vmem_shared>>) offsets(%dma_start3A_185 : memref<128xi32, #tpu.memory_space<vmem>>) semaphore(%run_scoped3A_178 : memref<!tpu.dma_semaphore, #tpu.memory_space<semaphore_mem>>) {add = true}
        %dma_wait3A_189 = arith.constant 0 : i32
        %dma_wait3A_190 = arith.constant 0 : i32
        %dma_wait3A_191 = tpu.memref_slice %arg8[%run_scoped3A_147, %dma_wait3A_189, %dma_wait3A_190] : memref<2x128x64xf32, #tpu.memory_space<vmem>> -> memref<1x128x64xf32, #tpu.memory_space<vmem>>
        %dma_wait3A_192 = tpu.memref_squeeze %dma_wait3A_191 : memref<1x128x64xf32, #tpu.memory_space<vmem>> -> memref<128x64xf32, #tpu.memory_space<vmem>>
        %dma_wait3A_193 = arith.constant 0 : i32
        %dma_wait3A_194 = tpu.memref_slice %arg7[%add3A_133, %dma_wait3A_193] : memref<158x128xi32, #tpu.memory_space<vmem>> -> memref<1x128xi32, #tpu.memory_space<vmem>>
        %dma_wait3A_195 = tpu.memref_squeeze %dma_wait3A_194 : memref<1x128xi32, #tpu.memory_space<vmem>> -> memref<128xi32, #tpu.memory_space<vmem>>
        %dma_wait3A_196 = arith.constant 0 : i32
        %dma_wait3A_197 = arith.constant 0 : i32
        %dma_wait3A_198 = tpu.memref_slice %arg10[%dma_wait3A_196, %dma_wait3A_197] : memref<10240x64xf32, #tpu.memory_space<vmem_shared>> -> memref<10240x64xf32, #tpu.memory_space<vmem_shared>>
        tpu.wait_indirect_dma semaphore(%run_scoped3A_178 : memref<!tpu.dma_semaphore, #tpu.memory_space<semaphore_mem>>) src(%dma_wait3A_192 : memref<128x64xf32, #tpu.memory_space<vmem>>) dst(%dma_wait3A_198 : memref<10240x64xf32, #tpu.memory_space<vmem_shared>>)
        tpu.yield
      }) : () -> ()
      %add3A_148 = arith.constant 2 : i32
      %add3A_149 = arith.addi %add3A_133, %add3A_148 : i32
      %lt3A = arith.constant 158 : i32
      %lt3A_150 = arith.cmpi slt, %add3A_149, %lt3A : i32
      %convert_element_type3A = arith.extui %lt3A_150 : i1 to i32
      %cond3A = arith.constant 0 : i32
      %cond3A_151 = arith.cmpi ne, %convert_element_type3A, %cond3A : i32
      scf.if %cond3A_151 {
        %add3A_178 = arith.constant 2 : i32
        %add3A_179 = arith.addi %add3A_133, %add3A_178 : i32
        %dma_start3A_180 = arith.constant 0 : i32
        %dma_start3A_181 = arith.constant 0 : i32
        %dma_start3A_182 = arith.constant 0 : i32
        %dma_start3A_183 = arith.constant 0 : i32
        %dma_start3A_184 = tpu.memref_slice %arg8[%dma_start3A_180, %dma_start3A_182, %dma_start3A_183] : memref<2x128x64xf32, #tpu.memory_space<vmem>> -> memref<1x128x64xf32, #tpu.memory_space<vmem>>
        %dma_start3A_185 = tpu.memref_squeeze %dma_start3A_184 : memref<1x128x64xf32, #tpu.memory_space<vmem>> -> memref<128x64xf32, #tpu.memory_space<vmem>>
        %dma_start3A_186 = arith.constant 0 : i32
        %dma_start3A_187 = tpu.memref_slice %arg6[%add3A_179, %dma_start3A_186] : memref<158x128xi32, #tpu.memory_space<vmem>> -> memref<1x128xi32, #tpu.memory_space<vmem>>
        %dma_start3A_188 = tpu.memref_squeeze %dma_start3A_187 : memref<1x128xi32, #tpu.memory_space<vmem>> -> memref<128xi32, #tpu.memory_space<vmem>>
        %dma_start3A_189 = arith.constant 0 : i32
        %dma_start3A_190 = arith.constant 0 : i32
        %dma_start3A_191 = tpu.memref_slice %arg2[%dma_start3A_189, %dma_start3A_190] : memref<40960x64xf32, #tpu.memory_space<hbm>> -> memref<40960x64xf32, #tpu.memory_space<hbm>>
        %dma_start3A_192 = tpu.memref_slice %arg11[%dma_start3A_181] : memref<2x!tpu.dma_semaphore, #tpu.memory_space<semaphore_mem>> -> memref<1x!tpu.dma_semaphore, #tpu.memory_space<semaphore_mem>>
        %dma_start3A_193 = tpu.memref_squeeze %dma_start3A_192 : memref<1x!tpu.dma_semaphore, #tpu.memory_space<semaphore_mem>> -> memref<!tpu.dma_semaphore, #tpu.memory_space<semaphore_mem>>
        tpu.enqueue_indirect_dma source(%dma_start3A_191 : memref<40960x64xf32, #tpu.memory_space<hbm>>) target(%dma_start3A_185 : memref<128x64xf32, #tpu.memory_space<vmem>>) offsets(%dma_start3A_188 : memref<128xi32, #tpu.memory_space<vmem>>) semaphore(%dma_start3A_193 : memref<!tpu.dma_semaphore, #tpu.memory_space<semaphore_mem>>)
      } else {
      }
      %mul3A_152 = arith.constant 2 : i32
      %mul3A_153 = arith.muli %scan3A_129, %mul3A_152 : i32
      %add3A_154 = arith.constant 1 : i32
      %add3A_155 = arith.addi %mul3A_153, %add3A_154 : i32
      %dma_wait3A_156 = arith.constant 1 : i32
      %dma_wait3A_157 = arith.constant 1 : i32
      %dma_wait3A_158 = arith.constant 0 : i32
      %dma_wait3A_159 = arith.constant 0 : i32
      %dma_wait3A_160 = tpu.memref_slice %arg8[%dma_wait3A_156, %dma_wait3A_158, %dma_wait3A_159] : memref<2x128x64xf32, #tpu.memory_space<vmem>> -> memref<1x128x64xf32, #tpu.memory_space<vmem>>
      %dma_wait3A_161 = tpu.memref_squeeze %dma_wait3A_160 : memref<1x128x64xf32, #tpu.memory_space<vmem>> -> memref<128x64xf32, #tpu.memory_space<vmem>>
      %dma_wait3A_162 = arith.constant 0 : i32
      %dma_wait3A_163 = tpu.memref_slice %arg6[%add3A_155, %dma_wait3A_162] : memref<158x128xi32, #tpu.memory_space<vmem>> -> memref<1x128xi32, #tpu.memory_space<vmem>>
      %dma_wait3A_164 = tpu.memref_squeeze %dma_wait3A_163 : memref<1x128xi32, #tpu.memory_space<vmem>> -> memref<128xi32, #tpu.memory_space<vmem>>
      %dma_wait3A_165 = arith.constant 0 : i32
      %dma_wait3A_166 = arith.constant 0 : i32
      %dma_wait3A_167 = tpu.memref_slice %arg2[%dma_wait3A_165, %dma_wait3A_166] : memref<40960x64xf32, #tpu.memory_space<hbm>> -> memref<40960x64xf32, #tpu.memory_space<hbm>>
      %dma_wait3A_168 = tpu.memref_slice %arg11[%dma_wait3A_157] : memref<2x!tpu.dma_semaphore, #tpu.memory_space<semaphore_mem>> -> memref<1x!tpu.dma_semaphore, #tpu.memory_space<semaphore_mem>>
      %dma_wait3A_169 = tpu.memref_squeeze %dma_wait3A_168 : memref<1x!tpu.dma_semaphore, #tpu.memory_space<semaphore_mem>> -> memref<!tpu.dma_semaphore, #tpu.memory_space<semaphore_mem>>
      tpu.wait_indirect_dma semaphore(%dma_wait3A_169 : memref<!tpu.dma_semaphore, #tpu.memory_space<semaphore_mem>>) src(%dma_wait3A_167 : memref<40960x64xf32, #tpu.memory_space<hbm>>) dst(%dma_wait3A_161 : memref<128x64xf32, #tpu.memory_space<vmem>>)
      %run_scoped3A_170 = arith.constant 1 : i32
      "tpu.region"() ({
        %run_scoped3A_178 = tpu.sem_alloc : memref<!tpu.dma_semaphore, #tpu.memory_space<semaphore_mem>>
        %dma_start3A_179 = arith.constant 0 : i32
        %dma_start3A_180 = arith.constant 0 : i32
        %dma_start3A_181 = tpu.memref_slice %arg8[%run_scoped3A_170, %dma_start3A_179, %dma_start3A_180] : memref<2x128x64xf32, #tpu.memory_space<vmem>> -> memref<1x128x64xf32, #tpu.memory_space<vmem>>
        %dma_start3A_182 = tpu.memref_squeeze %dma_start3A_181 : memref<1x128x64xf32, #tpu.memory_space<vmem>> -> memref<128x64xf32, #tpu.memory_space<vmem>>
        %dma_start3A_183 = arith.constant 0 : i32
        %dma_start3A_184 = tpu.memref_slice %arg7[%add3A_155, %dma_start3A_183] : memref<158x128xi32, #tpu.memory_space<vmem>> -> memref<1x128xi32, #tpu.memory_space<vmem>>
        %dma_start3A_185 = tpu.memref_squeeze %dma_start3A_184 : memref<1x128xi32, #tpu.memory_space<vmem>> -> memref<128xi32, #tpu.memory_space<vmem>>
        %dma_start3A_186 = arith.constant 0 : i32
        %dma_start3A_187 = arith.constant 0 : i32
        %dma_start3A_188 = tpu.memref_slice %arg10[%dma_start3A_186, %dma_start3A_187] : memref<10240x64xf32, #tpu.memory_space<vmem_shared>> -> memref<10240x64xf32, #tpu.memory_space<vmem_shared>>
        tpu.enqueue_indirect_dma source(%dma_start3A_182 : memref<128x64xf32, #tpu.memory_space<vmem>>) target(%dma_start3A_188 : memref<10240x64xf32, #tpu.memory_space<vmem_shared>>) offsets(%dma_start3A_185 : memref<128xi32, #tpu.memory_space<vmem>>) semaphore(%run_scoped3A_178 : memref<!tpu.dma_semaphore, #tpu.memory_space<semaphore_mem>>) {add = true}
        %dma_wait3A_189 = arith.constant 0 : i32
        %dma_wait3A_190 = arith.constant 0 : i32
        %dma_wait3A_191 = tpu.memref_slice %arg8[%run_scoped3A_170, %dma_wait3A_189, %dma_wait3A_190] : memref<2x128x64xf32, #tpu.memory_space<vmem>> -> memref<1x128x64xf32, #tpu.memory_space<vmem>>
        %dma_wait3A_192 = tpu.memref_squeeze %dma_wait3A_191 : memref<1x128x64xf32, #tpu.memory_space<vmem>> -> memref<128x64xf32, #tpu.memory_space<vmem>>
        %dma_wait3A_193 = arith.constant 0 : i32
        %dma_wait3A_194 = tpu.memref_slice %arg7[%add3A_155, %dma_wait3A_193] : memref<158x128xi32, #tpu.memory_space<vmem>> -> memref<1x128xi32, #tpu.memory_space<vmem>>
        %dma_wait3A_195 = tpu.memref_squeeze %dma_wait3A_194 : memref<1x128xi32, #tpu.memory_space<vmem>> -> memref<128xi32, #tpu.memory_space<vmem>>
        %dma_wait3A_196 = arith.constant 0 : i32
        %dma_wait3A_197 = arith.constant 0 : i32
        %dma_wait3A_198 = tpu.memref_slice %arg10[%dma_wait3A_196, %dma_wait3A_197] : memref<10240x64xf32, #tpu.memory_space<vmem_shared>> -> memref<10240x64xf32, #tpu.memory_space<vmem_shared>>
        tpu.wait_indirect_dma semaphore(%run_scoped3A_178 : memref<!tpu.dma_semaphore, #tpu.memory_space<semaphore_mem>>) src(%dma_wait3A_192 : memref<128x64xf32, #tpu.memory_space<vmem>>) dst(%dma_wait3A_198 : memref<10240x64xf32, #tpu.memory_space<vmem_shared>>)
        tpu.yield
      }) : () -> ()
      %add3A_171 = arith.constant 2 : i32
      %add3A_172 = arith.addi %add3A_155, %add3A_171 : i32
      %lt3A_173 = arith.constant 158 : i32
      %lt3A_174 = arith.cmpi slt, %add3A_172, %lt3A_173 : i32
      %convert_element_type3A_175 = arith.extui %lt3A_174 : i1 to i32
      %cond3A_176 = arith.constant 0 : i32
      %cond3A_177 = arith.cmpi ne, %convert_element_type3A_175, %cond3A_176 : i32
      scf.if %cond3A_177 {
        %add3A_178 = arith.constant 2 : i32
        %add3A_179 = arith.addi %add3A_155, %add3A_178 : i32
        %dma_start3A_180 = arith.constant 1 : i32
        %dma_start3A_181 = arith.constant 1 : i32
        %dma_start3A_182 = arith.constant 0 : i32
        %dma_start3A_183 = arith.constant 0 : i32
        %dma_start3A_184 = tpu.memref_slice %arg8[%dma_start3A_180, %dma_start3A_182, %dma_start3A_183] : memref<2x128x64xf32, #tpu.memory_space<vmem>> -> memref<1x128x64xf32, #tpu.memory_space<vmem>>
        %dma_start3A_185 = tpu.memref_squeeze %dma_start3A_184 : memref<1x128x64xf32, #tpu.memory_space<vmem>> -> memref<128x64xf32, #tpu.memory_space<vmem>>
        %dma_start3A_186 = arith.constant 0 : i32
        %dma_start3A_187 = tpu.memref_slice %arg6[%add3A_179, %dma_start3A_186] : memref<158x128xi32, #tpu.memory_space<vmem>> -> memref<1x128xi32, #tpu.memory_space<vmem>>
        %dma_start3A_188 = tpu.memref_squeeze %dma_start3A_187 : memref<1x128xi32, #tpu.memory_space<vmem>> -> memref<128xi32, #tpu.memory_space<vmem>>
        %dma_start3A_189 = arith.constant 0 : i32
        %dma_start3A_190 = arith.constant 0 : i32
        %dma_start3A_191 = tpu.memref_slice %arg2[%dma_start3A_189, %dma_start3A_190] : memref<40960x64xf32, #tpu.memory_space<hbm>> -> memref<40960x64xf32, #tpu.memory_space<hbm>>
        %dma_start3A_192 = tpu.memref_slice %arg11[%dma_start3A_181] : memref<2x!tpu.dma_semaphore, #tpu.memory_space<semaphore_mem>> -> memref<1x!tpu.dma_semaphore, #tpu.memory_space<semaphore_mem>>
        %dma_start3A_193 = tpu.memref_squeeze %dma_start3A_192 : memref<1x!tpu.dma_semaphore, #tpu.memory_space<semaphore_mem>> -> memref<!tpu.dma_semaphore, #tpu.memory_space<semaphore_mem>>
        tpu.enqueue_indirect_dma source(%dma_start3A_191 : memref<40960x64xf32, #tpu.memory_space<hbm>>) target(%dma_start3A_185 : memref<128x64xf32, #tpu.memory_space<vmem>>) offsets(%dma_start3A_188 : memref<128xi32, #tpu.memory_space<vmem>>) semaphore(%dma_start3A_193 : memref<!tpu.dma_semaphore, #tpu.memory_space<semaphore_mem>>)
      } else {
      }
    }
    %scan3A_58 = arith.constant 79 : i32
    %barrier3A_59 = arith.constant 0 : index
    tpu.barrier barrier_id(%barrier3A_59)
    %mul3A_60 = arith.constant 640 : i32
    %mul3A_61 = arith.muli %arg1, %mul3A_60 : i32
    %mul3A_62 = arith.constant 640 : i32
    %mul3A_63 = arith.muli %arg1, %mul3A_62 : i32
    %run_scoped3A_64 = arith.constant 0 : i32
    "tpu.region"() ({
      %run_scoped3A_129 = tpu.sem_alloc : memref<!tpu.dma_semaphore, #tpu.memory_space<semaphore_mem>>
      %dma_start3A_130 = arith.constant 0 : i32
      %dma_start3A_131 = tpu.memref_slice %arg5[%arg0, %run_scoped3A_64, %mul3A_63, %dma_start3A_130] : memref<2x2x10240x64xf32, #tpu.memory_space<hbm>> -> memref<1x1x640x64xf32, #tpu.memory_space<hbm>>
      %dma_start3A_132 = tpu.memref_squeeze %dma_start3A_131 : memref<1x1x640x64xf32, #tpu.memory_space<hbm>> -> memref<640x64xf32, #tpu.memory_space<hbm>>
      %dma_start3A_133 = arith.constant 0 : i32
      %dma_start3A_134 = tpu.memref_slice %arg10[%mul3A_61, %dma_start3A_133] : memref<10240x64xf32, #tpu.memory_space<vmem_shared>> -> memref<640x64xf32, #tpu.memory_space<vmem_shared>>
      tpu.enqueue_dma source(%dma_start3A_134 : memref<640x64xf32, #tpu.memory_space<vmem_shared>>) target(%dma_start3A_132 : memref<640x64xf32, #tpu.memory_space<hbm>>) target_semaphore(%run_scoped3A_129 : memref<!tpu.dma_semaphore, #tpu.memory_space<semaphore_mem>>)
      %dma_wait3A = arith.constant 0 : i32
      %dma_wait3A_135 = tpu.memref_slice %arg5[%arg0, %run_scoped3A_64, %mul3A_63, %dma_wait3A] : memref<2x2x10240x64xf32, #tpu.memory_space<hbm>> -> memref<1x1x640x64xf32, #tpu.memory_space<hbm>>
      %dma_wait3A_136 = tpu.memref_squeeze %dma_wait3A_135 : memref<1x1x640x64xf32, #tpu.memory_space<hbm>> -> memref<640x64xf32, #tpu.memory_space<hbm>>
      %dma_wait3A_137 = arith.constant 0 : i32
      %dma_wait3A_138 = tpu.memref_slice %arg10[%mul3A_61, %dma_wait3A_137] : memref<10240x64xf32, #tpu.memory_space<vmem_shared>> -> memref<640x64xf32, #tpu.memory_space<vmem_shared>>
      tpu.wait_dma2 semaphore(%run_scoped3A_129 : memref<!tpu.dma_semaphore, #tpu.memory_space<semaphore_mem>>) src(%dma_wait3A_138 : memref<640x64xf32, #tpu.memory_space<vmem_shared>>) dst(%dma_wait3A_136 : memref<640x64xf32, #tpu.memory_space<hbm>>)
      tpu.yield
    }) : () -> ()
    %run_scoped3A_65 = arith.constant 1 : i32
    "tpu.region"() ({
      %run_scoped3A_129 = tpu.sem_alloc : memref<!tpu.dma_semaphore, #tpu.memory_space<semaphore_mem>>
      %dma_start3A_130 = arith.constant 0 : i32
      %dma_start3A_131 = arith.constant 0 : i32
      %dma_start3A_132 = tpu.memref_slice %arg3[%arg0, %run_scoped3A_65, %arg1, %dma_start3A_130, %dma_start3A_131] : memref<2x2x16x158x128xi32, #tpu.memory_space<hbm>> -> memref<1x1x1x158x128xi32, #tpu.memory_space<hbm>>
      %dma_start3A_133 = tpu.memref_squeeze %dma_start3A_132 : memref<1x1x1x158x128xi32, #tpu.memory_space<hbm>> -> memref<158x128xi32, #tpu.memory_space<hbm>>
      %dma_start3A_134 = arith.constant 0 : i32
      %dma_start3A_135 = arith.constant 0 : i32
      %dma_start3A_136 = tpu.memref_slice %arg3[%arg0, %run_scoped3A_65, %arg1, %dma_start3A_134, %dma_start3A_135] : memref<2x2x16x158x128xi32, #tpu.memory_space<hbm>> -> memref<1x1x1x158x128xi32, #tpu.memory_space<hbm>>
      %dma_start3A_137 = tpu.memref_squeeze %dma_start3A_136 : memref<1x1x1x158x128xi32, #tpu.memory_space<hbm>> -> memref<158x128xi32, #tpu.memory_space<hbm>>
      tpu.enqueue_dma source(%dma_start3A_137 : memref<158x128xi32, #tpu.memory_space<hbm>>) target(%arg6 : memref<158x128xi32, #tpu.memory_space<vmem>>) target_semaphore(%run_scoped3A_129 : memref<!tpu.dma_semaphore, #tpu.memory_space<semaphore_mem>>)
      %dma_wait3A = arith.constant 0 : i32
      %dma_wait3A_138 = arith.constant 0 : i32
      %dma_wait3A_139 = tpu.memref_slice %arg3[%arg0, %run_scoped3A_65, %arg1, %dma_wait3A, %dma_wait3A_138] : memref<2x2x16x158x128xi32, #tpu.memory_space<hbm>> -> memref<1x1x1x158x128xi32, #tpu.memory_space<hbm>>
      %dma_wait3A_140 = tpu.memref_squeeze %dma_wait3A_139 : memref<1x1x1x158x128xi32, #tpu.memory_space<hbm>> -> memref<158x128xi32, #tpu.memory_space<hbm>>
      %dma_wait3A_141 = arith.constant 0 : i32
      %dma_wait3A_142 = arith.constant 0 : i32
      %dma_wait3A_143 = tpu.memref_slice %arg3[%arg0, %run_scoped3A_65, %arg1, %dma_wait3A_141, %dma_wait3A_142] : memref<2x2x16x158x128xi32, #tpu.memory_space<hbm>> -> memref<1x1x1x158x128xi32, #tpu.memory_space<hbm>>
      %dma_wait3A_144 = tpu.memref_squeeze %dma_wait3A_143 : memref<1x1x1x158x128xi32, #tpu.memory_space<hbm>> -> memref<158x128xi32, #tpu.memory_space<hbm>>
      tpu.wait_dma2 semaphore(%run_scoped3A_129 : memref<!tpu.dma_semaphore, #tpu.memory_space<semaphore_mem>>) src(%dma_wait3A_144 : memref<158x128xi32, #tpu.memory_space<hbm>>) dst(%arg6 : memref<158x128xi32, #tpu.memory_space<vmem>>)
      tpu.yield
    }) : () -> ()
    %mul3A_66 = arith.constant 640 : i32
    %mul3A_67 = arith.muli %arg1, %mul3A_66 : i32
    %add3A_68 = arith.constant 0 : i32
    %add3A_69 = arith.addi %mul3A_67, %add3A_68 : i32
    "tpu.region"() ({
      %run_scoped3A_129 = tpu.sem_alloc : memref<!tpu.dma_semaphore, #tpu.memory_space<semaphore_mem>>
      %dma_start3A_130 = arith.constant 0 : i32
      %dma_start3A_131 = tpu.memref_slice %arg10[%add3A_69, %dma_start3A_130] : memref<10240x64xf32, #tpu.memory_space<vmem_shared>> -> memref<128x64xf32, #tpu.memory_space<vmem_shared>>
      %dma_start3A_132 = arith.constant 0 : i32
      %dma_start3A_133 = tpu.memref_slice %arg10[%add3A_69, %dma_start3A_132] : memref<10240x64xf32, #tpu.memory_space<vmem_shared>> -> memref<128x64xf32, #tpu.memory_space<vmem_shared>>
      tpu.enqueue_dma source(%arg9 : memref<128x64xf32, #tpu.memory_space<vmem>>) target(%dma_start3A_133 : memref<128x64xf32, #tpu.memory_space<vmem_shared>>) target_semaphore(%run_scoped3A_129 : memref<!tpu.dma_semaphore, #tpu.memory_space<semaphore_mem>>)
      %dma_wait3A = arith.constant 0 : i32
      %dma_wait3A_134 = tpu.memref_slice %arg10[%add3A_69, %dma_wait3A] : memref<10240x64xf32, #tpu.memory_space<vmem_shared>> -> memref<128x64xf32, #tpu.memory_space<vmem_shared>>
      %dma_wait3A_135 = arith.constant 0 : i32
      %dma_wait3A_136 = tpu.memref_slice %arg10[%add3A_69, %dma_wait3A_135] : memref<10240x64xf32, #tpu.memory_space<vmem_shared>> -> memref<128x64xf32, #tpu.memory_space<vmem_shared>>
      tpu.wait_dma2 semaphore(%run_scoped3A_129 : memref<!tpu.dma_semaphore, #tpu.memory_space<semaphore_mem>>) src(%arg9 : memref<128x64xf32, #tpu.memory_space<vmem>>) dst(%dma_wait3A_136 : memref<128x64xf32, #tpu.memory_space<vmem_shared>>)
      tpu.yield
    }) : () -> ()
    %mul3A_70 = arith.constant 640 : i32
    %mul3A_71 = arith.muli %arg1, %mul3A_70 : i32
    %add3A_72 = arith.constant 128 : i32
    %add3A_73 = arith.addi %mul3A_71, %add3A_72 : i32
    "tpu.region"() ({
      %run_scoped3A_129 = tpu.sem_alloc : memref<!tpu.dma_semaphore, #tpu.memory_space<semaphore_mem>>
      %dma_start3A_130 = arith.constant 0 : i32
      %dma_start3A_131 = tpu.memref_slice %arg10[%add3A_73, %dma_start3A_130] : memref<10240x64xf32, #tpu.memory_space<vmem_shared>> -> memref<128x64xf32, #tpu.memory_space<vmem_shared>>
      %dma_start3A_132 = arith.constant 0 : i32
      %dma_start3A_133 = tpu.memref_slice %arg10[%add3A_73, %dma_start3A_132] : memref<10240x64xf32, #tpu.memory_space<vmem_shared>> -> memref<128x64xf32, #tpu.memory_space<vmem_shared>>
      tpu.enqueue_dma source(%arg9 : memref<128x64xf32, #tpu.memory_space<vmem>>) target(%dma_start3A_133 : memref<128x64xf32, #tpu.memory_space<vmem_shared>>) target_semaphore(%run_scoped3A_129 : memref<!tpu.dma_semaphore, #tpu.memory_space<semaphore_mem>>)
      %dma_wait3A = arith.constant 0 : i32
      %dma_wait3A_134 = tpu.memref_slice %arg10[%add3A_73, %dma_wait3A] : memref<10240x64xf32, #tpu.memory_space<vmem_shared>> -> memref<128x64xf32, #tpu.memory_space<vmem_shared>>
      %dma_wait3A_135 = arith.constant 0 : i32
      %dma_wait3A_136 = tpu.memref_slice %arg10[%add3A_73, %dma_wait3A_135] : memref<10240x64xf32, #tpu.memory_space<vmem_shared>> -> memref<128x64xf32, #tpu.memory_space<vmem_shared>>
      tpu.wait_dma2 semaphore(%run_scoped3A_129 : memref<!tpu.dma_semaphore, #tpu.memory_space<semaphore_mem>>) src(%arg9 : memref<128x64xf32, #tpu.memory_space<vmem>>) dst(%dma_wait3A_136 : memref<128x64xf32, #tpu.memory_space<vmem_shared>>)
      tpu.yield
    }) : () -> ()
    %mul3A_74 = arith.constant 640 : i32
    %mul3A_75 = arith.muli %arg1, %mul3A_74 : i32
    %add3A_76 = arith.constant 256 : i32
    %add3A_77 = arith.addi %mul3A_75, %add3A_76 : i32
    "tpu.region"() ({
      %run_scoped3A_129 = tpu.sem_alloc : memref<!tpu.dma_semaphore, #tpu.memory_space<semaphore_mem>>
      %dma_start3A_130 = arith.constant 0 : i32
      %dma_start3A_131 = tpu.memref_slice %arg10[%add3A_77, %dma_start3A_130] : memref<10240x64xf32, #tpu.memory_space<vmem_shared>> -> memref<128x64xf32, #tpu.memory_space<vmem_shared>>
      %dma_start3A_132 = arith.constant 0 : i32
      %dma_start3A_133 = tpu.memref_slice %arg10[%add3A_77, %dma_start3A_132] : memref<10240x64xf32, #tpu.memory_space<vmem_shared>> -> memref<128x64xf32, #tpu.memory_space<vmem_shared>>
      tpu.enqueue_dma source(%arg9 : memref<128x64xf32, #tpu.memory_space<vmem>>) target(%dma_start3A_133 : memref<128x64xf32, #tpu.memory_space<vmem_shared>>) target_semaphore(%run_scoped3A_129 : memref<!tpu.dma_semaphore, #tpu.memory_space<semaphore_mem>>)
      %dma_wait3A = arith.constant 0 : i32
      %dma_wait3A_134 = tpu.memref_slice %arg10[%add3A_77, %dma_wait3A] : memref<10240x64xf32, #tpu.memory_space<vmem_shared>> -> memref<128x64xf32, #tpu.memory_space<vmem_shared>>
      %dma_wait3A_135 = arith.constant 0 : i32
      %dma_wait3A_136 = tpu.memref_slice %arg10[%add3A_77, %dma_wait3A_135] : memref<10240x64xf32, #tpu.memory_space<vmem_shared>> -> memref<128x64xf32, #tpu.memory_space<vmem_shared>>
      tpu.wait_dma2 semaphore(%run_scoped3A_129 : memref<!tpu.dma_semaphore, #tpu.memory_space<semaphore_mem>>) src(%arg9 : memref<128x64xf32, #tpu.memory_space<vmem>>) dst(%dma_wait3A_136 : memref<128x64xf32, #tpu.memory_space<vmem_shared>>)
      tpu.yield
    }) : () -> ()
    %mul3A_78 = arith.constant 640 : i32
    %mul3A_79 = arith.muli %arg1, %mul3A_78 : i32
    %add3A_80 = arith.constant 384 : i32
    %add3A_81 = arith.addi %mul3A_79, %add3A_80 : i32
    "tpu.region"() ({
      %run_scoped3A_129 = tpu.sem_alloc : memref<!tpu.dma_semaphore, #tpu.memory_space<semaphore_mem>>
      %dma_start3A_130 = arith.constant 0 : i32
      %dma_start3A_131 = tpu.memref_slice %arg10[%add3A_81, %dma_start3A_130] : memref<10240x64xf32, #tpu.memory_space<vmem_shared>> -> memref<128x64xf32, #tpu.memory_space<vmem_shared>>
      %dma_start3A_132 = arith.constant 0 : i32
      %dma_start3A_133 = tpu.memref_slice %arg10[%add3A_81, %dma_start3A_132] : memref<10240x64xf32, #tpu.memory_space<vmem_shared>> -> memref<128x64xf32, #tpu.memory_space<vmem_shared>>
      tpu.enqueue_dma source(%arg9 : memref<128x64xf32, #tpu.memory_space<vmem>>) target(%dma_start3A_133 : memref<128x64xf32, #tpu.memory_space<vmem_shared>>) target_semaphore(%run_scoped3A_129 : memref<!tpu.dma_semaphore, #tpu.memory_space<semaphore_mem>>)
      %dma_wait3A = arith.constant 0 : i32
      %dma_wait3A_134 = tpu.memref_slice %arg10[%add3A_81, %dma_wait3A] : memref<10240x64xf32, #tpu.memory_space<vmem_shared>> -> memref<128x64xf32, #tpu.memory_space<vmem_shared>>
      %dma_wait3A_135 = arith.constant 0 : i32
      %dma_wait3A_136 = tpu.memref_slice %arg10[%add3A_81, %dma_wait3A_135] : memref<10240x64xf32, #tpu.memory_space<vmem_shared>> -> memref<128x64xf32, #tpu.memory_space<vmem_shared>>
      tpu.wait_dma2 semaphore(%run_scoped3A_129 : memref<!tpu.dma_semaphore, #tpu.memory_space<semaphore_mem>>) src(%arg9 : memref<128x64xf32, #tpu.memory_space<vmem>>) dst(%dma_wait3A_136 : memref<128x64xf32, #tpu.memory_space<vmem_shared>>)
      tpu.yield
    }) : () -> ()
    %mul3A_82 = arith.constant 640 : i32
    %mul3A_83 = arith.muli %arg1, %mul3A_82 : i32
    %add3A_84 = arith.constant 512 : i32
    %add3A_85 = arith.addi %mul3A_83, %add3A_84 : i32
    "tpu.region"() ({
      %run_scoped3A_129 = tpu.sem_alloc : memref<!tpu.dma_semaphore, #tpu.memory_space<semaphore_mem>>
      %dma_start3A_130 = arith.constant 0 : i32
      %dma_start3A_131 = tpu.memref_slice %arg10[%add3A_85, %dma_start3A_130] : memref<10240x64xf32, #tpu.memory_space<vmem_shared>> -> memref<128x64xf32, #tpu.memory_space<vmem_shared>>
      %dma_start3A_132 = arith.constant 0 : i32
      %dma_start3A_133 = tpu.memref_slice %arg10[%add3A_85, %dma_start3A_132] : memref<10240x64xf32, #tpu.memory_space<vmem_shared>> -> memref<128x64xf32, #tpu.memory_space<vmem_shared>>
      tpu.enqueue_dma source(%arg9 : memref<128x64xf32, #tpu.memory_space<vmem>>) target(%dma_start3A_133 : memref<128x64xf32, #tpu.memory_space<vmem_shared>>) target_semaphore(%run_scoped3A_129 : memref<!tpu.dma_semaphore, #tpu.memory_space<semaphore_mem>>)
      %dma_wait3A = arith.constant 0 : i32
      %dma_wait3A_134 = tpu.memref_slice %arg10[%add3A_85, %dma_wait3A] : memref<10240x64xf32, #tpu.memory_space<vmem_shared>> -> memref<128x64xf32, #tpu.memory_space<vmem_shared>>
      %dma_wait3A_135 = arith.constant 0 : i32
      %dma_wait3A_136 = tpu.memref_slice %arg10[%add3A_85, %dma_wait3A_135] : memref<10240x64xf32, #tpu.memory_space<vmem_shared>> -> memref<128x64xf32, #tpu.memory_space<vmem_shared>>
      tpu.wait_dma2 semaphore(%run_scoped3A_129 : memref<!tpu.dma_semaphore, #tpu.memory_space<semaphore_mem>>) src(%arg9 : memref<128x64xf32, #tpu.memory_space<vmem>>) dst(%dma_wait3A_136 : memref<128x64xf32, #tpu.memory_space<vmem_shared>>)
      tpu.yield
    }) : () -> ()
    %barrier3A_86 = arith.constant 0 : index
    tpu.barrier barrier_id(%barrier3A_86)
    %dma_start3A_87 = arith.constant 0 : i32
    %dma_start3A_88 = arith.constant 0 : i32
    %dma_start3A_89 = arith.constant 0 : i32
    %dma_start3A_90 = arith.constant 0 : i32
    %dma_start3A_91 = arith.constant 0 : i32
    %dma_start3A_92 = tpu.memref_slice %arg8[%dma_start3A_88, %dma_start3A_90, %dma_start3A_91] : memref<2x128x64xf32, #tpu.memory_space<vmem>> -> memref<1x128x64xf32, #tpu.memory_space<vmem>>
    %dma_start3A_93 = tpu.memref_squeeze %dma_start3A_92 : memref<1x128x64xf32, #tpu.memory_space<vmem>> -> memref<128x64xf32, #tpu.memory_space<vmem>>
    %dma_start3A_94 = arith.constant 0 : i32
    %dma_start3A_95 = tpu.memref_slice %arg6[%dma_start3A_87, %dma_start3A_94] : memref<158x128xi32, #tpu.memory_space<vmem>> -> memref<1x128xi32, #tpu.memory_space<vmem>>
    %dma_start3A_96 = tpu.memref_squeeze %dma_start3A_95 : memref<1x128xi32, #tpu.memory_space<vmem>> -> memref<128xi32, #tpu.memory_space<vmem>>
    %dma_start3A_97 = arith.constant 0 : i32
    %dma_start3A_98 = arith.constant 0 : i32
    %dma_start3A_99 = tpu.memref_slice %arg2[%dma_start3A_97, %dma_start3A_98] : memref<40960x64xf32, #tpu.memory_space<hbm>> -> memref<40960x64xf32, #tpu.memory_space<hbm>>
    %dma_start3A_100 = tpu.memref_slice %arg11[%dma_start3A_89] : memref<2x!tpu.dma_semaphore, #tpu.memory_space<semaphore_mem>> -> memref<1x!tpu.dma_semaphore, #tpu.memory_space<semaphore_mem>>
    %dma_start3A_101 = tpu.memref_squeeze %dma_start3A_100 : memref<1x!tpu.dma_semaphore, #tpu.memory_space<semaphore_mem>> -> memref<!tpu.dma_semaphore, #tpu.memory_space<semaphore_mem>>
    tpu.enqueue_indirect_dma source(%dma_start3A_99 : memref<40960x64xf32, #tpu.memory_space<hbm>>) target(%dma_start3A_93 : memref<128x64xf32, #tpu.memory_space<vmem>>) offsets(%dma_start3A_96 : memref<128xi32, #tpu.memory_space<vmem>>) semaphore(%dma_start3A_101 : memref<!tpu.dma_semaphore, #tpu.memory_space<semaphore_mem>>)
    %dma_start3A_102 = arith.constant 1 : i32
    %dma_start3A_103 = arith.constant 1 : i32
    %dma_start3A_104 = arith.constant 1 : i32
    %dma_start3A_105 = arith.constant 0 : i32
    %dma_start3A_106 = arith.constant 0 : i32
    %dma_start3A_107 = tpu.memref_slice %arg8[%dma_start3A_103, %dma_start3A_105, %dma_start3A_106] : memref<2x128x64xf32, #tpu.memory_space<vmem>> -> memref<1x128x64xf32, #tpu.memory_space<vmem>>
    %dma_start3A_108 = tpu.memref_squeeze %dma_start3A_107 : memref<1x128x64xf32, #tpu.memory_space<vmem>> -> memref<128x64xf32, #tpu.memory_space<vmem>>
    %dma_start3A_109 = arith.constant 0 : i32
    %dma_start3A_110 = tpu.memref_slice %arg6[%dma_start3A_102, %dma_start3A_109] : memref<158x128xi32, #tpu.memory_space<vmem>> -> memref<1x128xi32, #tpu.memory_space<vmem>>
    %dma_start3A_111 = tpu.memref_squeeze %dma_start3A_110 : memref<1x128xi32, #tpu.memory_space<vmem>> -> memref<128xi32, #tpu.memory_space<vmem>>
    %dma_start3A_112 = arith.constant 0 : i32
    %dma_start3A_113 = arith.constant 0 : i32
    %dma_start3A_114 = tpu.memref_slice %arg2[%dma_start3A_112, %dma_start3A_113] : memref<40960x64xf32, #tpu.memory_space<hbm>> -> memref<40960x64xf32, #tpu.memory_space<hbm>>
    %dma_start3A_115 = tpu.memref_slice %arg11[%dma_start3A_104] : memref<2x!tpu.dma_semaphore, #tpu.memory_space<semaphore_mem>> -> memref<1x!tpu.dma_semaphore, #tpu.memory_space<semaphore_mem>>
    %dma_start3A_116 = tpu.memref_squeeze %dma_start3A_115 : memref<1x!tpu.dma_semaphore, #tpu.memory_space<semaphore_mem>> -> memref<!tpu.dma_semaphore, #tpu.memory_space<semaphore_mem>>
    tpu.enqueue_indirect_dma source(%dma_start3A_114 : memref<40960x64xf32, #tpu.memory_space<hbm>>) target(%dma_start3A_108 : memref<128x64xf32, #tpu.memory_space<vmem>>) offsets(%dma_start3A_111 : memref<128xi32, #tpu.memory_space<vmem>>) semaphore(%dma_start3A_116 : memref<!tpu.dma_semaphore, #tpu.memory_space<semaphore_mem>>)
    %scan3A_117 = arith.constant 0 : i32
    %scan3A_118 = arith.constant 0 : i32
    %scan3A_119 = arith.constant 79 : i32
    %scan3A_120 = arith.addi %scan3A_118, %scan3A_119 : i32
    %scan3A_121 = arith.constant 1 : i32
    scf.for %scan3A_129 = %scan3A_118 to %scan3A_120 step %scan3A_121  : i32 {
      %mul3A_130 = arith.constant 2 : i32
      %mul3A_131 = arith.muli %scan3A_129, %mul3A_130 : i32
      %add3A_132 = arith.constant 0 : i32
      %add3A_133 = arith.addi %mul3A_131, %add3A_132 : i32
      %dma_wait3A = arith.constant 0 : i32
      %dma_wait3A_134 = arith.constant 0 : i32
      %dma_wait3A_135 = arith.constant 0 : i32
      %dma_wait3A_136 = arith.constant 0 : i32
      %dma_wait3A_137 = tpu.memref_slice %arg8[%dma_wait3A, %dma_wait3A_135, %dma_wait3A_136] : memref<2x128x64xf32, #tpu.memory_space<vmem>> -> memref<1x128x64xf32, #tpu.memory_space<vmem>>
      %dma_wait3A_138 = tpu.memref_squeeze %dma_wait3A_137 : memref<1x128x64xf32, #tpu.memory_space<vmem>> -> memref<128x64xf32, #tpu.memory_space<vmem>>
      %dma_wait3A_139 = arith.constant 0 : i32
      %dma_wait3A_140 = tpu.memref_slice %arg6[%add3A_133, %dma_wait3A_139] : memref<158x128xi32, #tpu.memory_space<vmem>> -> memref<1x128xi32, #tpu.memory_space<vmem>>
      %dma_wait3A_141 = tpu.memref_squeeze %dma_wait3A_140 : memref<1x128xi32, #tpu.memory_space<vmem>> -> memref<128xi32, #tpu.memory_space<vmem>>
      %dma_wait3A_142 = arith.constant 0 : i32
      %dma_wait3A_143 = arith.constant 0 : i32
      %dma_wait3A_144 = tpu.memref_slice %arg2[%dma_wait3A_142, %dma_wait3A_143] : memref<40960x64xf32, #tpu.memory_space<hbm>> -> memref<40960x64xf32, #tpu.memory_space<hbm>>
      %dma_wait3A_145 = tpu.memref_slice %arg11[%dma_wait3A_134] : memref<2x!tpu.dma_semaphore, #tpu.memory_space<semaphore_mem>> -> memref<1x!tpu.dma_semaphore, #tpu.memory_space<semaphore_mem>>
      %dma_wait3A_146 = tpu.memref_squeeze %dma_wait3A_145 : memref<1x!tpu.dma_semaphore, #tpu.memory_space<semaphore_mem>> -> memref<!tpu.dma_semaphore, #tpu.memory_space<semaphore_mem>>
      tpu.wait_indirect_dma semaphore(%dma_wait3A_146 : memref<!tpu.dma_semaphore, #tpu.memory_space<semaphore_mem>>) src(%dma_wait3A_144 : memref<40960x64xf32, #tpu.memory_space<hbm>>) dst(%dma_wait3A_138 : memref<128x64xf32, #tpu.memory_space<vmem>>)
      %run_scoped3A_147 = arith.constant 0 : i32
      "tpu.region"() ({
        %run_scoped3A_178 = tpu.sem_alloc : memref<!tpu.dma_semaphore, #tpu.memory_space<semaphore_mem>>
        %dma_start3A_179 = arith.constant 0 : i32
        %dma_start3A_180 = arith.constant 0 : i32
        %dma_start3A_181 = tpu.memref_slice %arg8[%run_scoped3A_147, %dma_start3A_179, %dma_start3A_180] : memref<2x128x64xf32, #tpu.memory_space<vmem>> -> memref<1x128x64xf32, #tpu.memory_space<vmem>>
        %dma_start3A_182 = tpu.memref_squeeze %dma_start3A_181 : memref<1x128x64xf32, #tpu.memory_space<vmem>> -> memref<128x64xf32, #tpu.memory_space<vmem>>
        %dma_start3A_183 = arith.constant 0 : i32
        %dma_start3A_184 = tpu.memref_slice %arg7[%add3A_133, %dma_start3A_183] : memref<158x128xi32, #tpu.memory_space<vmem>> -> memref<1x128xi32, #tpu.memory_space<vmem>>
        %dma_start3A_185 = tpu.memref_squeeze %dma_start3A_184 : memref<1x128xi32, #tpu.memory_space<vmem>> -> memref<128xi32, #tpu.memory_space<vmem>>
        %dma_start3A_186 = arith.constant 0 : i32
        %dma_start3A_187 = arith.constant 0 : i32
        %dma_start3A_188 = tpu.memref_slice %arg10[%dma_start3A_186, %dma_start3A_187] : memref<10240x64xf32, #tpu.memory_space<vmem_shared>> -> memref<10240x64xf32, #tpu.memory_space<vmem_shared>>
        tpu.enqueue_indirect_dma source(%dma_start3A_182 : memref<128x64xf32, #tpu.memory_space<vmem>>) target(%dma_start3A_188 : memref<10240x64xf32, #tpu.memory_space<vmem_shared>>) offsets(%dma_start3A_185 : memref<128xi32, #tpu.memory_space<vmem>>) semaphore(%run_scoped3A_178 : memref<!tpu.dma_semaphore, #tpu.memory_space<semaphore_mem>>) {add = true}
        %dma_wait3A_189 = arith.constant 0 : i32
        %dma_wait3A_190 = arith.constant 0 : i32
        %dma_wait3A_191 = tpu.memref_slice %arg8[%run_scoped3A_147, %dma_wait3A_189, %dma_wait3A_190] : memref<2x128x64xf32, #tpu.memory_space<vmem>> -> memref<1x128x64xf32, #tpu.memory_space<vmem>>
        %dma_wait3A_192 = tpu.memref_squeeze %dma_wait3A_191 : memref<1x128x64xf32, #tpu.memory_space<vmem>> -> memref<128x64xf32, #tpu.memory_space<vmem>>
        %dma_wait3A_193 = arith.constant 0 : i32
        %dma_wait3A_194 = tpu.memref_slice %arg7[%add3A_133, %dma_wait3A_193] : memref<158x128xi32, #tpu.memory_space<vmem>> -> memref<1x128xi32, #tpu.memory_space<vmem>>
        %dma_wait3A_195 = tpu.memref_squeeze %dma_wait3A_194 : memref<1x128xi32, #tpu.memory_space<vmem>> -> memref<128xi32, #tpu.memory_space<vmem>>
        %dma_wait3A_196 = arith.constant 0 : i32
        %dma_wait3A_197 = arith.constant 0 : i32
        %dma_wait3A_198 = tpu.memref_slice %arg10[%dma_wait3A_196, %dma_wait3A_197] : memref<10240x64xf32, #tpu.memory_space<vmem_shared>> -> memref<10240x64xf32, #tpu.memory_space<vmem_shared>>
        tpu.wait_indirect_dma semaphore(%run_scoped3A_178 : memref<!tpu.dma_semaphore, #tpu.memory_space<semaphore_mem>>) src(%dma_wait3A_192 : memref<128x64xf32, #tpu.memory_space<vmem>>) dst(%dma_wait3A_198 : memref<10240x64xf32, #tpu.memory_space<vmem_shared>>)
        tpu.yield
      }) : () -> ()
      %add3A_148 = arith.constant 2 : i32
      %add3A_149 = arith.addi %add3A_133, %add3A_148 : i32
      %lt3A = arith.constant 158 : i32
      %lt3A_150 = arith.cmpi slt, %add3A_149, %lt3A : i32
      %convert_element_type3A = arith.extui %lt3A_150 : i1 to i32
      %cond3A = arith.constant 0 : i32
      %cond3A_151 = arith.cmpi ne, %convert_element_type3A, %cond3A : i32
      scf.if %cond3A_151 {
        %add3A_178 = arith.constant 2 : i32
        %add3A_179 = arith.addi %add3A_133, %add3A_178 : i32
        %dma_start3A_180 = arith.constant 0 : i32
        %dma_start3A_181 = arith.constant 0 : i32
        %dma_start3A_182 = arith.constant 0 : i32
        %dma_start3A_183 = arith.constant 0 : i32
        %dma_start3A_184 = tpu.memref_slice %arg8[%dma_start3A_180, %dma_start3A_182, %dma_start3A_183] : memref<2x128x64xf32, #tpu.memory_space<vmem>> -> memref<1x128x64xf32, #tpu.memory_space<vmem>>
        %dma_start3A_185 = tpu.memref_squeeze %dma_start3A_184 : memref<1x128x64xf32, #tpu.memory_space<vmem>> -> memref<128x64xf32, #tpu.memory_space<vmem>>
        %dma_start3A_186 = arith.constant 0 : i32
        %dma_start3A_187 = tpu.memref_slice %arg6[%add3A_179, %dma_start3A_186] : memref<158x128xi32, #tpu.memory_space<vmem>> -> memref<1x128xi32, #tpu.memory_space<vmem>>
        %dma_start3A_188 = tpu.memref_squeeze %dma_start3A_187 : memref<1x128xi32, #tpu.memory_space<vmem>> -> memref<128xi32, #tpu.memory_space<vmem>>
        %dma_start3A_189 = arith.constant 0 : i32
        %dma_start3A_190 = arith.constant 0 : i32
        %dma_start3A_191 = tpu.memref_slice %arg2[%dma_start3A_189, %dma_start3A_190] : memref<40960x64xf32, #tpu.memory_space<hbm>> -> memref<40960x64xf32, #tpu.memory_space<hbm>>
        %dma_start3A_192 = tpu.memref_slice %arg11[%dma_start3A_181] : memref<2x!tpu.dma_semaphore, #tpu.memory_space<semaphore_mem>> -> memref<1x!tpu.dma_semaphore, #tpu.memory_space<semaphore_mem>>
        %dma_start3A_193 = tpu.memref_squeeze %dma_start3A_192 : memref<1x!tpu.dma_semaphore, #tpu.memory_space<semaphore_mem>> -> memref<!tpu.dma_semaphore, #tpu.memory_space<semaphore_mem>>
        tpu.enqueue_indirect_dma source(%dma_start3A_191 : memref<40960x64xf32, #tpu.memory_space<hbm>>) target(%dma_start3A_185 : memref<128x64xf32, #tpu.memory_space<vmem>>) offsets(%dma_start3A_188 : memref<128xi32, #tpu.memory_space<vmem>>) semaphore(%dma_start3A_193 : memref<!tpu.dma_semaphore, #tpu.memory_space<semaphore_mem>>)
      } else {
      }
      %mul3A_152 = arith.constant 2 : i32
      %mul3A_153 = arith.muli %scan3A_129, %mul3A_152 : i32
      %add3A_154 = arith.constant 1 : i32
      %add3A_155 = arith.addi %mul3A_153, %add3A_154 : i32
      %dma_wait3A_156 = arith.constant 1 : i32
      %dma_wait3A_157 = arith.constant 1 : i32
      %dma_wait3A_158 = arith.constant 0 : i32
      %dma_wait3A_159 = arith.constant 0 : i32
      %dma_wait3A_160 = tpu.memref_slice %arg8[%dma_wait3A_156, %dma_wait3A_158, %dma_wait3A_159] : memref<2x128x64xf32, #tpu.memory_space<vmem>> -> memref<1x128x64xf32, #tpu.memory_space<vmem>>
      %dma_wait3A_161 = tpu.memref_squeeze %dma_wait3A_160 : memref<1x128x64xf32, #tpu.memory_space<vmem>> -> memref<128x64xf32, #tpu.memory_space<vmem>>
      %dma_wait3A_162 = arith.constant 0 : i32
      %dma_wait3A_163 = tpu.memref_slice %arg6[%add3A_155, %dma_wait3A_162] : memref<158x128xi32, #tpu.memory_space<vmem>> -> memref<1x128xi32, #tpu.memory_space<vmem>>
      %dma_wait3A_164 = tpu.memref_squeeze %dma_wait3A_163 : memref<1x128xi32, #tpu.memory_space<vmem>> -> memref<128xi32, #tpu.memory_space<vmem>>
      %dma_wait3A_165 = arith.constant 0 : i32
      %dma_wait3A_166 = arith.constant 0 : i32
      %dma_wait3A_167 = tpu.memref_slice %arg2[%dma_wait3A_165, %dma_wait3A_166] : memref<40960x64xf32, #tpu.memory_space<hbm>> -> memref<40960x64xf32, #tpu.memory_space<hbm>>
      %dma_wait3A_168 = tpu.memref_slice %arg11[%dma_wait3A_157] : memref<2x!tpu.dma_semaphore, #tpu.memory_space<semaphore_mem>> -> memref<1x!tpu.dma_semaphore, #tpu.memory_space<semaphore_mem>>
      %dma_wait3A_169 = tpu.memref_squeeze %dma_wait3A_168 : memref<1x!tpu.dma_semaphore, #tpu.memory_space<semaphore_mem>> -> memref<!tpu.dma_semaphore, #tpu.memory_space<semaphore_mem>>
      tpu.wait_indirect_dma semaphore(%dma_wait3A_169 : memref<!tpu.dma_semaphore, #tpu.memory_space<semaphore_mem>>) src(%dma_wait3A_167 : memref<40960x64xf32, #tpu.memory_space<hbm>>) dst(%dma_wait3A_161 : memref<128x64xf32, #tpu.memory_space<vmem>>)
      %run_scoped3A_170 = arith.constant 1 : i32
      "tpu.region"() ({
        %run_scoped3A_178 = tpu.sem_alloc : memref<!tpu.dma_semaphore, #tpu.memory_space<semaphore_mem>>
        %dma_start3A_179 = arith.constant 0 : i32
        %dma_start3A_180 = arith.constant 0 : i32
        %dma_start3A_181 = tpu.memref_slice %arg8[%run_scoped3A_170, %dma_start3A_179, %dma_start3A_180] : memref<2x128x64xf32, #tpu.memory_space<vmem>> -> memref<1x128x64xf32, #tpu.memory_space<vmem>>
        %dma_start3A_182 = tpu.memref_squeeze %dma_start3A_181 : memref<1x128x64xf32, #tpu.memory_space<vmem>> -> memref<128x64xf32, #tpu.memory_space<vmem>>
        %dma_start3A_183 = arith.constant 0 : i32
        %dma_start3A_184 = tpu.memref_slice %arg7[%add3A_155, %dma_start3A_183] : memref<158x128xi32, #tpu.memory_space<vmem>> -> memref<1x128xi32, #tpu.memory_space<vmem>>
        %dma_start3A_185 = tpu.memref_squeeze %dma_start3A_184 : memref<1x128xi32, #tpu.memory_space<vmem>> -> memref<128xi32, #tpu.memory_space<vmem>>
        %dma_start3A_186 = arith.constant 0 : i32
        %dma_start3A_187 = arith.constant 0 : i32
        %dma_start3A_188 = tpu.memref_slice %arg10[%dma_start3A_186, %dma_start3A_187] : memref<10240x64xf32, #tpu.memory_space<vmem_shared>> -> memref<10240x64xf32, #tpu.memory_space<vmem_shared>>
        tpu.enqueue_indirect_dma source(%dma_start3A_182 : memref<128x64xf32, #tpu.memory_space<vmem>>) target(%dma_start3A_188 : memref<10240x64xf32, #tpu.memory_space<vmem_shared>>) offsets(%dma_start3A_185 : memref<128xi32, #tpu.memory_space<vmem>>) semaphore(%run_scoped3A_178 : memref<!tpu.dma_semaphore, #tpu.memory_space<semaphore_mem>>) {add = true}
        %dma_wait3A_189 = arith.constant 0 : i32
        %dma_wait3A_190 = arith.constant 0 : i32
        %dma_wait3A_191 = tpu.memref_slice %arg8[%run_scoped3A_170, %dma_wait3A_189, %dma_wait3A_190] : memref<2x128x64xf32, #tpu.memory_space<vmem>> -> memref<1x128x64xf32, #tpu.memory_space<vmem>>
        %dma_wait3A_192 = tpu.memref_squeeze %dma_wait3A_191 : memref<1x128x64xf32, #tpu.memory_space<vmem>> -> memref<128x64xf32, #tpu.memory_space<vmem>>
        %dma_wait3A_193 = arith.constant 0 : i32
        %dma_wait3A_194 = tpu.memref_slice %arg7[%add3A_155, %dma_wait3A_193] : memref<158x128xi32, #tpu.memory_space<vmem>> -> memref<1x128xi32, #tpu.memory_space<vmem>>
        %dma_wait3A_195 = tpu.memref_squeeze %dma_wait3A_194 : memref<1x128xi32, #tpu.memory_space<vmem>> -> memref<128xi32, #tpu.memory_space<vmem>>
        %dma_wait3A_196 = arith.constant 0 : i32
        %dma_wait3A_197 = arith.constant 0 : i32
        %dma_wait3A_198 = tpu.memref_slice %arg10[%dma_wait3A_196, %dma_wait3A_197] : memref<10240x64xf32, #tpu.memory_space<vmem_shared>> -> memref<10240x64xf32, #tpu.memory_space<vmem_shared>>
        tpu.wait_indirect_dma semaphore(%run_scoped3A_178 : memref<!tpu.dma_semaphore, #tpu.memory_space<semaphore_mem>>) src(%dma_wait3A_192 : memref<128x64xf32, #tpu.memory_space<vmem>>) dst(%dma_wait3A_198 : memref<10240x64xf32, #tpu.memory_space<vmem_shared>>)
        tpu.yield
      }) : () -> ()
      %add3A_171 = arith.constant 2 : i32
      %add3A_172 = arith.addi %add3A_155, %add3A_171 : i32
      %lt3A_173 = arith.constant 158 : i32
      %lt3A_174 = arith.cmpi slt, %add3A_172, %lt3A_173 : i32
      %convert_element_type3A_175 = arith.extui %lt3A_174 : i1 to i32
      %cond3A_176 = arith.constant 0 : i32
      %cond3A_177 = arith.cmpi ne, %convert_element_type3A_175, %cond3A_176 : i32
      scf.if %cond3A_177 {
        %add3A_178 = arith.constant 2 : i32
        %add3A_179 = arith.addi %add3A_155, %add3A_178 : i32
        %dma_start3A_180 = arith.constant 1 : i32
        %dma_start3A_181 = arith.constant 1 : i32
        %dma_start3A_182 = arith.constant 0 : i32
        %dma_start3A_183 = arith.constant 0 : i32
        %dma_start3A_184 = tpu.memref_slice %arg8[%dma_start3A_180, %dma_start3A_182, %dma_start3A_183] : memref<2x128x64xf32, #tpu.memory_space<vmem>> -> memref<1x128x64xf32, #tpu.memory_space<vmem>>
        %dma_start3A_185 = tpu.memref_squeeze %dma_start3A_184 : memref<1x128x64xf32, #tpu.memory_space<vmem>> -> memref<128x64xf32, #tpu.memory_space<vmem>>
        %dma_start3A_186 = arith.constant 0 : i32
        %dma_start3A_187 = tpu.memref_slice %arg6[%add3A_179, %dma_start3A_186] : memref<158x128xi32, #tpu.memory_space<vmem>> -> memref<1x128xi32, #tpu.memory_space<vmem>>
        %dma_start3A_188 = tpu.memref_squeeze %dma_start3A_187 : memref<1x128xi32, #tpu.memory_space<vmem>> -> memref<128xi32, #tpu.memory_space<vmem>>
        %dma_start3A_189 = arith.constant 0 : i32
        %dma_start3A_190 = arith.constant 0 : i32
        %dma_start3A_191 = tpu.memref_slice %arg2[%dma_start3A_189, %dma_start3A_190] : memref<40960x64xf32, #tpu.memory_space<hbm>> -> memref<40960x64xf32, #tpu.memory_space<hbm>>
        %dma_start3A_192 = tpu.memref_slice %arg11[%dma_start3A_181] : memref<2x!tpu.dma_semaphore, #tpu.memory_space<semaphore_mem>> -> memref<1x!tpu.dma_semaphore, #tpu.memory_space<semaphore_mem>>
        %dma_start3A_193 = tpu.memref_squeeze %dma_start3A_192 : memref<1x!tpu.dma_semaphore, #tpu.memory_space<semaphore_mem>> -> memref<!tpu.dma_semaphore, #tpu.memory_space<semaphore_mem>>
        tpu.enqueue_indirect_dma source(%dma_start3A_191 : memref<40960x64xf32, #tpu.memory_space<hbm>>) target(%dma_start3A_185 : memref<128x64xf32, #tpu.memory_space<vmem>>) offsets(%dma_start3A_188 : memref<128xi32, #tpu.memory_space<vmem>>) semaphore(%dma_start3A_193 : memref<!tpu.dma_semaphore, #tpu.memory_space<semaphore_mem>>)
      } else {
      }
    }
    %scan3A_122 = arith.constant 79 : i32
    %barrier3A_123 = arith.constant 0 : index
    tpu.barrier barrier_id(%barrier3A_123)
    %mul3A_124 = arith.constant 640 : i32
    %mul3A_125 = arith.muli %arg1, %mul3A_124 : i32
    %mul3A_126 = arith.constant 640 : i32
    %mul3A_127 = arith.muli %arg1, %mul3A_126 : i32
    %run_scoped3A_128 = arith.constant 1 : i32
    "tpu.region"() ({
      %run_scoped3A_129 = tpu.sem_alloc : memref<!tpu.dma_semaphore, #tpu.memory_space<semaphore_mem>>
      %dma_start3A_130 = arith.constant 0 : i32
      %dma_start3A_131 = tpu.memref_slice %arg5[%arg0, %run_scoped3A_128, %mul3A_127, %dma_start3A_130] : memref<2x2x10240x64xf32, #tpu.memory_space<hbm>> -> memref<1x1x640x64xf32, #tpu.memory_space<hbm>>
      %dma_start3A_132 = tpu.memref_squeeze %dma_start3A_131 : memref<1x1x640x64xf32, #tpu.memory_space<hbm>> -> memref<640x64xf32, #tpu.memory_space<hbm>>
      %dma_start3A_133 = arith.constant 0 : i32
      %dma_start3A_134 = tpu.memref_slice %arg10[%mul3A_125, %dma_start3A_133] : memref<10240x64xf32, #tpu.memory_space<vmem_shared>> -> memref<640x64xf32, #tpu.memory_space<vmem_shared>>
      tpu.enqueue_dma source(%dma_start3A_134 : memref<640x64xf32, #tpu.memory_space<vmem_shared>>) target(%dma_start3A_132 : memref<640x64xf32, #tpu.memory_space<hbm>>) target_semaphore(%run_scoped3A_129 : memref<!tpu.dma_semaphore, #tpu.memory_space<semaphore_mem>>)
      %dma_wait3A = arith.constant 0 : i32
      %dma_wait3A_135 = tpu.memref_slice %arg5[%arg0, %run_scoped3A_128, %mul3A_127, %dma_wait3A] : memref<2x2x10240x64xf32, #tpu.memory_space<hbm>> -> memref<1x1x640x64xf32, #tpu.memory_space<hbm>>
      %dma_wait3A_136 = tpu.memref_squeeze %dma_wait3A_135 : memref<1x1x640x64xf32, #tpu.memory_space<hbm>> -> memref<640x64xf32, #tpu.memory_space<hbm>>
      %dma_wait3A_137 = arith.constant 0 : i32
      %dma_wait3A_138 = tpu.memref_slice %arg10[%mul3A_125, %dma_wait3A_137] : memref<10240x64xf32, #tpu.memory_space<vmem_shared>> -> memref<640x64xf32, #tpu.memory_space<vmem_shared>>
      tpu.wait_dma2 semaphore(%run_scoped3A_129 : memref<!tpu.dma_semaphore, #tpu.memory_space<semaphore_mem>>) src(%dma_wait3A_138 : memref<640x64xf32, #tpu.memory_space<vmem_shared>>) dst(%dma_wait3A_136 : memref<640x64xf32, #tpu.memory_space<hbm>>)
      tpu.yield
    }) : () -> ()
    return
  }
}

#map = affine_map<(d0, d1) -> (0, 0)>
#map1 = affine_map<(d0, d1) -> (0, 0, 0, 0, 0)>
#map2 = affine_map<(d0, d1) -> (0, 0, 0)>
#map3 = affine_map<(d0, d1) -> (0, 0, 0, 0)>
module attributes {stable_mosaic.version = 14 : i64} {
  func.func @k(%arg0: i32, %arg1: i32, %arg2: memref<40960x64xf32, #tpu.memory_space<hbm>>, %arg3: memref<2x2x16x158x128xi32, #tpu.memory_space<hbm>>, %arg4: memref<16x158x128xi32, #tpu.memory_space<hbm>>, %arg5: memref<2x2x10240x64xf32, #tpu.memory_space<hbm>>, %arg6: memref<158x128xi32, #tpu.memory_space<vmem>>, %arg7: memref<158x128xi32, #tpu.memory_space<vmem>>, %arg8: memref<2x128x64xf32, #tpu.memory_space<vmem>>, %arg9: memref<128x64xf32, #tpu.memory_space<vmem>>, %arg10: memref<10240x64xf32, #tpu.memory_space<vmem_shared>>, %arg11: memref<2x!tpu.dma_semaphore, #tpu.memory_space<semaphore_mem>>) attributes {dimension_semantics = [#tpu.dimension_semantics<core_parallel>, #tpu.dimension_semantics<subcore_parallel>], iteration_bounds = array<i64: 2, 16>, scalar_prefetch = 0 : i64, scratch_operands = 6 : i64, tpu.core_type = #tpu.core_type<sc_vector_subcore>, window_params = [{transform_indices = #map}, {transform_indices = #map1}, {transform_indices = #map2}, {transform_indices = #map3}]} {
    "tpu.region"() ({
      %run_scoped3A_129 = tpu.sem_alloc : memref<!tpu.dma_semaphore, #tpu.memory_space<semaphore_mem>>
      %dma_start3A_130 = arith.constant 0 : i32
      %dma_start3A_131 = arith.constant 0 : i32
      %dma_start3A_132 = tpu.memref_slice %arg4[%arg1, %dma_start3A_130, %dma_start3A_131] : memref<16x158x128xi32, #tpu.memory_space<hbm>> -> memref<1x158x128xi32, #tpu.memory_space<hbm>>
      %dma_start3A_133 = tpu.memref_squeeze %dma_start3A_132 : memref<1x158x128xi32, #tpu.memory_space<hbm>> -> memref<158x128xi32, #tpu.memory_space<hbm>>
      %dma_start3A_134 = arith.constant 0 : i32
      %dma_start3A_135 = arith.constant 0 : i32
      %dma_start3A_136 = tpu.memref_slice %arg4[%arg1, %dma_start3A_134, %dma_start3A_135] : memref<16x158x128xi32, #tpu.memory_space<hbm>> -> memref<1x158x128xi32, #tpu.memory_space<hbm>>
      %dma_start3A_137 = tpu.memref_squeeze %dma_start3A_136 : memref<1x158x128xi32, #tpu.memory_space<hbm>> -> memref<158x128xi32, #tpu.memory_space<hbm>>
      tpu.enqueue_dma source(%dma_start3A_137 : memref<158x128xi32, #tpu.memory_space<hbm>>) target(%arg7 : memref<158x128xi32, #tpu.memory_space<vmem>>) target_semaphore(%run_scoped3A_129 : memref<!tpu.dma_semaphore, #tpu.memory_space<semaphore_mem>>)
      %dma_wait3A = arith.constant 0 : i32
      %dma_wait3A_138 = arith.constant 0 : i32
      %dma_wait3A_139 = tpu.memref_slice %arg4[%arg1, %dma_wait3A, %dma_wait3A_138] : memref<16x158x128xi32, #tpu.memory_space<hbm>> -> memref<1x158x128xi32, #tpu.memory_space<hbm>>
      %dma_wait3A_140 = tpu.memref_squeeze %dma_wait3A_139 : memref<1x158x128xi32, #tpu.memory_space<hbm>> -> memref<158x128xi32, #tpu.memory_space<hbm>>
      %dma_wait3A_141 = arith.constant 0 : i32
      %dma_wait3A_142 = arith.constant 0 : i32
      %dma_wait3A_143 = tpu.memref_slice %arg4[%arg1, %dma_wait3A_141, %dma_wait3A_142] : memref<16x158x128xi32, #tpu.memory_space<hbm>> -> memref<1x158x128xi32, #tpu.memory_space<hbm>>
      %dma_wait3A_144 = tpu.memref_squeeze %dma_wait3A_143 : memref<1x158x128xi32, #tpu.memory_space<hbm>> -> memref<158x128xi32, #tpu.memory_space<hbm>>
      tpu.wait_dma2 semaphore(%run_scoped3A_129 : memref<!tpu.dma_semaphore, #tpu.memory_space<semaphore_mem>>) src(%dma_wait3A_144 : memref<158x128xi32, #tpu.memory_space<hbm>>) dst(%arg7 : memref<158x128xi32, #tpu.memory_space<vmem>>)
      tpu.yield
    }) : () -> ()
    %broadcast_in_dim3A = arith.constant 0.000000e+00 : f32
    %broadcast_in_dim3A_0 = vector.broadcast %broadcast_in_dim3A : f32 to vector<16xf32>
    %scan3A = arith.constant 0 : i32
    %scan3A_1 = arith.constant 0 : i32
    %scan3A_2 = arith.constant 128 : i32
    %scan3A_3 = arith.addi %scan3A_1, %scan3A_2 : i32
    %scan3A_4 = arith.constant 1 : i32
    scf.for %scan3A_129 = %scan3A_1 to %scan3A_3 step %scan3A_4  : i32 {
      %swap3A = arith.index_cast %scan3A_129 : i32 to index
      %swap3A_130 = arith.constant 0 : index
      %swap3A_131 = tpu.vector_load %arg9[%swap3A, %swap3A_130] {strides = array<i32>} : memref<128x64xf32, #tpu.memory_space<vmem>>, vector<1x16xf32>,
      %swap3A_132 = vector.shape_cast %swap3A_131 : vector<1x16xf32> to vector<16xf32>
      %swap3A_133 = vector.shape_cast %broadcast_in_dim3A_0 : vector<16xf32> to vector<1x16xf32>
      tpu.vector_store %arg9[%swap3A, %swap3A_130], %swap3A_133 {strides = array<i32>} : memref<128x64xf32, #tpu.memory_space<vmem>>, vector<1x16xf32>,
      %swap3A_134 = arith.index_cast %scan3A_129 : i32 to index
      %swap3A_135 = arith.constant 16 : index
      %swap3A_136 = tpu.vector_load %arg9[%swap3A_134, %swap3A_135] {strides = array<i32>} : memref<128x64xf32, #tpu.memory_space<vmem>>, vector<1x16xf32>,
      %swap3A_137 = vector.shape_cast %swap3A_136 : vector<1x16xf32> to vector<16xf32>
      %swap3A_138 = vector.shape_cast %broadcast_in_dim3A_0 : vector<16xf32> to vector<1x16xf32>
      tpu.vector_store %arg9[%swap3A_134, %swap3A_135], %swap3A_138 {strides = array<i32>} : memref<128x64xf32, #tpu.memory_space<vmem>>, vector<1x16xf32>,
      %swap3A_139 = arith.index_cast %scan3A_129 : i32 to index
      %swap3A_140 = arith.constant 32 : index
      %swap3A_141 = tpu.vector_load %arg9[%swap3A_139, %swap3A_140] {strides = array<i32>} : memref<128x64xf32, #tpu.memory_space<vmem>>, vector<1x16xf32>,
      %swap3A_142 = vector.shape_cast %swap3A_141 : vector<1x16xf32> to vector<16xf32>
      %swap3A_143 = vector.shape_cast %broadcast_in_dim3A_0 : vector<16xf32> to vector<1x16xf32>
      tpu.vector_store %arg9[%swap3A_139, %swap3A_140], %swap3A_143 {strides = array<i32>} : memref<128x64xf32, #tpu.memory_space<vmem>>, vector<1x16xf32>,
      %swap3A_144 = arith.index_cast %scan3A_129 : i32 to index
      %swap3A_145 = arith.constant 48 : index
      %swap3A_146 = tpu.vector_load %arg9[%swap3A_144, %swap3A_145] {strides = array<i32>} : memref<128x64xf32, #tpu.memory_space<vmem>>, vector<1x16xf32>,
      %swap3A_147 = vector.shape_cast %swap3A_146 : vector<1x16xf32> to vector<16xf32>
      %swap3A_148 = vector.shape_cast %broadcast_in_dim3A_0 : vector<16xf32> to vector<1x16xf32>
      tpu.vector_store %arg9[%swap3A_144, %swap3A_145], %swap3A_148 {strides = array<i32>} : memref<128x64xf32, #tpu.memory_space<vmem>>, vector<1x16xf32>,
    }
    %scan3A_5 = arith.constant 128 : i32
    %run_scoped3A = arith.constant 0 : i32
    "tpu.region"() ({
      %run_scoped3A_129 = tpu.sem_alloc : memref<!tpu.dma_semaphore, #tpu.memory_space<semaphore_mem>>
      %dma_start3A_130 = arith.constant 0 : i32
      %dma_start3A_131 = arith.constant 0 : i32
      %dma_start3A_132 = tpu.memref_slice %arg3[%arg0, %run_scoped3A, %arg1, %dma_start3A_130, %dma_start3A_131] : memref<2x2x16x158x128xi32, #tpu.memory_space<hbm>> -> memref<1x1x1x158x128xi32, #tpu.memory_space<hbm>>
      %dma_start3A_133 = tpu.memref_squeeze %dma_start3A_132 : memref<1x1x1x158x128xi32, #tpu.memory_space<hbm>> -> memref<158x128xi32, #tpu.memory_space<hbm>>
      %dma_start3A_134 = arith.constant 0 : i32
      %dma_start3A_135 = arith.constant 0 : i32
      %dma_start3A_136 = tpu.memref_slice %arg3[%arg0, %run_scoped3A, %arg1, %dma_start3A_134, %dma_start3A_135] : memref<2x2x16x158x128xi32, #tpu.memory_space<hbm>> -> memref<1x1x1x158x128xi32, #tpu.memory_space<hbm>>
      %dma_start3A_137 = tpu.memref_squeeze %dma_start3A_136 : memref<1x1x1x158x128xi32, #tpu.memory_space<hbm>> -> memref<158x128xi32, #tpu.memory_space<hbm>>
      tpu.enqueue_dma source(%dma_start3A_137 : memref<158x128xi32, #tpu.memory_space<hbm>>) target(%arg6 : memref<158x128xi32, #tpu.memory_space<vmem>>) target_semaphore(%run_scoped3A_129 : memref<!tpu.dma_semaphore, #tpu.memory_space<semaphore_mem>>)
      %dma_wait3A = arith.constant 0 : i32
      %dma_wait3A_138 = arith.constant 0 : i32
      %dma_wait3A_139 = tpu.memref_slice %arg3[%arg0, %run_scoped3A, %arg1, %dma_wait3A, %dma_wait3A_138] : memref<2x2x16x158x128xi32, #tpu.memory_space<hbm>> -> memref<1x1x1x158x128xi32, #tpu.memory_space<hbm>>
      %dma_wait3A_140 = tpu.memref_squeeze %dma_wait3A_139 : memref<1x1x1x158x128xi32, #tpu.memory_space<hbm>> -> memref<158x128xi32, #tpu.memory_space<hbm>>
      %dma_wait3A_141 = arith.constant 0 : i32
      %dma_wait3A_142 = arith.constant 0 : i32
      %dma_wait3A_143 = tpu.memref_slice %arg3[%arg0, %run_scoped3A, %arg1, %dma_wait3A_141, %dma_wait3A_142] : memref<2x2x16x158x128xi32, #tpu.memory_space<hbm>> -> memref<1x1x1x158x128xi32, #tpu.memory_space<hbm>>
      %dma_wait3A_144 = tpu.memref_squeeze %dma_wait3A_143 : memref<1x1x1x158x128xi32, #tpu.memory_space<hbm>> -> memref<158x128xi32, #tpu.memory_space<hbm>>
      tpu.wait_dma2 semaphore(%run_scoped3A_129 : memref<!tpu.dma_semaphore, #tpu.memory_space<semaphore_mem>>) src(%dma_wait3A_144 : memref<158x128xi32, #tpu.memory_space<hbm>>) dst(%arg6 : memref<158x128xi32, #tpu.memory_space<vmem>>)
      tpu.yield
    }) : () -> ()
    %mul3A = arith.constant 640 : i32
    %mul3A_6 = arith.muli %arg1, %mul3A : i32
    %add3A = arith.constant 0 : i32
    %add3A_7 = arith.addi %mul3A_6, %add3A : i32
    "tpu.region"() ({
      %run_scoped3A_129 = tpu.sem_alloc : memref<!tpu.dma_semaphore, #tpu.memory_space<semaphore_mem>>
      %dma_start3A_130 = arith.constant 0 : i32
      %dma_start3A_131 = tpu.memref_slice %arg10[%add3A_7, %dma_start3A_130] : memref<10240x64xf32, #tpu.memory_space<vmem_shared>> -> memref<128x64xf32, #tpu.memory_space<vmem_shared>>
      %dma_start3A_132 = arith.constant 0 : i32
      %dma_start3A_133 = tpu.memref_slice %arg10[%add3A_7, %dma_start3A_132] : memref<10240x64xf32, #tpu.memory_space<vmem_shared>> -> memref<128x64xf32, #tpu.memory_space<vmem_shared>>
      tpu.enqueue_dma source(%arg9 : memref<128x64xf32, #tpu.memory_space<vmem>>) target(%dma_start3A_133 : memref<128x64xf32, #tpu.memory_space<vmem_shared>>) target_semaphore(%run_scoped3A_129 : memref<!tpu.dma_semaphore, #tpu.memory_space<semaphore_mem>>)
      %dma_wait3A = arith.constant 0 : i32
      %dma_wait3A_134 = tpu.memref_slice %arg10[%add3A_7, %dma_wait3A] : memref<10240x64xf32, #tpu.memory_space<vmem_shared>> -> memref<128x64xf32, #tpu.memory_space<vmem_shared>>
      %dma_wait3A_135 = arith.constant 0 : i32
      %dma_wait3A_136 = tpu.memref_slice %arg10[%add3A_7, %dma_wait3A_135] : memref<10240x64xf32, #tpu.memory_space<vmem_shared>> -> memref<128x64xf32, #tpu.memory_space<vmem_shared>>
      tpu.wait_dma2 semaphore(%run_scoped3A_129 : memref<!tpu.dma_semaphore, #tpu.memory_space<semaphore_mem>>) src(%arg9 : memref<128x64xf32, #tpu.memory_space<vmem>>) dst(%dma_wait3A_136 : memref<128x64xf32, #tpu.memory_space<vmem_shared>>)
      tpu.yield
    }) : () -> ()
    %mul3A_8 = arith.constant 640 : i32
    %mul3A_9 = arith.muli %arg1, %mul3A_8 : i32
    %add3A_10 = arith.constant 128 : i32
    %add3A_11 = arith.addi %mul3A_9, %add3A_10 : i32
    "tpu.region"() ({
      %run_scoped3A_129 = tpu.sem_alloc : memref<!tpu.dma_semaphore, #tpu.memory_space<semaphore_mem>>
      %dma_start3A_130 = arith.constant 0 : i32
      %dma_start3A_131 = tpu.memref_slice %arg10[%add3A_11, %dma_start3A_130] : memref<10240x64xf32, #tpu.memory_space<vmem_shared>> -> memref<128x64xf32, #tpu.memory_space<vmem_shared>>
      %dma_start3A_132 = arith.constant 0 : i32
      %dma_start3A_133 = tpu.memref_slice %arg10[%add3A_11, %dma_start3A_132] : memref<10240x64xf32, #tpu.memory_space<vmem_shared>> -> memref<128x64xf32, #tpu.memory_space<vmem_shared>>
      tpu.enqueue_dma source(%arg9 : memref<128x64xf32, #tpu.memory_space<vmem>>) target(%dma_start3A_133 : memref<128x64xf32, #tpu.memory_space<vmem_shared>>) target_semaphore(%run_scoped3A_129 : memref<!tpu.dma_semaphore, #tpu.memory_space<semaphore_mem>>)
      %dma_wait3A = arith.constant 0 : i32
      %dma_wait3A_134 = tpu.memref_slice %arg10[%add3A_11, %dma_wait3A] : memref<10240x64xf32, #tpu.memory_space<vmem_shared>> -> memref<128x64xf32, #tpu.memory_space<vmem_shared>>
      %dma_wait3A_135 = arith.constant 0 : i32
      %dma_wait3A_136 = tpu.memref_slice %arg10[%add3A_11, %dma_wait3A_135] : memref<10240x64xf32, #tpu.memory_space<vmem_shared>> -> memref<128x64xf32, #tpu.memory_space<vmem_shared>>
      tpu.wait_dma2 semaphore(%run_scoped3A_129 : memref<!tpu.dma_semaphore, #tpu.memory_space<semaphore_mem>>) src(%arg9 : memref<128x64xf32, #tpu.memory_space<vmem>>) dst(%dma_wait3A_136 : memref<128x64xf32, #tpu.memory_space<vmem_shared>>)
      tpu.yield
    }) : () -> ()
    %mul3A_12 = arith.constant 640 : i32
    %mul3A_13 = arith.muli %arg1, %mul3A_12 : i32
    %add3A_14 = arith.constant 256 : i32
    %add3A_15 = arith.addi %mul3A_13, %add3A_14 : i32
    "tpu.region"() ({
      %run_scoped3A_129 = tpu.sem_alloc : memref<!tpu.dma_semaphore, #tpu.memory_space<semaphore_mem>>
      %dma_start3A_130 = arith.constant 0 : i32
      %dma_start3A_131 = tpu.memref_slice %arg10[%add3A_15, %dma_start3A_130] : memref<10240x64xf32, #tpu.memory_space<vmem_shared>> -> memref<128x64xf32, #tpu.memory_space<vmem_shared>>
      %dma_start3A_132 = arith.constant 0 : i32
      %dma_start3A_133 = tpu.memref_slice %arg10[%add3A_15, %dma_start3A_132] : memref<10240x64xf32, #tpu.memory_space<vmem_shared>> -> memref<128x64xf32, #tpu.memory_space<vmem_shared>>
      tpu.enqueue_dma source(%arg9 : memref<128x64xf32, #tpu.memory_space<vmem>>) target(%dma_start3A_133 : memref<128x64xf32, #tpu.memory_space<vmem_shared>>) target_semaphore(%run_scoped3A_129 : memref<!tpu.dma_semaphore, #tpu.memory_space<semaphore_mem>>)
      %dma_wait3A = arith.constant 0 : i32
      %dma_wait3A_134 = tpu.memref_slice %arg10[%add3A_15, %dma_wait3A] : memref<10240x64xf32, #tpu.memory_space<vmem_shared>> -> memref<128x64xf32, #tpu.memory_space<vmem_shared>>
      %dma_wait3A_135 = arith.constant 0 : i32
      %dma_wait3A_136 = tpu.memref_slice %arg10[%add3A_15, %dma_wait3A_135] : memref<10240x64xf32, #tpu.memory_space<vmem_shared>> -> memref<128x64xf32, #tpu.memory_space<vmem_shared>>
      tpu.wait_dma2 semaphore(%run_scoped3A_129 : memref<!tpu.dma_semaphore, #tpu.memory_space<semaphore_mem>>) src(%arg9 : memref<128x64xf32, #tpu.memory_space<vmem>>) dst(%dma_wait3A_136 : memref<128x64xf32, #tpu.memory_space<vmem_shared>>)
      tpu.yield
    }) : () -> ()
    %mul3A_16 = arith.constant 640 : i32
    %mul3A_17 = arith.muli %arg1, %mul3A_16 : i32
    %add3A_18 = arith.constant 384 : i32
    %add3A_19 = arith.addi %mul3A_17, %add3A_18 : i32
    "tpu.region"() ({
      %run_scoped3A_129 = tpu.sem_alloc : memref<!tpu.dma_semaphore, #tpu.memory_space<semaphore_mem>>
      %dma_start3A_130 = arith.constant 0 : i32
      %dma_start3A_131 = tpu.memref_slice %arg10[%add3A_19, %dma_start3A_130] : memref<10240x64xf32, #tpu.memory_space<vmem_shared>> -> memref<128x64xf32, #tpu.memory_space<vmem_shared>>
      %dma_start3A_132 = arith.constant 0 : i32
      %dma_start3A_133 = tpu.memref_slice %arg10[%add3A_19, %dma_start3A_132] : memref<10240x64xf32, #tpu.memory_space<vmem_shared>> -> memref<128x64xf32, #tpu.memory_space<vmem_shared>>
      tpu.enqueue_dma source(%arg9 : memref<128x64xf32, #tpu.memory_space<vmem>>) target(%dma_start3A_133 : memref<128x64xf32, #tpu.memory_space<vmem_shared>>) target_semaphore(%run_scoped3A_129 : memref<!tpu.dma_semaphore, #tpu.memory_space<semaphore_mem>>)
      %dma_wait3A = arith.constant 0 : i32
      %dma_wait3A_134 = tpu.memref_slice %arg10[%add3A_19, %dma_wait3A] : memref<10240x64xf32, #tpu.memory_space<vmem_shared>> -> memref<128x64xf32, #tpu.memory_space<vmem_shared>>
      %dma_wait3A_135 = arith.constant 0 : i32
      %dma_wait3A_136 = tpu.memref_slice %arg10[%add3A_19, %dma_wait3A_135] : memref<10240x64xf32, #tpu.memory_space<vmem_shared>> -> memref<128x64xf32, #tpu.memory_space<vmem_shared>>
      tpu.wait_dma2 semaphore(%run_scoped3A_129 : memref<!tpu.dma_semaphore, #tpu.memory_space<semaphore_mem>>) src(%arg9 : memref<128x64xf32, #tpu.memory_space<vmem>>) dst(%dma_wait3A_136 : memref<128x64xf32, #tpu.memory_space<vmem_shared>>)
      tpu.yield
    }) : () -> ()
    %mul3A_20 = arith.constant 640 : i32
    %mul3A_21 = arith.muli %arg1, %mul3A_20 : i32
    %add3A_22 = arith.constant 512 : i32
    %add3A_23 = arith.addi %mul3A_21, %add3A_22 : i32
    "tpu.region"() ({
      %run_scoped3A_129 = tpu.sem_alloc : memref<!tpu.dma_semaphore, #tpu.memory_space<semaphore_mem>>
      %dma_start3A_130 = arith.constant 0 : i32
      %dma_start3A_131 = tpu.memref_slice %arg10[%add3A_23, %dma_start3A_130] : memref<10240x64xf32, #tpu.memory_space<vmem_shared>> -> memref<128x64xf32, #tpu.memory_space<vmem_shared>>
      %dma_start3A_132 = arith.constant 0 : i32
      %dma_start3A_133 = tpu.memref_slice %arg10[%add3A_23, %dma_start3A_132] : memref<10240x64xf32, #tpu.memory_space<vmem_shared>> -> memref<128x64xf32, #tpu.memory_space<vmem_shared>>
      tpu.enqueue_dma source(%arg9 : memref<128x64xf32, #tpu.memory_space<vmem>>) target(%dma_start3A_133 : memref<128x64xf32, #tpu.memory_space<vmem_shared>>) target_semaphore(%run_scoped3A_129 : memref<!tpu.dma_semaphore, #tpu.memory_space<semaphore_mem>>)
      %dma_wait3A = arith.constant 0 : i32
      %dma_wait3A_134 = tpu.memref_slice %arg10[%add3A_23, %dma_wait3A] : memref<10240x64xf32, #tpu.memory_space<vmem_shared>> -> memref<128x64xf32, #tpu.memory_space<vmem_shared>>
      %dma_wait3A_135 = arith.constant 0 : i32
      %dma_wait3A_136 = tpu.memref_slice %arg10[%add3A_23, %dma_wait3A_135] : memref<10240x64xf32, #tpu.memory_space<vmem_shared>> -> memref<128x64xf32, #tpu.memory_space<vmem_shared>>
      tpu.wait_dma2 semaphore(%run_scoped3A_129 : memref<!tpu.dma_semaphore, #tpu.memory_space<semaphore_mem>>) src(%arg9 : memref<128x64xf32, #tpu.memory_space<vmem>>) dst(%dma_wait3A_136 : memref<128x64xf32, #tpu.memory_space<vmem_shared>>)
      tpu.yield
    }) : () -> ()
    %barrier3A = arith.constant 0 : index
    tpu.barrier barrier_id(%barrier3A)
    %dma_start3A = arith.constant 0 : i32
    %dma_start3A_24 = arith.constant 0 : i32
    %dma_start3A_25 = arith.constant 0 : i32
    %dma_start3A_26 = arith.constant 0 : i32
    %dma_start3A_27 = arith.constant 0 : i32
    %dma_start3A_28 = tpu.memref_slice %arg8[%dma_start3A_24, %dma_start3A_26, %dma_start3A_27] : memref<2x128x64xf32, #tpu.memory_space<vmem>> -> memref<1x128x64xf32, #tpu.memory_space<vmem>>
    %dma_start3A_29 = tpu.memref_squeeze %dma_start3A_28 : memref<1x128x64xf32, #tpu.memory_space<vmem>> -> memref<128x64xf32, #tpu.memory_space<vmem>>
    %dma_start3A_30 = arith.constant 0 : i32
    %dma_start3A_31 = tpu.memref_slice %arg6[%dma_start3A, %dma_start3A_30] : memref<158x128xi32, #tpu.memory_space<vmem>> -> memref<1x128xi32, #tpu.memory_space<vmem>>
    %dma_start3A_32 = tpu.memref_squeeze %dma_start3A_31 : memref<1x128xi32, #tpu.memory_space<vmem>> -> memref<128xi32, #tpu.memory_space<vmem>>
    %dma_start3A_33 = arith.constant 0 : i32
    %dma_start3A_34 = arith.constant 0 : i32
    %dma_start3A_35 = tpu.memref_slice %arg2[%dma_start3A_33, %dma_start3A_34] : memref<40960x64xf32, #tpu.memory_space<hbm>> -> memref<40960x64xf32, #tpu.memory_space<hbm>>
    %dma_start3A_36 = tpu.memref_slice %arg11[%dma_start3A_25] : memref<2x!tpu.dma_semaphore, #tpu.memory_space<semaphore_mem>> -> memref<1x!tpu.dma_semaphore, #tpu.memory_space<semaphore_mem>>
    %dma_start3A_37 = tpu.memref_squeeze %dma_start3A_36 : memref<1x!tpu.dma_semaphore, #tpu.memory_space<semaphore_mem>> -> memref<!tpu.dma_semaphore, #tpu.memory_space<semaphore_mem>>
    tpu.enqueue_indirect_dma source(%dma_start3A_35 : memref<40960x64xf32, #tpu.memory_space<hbm>>) target(%dma_start3A_29 : memref<128x64xf32, #tpu.memory_space<vmem>>) offsets(%dma_start3A_32 : memref<128xi32, #tpu.memory_space<vmem>>) semaphore(%dma_start3A_37 : memref<!tpu.dma_semaphore, #tpu.memory_space<semaphore_mem>>)
    %dma_start3A_38 = arith.constant 1 : i32
    %dma_start3A_39 = arith.constant 1 : i32
    %dma_start3A_40 = arith.constant 1 : i32
    %dma_start3A_41 = arith.constant 0 : i32
    %dma_start3A_42 = arith.constant 0 : i32
    %dma_start3A_43 = tpu.memref_slice %arg8[%dma_start3A_39, %dma_start3A_41, %dma_start3A_42] : memref<2x128x64xf32, #tpu.memory_space<vmem>> -> memref<1x128x64xf32, #tpu.memory_space<vmem>>
    %dma_start3A_44 = tpu.memref_squeeze %dma_start3A_43 : memref<1x128x64xf32, #tpu.memory_space<vmem>> -> memref<128x64xf32, #tpu.memory_space<vmem>>
    %dma_start3A_45 = arith.constant 0 : i32
    %dma_start3A_46 = tpu.memref_slice %arg6[%dma_start3A_38, %dma_start3A_45] : memref<158x128xi32, #tpu.memory_space<vmem>> -> memref<1x128xi32, #tpu.memory_space<vmem>>
    %dma_start3A_47 = tpu.memref_squeeze %dma_start3A_46 : memref<1x128xi32, #tpu.memory_space<vmem>> -> memref<128xi32, #tpu.memory_space<vmem>>
    %dma_start3A_48 = arith.constant 0 : i32
    %dma_start3A_49 = arith.constant 0 : i32
    %dma_start3A_50 = tpu.memref_slice %arg2[%dma_start3A_48, %dma_start3A_49] : memref<40960x64xf32, #tpu.memory_space<hbm>> -> memref<40960x64xf32, #tpu.memory_space<hbm>>
    %dma_start3A_51 = tpu.memref_slice %arg11[%dma_start3A_40] : memref<2x!tpu.dma_semaphore, #tpu.memory_space<semaphore_mem>> -> memref<1x!tpu.dma_semaphore, #tpu.memory_space<semaphore_mem>>
    %dma_start3A_52 = tpu.memref_squeeze %dma_start3A_51 : memref<1x!tpu.dma_semaphore, #tpu.memory_space<semaphore_mem>> -> memref<!tpu.dma_semaphore, #tpu.memory_space<semaphore_mem>>
    tpu.enqueue_indirect_dma source(%dma_start3A_50 : memref<40960x64xf32, #tpu.memory_space<hbm>>) target(%dma_start3A_44 : memref<128x64xf32, #tpu.memory_space<vmem>>) offsets(%dma_start3A_47 : memref<128xi32, #tpu.memory_space<vmem>>) semaphore(%dma_start3A_52 : memref<!tpu.dma_semaphore, #tpu.memory_space<semaphore_mem>>)
    %scan3A_53 = arith.constant 0 : i32
    %scan3A_54 = arith.constant 0 : i32
    %scan3A_55 = arith.constant 79 : i32
    %scan3A_56 = arith.addi %scan3A_54, %scan3A_55 : i32
    %scan3A_57 = arith.constant 1 : i32
    scf.for %scan3A_129 = %scan3A_54 to %scan3A_56 step %scan3A_57  : i32 {
      %mul3A_130 = arith.constant 2 : i32
      %mul3A_131 = arith.muli %scan3A_129, %mul3A_130 : i32
      %add3A_132 = arith.constant 0 : i32
      %add3A_133 = arith.addi %mul3A_131, %add3A_132 : i32
      %dma_wait3A = arith.constant 0 : i32
      %dma_wait3A_134 = arith.constant 0 : i32
      %dma_wait3A_135 = arith.constant 0 : i32
      %dma_wait3A_136 = arith.constant 0 : i32
      %dma_wait3A_137 = tpu.memref_slice %arg8[%dma_wait3A, %dma_wait3A_135, %dma_wait3A_136] : memref<2x128x64xf32, #tpu.memory_space<vmem>> -> memref<1x128x64xf32, #tpu.memory_space<vmem>>
      %dma_wait3A_138 = tpu.memref_squeeze %dma_wait3A_137 : memref<1x128x64xf32, #tpu.memory_space<vmem>> -> memref<128x64xf32, #tpu.memory_space<vmem>>
      %dma_wait3A_139 = arith.constant 0 : i32
      %dma_wait3A_140 = tpu.memref_slice %arg6[%add3A_133, %dma_wait3A_139] : memref<158x128xi32, #tpu.memory_space<vmem>> -> memref<1x128xi32, #tpu.memory_space<vmem>>
      %dma_wait3A_141 = tpu.memref_squeeze %dma_wait3A_140 : memref<1x128xi32, #tpu.memory_space<vmem>> -> memref<128xi32, #tpu.memory_space<vmem>>
      %dma_wait3A_142 = arith.constant 0 : i32
      %dma_wait3A_143 = arith.constant 0 : i32
      %dma_wait3A_144 = tpu.memref_slice %arg2[%dma_wait3A_142, %dma_wait3A_143] : memref<40960x64xf32, #tpu.memory_space<hbm>> -> memref<40960x64xf32, #tpu.memory_space<hbm>>
      %dma_wait3A_145 = tpu.memref_slice %arg11[%dma_wait3A_134] : memref<2x!tpu.dma_semaphore, #tpu.memory_space<semaphore_mem>> -> memref<1x!tpu.dma_semaphore, #tpu.memory_space<semaphore_mem>>
      %dma_wait3A_146 = tpu.memref_squeeze %dma_wait3A_145 : memref<1x!tpu.dma_semaphore, #tpu.memory_space<semaphore_mem>> -> memref<!tpu.dma_semaphore, #tpu.memory_space<semaphore_mem>>
      tpu.wait_indirect_dma semaphore(%dma_wait3A_146 : memref<!tpu.dma_semaphore, #tpu.memory_space<semaphore_mem>>) src(%dma_wait3A_144 : memref<40960x64xf32, #tpu.memory_space<hbm>>) dst(%dma_wait3A_138 : memref<128x64xf32, #tpu.memory_space<vmem>>)
      %run_scoped3A_147 = arith.constant 0 : i32
      "tpu.region"() ({
        %run_scoped3A_178 = tpu.sem_alloc : memref<!tpu.dma_semaphore, #tpu.memory_space<semaphore_mem>>
        %dma_start3A_179 = arith.constant 0 : i32
        %dma_start3A_180 = arith.constant 0 : i32
        %dma_start3A_181 = tpu.memref_slice %arg8[%run_scoped3A_147, %dma_start3A_179, %dma_start3A_180] : memref<2x128x64xf32, #tpu.memory_space<vmem>> -> memref<1x128x64xf32, #tpu.memory_space<vmem>>
        %dma_start3A_182 = tpu.memref_squeeze %dma_start3A_181 : memref<1x128x64xf32, #tpu.memory_space<vmem>> -> memref<128x64xf32, #tpu.memory_space<vmem>>
        %dma_start3A_183 = arith.constant 0 : i32
        %dma_start3A_184 = tpu.memref_slice %arg7[%add3A_133, %dma_start3A_183] : memref<158x128xi32, #tpu.memory_space<vmem>> -> memref<1x128xi32, #tpu.memory_space<vmem>>
        %dma_start3A_185 = tpu.memref_squeeze %dma_start3A_184 : memref<1x128xi32, #tpu.memory_space<vmem>> -> memref<128xi32, #tpu.memory_space<vmem>>
        %dma_start3A_186 = arith.constant 0 : i32
        %dma_start3A_187 = arith.constant 0 : i32
        %dma_start3A_188 = tpu.memref_slice %arg10[%dma_start3A_186, %dma_start3A_187] : memref<10240x64xf32, #tpu.memory_space<vmem_shared>> -> memref<10240x64xf32, #tpu.memory_space<vmem_shared>>
        tpu.enqueue_indirect_dma source(%dma_start3A_182 : memref<128x64xf32, #tpu.memory_space<vmem>>) target(%dma_start3A_188 : memref<10240x64xf32, #tpu.memory_space<vmem_shared>>) offsets(%dma_start3A_185 : memref<128xi32, #tpu.memory_space<vmem>>) semaphore(%run_scoped3A_178 : memref<!tpu.dma_semaphore, #tpu.memory_space<semaphore_mem>>) {add = true}
        %dma_wait3A_189 = arith.constant 0 : i32
        %dma_wait3A_190 = arith.constant 0 : i32
        %dma_wait3A_191 = tpu.memref_slice %arg8[%run_scoped3A_147, %dma_wait3A_189, %dma_wait3A_190] : memref<2x128x64xf32, #tpu.memory_space<vmem>> -> memref<1x128x64xf32, #tpu.memory_space<vmem>>
        %dma_wait3A_192 = tpu.memref_squeeze %dma_wait3A_191 : memref<1x128x64xf32, #tpu.memory_space<vmem>> -> memref<128x64xf32, #tpu.memory_space<vmem>>
        %dma_wait3A_193 = arith.constant 0 : i32
        %dma_wait3A_194 = tpu.memref_slice %arg7[%add3A_133, %dma_wait3A_193] : memref<158x128xi32, #tpu.memory_space<vmem>> -> memref<1x128xi32, #tpu.memory_space<vmem>>
        %dma_wait3A_195 = tpu.memref_squeeze %dma_wait3A_194 : memref<1x128xi32, #tpu.memory_space<vmem>> -> memref<128xi32, #tpu.memory_space<vmem>>
        %dma_wait3A_196 = arith.constant 0 : i32
        %dma_wait3A_197 = arith.constant 0 : i32
        %dma_wait3A_198 = tpu.memref_slice %arg10[%dma_wait3A_196, %dma_wait3A_197] : memref<10240x64xf32, #tpu.memory_space<vmem_shared>> -> memref<10240x64xf32, #tpu.memory_space<vmem_shared>>
        tpu.wait_indirect_dma semaphore(%run_scoped3A_178 : memref<!tpu.dma_semaphore, #tpu.memory_space<semaphore_mem>>) src(%dma_wait3A_192 : memref<128x64xf32, #tpu.memory_space<vmem>>) dst(%dma_wait3A_198 : memref<10240x64xf32, #tpu.memory_space<vmem_shared>>)
        tpu.yield
      }) : () -> ()
      %add3A_148 = arith.constant 2 : i32
      %add3A_149 = arith.addi %add3A_133, %add3A_148 : i32
      %lt3A = arith.constant 158 : i32
      %lt3A_150 = arith.cmpi slt, %add3A_149, %lt3A : i32
      %convert_element_type3A = arith.extui %lt3A_150 : i1 to i32
      %cond3A = arith.constant 0 : i32
      %cond3A_151 = arith.cmpi ne, %convert_element_type3A, %cond3A : i32
      scf.if %cond3A_151 {
        %add3A_178 = arith.constant 2 : i32
        %add3A_179 = arith.addi %add3A_133, %add3A_178 : i32
        %dma_start3A_180 = arith.constant 0 : i32
        %dma_start3A_181 = arith.constant 0 : i32
        %dma_start3A_182 = arith.constant 0 : i32
        %dma_start3A_183 = arith.constant 0 : i32
        %dma_start3A_184 = tpu.memref_slice %arg8[%dma_start3A_180, %dma_start3A_182, %dma_start3A_183] : memref<2x128x64xf32, #tpu.memory_space<vmem>> -> memref<1x128x64xf32, #tpu.memory_space<vmem>>
        %dma_start3A_185 = tpu.memref_squeeze %dma_start3A_184 : memref<1x128x64xf32, #tpu.memory_space<vmem>> -> memref<128x64xf32, #tpu.memory_space<vmem>>
        %dma_start3A_186 = arith.constant 0 : i32
        %dma_start3A_187 = tpu.memref_slice %arg6[%add3A_179, %dma_start3A_186] : memref<158x128xi32, #tpu.memory_space<vmem>> -> memref<1x128xi32, #tpu.memory_space<vmem>>
        %dma_start3A_188 = tpu.memref_squeeze %dma_start3A_187 : memref<1x128xi32, #tpu.memory_space<vmem>> -> memref<128xi32, #tpu.memory_space<vmem>>
        %dma_start3A_189 = arith.constant 0 : i32
        %dma_start3A_190 = arith.constant 0 : i32
        %dma_start3A_191 = tpu.memref_slice %arg2[%dma_start3A_189, %dma_start3A_190] : memref<40960x64xf32, #tpu.memory_space<hbm>> -> memref<40960x64xf32, #tpu.memory_space<hbm>>
        %dma_start3A_192 = tpu.memref_slice %arg11[%dma_start3A_181] : memref<2x!tpu.dma_semaphore, #tpu.memory_space<semaphore_mem>> -> memref<1x!tpu.dma_semaphore, #tpu.memory_space<semaphore_mem>>
        %dma_start3A_193 = tpu.memref_squeeze %dma_start3A_192 : memref<1x!tpu.dma_semaphore, #tpu.memory_space<semaphore_mem>> -> memref<!tpu.dma_semaphore, #tpu.memory_space<semaphore_mem>>
        tpu.enqueue_indirect_dma source(%dma_start3A_191 : memref<40960x64xf32, #tpu.memory_space<hbm>>) target(%dma_start3A_185 : memref<128x64xf32, #tpu.memory_space<vmem>>) offsets(%dma_start3A_188 : memref<128xi32, #tpu.memory_space<vmem>>) semaphore(%dma_start3A_193 : memref<!tpu.dma_semaphore, #tpu.memory_space<semaphore_mem>>)
      } else {
      }
      %mul3A_152 = arith.constant 2 : i32
      %mul3A_153 = arith.muli %scan3A_129, %mul3A_152 : i32
      %add3A_154 = arith.constant 1 : i32
      %add3A_155 = arith.addi %mul3A_153, %add3A_154 : i32
      %dma_wait3A_156 = arith.constant 1 : i32
      %dma_wait3A_157 = arith.constant 1 : i32
      %dma_wait3A_158 = arith.constant 0 : i32
      %dma_wait3A_159 = arith.constant 0 : i32
      %dma_wait3A_160 = tpu.memref_slice %arg8[%dma_wait3A_156, %dma_wait3A_158, %dma_wait3A_159] : memref<2x128x64xf32, #tpu.memory_space<vmem>> -> memref<1x128x64xf32, #tpu.memory_space<vmem>>
      %dma_wait3A_161 = tpu.memref_squeeze %dma_wait3A_160 : memref<1x128x64xf32, #tpu.memory_space<vmem>> -> memref<128x64xf32, #tpu.memory_space<vmem>>
      %dma_wait3A_162 = arith.constant 0 : i32
      %dma_wait3A_163 = tpu.memref_slice %arg6[%add3A_155, %dma_wait3A_162] : memref<158x128xi32, #tpu.memory_space<vmem>> -> memref<1x128xi32, #tpu.memory_space<vmem>>
      %dma_wait3A_164 = tpu.memref_squeeze %dma_wait3A_163 : memref<1x128xi32, #tpu.memory_space<vmem>> -> memref<128xi32, #tpu.memory_space<vmem>>
      %dma_wait3A_165 = arith.constant 0 : i32
      %dma_wait3A_166 = arith.constant 0 : i32
      %dma_wait3A_167 = tpu.memref_slice %arg2[%dma_wait3A_165, %dma_wait3A_166] : memref<40960x64xf32, #tpu.memory_space<hbm>> -> memref<40960x64xf32, #tpu.memory_space<hbm>>
      %dma_wait3A_168 = tpu.memref_slice %arg11[%dma_wait3A_157] : memref<2x!tpu.dma_semaphore, #tpu.memory_space<semaphore_mem>> -> memref<1x!tpu.dma_semaphore, #tpu.memory_space<semaphore_mem>>
      %dma_wait3A_169 = tpu.memref_squeeze %dma_wait3A_168 : memref<1x!tpu.dma_semaphore, #tpu.memory_space<semaphore_mem>> -> memref<!tpu.dma_semaphore, #tpu.memory_space<semaphore_mem>>
      tpu.wait_indirect_dma semaphore(%dma_wait3A_169 : memref<!tpu.dma_semaphore, #tpu.memory_space<semaphore_mem>>) src(%dma_wait3A_167 : memref<40960x64xf32, #tpu.memory_space<hbm>>) dst(%dma_wait3A_161 : memref<128x64xf32, #tpu.memory_space<vmem>>)
      %run_scoped3A_170 = arith.constant 1 : i32
      "tpu.region"() ({
        %run_scoped3A_178 = tpu.sem_alloc : memref<!tpu.dma_semaphore, #tpu.memory_space<semaphore_mem>>
        %dma_start3A_179 = arith.constant 0 : i32
        %dma_start3A_180 = arith.constant 0 : i32
        %dma_start3A_181 = tpu.memref_slice %arg8[%run_scoped3A_170, %dma_start3A_179, %dma_start3A_180] : memref<2x128x64xf32, #tpu.memory_space<vmem>> -> memref<1x128x64xf32, #tpu.memory_space<vmem>>
        %dma_start3A_182 = tpu.memref_squeeze %dma_start3A_181 : memref<1x128x64xf32, #tpu.memory_space<vmem>> -> memref<128x64xf32, #tpu.memory_space<vmem>>
        %dma_start3A_183 = arith.constant 0 : i32
        %dma_start3A_184 = tpu.memref_slice %arg7[%add3A_155, %dma_start3A_183] : memref<158x128xi32, #tpu.memory_space<vmem>> -> memref<1x128xi32, #tpu.memory_space<vmem>>
        %dma_start3A_185 = tpu.memref_squeeze %dma_start3A_184 : memref<1x128xi32, #tpu.memory_space<vmem>> -> memref<128xi32, #tpu.memory_space<vmem>>
        %dma_start3A_186 = arith.constant 0 : i32
        %dma_start3A_187 = arith.constant 0 : i32
        %dma_start3A_188 = tpu.memref_slice %arg10[%dma_start3A_186, %dma_start3A_187] : memref<10240x64xf32, #tpu.memory_space<vmem_shared>> -> memref<10240x64xf32, #tpu.memory_space<vmem_shared>>
        tpu.enqueue_indirect_dma source(%dma_start3A_182 : memref<128x64xf32, #tpu.memory_space<vmem>>) target(%dma_start3A_188 : memref<10240x64xf32, #tpu.memory_space<vmem_shared>>) offsets(%dma_start3A_185 : memref<128xi32, #tpu.memory_space<vmem>>) semaphore(%run_scoped3A_178 : memref<!tpu.dma_semaphore, #tpu.memory_space<semaphore_mem>>) {add = true}
        %dma_wait3A_189 = arith.constant 0 : i32
        %dma_wait3A_190 = arith.constant 0 : i32
        %dma_wait3A_191 = tpu.memref_slice %arg8[%run_scoped3A_170, %dma_wait3A_189, %dma_wait3A_190] : memref<2x128x64xf32, #tpu.memory_space<vmem>> -> memref<1x128x64xf32, #tpu.memory_space<vmem>>
        %dma_wait3A_192 = tpu.memref_squeeze %dma_wait3A_191 : memref<1x128x64xf32, #tpu.memory_space<vmem>> -> memref<128x64xf32, #tpu.memory_space<vmem>>
        %dma_wait3A_193 = arith.constant 0 : i32
        %dma_wait3A_194 = tpu.memref_slice %arg7[%add3A_155, %dma_wait3A_193] : memref<158x128xi32, #tpu.memory_space<vmem>> -> memref<1x128xi32, #tpu.memory_space<vmem>>
        %dma_wait3A_195 = tpu.memref_squeeze %dma_wait3A_194 : memref<1x128xi32, #tpu.memory_space<vmem>> -> memref<128xi32, #tpu.memory_space<vmem>>
        %dma_wait3A_196 = arith.constant 0 : i32
        %dma_wait3A_197 = arith.constant 0 : i32
        %dma_wait3A_198 = tpu.memref_slice %arg10[%dma_wait3A_196, %dma_wait3A_197] : memref<10240x64xf32, #tpu.memory_space<vmem_shared>> -> memref<10240x64xf32, #tpu.memory_space<vmem_shared>>
        tpu.wait_indirect_dma semaphore(%run_scoped3A_178 : memref<!tpu.dma_semaphore, #tpu.memory_space<semaphore_mem>>) src(%dma_wait3A_192 : memref<128x64xf32, #tpu.memory_space<vmem>>) dst(%dma_wait3A_198 : memref<10240x64xf32, #tpu.memory_space<vmem_shared>>)
        tpu.yield
      }) : () -> ()
      %add3A_171 = arith.constant 2 : i32
      %add3A_172 = arith.addi %add3A_155, %add3A_171 : i32
      %lt3A_173 = arith.constant 158 : i32
      %lt3A_174 = arith.cmpi slt, %add3A_172, %lt3A_173 : i32
      %convert_element_type3A_175 = arith.extui %lt3A_174 : i1 to i32
      %cond3A_176 = arith.constant 0 : i32
      %cond3A_177 = arith.cmpi ne, %convert_element_type3A_175, %cond3A_176 : i32
      scf.if %cond3A_177 {
        %add3A_178 = arith.constant 2 : i32
        %add3A_179 = arith.addi %add3A_155, %add3A_178 : i32
        %dma_start3A_180 = arith.constant 1 : i32
        %dma_start3A_181 = arith.constant 1 : i32
        %dma_start3A_182 = arith.constant 0 : i32
        %dma_start3A_183 = arith.constant 0 : i32
        %dma_start3A_184 = tpu.memref_slice %arg8[%dma_start3A_180, %dma_start3A_182, %dma_start3A_183] : memref<2x128x64xf32, #tpu.memory_space<vmem>> -> memref<1x128x64xf32, #tpu.memory_space<vmem>>
        %dma_start3A_185 = tpu.memref_squeeze %dma_start3A_184 : memref<1x128x64xf32, #tpu.memory_space<vmem>> -> memref<128x64xf32, #tpu.memory_space<vmem>>
        %dma_start3A_186 = arith.constant 0 : i32
        %dma_start3A_187 = tpu.memref_slice %arg6[%add3A_179, %dma_start3A_186] : memref<158x128xi32, #tpu.memory_space<vmem>> -> memref<1x128xi32, #tpu.memory_space<vmem>>
        %dma_start3A_188 = tpu.memref_squeeze %dma_start3A_187 : memref<1x128xi32, #tpu.memory_space<vmem>> -> memref<128xi32, #tpu.memory_space<vmem>>
        %dma_start3A_189 = arith.constant 0 : i32
        %dma_start3A_190 = arith.constant 0 : i32
        %dma_start3A_191 = tpu.memref_slice %arg2[%dma_start3A_189, %dma_start3A_190] : memref<40960x64xf32, #tpu.memory_space<hbm>> -> memref<40960x64xf32, #tpu.memory_space<hbm>>
        %dma_start3A_192 = tpu.memref_slice %arg11[%dma_start3A_181] : memref<2x!tpu.dma_semaphore, #tpu.memory_space<semaphore_mem>> -> memref<1x!tpu.dma_semaphore, #tpu.memory_space<semaphore_mem>>
        %dma_start3A_193 = tpu.memref_squeeze %dma_start3A_192 : memref<1x!tpu.dma_semaphore, #tpu.memory_space<semaphore_mem>> -> memref<!tpu.dma_semaphore, #tpu.memory_space<semaphore_mem>>
        tpu.enqueue_indirect_dma source(%dma_start3A_191 : memref<40960x64xf32, #tpu.memory_space<hbm>>) target(%dma_start3A_185 : memref<128x64xf32, #tpu.memory_space<vmem>>) offsets(%dma_start3A_188 : memref<128xi32, #tpu.memory_space<vmem>>) semaphore(%dma_start3A_193 : memref<!tpu.dma_semaphore, #tpu.memory_space<semaphore_mem>>)
      } else {
      }
    }
    %scan3A_58 = arith.constant 79 : i32
    %barrier3A_59 = arith.constant 0 : index
    tpu.barrier barrier_id(%barrier3A_59)
    %mul3A_60 = arith.constant 640 : i32
    %mul3A_61 = arith.muli %arg1, %mul3A_60 : i32
    %mul3A_62 = arith.constant 640 : i32
    %mul3A_63 = arith.muli %arg1, %mul3A_62 : i32
    %run_scoped3A_64 = arith.constant 0 : i32
    "tpu.region"() ({
      %run_scoped3A_129 = tpu.sem_alloc : memref<!tpu.dma_semaphore, #tpu.memory_space<semaphore_mem>>
      %dma_start3A_130 = arith.constant 0 : i32
      %dma_start3A_131 = tpu.memref_slice %arg5[%arg0, %run_scoped3A_64, %mul3A_63, %dma_start3A_130] : memref<2x2x10240x64xf32, #tpu.memory_space<hbm>> -> memref<1x1x640x64xf32, #tpu.memory_space<hbm>>
      %dma_start3A_132 = tpu.memref_squeeze %dma_start3A_131 : memref<1x1x640x64xf32, #tpu.memory_space<hbm>> -> memref<640x64xf32, #tpu.memory_space<hbm>>
      %dma_start3A_133 = arith.constant 0 : i32
      %dma_start3A_134 = tpu.memref_slice %arg10[%mul3A_61, %dma_start3A_133] : memref<10240x64xf32, #tpu.memory_space<vmem_shared>> -> memref<640x64xf32, #tpu.memory_space<vmem_shared>>
      tpu.enqueue_dma source(%dma_start3A_134 : memref<640x64xf32, #tpu.memory_space<vmem_shared>>) target(%dma_start3A_132 : memref<640x64xf32, #tpu.memory_space<hbm>>) target_semaphore(%run_scoped3A_129 : memref<!tpu.dma_semaphore, #tpu.memory_space<semaphore_mem>>)
      %dma_wait3A = arith.constant 0 : i32
      %dma_wait3A_135 = tpu.memref_slice %arg5[%arg0, %run_scoped3A_64, %mul3A_63, %dma_wait3A] : memref<2x2x10240x64xf32, #tpu.memory_space<hbm>> -> memref<1x1x640x64xf32, #tpu.memory_space<hbm>>
      %dma_wait3A_136 = tpu.memref_squeeze %dma_wait3A_135 : memref<1x1x640x64xf32, #tpu.memory_space<hbm>> -> memref<640x64xf32, #tpu.memory_space<hbm>>
      %dma_wait3A_137 = arith.constant 0 : i32
      %dma_wait3A_138 = tpu.memref_slice %arg10[%mul3A_61, %dma_wait3A_137] : memref<10240x64xf32, #tpu.memory_space<vmem_shared>> -> memref<640x64xf32, #tpu.memory_space<vmem_shared>>
      tpu.wait_dma2 semaphore(%run_scoped3A_129 : memref<!tpu.dma_semaphore, #tpu.memory_space<semaphore_mem>>) src(%dma_wait3A_138 : memref<640x64xf32, #tpu.memory_space<vmem_shared>>) dst(%dma_wait3A_136 : memref<640x64xf32, #tpu.memory_space<hbm>>)
      tpu.yield
    }) : () -> ()
    %run_scoped3A_65 = arith.constant 1 : i32
    "tpu.region"() ({
      %run_scoped3A_129 = tpu.sem_alloc : memref<!tpu.dma_semaphore, #tpu.memory_space<semaphore_mem>>
      %dma_start3A_130 = arith.constant 0 : i32
      %dma_start3A_131 = arith.constant 0 : i32
      %dma_start3A_132 = tpu.memref_slice %arg3[%arg0, %run_scoped3A_65, %arg1, %dma_start3A_130, %dma_start3A_131] : memref<2x2x16x158x128xi32, #tpu.memory_space<hbm>> -> memref<1x1x1x158x128xi32, #tpu.memory_space<hbm>>
      %dma_start3A_133 = tpu.memref_squeeze %dma_start3A_132 : memref<1x1x1x158x128xi32, #tpu.memory_space<hbm>> -> memref<158x128xi32, #tpu.memory_space<hbm>>
      %dma_start3A_134 = arith.constant 0 : i32
      %dma_start3A_135 = arith.constant 0 : i32
      %dma_start3A_136 = tpu.memref_slice %arg3[%arg0, %run_scoped3A_65, %arg1, %dma_start3A_134, %dma_start3A_135] : memref<2x2x16x158x128xi32, #tpu.memory_space<hbm>> -> memref<1x1x1x158x128xi32, #tpu.memory_space<hbm>>
      %dma_start3A_137 = tpu.memref_squeeze %dma_start3A_136 : memref<1x1x1x158x128xi32, #tpu.memory_space<hbm>> -> memref<158x128xi32, #tpu.memory_space<hbm>>
      tpu.enqueue_dma source(%dma_start3A_137 : memref<158x128xi32, #tpu.memory_space<hbm>>) target(%arg6 : memref<158x128xi32, #tpu.memory_space<vmem>>) target_semaphore(%run_scoped3A_129 : memref<!tpu.dma_semaphore, #tpu.memory_space<semaphore_mem>>)
      %dma_wait3A = arith.constant 0 : i32
      %dma_wait3A_138 = arith.constant 0 : i32
      %dma_wait3A_139 = tpu.memref_slice %arg3[%arg0, %run_scoped3A_65, %arg1, %dma_wait3A, %dma_wait3A_138] : memref<2x2x16x158x128xi32, #tpu.memory_space<hbm>> -> memref<1x1x1x158x128xi32, #tpu.memory_space<hbm>>
      %dma_wait3A_140 = tpu.memref_squeeze %dma_wait3A_139 : memref<1x1x1x158x128xi32, #tpu.memory_space<hbm>> -> memref<158x128xi32, #tpu.memory_space<hbm>>
      %dma_wait3A_141 = arith.constant 0 : i32
      %dma_wait3A_142 = arith.constant 0 : i32
      %dma_wait3A_143 = tpu.memref_slice %arg3[%arg0, %run_scoped3A_65, %arg1, %dma_wait3A_141, %dma_wait3A_142] : memref<2x2x16x158x128xi32, #tpu.memory_space<hbm>> -> memref<1x1x1x158x128xi32, #tpu.memory_space<hbm>>
      %dma_wait3A_144 = tpu.memref_squeeze %dma_wait3A_143 : memref<1x1x1x158x128xi32, #tpu.memory_space<hbm>> -> memref<158x128xi32, #tpu.memory_space<hbm>>
      tpu.wait_dma2 semaphore(%run_scoped3A_129 : memref<!tpu.dma_semaphore, #tpu.memory_space<semaphore_mem>>) src(%dma_wait3A_144 : memref<158x128xi32, #tpu.memory_space<hbm>>) dst(%arg6 : memref<158x128xi32, #tpu.memory_space<vmem>>)
      tpu.yield
    }) : () -> ()
    %mul3A_66 = arith.constant 640 : i32
    %mul3A_67 = arith.muli %arg1, %mul3A_66 : i32
    %add3A_68 = arith.constant 0 : i32
    %add3A_69 = arith.addi %mul3A_67, %add3A_68 : i32
    "tpu.region"() ({
      %run_scoped3A_129 = tpu.sem_alloc : memref<!tpu.dma_semaphore, #tpu.memory_space<semaphore_mem>>
      %dma_start3A_130 = arith.constant 0 : i32
      %dma_start3A_131 = tpu.memref_slice %arg10[%add3A_69, %dma_start3A_130] : memref<10240x64xf32, #tpu.memory_space<vmem_shared>> -> memref<128x64xf32, #tpu.memory_space<vmem_shared>>
      %dma_start3A_132 = arith.constant 0 : i32
      %dma_start3A_133 = tpu.memref_slice %arg10[%add3A_69, %dma_start3A_132] : memref<10240x64xf32, #tpu.memory_space<vmem_shared>> -> memref<128x64xf32, #tpu.memory_space<vmem_shared>>
      tpu.enqueue_dma source(%arg9 : memref<128x64xf32, #tpu.memory_space<vmem>>) target(%dma_start3A_133 : memref<128x64xf32, #tpu.memory_space<vmem_shared>>) target_semaphore(%run_scoped3A_129 : memref<!tpu.dma_semaphore, #tpu.memory_space<semaphore_mem>>)
      %dma_wait3A = arith.constant 0 : i32
      %dma_wait3A_134 = tpu.memref_slice %arg10[%add3A_69, %dma_wait3A] : memref<10240x64xf32, #tpu.memory_space<vmem_shared>> -> memref<128x64xf32, #tpu.memory_space<vmem_shared>>
      %dma_wait3A_135 = arith.constant 0 : i32
      %dma_wait3A_136 = tpu.memref_slice %arg10[%add3A_69, %dma_wait3A_135] : memref<10240x64xf32, #tpu.memory_space<vmem_shared>> -> memref<128x64xf32, #tpu.memory_space<vmem_shared>>
      tpu.wait_dma2 semaphore(%run_scoped3A_129 : memref<!tpu.dma_semaphore, #tpu.memory_space<semaphore_mem>>) src(%arg9 : memref<128x64xf32, #tpu.memory_space<vmem>>) dst(%dma_wait3A_136 : memref<128x64xf32, #tpu.memory_space<vmem_shared>>)
      tpu.yield
    }) : () -> ()
    %mul3A_70 = arith.constant 640 : i32
    %mul3A_71 = arith.muli %arg1, %mul3A_70 : i32
    %add3A_72 = arith.constant 128 : i32
    %add3A_73 = arith.addi %mul3A_71, %add3A_72 : i32
    "tpu.region"() ({
      %run_scoped3A_129 = tpu.sem_alloc : memref<!tpu.dma_semaphore, #tpu.memory_space<semaphore_mem>>
      %dma_start3A_130 = arith.constant 0 : i32
      %dma_start3A_131 = tpu.memref_slice %arg10[%add3A_73, %dma_start3A_130] : memref<10240x64xf32, #tpu.memory_space<vmem_shared>> -> memref<128x64xf32, #tpu.memory_space<vmem_shared>>
      %dma_start3A_132 = arith.constant 0 : i32
      %dma_start3A_133 = tpu.memref_slice %arg10[%add3A_73, %dma_start3A_132] : memref<10240x64xf32, #tpu.memory_space<vmem_shared>> -> memref<128x64xf32, #tpu.memory_space<vmem_shared>>
      tpu.enqueue_dma source(%arg9 : memref<128x64xf32, #tpu.memory_space<vmem>>) target(%dma_start3A_133 : memref<128x64xf32, #tpu.memory_space<vmem_shared>>) target_semaphore(%run_scoped3A_129 : memref<!tpu.dma_semaphore, #tpu.memory_space<semaphore_mem>>)
      %dma_wait3A = arith.constant 0 : i32
      %dma_wait3A_134 = tpu.memref_slice %arg10[%add3A_73, %dma_wait3A] : memref<10240x64xf32, #tpu.memory_space<vmem_shared>> -> memref<128x64xf32, #tpu.memory_space<vmem_shared>>
      %dma_wait3A_135 = arith.constant 0 : i32
      %dma_wait3A_136 = tpu.memref_slice %arg10[%add3A_73, %dma_wait3A_135] : memref<10240x64xf32, #tpu.memory_space<vmem_shared>> -> memref<128x64xf32, #tpu.memory_space<vmem_shared>>
      tpu.wait_dma2 semaphore(%run_scoped3A_129 : memref<!tpu.dma_semaphore, #tpu.memory_space<semaphore_mem>>) src(%arg9 : memref<128x64xf32, #tpu.memory_space<vmem>>) dst(%dma_wait3A_136 : memref<128x64xf32, #tpu.memory_space<vmem_shared>>)
      tpu.yield
    }) : () -> ()
    %mul3A_74 = arith.constant 640 : i32
    %mul3A_75 = arith.muli %arg1, %mul3A_74 : i32
    %add3A_76 = arith.constant 256 : i32
    %add3A_77 = arith.addi %mul3A_75, %add3A_76 : i32
    "tpu.region"() ({
      %run_scoped3A_129 = tpu.sem_alloc : memref<!tpu.dma_semaphore, #tpu.memory_space<semaphore_mem>>
      %dma_start3A_130 = arith.constant 0 : i32
      %dma_start3A_131 = tpu.memref_slice %arg10[%add3A_77, %dma_start3A_130] : memref<10240x64xf32, #tpu.memory_space<vmem_shared>> -> memref<128x64xf32, #tpu.memory_space<vmem_shared>>
      %dma_start3A_132 = arith.constant 0 : i32
      %dma_start3A_133 = tpu.memref_slice %arg10[%add3A_77, %dma_start3A_132] : memref<10240x64xf32, #tpu.memory_space<vmem_shared>> -> memref<128x64xf32, #tpu.memory_space<vmem_shared>>
      tpu.enqueue_dma source(%arg9 : memref<128x64xf32, #tpu.memory_space<vmem>>) target(%dma_start3A_133 : memref<128x64xf32, #tpu.memory_space<vmem_shared>>) target_semaphore(%run_scoped3A_129 : memref<!tpu.dma_semaphore, #tpu.memory_space<semaphore_mem>>)
      %dma_wait3A = arith.constant 0 : i32
      %dma_wait3A_134 = tpu.memref_slice %arg10[%add3A_77, %dma_wait3A] : memref<10240x64xf32, #tpu.memory_space<vmem_shared>> -> memref<128x64xf32, #tpu.memory_space<vmem_shared>>
      %dma_wait3A_135 = arith.constant 0 : i32
      %dma_wait3A_136 = tpu.memref_slice %arg10[%add3A_77, %dma_wait3A_135] : memref<10240x64xf32, #tpu.memory_space<vmem_shared>> -> memref<128x64xf32, #tpu.memory_space<vmem_shared>>
      tpu.wait_dma2 semaphore(%run_scoped3A_129 : memref<!tpu.dma_semaphore, #tpu.memory_space<semaphore_mem>>) src(%arg9 : memref<128x64xf32, #tpu.memory_space<vmem>>) dst(%dma_wait3A_136 : memref<128x64xf32, #tpu.memory_space<vmem_shared>>)
      tpu.yield
    }) : () -> ()
    %mul3A_78 = arith.constant 640 : i32
    %mul3A_79 = arith.muli %arg1, %mul3A_78 : i32
    %add3A_80 = arith.constant 384 : i32
    %add3A_81 = arith.addi %mul3A_79, %add3A_80 : i32
    "tpu.region"() ({
      %run_scoped3A_129 = tpu.sem_alloc : memref<!tpu.dma_semaphore, #tpu.memory_space<semaphore_mem>>
      %dma_start3A_130 = arith.constant 0 : i32
      %dma_start3A_131 = tpu.memref_slice %arg10[%add3A_81, %dma_start3A_130] : memref<10240x64xf32, #tpu.memory_space<vmem_shared>> -> memref<128x64xf32, #tpu.memory_space<vmem_shared>>
      %dma_start3A_132 = arith.constant 0 : i32
      %dma_start3A_133 = tpu.memref_slice %arg10[%add3A_81, %dma_start3A_132] : memref<10240x64xf32, #tpu.memory_space<vmem_shared>> -> memref<128x64xf32, #tpu.memory_space<vmem_shared>>
      tpu.enqueue_dma source(%arg9 : memref<128x64xf32, #tpu.memory_space<vmem>>) target(%dma_start3A_133 : memref<128x64xf32, #tpu.memory_space<vmem_shared>>) target_semaphore(%run_scoped3A_129 : memref<!tpu.dma_semaphore, #tpu.memory_space<semaphore_mem>>)
      %dma_wait3A = arith.constant 0 : i32
      %dma_wait3A_134 = tpu.memref_slice %arg10[%add3A_81, %dma_wait3A] : memref<10240x64xf32, #tpu.memory_space<vmem_shared>> -> memref<128x64xf32, #tpu.memory_space<vmem_shared>>
      %dma_wait3A_135 = arith.constant 0 : i32
      %dma_wait3A_136 = tpu.memref_slice %arg10[%add3A_81, %dma_wait3A_135] : memref<10240x64xf32, #tpu.memory_space<vmem_shared>> -> memref<128x64xf32, #tpu.memory_space<vmem_shared>>
      tpu.wait_dma2 semaphore(%run_scoped3A_129 : memref<!tpu.dma_semaphore, #tpu.memory_space<semaphore_mem>>) src(%arg9 : memref<128x64xf32, #tpu.memory_space<vmem>>) dst(%dma_wait3A_136 : memref<128x64xf32, #tpu.memory_space<vmem_shared>>)
      tpu.yield
    }) : () -> ()
    %mul3A_82 = arith.constant 640 : i32
    %mul3A_83 = arith.muli %arg1, %mul3A_82 : i32
    %add3A_84 = arith.constant 512 : i32
    %add3A_85 = arith.addi %mul3A_83, %add3A_84 : i32
    "tpu.region"() ({
      %run_scoped3A_129 = tpu.sem_alloc : memref<!tpu.dma_semaphore, #tpu.memory_space<semaphore_mem>>
      %dma_start3A_130 = arith.constant 0 : i32
      %dma_start3A_131 = tpu.memref_slice %arg10[%add3A_85, %dma_start3A_130] : memref<10240x64xf32, #tpu.memory_space<vmem_shared>> -> memref<128x64xf32, #tpu.memory_space<vmem_shared>>
      %dma_start3A_132 = arith.constant 0 : i32
      %dma_start3A_133 = tpu.memref_slice %arg10[%add3A_85, %dma_start3A_132] : memref<10240x64xf32, #tpu.memory_space<vmem_shared>> -> memref<128x64xf32, #tpu.memory_space<vmem_shared>>
      tpu.enqueue_dma source(%arg9 : memref<128x64xf32, #tpu.memory_space<vmem>>) target(%dma_start3A_133 : memref<128x64xf32, #tpu.memory_space<vmem_shared>>) target_semaphore(%run_scoped3A_129 : memref<!tpu.dma_semaphore, #tpu.memory_space<semaphore_mem>>)
      %dma_wait3A = arith.constant 0 : i32
      %dma_wait3A_134 = tpu.memref_slice %arg10[%add3A_85, %dma_wait3A] : memref<10240x64xf32, #tpu.memory_space<vmem_shared>> -> memref<128x64xf32, #tpu.memory_space<vmem_shared>>
      %dma_wait3A_135 = arith.constant 0 : i32
      %dma_wait3A_136 = tpu.memref_slice %arg10[%add3A_85, %dma_wait3A_135] : memref<10240x64xf32, #tpu.memory_space<vmem_shared>> -> memref<128x64xf32, #tpu.memory_space<vmem_shared>>
      tpu.wait_dma2 semaphore(%run_scoped3A_129 : memref<!tpu.dma_semaphore, #tpu.memory_space<semaphore_mem>>) src(%arg9 : memref<128x64xf32, #tpu.memory_space<vmem>>) dst(%dma_wait3A_136 : memref<128x64xf32, #tpu.memory_space<vmem_shared>>)
      tpu.yield
    }) : () -> ()
    %barrier3A_86 = arith.constant 0 : index
    tpu.barrier barrier_id(%barrier3A_86)
    %dma_start3A_87 = arith.constant 0 : i32
    %dma_start3A_88 = arith.constant 0 : i32
    %dma_start3A_89 = arith.constant 0 : i32
    %dma_start3A_90 = arith.constant 0 : i32
    %dma_start3A_91 = arith.constant 0 : i32
    %dma_start3A_92 = tpu.memref_slice %arg8[%dma_start3A_88, %dma_start3A_90, %dma_start3A_91] : memref<2x128x64xf32, #tpu.memory_space<vmem>> -> memref<1x128x64xf32, #tpu.memory_space<vmem>>
    %dma_start3A_93 = tpu.memref_squeeze %dma_start3A_92 : memref<1x128x64xf32, #tpu.memory_space<vmem>> -> memref<128x64xf32, #tpu.memory_space<vmem>>
    %dma_start3A_94 = arith.constant 0 : i32
    %dma_start3A_95 = tpu.memref_slice %arg6[%dma_start3A_87, %dma_start3A_94] : memref<158x128xi32, #tpu.memory_space<vmem>> -> memref<1x128xi32, #tpu.memory_space<vmem>>
    %dma_start3A_96 = tpu.memref_squeeze %dma_start3A_95 : memref<1x128xi32, #tpu.memory_space<vmem>> -> memref<128xi32, #tpu.memory_space<vmem>>
    %dma_start3A_97 = arith.constant 0 : i32
    %dma_start3A_98 = arith.constant 0 : i32
    %dma_start3A_99 = tpu.memref_slice %arg2[%dma_start3A_97, %dma_start3A_98] : memref<40960x64xf32, #tpu.memory_space<hbm>> -> memref<40960x64xf32, #tpu.memory_space<hbm>>
    %dma_start3A_100 = tpu.memref_slice %arg11[%dma_start3A_89] : memref<2x!tpu.dma_semaphore, #tpu.memory_space<semaphore_mem>> -> memref<1x!tpu.dma_semaphore, #tpu.memory_space<semaphore_mem>>
    %dma_start3A_101 = tpu.memref_squeeze %dma_start3A_100 : memref<1x!tpu.dma_semaphore, #tpu.memory_space<semaphore_mem>> -> memref<!tpu.dma_semaphore, #tpu.memory_space<semaphore_mem>>
    tpu.enqueue_indirect_dma source(%dma_start3A_99 : memref<40960x64xf32, #tpu.memory_space<hbm>>) target(%dma_start3A_93 : memref<128x64xf32, #tpu.memory_space<vmem>>) offsets(%dma_start3A_96 : memref<128xi32, #tpu.memory_space<vmem>>) semaphore(%dma_start3A_101 : memref<!tpu.dma_semaphore, #tpu.memory_space<semaphore_mem>>)
    %dma_start3A_102 = arith.constant 1 : i32
    %dma_start3A_103 = arith.constant 1 : i32
    %dma_start3A_104 = arith.constant 1 : i32
    %dma_start3A_105 = arith.constant 0 : i32
    %dma_start3A_106 = arith.constant 0 : i32
    %dma_start3A_107 = tpu.memref_slice %arg8[%dma_start3A_103, %dma_start3A_105, %dma_start3A_106] : memref<2x128x64xf32, #tpu.memory_space<vmem>> -> memref<1x128x64xf32, #tpu.memory_space<vmem>>
    %dma_start3A_108 = tpu.memref_squeeze %dma_start3A_107 : memref<1x128x64xf32, #tpu.memory_space<vmem>> -> memref<128x64xf32, #tpu.memory_space<vmem>>
    %dma_start3A_109 = arith.constant 0 : i32
    %dma_start3A_110 = tpu.memref_slice %arg6[%dma_start3A_102, %dma_start3A_109] : memref<158x128xi32, #tpu.memory_space<vmem>> -> memref<1x128xi32, #tpu.memory_space<vmem>>
    %dma_start3A_111 = tpu.memref_squeeze %dma_start3A_110 : memref<1x128xi32, #tpu.memory_space<vmem>> -> memref<128xi32, #tpu.memory_space<vmem>>
    %dma_start3A_112 = arith.constant 0 : i32
    %dma_start3A_113 = arith.constant 0 : i32
    %dma_start3A_114 = tpu.memref_slice %arg2[%dma_start3A_112, %dma_start3A_113] : memref<40960x64xf32, #tpu.memory_space<hbm>> -> memref<40960x64xf32, #tpu.memory_space<hbm>>
    %dma_start3A_115 = tpu.memref_slice %arg11[%dma_start3A_104] : memref<2x!tpu.dma_semaphore, #tpu.memory_space<semaphore_mem>> -> memref<1x!tpu.dma_semaphore, #tpu.memory_space<semaphore_mem>>
    %dma_start3A_116 = tpu.memref_squeeze %dma_start3A_115 : memref<1x!tpu.dma_semaphore, #tpu.memory_space<semaphore_mem>> -> memref<!tpu.dma_semaphore, #tpu.memory_space<semaphore_mem>>
    tpu.enqueue_indirect_dma source(%dma_start3A_114 : memref<40960x64xf32, #tpu.memory_space<hbm>>) target(%dma_start3A_108 : memref<128x64xf32, #tpu.memory_space<vmem>>) offsets(%dma_start3A_111 : memref<128xi32, #tpu.memory_space<vmem>>) semaphore(%dma_start3A_116 : memref<!tpu.dma_semaphore, #tpu.memory_space<semaphore_mem>>)
    %scan3A_117 = arith.constant 0 : i32
    %scan3A_118 = arith.constant 0 : i32
    %scan3A_119 = arith.constant 79 : i32
    %scan3A_120 = arith.addi %scan3A_118, %scan3A_119 : i32
    %scan3A_121 = arith.constant 1 : i32
    scf.for %scan3A_129 = %scan3A_118 to %scan3A_120 step %scan3A_121  : i32 {
      %mul3A_130 = arith.constant 2 : i32
      %mul3A_131 = arith.muli %scan3A_129, %mul3A_130 : i32
      %add3A_132 = arith.constant 0 : i32
      %add3A_133 = arith.addi %mul3A_131, %add3A_132 : i32
      %dma_wait3A = arith.constant 0 : i32
      %dma_wait3A_134 = arith.constant 0 : i32
      %dma_wait3A_135 = arith.constant 0 : i32
      %dma_wait3A_136 = arith.constant 0 : i32
      %dma_wait3A_137 = tpu.memref_slice %arg8[%dma_wait3A, %dma_wait3A_135, %dma_wait3A_136] : memref<2x128x64xf32, #tpu.memory_space<vmem>> -> memref<1x128x64xf32, #tpu.memory_space<vmem>>
      %dma_wait3A_138 = tpu.memref_squeeze %dma_wait3A_137 : memref<1x128x64xf32, #tpu.memory_space<vmem>> -> memref<128x64xf32, #tpu.memory_space<vmem>>
      %dma_wait3A_139 = arith.constant 0 : i32
      %dma_wait3A_140 = tpu.memref_slice %arg6[%add3A_133, %dma_wait3A_139] : memref<158x128xi32, #tpu.memory_space<vmem>> -> memref<1x128xi32, #tpu.memory_space<vmem>>
      %dma_wait3A_141 = tpu.memref_squeeze %dma_wait3A_140 : memref<1x128xi32, #tpu.memory_space<vmem>> -> memref<128xi32, #tpu.memory_space<vmem>>
      %dma_wait3A_142 = arith.constant 0 : i32
      %dma_wait3A_143 = arith.constant 0 : i32
      %dma_wait3A_144 = tpu.memref_slice %arg2[%dma_wait3A_142, %dma_wait3A_143] : memref<40960x64xf32, #tpu.memory_space<hbm>> -> memref<40960x64xf32, #tpu.memory_space<hbm>>
      %dma_wait3A_145 = tpu.memref_slice %arg11[%dma_wait3A_134] : memref<2x!tpu.dma_semaphore, #tpu.memory_space<semaphore_mem>> -> memref<1x!tpu.dma_semaphore, #tpu.memory_space<semaphore_mem>>
      %dma_wait3A_146 = tpu.memref_squeeze %dma_wait3A_145 : memref<1x!tpu.dma_semaphore, #tpu.memory_space<semaphore_mem>> -> memref<!tpu.dma_semaphore, #tpu.memory_space<semaphore_mem>>
      tpu.wait_indirect_dma semaphore(%dma_wait3A_146 : memref<!tpu.dma_semaphore, #tpu.memory_space<semaphore_mem>>) src(%dma_wait3A_144 : memref<40960x64xf32, #tpu.memory_space<hbm>>) dst(%dma_wait3A_138 : memref<128x64xf32, #tpu.memory_space<vmem>>)
      %run_scoped3A_147 = arith.constant 0 : i32
      "tpu.region"() ({
        %run_scoped3A_178 = tpu.sem_alloc : memref<!tpu.dma_semaphore, #tpu.memory_space<semaphore_mem>>
        %dma_start3A_179 = arith.constant 0 : i32
        %dma_start3A_180 = arith.constant 0 : i32
        %dma_start3A_181 = tpu.memref_slice %arg8[%run_scoped3A_147, %dma_start3A_179, %dma_start3A_180] : memref<2x128x64xf32, #tpu.memory_space<vmem>> -> memref<1x128x64xf32, #tpu.memory_space<vmem>>
        %dma_start3A_182 = tpu.memref_squeeze %dma_start3A_181 : memref<1x128x64xf32, #tpu.memory_space<vmem>> -> memref<128x64xf32, #tpu.memory_space<vmem>>
        %dma_start3A_183 = arith.constant 0 : i32
        %dma_start3A_184 = tpu.memref_slice %arg7[%add3A_133, %dma_start3A_183] : memref<158x128xi32, #tpu.memory_space<vmem>> -> memref<1x128xi32, #tpu.memory_space<vmem>>
        %dma_start3A_185 = tpu.memref_squeeze %dma_start3A_184 : memref<1x128xi32, #tpu.memory_space<vmem>> -> memref<128xi32, #tpu.memory_space<vmem>>
        %dma_start3A_186 = arith.constant 0 : i32
        %dma_start3A_187 = arith.constant 0 : i32
        %dma_start3A_188 = tpu.memref_slice %arg10[%dma_start3A_186, %dma_start3A_187] : memref<10240x64xf32, #tpu.memory_space<vmem_shared>> -> memref<10240x64xf32, #tpu.memory_space<vmem_shared>>
        tpu.enqueue_indirect_dma source(%dma_start3A_182 : memref<128x64xf32, #tpu.memory_space<vmem>>) target(%dma_start3A_188 : memref<10240x64xf32, #tpu.memory_space<vmem_shared>>) offsets(%dma_start3A_185 : memref<128xi32, #tpu.memory_space<vmem>>) semaphore(%run_scoped3A_178 : memref<!tpu.dma_semaphore, #tpu.memory_space<semaphore_mem>>) {add = true}
        %dma_wait3A_189 = arith.constant 0 : i32
        %dma_wait3A_190 = arith.constant 0 : i32
        %dma_wait3A_191 = tpu.memref_slice %arg8[%run_scoped3A_147, %dma_wait3A_189, %dma_wait3A_190] : memref<2x128x64xf32, #tpu.memory_space<vmem>> -> memref<1x128x64xf32, #tpu.memory_space<vmem>>
        %dma_wait3A_192 = tpu.memref_squeeze %dma_wait3A_191 : memref<1x128x64xf32, #tpu.memory_space<vmem>> -> memref<128x64xf32, #tpu.memory_space<vmem>>
        %dma_wait3A_193 = arith.constant 0 : i32
        %dma_wait3A_194 = tpu.memref_slice %arg7[%add3A_133, %dma_wait3A_193] : memref<158x128xi32, #tpu.memory_space<vmem>> -> memref<1x128xi32, #tpu.memory_space<vmem>>
        %dma_wait3A_195 = tpu.memref_squeeze %dma_wait3A_194 : memref<1x128xi32, #tpu.memory_space<vmem>> -> memref<128xi32, #tpu.memory_space<vmem>>
        %dma_wait3A_196 = arith.constant 0 : i32
        %dma_wait3A_197 = arith.constant 0 : i32
        %dma_wait3A_198 = tpu.memref_slice %arg10[%dma_wait3A_196, %dma_wait3A_197] : memref<10240x64xf32, #tpu.memory_space<vmem_shared>> -> memref<10240x64xf32, #tpu.memory_space<vmem_shared>>
        tpu.wait_indirect_dma semaphore(%run_scoped3A_178 : memref<!tpu.dma_semaphore, #tpu.memory_space<semaphore_mem>>) src(%dma_wait3A_192 : memref<128x64xf32, #tpu.memory_space<vmem>>) dst(%dma_wait3A_198 : memref<10240x64xf32, #tpu.memory_space<vmem_shared>>)
        tpu.yield
      }) : () -> ()
      %add3A_148 = arith.constant 2 : i32
      %add3A_149 = arith.addi %add3A_133, %add3A_148 : i32
      %lt3A = arith.constant 158 : i32
      %lt3A_150 = arith.cmpi slt, %add3A_149, %lt3A : i32
      %convert_element_type3A = arith.extui %lt3A_150 : i1 to i32
      %cond3A = arith.constant 0 : i32
      %cond3A_151 = arith.cmpi ne, %convert_element_type3A, %cond3A : i32
      scf.if %cond3A_151 {
        %add3A_178 = arith.constant 2 : i32
        %add3A_179 = arith.addi %add3A_133, %add3A_178 : i32
        %dma_start3A_180 = arith.constant 0 : i32
        %dma_start3A_181 = arith.constant 0 : i32
        %dma_start3A_182 = arith.constant 0 : i32
        %dma_start3A_183 = arith.constant 0 : i32
        %dma_start3A_184 = tpu.memref_slice %arg8[%dma_start3A_180, %dma_start3A_182, %dma_start3A_183] : memref<2x128x64xf32, #tpu.memory_space<vmem>> -> memref<1x128x64xf32, #tpu.memory_space<vmem>>
        %dma_start3A_185 = tpu.memref_squeeze %dma_start3A_184 : memref<1x128x64xf32, #tpu.memory_space<vmem>> -> memref<128x64xf32, #tpu.memory_space<vmem>>
        %dma_start3A_186 = arith.constant 0 : i32
        %dma_start3A_187 = tpu.memref_slice %arg6[%add3A_179, %dma_start3A_186] : memref<158x128xi32, #tpu.memory_space<vmem>> -> memref<1x128xi32, #tpu.memory_space<vmem>>
        %dma_start3A_188 = tpu.memref_squeeze %dma_start3A_187 : memref<1x128xi32, #tpu.memory_space<vmem>> -> memref<128xi32, #tpu.memory_space<vmem>>
        %dma_start3A_189 = arith.constant 0 : i32
        %dma_start3A_190 = arith.constant 0 : i32
        %dma_start3A_191 = tpu.memref_slice %arg2[%dma_start3A_189, %dma_start3A_190] : memref<40960x64xf32, #tpu.memory_space<hbm>> -> memref<40960x64xf32, #tpu.memory_space<hbm>>
        %dma_start3A_192 = tpu.memref_slice %arg11[%dma_start3A_181] : memref<2x!tpu.dma_semaphore, #tpu.memory_space<semaphore_mem>> -> memref<1x!tpu.dma_semaphore, #tpu.memory_space<semaphore_mem>>
        %dma_start3A_193 = tpu.memref_squeeze %dma_start3A_192 : memref<1x!tpu.dma_semaphore, #tpu.memory_space<semaphore_mem>> -> memref<!tpu.dma_semaphore, #tpu.memory_space<semaphore_mem>>
        tpu.enqueue_indirect_dma source(%dma_start3A_191 : memref<40960x64xf32, #tpu.memory_space<hbm>>) target(%dma_start3A_185 : memref<128x64xf32, #tpu.memory_space<vmem>>) offsets(%dma_start3A_188 : memref<128xi32, #tpu.memory_space<vmem>>) semaphore(%dma_start3A_193 : memref<!tpu.dma_semaphore, #tpu.memory_space<semaphore_mem>>)
      } else {
      }
      %mul3A_152 = arith.constant 2 : i32
      %mul3A_153 = arith.muli %scan3A_129, %mul3A_152 : i32
      %add3A_154 = arith.constant 1 : i32
      %add3A_155 = arith.addi %mul3A_153, %add3A_154 : i32
      %dma_wait3A_156 = arith.constant 1 : i32
      %dma_wait3A_157 = arith.constant 1 : i32
      %dma_wait3A_158 = arith.constant 0 : i32
      %dma_wait3A_159 = arith.constant 0 : i32
      %dma_wait3A_160 = tpu.memref_slice %arg8[%dma_wait3A_156, %dma_wait3A_158, %dma_wait3A_159] : memref<2x128x64xf32, #tpu.memory_space<vmem>> -> memref<1x128x64xf32, #tpu.memory_space<vmem>>
      %dma_wait3A_161 = tpu.memref_squeeze %dma_wait3A_160 : memref<1x128x64xf32, #tpu.memory_space<vmem>> -> memref<128x64xf32, #tpu.memory_space<vmem>>
      %dma_wait3A_162 = arith.constant 0 : i32
      %dma_wait3A_163 = tpu.memref_slice %arg6[%add3A_155, %dma_wait3A_162] : memref<158x128xi32, #tpu.memory_space<vmem>> -> memref<1x128xi32, #tpu.memory_space<vmem>>
      %dma_wait3A_164 = tpu.memref_squeeze %dma_wait3A_163 : memref<1x128xi32, #tpu.memory_space<vmem>> -> memref<128xi32, #tpu.memory_space<vmem>>
      %dma_wait3A_165 = arith.constant 0 : i32
      %dma_wait3A_166 = arith.constant 0 : i32
      %dma_wait3A_167 = tpu.memref_slice %arg2[%dma_wait3A_165, %dma_wait3A_166] : memref<40960x64xf32, #tpu.memory_space<hbm>> -> memref<40960x64xf32, #tpu.memory_space<hbm>>
      %dma_wait3A_168 = tpu.memref_slice %arg11[%dma_wait3A_157] : memref<2x!tpu.dma_semaphore, #tpu.memory_space<semaphore_mem>> -> memref<1x!tpu.dma_semaphore, #tpu.memory_space<semaphore_mem>>
      %dma_wait3A_169 = tpu.memref_squeeze %dma_wait3A_168 : memref<1x!tpu.dma_semaphore, #tpu.memory_space<semaphore_mem>> -> memref<!tpu.dma_semaphore, #tpu.memory_space<semaphore_mem>>
      tpu.wait_indirect_dma semaphore(%dma_wait3A_169 : memref<!tpu.dma_semaphore, #tpu.memory_space<semaphore_mem>>) src(%dma_wait3A_167 : memref<40960x64xf32, #tpu.memory_space<hbm>>) dst(%dma_wait3A_161 : memref<128x64xf32, #tpu.memory_space<vmem>>)
      %run_scoped3A_170 = arith.constant 1 : i32
      "tpu.region"() ({
        %run_scoped3A_178 = tpu.sem_alloc : memref<!tpu.dma_semaphore, #tpu.memory_space<semaphore_mem>>
        %dma_start3A_179 = arith.constant 0 : i32
        %dma_start3A_180 = arith.constant 0 : i32
        %dma_start3A_181 = tpu.memref_slice %arg8[%run_scoped3A_170, %dma_start3A_179, %dma_start3A_180] : memref<2x128x64xf32, #tpu.memory_space<vmem>> -> memref<1x128x64xf32, #tpu.memory_space<vmem>>
        %dma_start3A_182 = tpu.memref_squeeze %dma_start3A_181 : memref<1x128x64xf32, #tpu.memory_space<vmem>> -> memref<128x64xf32, #tpu.memory_space<vmem>>
        %dma_start3A_183 = arith.constant 0 : i32
        %dma_start3A_184 = tpu.memref_slice %arg7[%add3A_155, %dma_start3A_183] : memref<158x128xi32, #tpu.memory_space<vmem>> -> memref<1x128xi32, #tpu.memory_space<vmem>>
        %dma_start3A_185 = tpu.memref_squeeze %dma_start3A_184 : memref<1x128xi32, #tpu.memory_space<vmem>> -> memref<128xi32, #tpu.memory_space<vmem>>
        %dma_start3A_186 = arith.constant 0 : i32
        %dma_start3A_187 = arith.constant 0 : i32
        %dma_start3A_188 = tpu.memref_slice %arg10[%dma_start3A_186, %dma_start3A_187] : memref<10240x64xf32, #tpu.memory_space<vmem_shared>> -> memref<10240x64xf32, #tpu.memory_space<vmem_shared>>
        tpu.enqueue_indirect_dma source(%dma_start3A_182 : memref<128x64xf32, #tpu.memory_space<vmem>>) target(%dma_start3A_188 : memref<10240x64xf32, #tpu.memory_space<vmem_shared>>) offsets(%dma_start3A_185 : memref<128xi32, #tpu.memory_space<vmem>>) semaphore(%run_scoped3A_178 : memref<!tpu.dma_semaphore, #tpu.memory_space<semaphore_mem>>) {add = true}
        %dma_wait3A_189 = arith.constant 0 : i32
        %dma_wait3A_190 = arith.constant 0 : i32
        %dma_wait3A_191 = tpu.memref_slice %arg8[%run_scoped3A_170, %dma_wait3A_189, %dma_wait3A_190] : memref<2x128x64xf32, #tpu.memory_space<vmem>> -> memref<1x128x64xf32, #tpu.memory_space<vmem>>
        %dma_wait3A_192 = tpu.memref_squeeze %dma_wait3A_191 : memref<1x128x64xf32, #tpu.memory_space<vmem>> -> memref<128x64xf32, #tpu.memory_space<vmem>>
        %dma_wait3A_193 = arith.constant 0 : i32
        %dma_wait3A_194 = tpu.memref_slice %arg7[%add3A_155, %dma_wait3A_193] : memref<158x128xi32, #tpu.memory_space<vmem>> -> memref<1x128xi32, #tpu.memory_space<vmem>>
        %dma_wait3A_195 = tpu.memref_squeeze %dma_wait3A_194 : memref<1x128xi32, #tpu.memory_space<vmem>> -> memref<128xi32, #tpu.memory_space<vmem>>
        %dma_wait3A_196 = arith.constant 0 : i32
        %dma_wait3A_197 = arith.constant 0 : i32
        %dma_wait3A_198 = tpu.memref_slice %arg10[%dma_wait3A_196, %dma_wait3A_197] : memref<10240x64xf32, #tpu.memory_space<vmem_shared>> -> memref<10240x64xf32, #tpu.memory_space<vmem_shared>>
        tpu.wait_indirect_dma semaphore(%run_scoped3A_178 : memref<!tpu.dma_semaphore, #tpu.memory_space<semaphore_mem>>) src(%dma_wait3A_192 : memref<128x64xf32, #tpu.memory_space<vmem>>) dst(%dma_wait3A_198 : memref<10240x64xf32, #tpu.memory_space<vmem_shared>>)
        tpu.yield
      }) : () -> ()
      %add3A_171 = arith.constant 2 : i32
      %add3A_172 = arith.addi %add3A_155, %add3A_171 : i32
      %lt3A_173 = arith.constant 158 : i32
      %lt3A_174 = arith.cmpi slt, %add3A_172, %lt3A_173 : i32
      %convert_element_type3A_175 = arith.extui %lt3A_174 : i1 to i32
      %cond3A_176 = arith.constant 0 : i32
      %cond3A_177 = arith.cmpi ne, %convert_element_type3A_175, %cond3A_176 : i32
      scf.if %cond3A_177 {
        %add3A_178 = arith.constant 2 : i32
        %add3A_179 = arith.addi %add3A_155, %add3A_178 : i32
        %dma_start3A_180 = arith.constant 1 : i32
        %dma_start3A_181 = arith.constant 1 : i32
        %dma_start3A_182 = arith.constant 0 : i32
        %dma_start3A_183 = arith.constant 0 : i32
        %dma_start3A_184 = tpu.memref_slice %arg8[%dma_start3A_180, %dma_start3A_182, %dma_start3A_183] : memref<2x128x64xf32, #tpu.memory_space<vmem>> -> memref<1x128x64xf32, #tpu.memory_space<vmem>>
        %dma_start3A_185 = tpu.memref_squeeze %dma_start3A_184 : memref<1x128x64xf32, #tpu.memory_space<vmem>> -> memref<128x64xf32, #tpu.memory_space<vmem>>
        %dma_start3A_186 = arith.constant 0 : i32
        %dma_start3A_187 = tpu.memref_slice %arg6[%add3A_179, %dma_start3A_186] : memref<158x128xi32, #tpu.memory_space<vmem>> -> memref<1x128xi32, #tpu.memory_space<vmem>>
        %dma_start3A_188 = tpu.memref_squeeze %dma_start3A_187 : memref<1x128xi32, #tpu.memory_space<vmem>> -> memref<128xi32, #tpu.memory_space<vmem>>
        %dma_start3A_189 = arith.constant 0 : i32
        %dma_start3A_190 = arith.constant 0 : i32
        %dma_start3A_191 = tpu.memref_slice %arg2[%dma_start3A_189, %dma_start3A_190] : memref<40960x64xf32, #tpu.memory_space<hbm>> -> memref<40960x64xf32, #tpu.memory_space<hbm>>
        %dma_start3A_192 = tpu.memref_slice %arg11[%dma_start3A_181] : memref<2x!tpu.dma_semaphore, #tpu.memory_space<semaphore_mem>> -> memref<1x!tpu.dma_semaphore, #tpu.memory_space<semaphore_mem>>
        %dma_start3A_193 = tpu.memref_squeeze %dma_start3A_192 : memref<1x!tpu.dma_semaphore, #tpu.memory_space<semaphore_mem>> -> memref<!tpu.dma_semaphore, #tpu.memory_space<semaphore_mem>>
        tpu.enqueue_indirect_dma source(%dma_start3A_191 : memref<40960x64xf32, #tpu.memory_space<hbm>>) target(%dma_start3A_185 : memref<128x64xf32, #tpu.memory_space<vmem>>) offsets(%dma_start3A_188 : memref<128xi32, #tpu.memory_space<vmem>>) semaphore(%dma_start3A_193 : memref<!tpu.dma_semaphore, #tpu.memory_space<semaphore_mem>>)
      } else {
      }
    }
    %scan3A_122 = arith.constant 79 : i32
    %barrier3A_123 = arith.constant 0 : index
    tpu.barrier barrier_id(%barrier3A_123)
    %mul3A_124 = arith.constant 640 : i32
    %mul3A_125 = arith.muli %arg1, %mul3A_124 : i32
    %mul3A_126 = arith.constant 640 : i32
    %mul3A_127 = arith.muli %arg1, %mul3A_126 : i32
    %run_scoped3A_128 = arith.constant 1 : i32
    "tpu.region"() ({
      %run_scoped3A_129 = tpu.sem_alloc : memref<!tpu.dma_semaphore, #tpu.memory_space<semaphore_mem>>
      %dma_start3A_130 = arith.constant 0 : i32
      %dma_start3A_131 = tpu.memref_slice %arg5[%arg0, %run_scoped3A_128, %mul3A_127, %dma_start3A_130] : memref<2x2x10240x64xf32, #tpu.memory_space<hbm>> -> memref<1x1x640x64xf32, #tpu.memory_space<hbm>>
      %dma_start3A_132 = tpu.memref_squeeze %dma_start3A_131 : memref<1x1x640x64xf32, #tpu.memory_space<hbm>> -> memref<640x64xf32, #tpu.memory_space<hbm>>
      %dma_start3A_133 = arith.constant 0 : i32
      %dma_start3A_134 = tpu.memref_slice %arg10[%mul3A_125, %dma_start3A_133] : memref<10240x64xf32, #tpu.memory_space<vmem_shared>> -> memref<640x64xf32, #tpu.memory_space<vmem_shared>>
      tpu.enqueue_dma source(%dma_start3A_134 : memref<640x64xf32, #tpu.memory_space<vmem_shared>>) target(%dma_start3A_132 : memref<640x64xf32, #tpu.memory_space<hbm>>) target_semaphore(%run_scoped3A_129 : memref<!tpu.dma_semaphore, #tpu.memory_space<semaphore_mem>>)
      %dma_wait3A = arith.constant 0 : i32
      %dma_wait3A_135 = tpu.memref_slice %arg5[%arg0, %run_scoped3A_128, %mul3A_127, %dma_wait3A] : memref<2x2x10240x64xf32, #tpu.memory_space<hbm>> -> memref<1x1x640x64xf32, #tpu.memory_space<hbm>>
      %dma_wait3A_136 = tpu.memref_squeeze %dma_wait3A_135 : memref<1x1x640x64xf32, #tpu.memory_space<hbm>> -> memref<640x64xf32, #tpu.memory_space<hbm>>
      %dma_wait3A_137 = arith.constant 0 : i32
      %dma_wait3A_138 = tpu.memref_slice %arg10[%mul3A_125, %dma_wait3A_137] : memref<10240x64xf32, #tpu.memory_space<vmem_shared>> -> memref<640x64xf32, #tpu.memory_space<vmem_shared>>
      tpu.wait_dma2 semaphore(%run_scoped3A_129 : memref<!tpu.dma_semaphore, #tpu.memory_space<semaphore_mem>>) src(%dma_wait3A_138 : memref<640x64xf32, #tpu.memory_space<vmem_shared>>) dst(%dma_wait3A_136 : memref<640x64xf32, #tpu.memory_space<hbm>>)
      tpu.yield
    }) : () -> ()
    return
  }
}

module attributes {stable_mosaic.version = 14 : i64} {
  func.func @body(%arg0: i32, %arg1: memref<1x1xf32, #tpu.memory_space<smem>>, %arg2: memref<512x128xf32, #tpu.memory_space<vmem>>, %arg3: memref<128x128xf32, #tpu.memory_space<vmem>>, %arg4: memref<1x128xf32, #tpu.memory_space<vmem>>, %arg5: memref<512x128xf32, #tpu.memory_space<vmem>>, %arg6: memref<2x2x512x64xf32, #tpu.memory_space<vmem>>) attributes {dimension_semantics = [#tpu.dimension_semantics<arbitrary>], iteration_bounds = array<i64: 20>, scalar_prefetch = 0 : i64, scratch_operands = 0 : i64, tpu.core_type = #tpu.core_type<tc>, window_params = [{transform_indices = @transform_0, window_bounds = array<i64: 1, 1>}, {transform_indices = @transform_1, window_bounds = array<i64: 512, 128>}, {pipeline_mode = #tpu.pipeline_mode<synchronous>, transform_indices = @transform_2, window_bounds = array<i64: 128, 128>}, {pipeline_mode = #tpu.pipeline_mode<synchronous>, transform_indices = @transform_3, window_bounds = array<i64: 1, 128>}, {transform_indices = @transform_4, window_bounds = array<i64: 512, 128>}, {transform_indices = @transform_5, window_bounds = array<i64: 2, 2, 512, 64>}]} {
    %get3A = arith.constant 0 : index
    %get3A_0 = arith.constant 0 : index
    %get3A_1 = vector.load %arg2[%get3A, %get3A_0] : memref<512x128xf32, #tpu.memory_space<vmem>>, vector<512x128xf32>
    %get3A_2 = arith.constant 0 : index
    %get3A_3 = arith.constant 0 : index
    %get3A_4 = vector.load %arg3[%get3A_2, %get3A_3] : memref<128x128xf32, #tpu.memory_space<vmem>>, vector<128x128xf32>
    %dot_general3A = arith.constant dense<0.000000e+00> : vector<512x128xf32>
    %dot_general3A_5 = tpu.matmul %get3A_1, %get3A_4, %dot_general3A {dimension_numbers = #tpu.dot_dimension_numbers<[1], [0], [0], [1], [0, 0, 1, 1], [], []>, transpose_lhs_hint = false} : vector<512x128xf32>, vector<128x128xf32>, vector<512x128xf32> -> vector<512x128xf32>
    %get3A_6 = arith.constant 0 : index
    %get3A_7 = arith.constant 0 : index
    %get3A_8 = vector.load %arg4[%get3A_6, %get3A_7] : memref<1x128xf32, #tpu.memory_space<vmem>>, vector<1x128xf32>
    %add3A = vector.broadcast %get3A_8 : vector<1x128xf32> to vector<512x128xf32>
    %add3A_9 = arith.addf %dot_general3A_5, %add3A : vector<512x128xf32>
    %max3A = arith.constant 0.000000e+00 : f32
    %max3A_10 = vector.broadcast %max3A : f32 to vector<512x128xf32>
    %max3A_11 = arith.maximumf %add3A_9, %max3A_10 : vector<512x128xf32>
    %swap3A = arith.constant 0 : index
    %swap3A_12 = arith.constant 0 : index
    %swap3A_13 = vector.load %arg5[%swap3A, %swap3A_12] : memref<512x128xf32, #tpu.memory_space<vmem>>, vector<512x128xf32>
    tpu.vector_store %arg5[%swap3A, %swap3A_12], %max3A_11 {strides = array<i32>} : memref<512x128xf32, #tpu.memory_space<vmem>>, vector<512x128xf32>,
    %add3A_14 = arith.constant 1.000000e-07 : f32
    %add3A_15 = vector.broadcast %add3A_14 : f32 to vector<512x128xf32>
    %add3A_16 = arith.addf %max3A_11, %add3A_15 : vector<512x128xf32>
    %get3A_17 = arith.constant 0 : index
    %get3A_18 = arith.constant 0 : index
    %get3A_19 = memref.load %arg1[%get3A_17, %get3A_18] : memref<1x1xf32, #tpu.memory_space<smem>>
    %mul3A = vector.broadcast %get3A_19 : f32 to vector<512x128xf32>
    %mul3A_20 = arith.mulf %mul3A, %add3A_16 : vector<512x128xf32>
    %exp3A = math.exp %mul3A_20 : vector<512x128xf32>
    %mul3A_21 = arith.mulf %add3A_16, %exp3A : vector<512x128xf32>
    %slice3A = vector.extract_strided_slice %exp3A {offsets = [0, 0], sizes = [512, 64], strides = [1, 1]} : vector<512x128xf32> to vector<512x64xf32>
    %swap3A_22 = arith.constant 0 : index
    %swap3A_23 = arith.constant 0 : index
    %swap3A_24 = arith.constant 0 : index
    %swap3A_25 = arith.constant 0 : index
    %swap3A_26 = vector.load %arg6[%swap3A_22, %swap3A_23, %swap3A_24, %swap3A_25] : memref<2x2x512x64xf32, #tpu.memory_space<vmem>>, vector<1x1x512x64xf32>
    %swap3A_27 = vector.shape_cast %swap3A_26 : vector<1x1x512x64xf32> to vector<512x64xf32>
    %swap3A_28 = vector.shape_cast %slice3A : vector<512x64xf32> to vector<1x1x512x64xf32>
    tpu.vector_store %arg6[%swap3A_22, %swap3A_23, %swap3A_24, %swap3A_25], %swap3A_28 {strides = array<i32>} : memref<2x2x512x64xf32, #tpu.memory_space<vmem>>, vector<1x1x512x64xf32>,
    %slice3A_29 = vector.extract_strided_slice %exp3A {offsets = [0, 64], sizes = [512, 64], strides = [1, 1]} : vector<512x128xf32> to vector<512x64xf32>
    %swap3A_30 = arith.constant 0 : index
    %swap3A_31 = arith.constant 1 : index
    %swap3A_32 = arith.constant 0 : index
    %swap3A_33 = arith.constant 0 : index
    %swap3A_34 = vector.load %arg6[%swap3A_30, %swap3A_31, %swap3A_32, %swap3A_33] : memref<2x2x512x64xf32, #tpu.memory_space<vmem>>, vector<1x1x512x64xf32>
    %swap3A_35 = vector.shape_cast %swap3A_34 : vector<1x1x512x64xf32> to vector<512x64xf32>
    %swap3A_36 = vector.shape_cast %slice3A_29 : vector<512x64xf32> to vector<1x1x512x64xf32>
    tpu.vector_store %arg6[%swap3A_30, %swap3A_31, %swap3A_32, %swap3A_33], %swap3A_36 {strides = array<i32>} : memref<2x2x512x64xf32, #tpu.memory_space<vmem>>, vector<1x1x512x64xf32>,
    %slice3A_37 = vector.extract_strided_slice %mul3A_21 {offsets = [0, 0], sizes = [512, 64], strides = [1, 1]} : vector<512x128xf32> to vector<512x64xf32>
    %swap3A_38 = arith.constant 1 : index
    %swap3A_39 = arith.constant 0 : index
    %swap3A_40 = arith.constant 0 : index
    %swap3A_41 = arith.constant 0 : index
    %swap3A_42 = vector.load %arg6[%swap3A_38, %swap3A_39, %swap3A_40, %swap3A_41] : memref<2x2x512x64xf32, #tpu.memory_space<vmem>>, vector<1x1x512x64xf32>
    %swap3A_43 = vector.shape_cast %swap3A_42 : vector<1x1x512x64xf32> to vector<512x64xf32>
    %swap3A_44 = vector.shape_cast %slice3A_37 : vector<512x64xf32> to vector<1x1x512x64xf32>
    tpu.vector_store %arg6[%swap3A_38, %swap3A_39, %swap3A_40, %swap3A_41], %swap3A_44 {strides = array<i32>} : memref<2x2x512x64xf32, #tpu.memory_space<vmem>>, vector<1x1x512x64xf32>,
    %slice3A_45 = vector.extract_strided_slice %mul3A_21 {offsets = [0, 64], sizes = [512, 64], strides = [1, 1]} : vector<512x128xf32> to vector<512x64xf32>
    %swap3A_46 = arith.constant 1 : index
    %swap3A_47 = arith.constant 1 : index
    %swap3A_48 = arith.constant 0 : index
    %swap3A_49 = arith.constant 0 : index
    %swap3A_50 = vector.load %arg6[%swap3A_46, %swap3A_47, %swap3A_48, %swap3A_49] : memref<2x2x512x64xf32, #tpu.memory_space<vmem>>, vector<1x1x512x64xf32>
    %swap3A_51 = vector.shape_cast %swap3A_50 : vector<1x1x512x64xf32> to vector<512x64xf32>
    %swap3A_52 = vector.shape_cast %slice3A_45 : vector<512x64xf32> to vector<1x1x512x64xf32>
    tpu.vector_store %arg6[%swap3A_46, %swap3A_47, %swap3A_48, %swap3A_49], %swap3A_52 {strides = array<i32>} : memref<2x2x512x64xf32, #tpu.memory_space<vmem>>, vector<1x1x512x64xf32>,
    return
  }
  func.func @transform_0(%arg0: i32) -> (i32, i32) {
    %c0_i32 = arith.constant 0 : i32
    %c0_i32_0 = arith.constant 0 : i32
    %c0_i32_1 = arith.constant 0 : i32
    return %c0_i32, %c0_i32_0 : i32, i32
  }
  func.func @transform_1(%arg0: i32) -> (i32, i32) {
    %c0_i32 = arith.constant 0 : i32
    %c0_i32_0 = arith.constant 0 : i32
    return %arg0, %c0_i32 : i32, i32
  }
  func.func @transform_2(%arg0: i32) -> (i32, i32) {
    %c0_i32 = arith.constant 0 : i32
    %c0_i32_0 = arith.constant 0 : i32
    %c0_i32_1 = arith.constant 0 : i32
    return %c0_i32, %c0_i32_0 : i32, i32
  }
  func.func @transform_3(%arg0: i32) -> (i32, i32) {
    %c0_i32 = arith.constant 0 : i32
    %c0_i32_0 = arith.constant 0 : i32
    %c0_i32_1 = arith.constant 0 : i32
    return %c0_i32, %c0_i32_0 : i32, i32
  }
  func.func @transform_4(%arg0: i32) -> (i32, i32) {
    %c0_i32 = arith.constant 0 : i32
    %c0_i32_0 = arith.constant 0 : i32
    return %arg0, %c0_i32 : i32, i32
  }
  func.func @transform_5(%arg0: i32) -> (i32, i32, i32, i32) {
    %c0_i32 = arith.constant 0 : i32
    %c0_i32_0 = arith.constant 0 : i32
    %c0_i32_1 = arith.constant 0 : i32
    %c0_i32_2 = arith.constant 0 : i32
    return %c0_i32, %c0_i32_0, %arg0, %c0_i32_1 : i32, i32, i32, i32
  }
}

module attributes {stable_mosaic.version = 14 : i64} {
  func.func @body(%arg0: i32, %arg1: memref<1x1xf32, #tpu.memory_space<smem>>, %arg2: memref<512x128xf32, #tpu.memory_space<vmem>>, %arg3: memref<2x2x512x64xf32, #tpu.memory_space<vmem>>, %arg4: memref<128x256xf32, #tpu.memory_space<vmem>>, %arg5: memref<1x256xf32, #tpu.memory_space<vmem>>, %arg6: memref<1x256xf32, #tpu.memory_space<vmem>>, %arg7: memref<1x256xf32, #tpu.memory_space<vmem>>, %arg8: memref<256x128xf32, #tpu.memory_space<vmem>>, %arg9: memref<1x128xf32, #tpu.memory_space<vmem>>, %arg10: memref<512x128xf32, #tpu.memory_space<vmem>>, %arg11: memref<2x2x512x64xf32, #tpu.memory_space<vmem>>) attributes {dimension_semantics = [#tpu.dimension_semantics<arbitrary>], iteration_bounds = array<i64: 20>, scalar_prefetch = 0 : i64, scratch_operands = 0 : i64, tpu.core_type = #tpu.core_type<tc>, window_params = [{transform_indices = @transform_0, window_bounds = array<i64: 1, 1>}, {transform_indices = @transform_1, window_bounds = array<i64: 512, 128>}, {transform_indices = @transform_2, window_bounds = array<i64: 2, 2, 512, 64>}, {pipeline_mode = #tpu.pipeline_mode<synchronous>, transform_indices = @transform_3, window_bounds = array<i64: 128, 256>}, {pipeline_mode = #tpu.pipeline_mode<synchronous>, transform_indices = @transform_4, window_bounds = array<i64: 1, 256>}, {pipeline_mode = #tpu.pipeline_mode<synchronous>, transform_indices = @transform_5, window_bounds = array<i64: 1, 256>}, {pipeline_mode = #tpu.pipeline_mode<synchronous>, transform_indices = @transform_6, window_bounds = array<i64: 1, 256>}, {pipeline_mode = #tpu.pipeline_mode<synchronous>, transform_indices = @transform_7, window_bounds = array<i64: 256, 128>}, {pipeline_mode = #tpu.pipeline_mode<synchronous>, transform_indices = @transform_8, window_bounds = array<i64: 1, 128>}, {transform_indices = @transform_9, window_bounds = array<i64: 512, 128>}, {transform_indices = @transform_10, window_bounds = array<i64: 2, 2, 512, 64>}]} {
    %get3A = arith.constant 1 : index
    %get3A_0 = arith.constant 0 : index
    %get3A_1 = arith.constant 0 : index
    %get3A_2 = arith.constant 0 : index
    %get3A_3 = vector.load %arg3[%get3A, %get3A_0, %get3A_1, %get3A_2] : memref<2x2x512x64xf32, #tpu.memory_space<vmem>>, vector<1x1x512x64xf32>
    %get3A_4 = vector.shape_cast %get3A_3 : vector<1x1x512x64xf32> to vector<512x64xf32>
    %get3A_5 = arith.constant 0 : index
    %get3A_6 = arith.constant 0 : index
    %get3A_7 = arith.constant 0 : index
    %get3A_8 = arith.constant 0 : index
    %get3A_9 = vector.load %arg3[%get3A_5, %get3A_6, %get3A_7, %get3A_8] : memref<2x2x512x64xf32, #tpu.memory_space<vmem>>, vector<1x1x512x64xf32>
    %get3A_10 = vector.shape_cast %get3A_9 : vector<1x1x512x64xf32> to vector<512x64xf32>
    %add3A = arith.constant 1.000000e-16 : f32
    %add3A_11 = vector.broadcast %add3A : f32 to vector<512x64xf32>
    %add3A_12 = arith.addf %get3A_10, %add3A_11 : vector<512x64xf32>
    %div3A = arith.divf %get3A_4, %add3A_12 : vector<512x64xf32>
    %get3A_13 = arith.constant 1 : index
    %get3A_14 = arith.constant 1 : index
    %get3A_15 = arith.constant 0 : index
    %get3A_16 = arith.constant 0 : index
    %get3A_17 = vector.load %arg3[%get3A_13, %get3A_14, %get3A_15, %get3A_16] : memref<2x2x512x64xf32, #tpu.memory_space<vmem>>, vector<1x1x512x64xf32>
    %get3A_18 = vector.shape_cast %get3A_17 : vector<1x1x512x64xf32> to vector<512x64xf32>
    %get3A_19 = arith.constant 0 : index
    %get3A_20 = arith.constant 1 : index
    %get3A_21 = arith.constant 0 : index
    %get3A_22 = arith.constant 0 : index
    %get3A_23 = vector.load %arg3[%get3A_19, %get3A_20, %get3A_21, %get3A_22] : memref<2x2x512x64xf32, #tpu.memory_space<vmem>>, vector<1x1x512x64xf32>
    %get3A_24 = vector.shape_cast %get3A_23 : vector<1x1x512x64xf32> to vector<512x64xf32>
    %add3A_25 = arith.constant 1.000000e-16 : f32
    %add3A_26 = vector.broadcast %add3A_25 : f32 to vector<512x64xf32>
    %add3A_27 = arith.addf %get3A_24, %add3A_26 : vector<512x64xf32>
    %div3A_28 = arith.divf %get3A_18, %add3A_27 : vector<512x64xf32>
    %concatenate3A = tpu.concatenate %div3A, %div3A_28 in 1 : vector<512x64xf32>, vector<512x64xf32> -> vector<512x128xf32>
    %get3A_29 = arith.constant 0 : index
    %get3A_30 = arith.constant 0 : index
    %get3A_31 = vector.load %arg2[%get3A_29, %get3A_30] : memref<512x128xf32, #tpu.memory_space<vmem>>, vector<512x128xf32>
    %add3A_32 = arith.addf %concatenate3A, %get3A_31 : vector<512x128xf32>
    %get3A_33 = arith.constant 0 : index
    %get3A_34 = arith.constant 0 : index
    %get3A_35 = vector.load %arg4[%get3A_33, %get3A_34] : memref<128x256xf32, #tpu.memory_space<vmem>>, vector<128x256xf32>
    %dot_general3A = arith.constant dense<0.000000e+00> : vector<512x256xf32>
    %dot_general3A_36 = tpu.matmul %add3A_32, %get3A_35, %dot_general3A {dimension_numbers = #tpu.dot_dimension_numbers<[1], [0], [0], [1], [0, 0, 1, 1], [], []>, transpose_lhs_hint = false} : vector<512x128xf32>, vector<128x256xf32>, vector<512x256xf32> -> vector<512x256xf32>
    %get3A_37 = arith.constant 0 : index
    %get3A_38 = arith.constant 0 : index
    %get3A_39 = vector.load %arg5[%get3A_37, %get3A_38] : memref<1x256xf32, #tpu.memory_space<vmem>>, vector<1x256xf32>
    %add3A_40 = vector.broadcast %get3A_39 : vector<1x256xf32> to vector<512x256xf32>
    %add3A_41 = arith.addf %dot_general3A_36, %add3A_40 : vector<512x256xf32>
    %get3A_42 = arith.constant 0 : index
    %get3A_43 = arith.constant 0 : index
    %get3A_44 = vector.load %arg6[%get3A_42, %get3A_43] : memref<1x256xf32, #tpu.memory_space<vmem>>, vector<1x256xf32>
    %get3A_45 = arith.constant 0 : index
    %get3A_46 = arith.constant 0 : index
    %get3A_47 = vector.load %arg7[%get3A_45, %get3A_46] : memref<1x256xf32, #tpu.memory_space<vmem>>, vector<1x256xf32>
    %reduce_sum3A = arith.constant dense<0.000000e+00> : vector<512xf32>
    %reduce_sum3A_48 = vector.multi_reduction <add>, %add3A_41, %reduce_sum3A [1] : vector<512x256xf32> to vector<512xf32>
    %broadcast_in_dim3A = vector.shape_cast %reduce_sum3A_48 : vector<512xf32> to vector<512x1xf32>
    %div3A_49 = arith.constant 2.560000e+02 : f32
    %div3A_50 = vector.broadcast %div3A_49 : f32 to vector<512x1xf32>
    %div3A_51 = arith.divf %broadcast_in_dim3A, %div3A_50 : vector<512x1xf32>
    %sub3A = vector.broadcast %div3A_51 : vector<512x1xf32> to vector<512x256xf32>
    %sub3A_52 = arith.subf %add3A_41, %sub3A : vector<512x256xf32>
    %integer_pow3A = arith.mulf %sub3A_52, %sub3A_52 : vector<512x256xf32>
    %reduce_sum3A_53 = arith.constant dense<0.000000e+00> : vector<512xf32>
    %reduce_sum3A_54 = vector.multi_reduction <add>, %integer_pow3A, %reduce_sum3A_53 [1] : vector<512x256xf32> to vector<512xf32>
    %broadcast_in_dim3A_55 = vector.shape_cast %reduce_sum3A_54 : vector<512xf32> to vector<512x1xf32>
    %div3A_56 = arith.constant 2.560000e+02 : f32
    %div3A_57 = vector.broadcast %div3A_56 : f32 to vector<512x1xf32>
    %div3A_58 = arith.divf %broadcast_in_dim3A_55, %div3A_57 : vector<512x1xf32>
    %sub3A_59 = vector.broadcast %div3A_51 : vector<512x1xf32> to vector<512x256xf32>
    %sub3A_60 = arith.subf %add3A_41, %sub3A_59 : vector<512x256xf32>
    %add3A_61 = arith.constant 9.99999974E-6 : f32
    %add3A_62 = vector.broadcast %add3A_61 : f32 to vector<512x1xf32>
    %add3A_63 = arith.addf %div3A_58, %add3A_62 : vector<512x1xf32>
    %sqrt3A = math.sqrt %add3A_63 : vector<512x1xf32>
    %div3A_64 = vector.broadcast %sqrt3A : vector<512x1xf32> to vector<512x256xf32>
    %div3A_65 = arith.divf %sub3A_60, %div3A_64 : vector<512x256xf32>
    %mul3A = vector.broadcast %get3A_44 : vector<1x256xf32> to vector<512x256xf32>
    %mul3A_66 = arith.mulf %div3A_65, %mul3A : vector<512x256xf32>
    %add3A_67 = vector.broadcast %get3A_47 : vector<1x256xf32> to vector<512x256xf32>
    %add3A_68 = arith.addf %mul3A_66, %add3A_67 : vector<512x256xf32>
    %max3A = arith.constant 0.000000e+00 : f32
    %max3A_69 = vector.broadcast %max3A : f32 to vector<512x256xf32>
    %max3A_70 = arith.maximumf %add3A_68, %max3A_69 : vector<512x256xf32>
    %get3A_71 = arith.constant 0 : index
    %get3A_72 = arith.constant 0 : index
    %get3A_73 = vector.load %arg8[%get3A_71, %get3A_72] : memref<256x128xf32, #tpu.memory_space<vmem>>, vector<256x128xf32>
    %dot_general3A_74 = arith.constant dense<0.000000e+00> : vector<512x128xf32>
    %dot_general3A_75 = tpu.matmul %max3A_70, %get3A_73, %dot_general3A_74 {dimension_numbers = #tpu.dot_dimension_numbers<[1], [0], [0], [1], [0, 0, 1, 1], [], []>, transpose_lhs_hint = false} : vector<512x256xf32>, vector<256x128xf32>, vector<512x128xf32> -> vector<512x128xf32>
    %get3A_76 = arith.constant 0 : index
    %get3A_77 = arith.constant 0 : index
    %get3A_78 = vector.load %arg9[%get3A_76, %get3A_77] : memref<1x128xf32, #tpu.memory_space<vmem>>, vector<1x128xf32>
    %add3A_79 = vector.broadcast %get3A_78 : vector<1x128xf32> to vector<512x128xf32>
    %add3A_80 = arith.addf %dot_general3A_75, %add3A_79 : vector<512x128xf32>
    %swap3A = arith.constant 0 : index
    %swap3A_81 = arith.constant 0 : index
    %swap3A_82 = vector.load %arg10[%swap3A, %swap3A_81] : memref<512x128xf32, #tpu.memory_space<vmem>>, vector<512x128xf32>
    tpu.vector_store %arg10[%swap3A, %swap3A_81], %add3A_80 {strides = array<i32>} : memref<512x128xf32, #tpu.memory_space<vmem>>, vector<512x128xf32>,
    %max3A_83 = arith.constant 0.000000e+00 : f32
    %max3A_84 = vector.broadcast %max3A_83 : f32 to vector<512x128xf32>
    %max3A_85 = arith.maximumf %add3A_80, %max3A_84 : vector<512x128xf32>
    %add3A_86 = arith.constant 1.000000e-07 : f32
    %add3A_87 = vector.broadcast %add3A_86 : f32 to vector<512x128xf32>
    %add3A_88 = arith.addf %max3A_85, %add3A_87 : vector<512x128xf32>
    %get3A_89 = arith.constant 0 : index
    %get3A_90 = arith.constant 0 : index
    %get3A_91 = memref.load %arg1[%get3A_89, %get3A_90] : memref<1x1xf32, #tpu.memory_space<smem>>
    %mul3A_92 = vector.broadcast %get3A_91 : f32 to vector<512x128xf32>
    %mul3A_93 = arith.mulf %mul3A_92, %add3A_88 : vector<512x128xf32>
    %exp3A = math.exp %mul3A_93 : vector<512x128xf32>
    %mul3A_94 = arith.mulf %add3A_88, %exp3A : vector<512x128xf32>
    %slice3A = vector.extract_strided_slice %exp3A {offsets = [0, 0], sizes = [512, 64], strides = [1, 1]} : vector<512x128xf32> to vector<512x64xf32>
    %swap3A_95 = arith.constant 0 : index
    %swap3A_96 = arith.constant 0 : index
    %swap3A_97 = arith.constant 0 : index
    %swap3A_98 = arith.constant 0 : index
    %swap3A_99 = vector.load %arg11[%swap3A_95, %swap3A_96, %swap3A_97, %swap3A_98] : memref<2x2x512x64xf32, #tpu.memory_space<vmem>>, vector<1x1x512x64xf32>
    %swap3A_100 = vector.shape_cast %swap3A_99 : vector<1x1x512x64xf32> to vector<512x64xf32>
    %swap3A_101 = vector.shape_cast %slice3A : vector<512x64xf32> to vector<1x1x512x64xf32>
    tpu.vector_store %arg11[%swap3A_95, %swap3A_96, %swap3A_97, %swap3A_98], %swap3A_101 {strides = array<i32>} : memref<2x2x512x64xf32, #tpu.memory_space<vmem>>, vector<1x1x512x64xf32>,
    %slice3A_102 = vector.extract_strided_slice %exp3A {offsets = [0, 64], sizes = [512, 64], strides = [1, 1]} : vector<512x128xf32> to vector<512x64xf32>
    %swap3A_103 = arith.constant 0 : index
    %swap3A_104 = arith.constant 1 : index
    %swap3A_105 = arith.constant 0 : index
    %swap3A_106 = arith.constant 0 : index
    %swap3A_107 = vector.load %arg11[%swap3A_103, %swap3A_104, %swap3A_105, %swap3A_106] : memref<2x2x512x64xf32, #tpu.memory_space<vmem>>, vector<1x1x512x64xf32>
    %swap3A_108 = vector.shape_cast %swap3A_107 : vector<1x1x512x64xf32> to vector<512x64xf32>
    %swap3A_109 = vector.shape_cast %slice3A_102 : vector<512x64xf32> to vector<1x1x512x64xf32>
    tpu.vector_store %arg11[%swap3A_103, %swap3A_104, %swap3A_105, %swap3A_106], %swap3A_109 {strides = array<i32>} : memref<2x2x512x64xf32, #tpu.memory_space<vmem>>, vector<1x1x512x64xf32>,
    %slice3A_110 = vector.extract_strided_slice %mul3A_94 {offsets = [0, 0], sizes = [512, 64], strides = [1, 1]} : vector<512x128xf32> to vector<512x64xf32>
    %swap3A_111 = arith.constant 1 : index
    %swap3A_112 = arith.constant 0 : index
    %swap3A_113 = arith.constant 0 : index
    %swap3A_114 = arith.constant 0 : index
    %swap3A_115 = vector.load %arg11[%swap3A_111, %swap3A_112, %swap3A_113, %swap3A_114] : memref<2x2x512x64xf32, #tpu.memory_space<vmem>>, vector<1x1x512x64xf32>
    %swap3A_116 = vector.shape_cast %swap3A_115 : vector<1x1x512x64xf32> to vector<512x64xf32>
    %swap3A_117 = vector.shape_cast %slice3A_110 : vector<512x64xf32> to vector<1x1x512x64xf32>
    tpu.vector_store %arg11[%swap3A_111, %swap3A_112, %swap3A_113, %swap3A_114], %swap3A_117 {strides = array<i32>} : memref<2x2x512x64xf32, #tpu.memory_space<vmem>>, vector<1x1x512x64xf32>,
    %slice3A_118 = vector.extract_strided_slice %mul3A_94 {offsets = [0, 64], sizes = [512, 64], strides = [1, 1]} : vector<512x128xf32> to vector<512x64xf32>
    %swap3A_119 = arith.constant 1 : index
    %swap3A_120 = arith.constant 1 : index
    %swap3A_121 = arith.constant 0 : index
    %swap3A_122 = arith.constant 0 : index
    %swap3A_123 = vector.load %arg11[%swap3A_119, %swap3A_120, %swap3A_121, %swap3A_122] : memref<2x2x512x64xf32, #tpu.memory_space<vmem>>, vector<1x1x512x64xf32>
    %swap3A_124 = vector.shape_cast %swap3A_123 : vector<1x1x512x64xf32> to vector<512x64xf32>
    %swap3A_125 = vector.shape_cast %slice3A_118 : vector<512x64xf32> to vector<1x1x512x64xf32>
    tpu.vector_store %arg11[%swap3A_119, %swap3A_120, %swap3A_121, %swap3A_122], %swap3A_125 {strides = array<i32>} : memref<2x2x512x64xf32, #tpu.memory_space<vmem>>, vector<1x1x512x64xf32>,
    return
  }
  func.func @transform_0(%arg0: i32) -> (i32, i32) {
    %c0_i32 = arith.constant 0 : i32
    %c0_i32_0 = arith.constant 0 : i32
    %c0_i32_1 = arith.constant 0 : i32
    return %c0_i32, %c0_i32_0 : i32, i32
  }
  func.func @transform_1(%arg0: i32) -> (i32, i32) {
    %c0_i32 = arith.constant 0 : i32
    %c0_i32_0 = arith.constant 0 : i32
    return %arg0, %c0_i32 : i32, i32
  }
  func.func @transform_2(%arg0: i32) -> (i32, i32, i32, i32) {
    %c0_i32 = arith.constant 0 : i32
    %c0_i32_0 = arith.constant 0 : i32
    %c0_i32_1 = arith.constant 0 : i32
    %c0_i32_2 = arith.constant 0 : i32
    return %c0_i32, %c0_i32_0, %arg0, %c0_i32_1 : i32, i32, i32, i32
  }
  func.func @transform_3(%arg0: i32) -> (i32, i32) {
    %c0_i32 = arith.constant 0 : i32
    %c0_i32_0 = arith.constant 0 : i32
    %c0_i32_1 = arith.constant 0 : i32
    return %c0_i32, %c0_i32_0 : i32, i32
  }
  func.func @transform_4(%arg0: i32) -> (i32, i32) {
    %c0_i32 = arith.constant 0 : i32
    %c0_i32_0 = arith.constant 0 : i32
    %c0_i32_1 = arith.constant 0 : i32
    return %c0_i32, %c0_i32_0 : i32, i32
  }
  func.func @transform_5(%arg0: i32) -> (i32, i32) {
    %c0_i32 = arith.constant 0 : i32
    %c0_i32_0 = arith.constant 0 : i32
    %c0_i32_1 = arith.constant 0 : i32
    return %c0_i32, %c0_i32_0 : i32, i32
  }
  func.func @transform_6(%arg0: i32) -> (i32, i32) {
    %c0_i32 = arith.constant 0 : i32
    %c0_i32_0 = arith.constant 0 : i32
    %c0_i32_1 = arith.constant 0 : i32
    return %c0_i32, %c0_i32_0 : i32, i32
  }
  func.func @transform_7(%arg0: i32) -> (i32, i32) {
    %c0_i32 = arith.constant 0 : i32
    %c0_i32_0 = arith.constant 0 : i32
    %c0_i32_1 = arith.constant 0 : i32
    return %c0_i32, %c0_i32_0 : i32, i32
  }
  func.func @transform_8(%arg0: i32) -> (i32, i32) {
    %c0_i32 = arith.constant 0 : i32
    %c0_i32_0 = arith.constant 0 : i32
    %c0_i32_1 = arith.constant 0 : i32
    return %c0_i32, %c0_i32_0 : i32, i32
  }
  func.func @transform_9(%arg0: i32) -> (i32, i32) {
    %c0_i32 = arith.constant 0 : i32
    %c0_i32_0 = arith.constant 0 : i32
    return %arg0, %c0_i32 : i32, i32
  }
  func.func @transform_10(%arg0: i32) -> (i32, i32, i32, i32) {
    %c0_i32 = arith.constant 0 : i32
    %c0_i32_0 = arith.constant 0 : i32
    %c0_i32_1 = arith.constant 0 : i32
    %c0_i32_2 = arith.constant 0 : i32
    return %c0_i32, %c0_i32_0, %arg0, %c0_i32_1 : i32, i32, i32, i32
  }
}

module attributes {stable_mosaic.version = 14 : i64} {
  func.func @body(%arg0: i32, %arg1: memref<1x1xf32, #tpu.memory_space<smem>>, %arg2: memref<512x128xf32, #tpu.memory_space<vmem>>, %arg3: memref<2x2x512x64xf32, #tpu.memory_space<vmem>>, %arg4: memref<128x256xf32, #tpu.memory_space<vmem>>, %arg5: memref<1x256xf32, #tpu.memory_space<vmem>>, %arg6: memref<1x256xf32, #tpu.memory_space<vmem>>, %arg7: memref<1x256xf32, #tpu.memory_space<vmem>>, %arg8: memref<256x128xf32, #tpu.memory_space<vmem>>, %arg9: memref<1x128xf32, #tpu.memory_space<vmem>>, %arg10: memref<1x128xf32, #tpu.memory_space<vmem>>, %arg11: memref<1x128xf32, #tpu.memory_space<vmem>>, %arg12: memref<512x128xf32, #tpu.memory_space<vmem>>, %arg13: memref<2x2x512x64xf32, #tpu.memory_space<vmem>>) attributes {dimension_semantics = [#tpu.dimension_semantics<arbitrary>], iteration_bounds = array<i64: 20>, scalar_prefetch = 0 : i64, scratch_operands = 0 : i64, tpu.core_type = #tpu.core_type<tc>, window_params = [{transform_indices = @transform_0, window_bounds = array<i64: 1, 1>}, {transform_indices = @transform_1, window_bounds = array<i64: 512, 128>}, {transform_indices = @transform_2, window_bounds = array<i64: 2, 2, 512, 64>}, {pipeline_mode = #tpu.pipeline_mode<synchronous>, transform_indices = @transform_3, window_bounds = array<i64: 128, 256>}, {pipeline_mode = #tpu.pipeline_mode<synchronous>, transform_indices = @transform_4, window_bounds = array<i64: 1, 256>}, {pipeline_mode = #tpu.pipeline_mode<synchronous>, transform_indices = @transform_5, window_bounds = array<i64: 1, 256>}, {pipeline_mode = #tpu.pipeline_mode<synchronous>, transform_indices = @transform_6, window_bounds = array<i64: 1, 256>}, {pipeline_mode = #tpu.pipeline_mode<synchronous>, transform_indices = @transform_7, window_bounds = array<i64: 256, 128>}, {pipeline_mode = #tpu.pipeline_mode<synchronous>, transform_indices = @transform_8, window_bounds = array<i64: 1, 128>}, {pipeline_mode = #tpu.pipeline_mode<synchronous>, transform_indices = @transform_9, window_bounds = array<i64: 1, 128>}, {pipeline_mode = #tpu.pipeline_mode<synchronous>, transform_indices = @transform_10, window_bounds = array<i64: 1, 128>}, {transform_indices = @transform_11, window_bounds = array<i64: 512, 128>}, {transform_indices = @transform_12, window_bounds = array<i64: 2, 2, 512, 64>}]} {
    %get3A = arith.constant 1 : index
    %get3A_0 = arith.constant 0 : index
    %get3A_1 = arith.constant 0 : index
    %get3A_2 = arith.constant 0 : index
    %get3A_3 = vector.load %arg3[%get3A, %get3A_0, %get3A_1, %get3A_2] : memref<2x2x512x64xf32, #tpu.memory_space<vmem>>, vector<1x1x512x64xf32>
    %get3A_4 = vector.shape_cast %get3A_3 : vector<1x1x512x64xf32> to vector<512x64xf32>
    %get3A_5 = arith.constant 0 : index
    %get3A_6 = arith.constant 0 : index
    %get3A_7 = arith.constant 0 : index
    %get3A_8 = arith.constant 0 : index
    %get3A_9 = vector.load %arg3[%get3A_5, %get3A_6, %get3A_7, %get3A_8] : memref<2x2x512x64xf32, #tpu.memory_space<vmem>>, vector<1x1x512x64xf32>
    %get3A_10 = vector.shape_cast %get3A_9 : vector<1x1x512x64xf32> to vector<512x64xf32>
    %add3A = arith.constant 1.000000e-16 : f32
    %add3A_11 = vector.broadcast %add3A : f32 to vector<512x64xf32>
    %add3A_12 = arith.addf %get3A_10, %add3A_11 : vector<512x64xf32>
    %div3A = arith.divf %get3A_4, %add3A_12 : vector<512x64xf32>
    %get3A_13 = arith.constant 1 : index
    %get3A_14 = arith.constant 1 : index
    %get3A_15 = arith.constant 0 : index
    %get3A_16 = arith.constant 0 : index
    %get3A_17 = vector.load %arg3[%get3A_13, %get3A_14, %get3A_15, %get3A_16] : memref<2x2x512x64xf32, #tpu.memory_space<vmem>>, vector<1x1x512x64xf32>
    %get3A_18 = vector.shape_cast %get3A_17 : vector<1x1x512x64xf32> to vector<512x64xf32>
    %get3A_19 = arith.constant 0 : index
    %get3A_20 = arith.constant 1 : index
    %get3A_21 = arith.constant 0 : index
    %get3A_22 = arith.constant 0 : index
    %get3A_23 = vector.load %arg3[%get3A_19, %get3A_20, %get3A_21, %get3A_22] : memref<2x2x512x64xf32, #tpu.memory_space<vmem>>, vector<1x1x512x64xf32>
    %get3A_24 = vector.shape_cast %get3A_23 : vector<1x1x512x64xf32> to vector<512x64xf32>
    %add3A_25 = arith.constant 1.000000e-16 : f32
    %add3A_26 = vector.broadcast %add3A_25 : f32 to vector<512x64xf32>
    %add3A_27 = arith.addf %get3A_24, %add3A_26 : vector<512x64xf32>
    %div3A_28 = arith.divf %get3A_18, %add3A_27 : vector<512x64xf32>
    %concatenate3A = tpu.concatenate %div3A, %div3A_28 in 1 : vector<512x64xf32>, vector<512x64xf32> -> vector<512x128xf32>
    %get3A_29 = arith.constant 0 : index
    %get3A_30 = arith.constant 0 : index
    %get3A_31 = vector.load %arg2[%get3A_29, %get3A_30] : memref<512x128xf32, #tpu.memory_space<vmem>>, vector<512x128xf32>
    %add3A_32 = arith.addf %concatenate3A, %get3A_31 : vector<512x128xf32>
    %get3A_33 = arith.constant 0 : index
    %get3A_34 = arith.constant 0 : index
    %get3A_35 = vector.load %arg4[%get3A_33, %get3A_34] : memref<128x256xf32, #tpu.memory_space<vmem>>, vector<128x256xf32>
    %dot_general3A = arith.constant dense<0.000000e+00> : vector<512x256xf32>
    %dot_general3A_36 = tpu.matmul %add3A_32, %get3A_35, %dot_general3A {dimension_numbers = #tpu.dot_dimension_numbers<[1], [0], [0], [1], [0, 0, 1, 1], [], []>, transpose_lhs_hint = false} : vector<512x128xf32>, vector<128x256xf32>, vector<512x256xf32> -> vector<512x256xf32>
    %get3A_37 = arith.constant 0 : index
    %get3A_38 = arith.constant 0 : index
    %get3A_39 = vector.load %arg5[%get3A_37, %get3A_38] : memref<1x256xf32, #tpu.memory_space<vmem>>, vector<1x256xf32>
    %add3A_40 = vector.broadcast %get3A_39 : vector<1x256xf32> to vector<512x256xf32>
    %add3A_41 = arith.addf %dot_general3A_36, %add3A_40 : vector<512x256xf32>
    %get3A_42 = arith.constant 0 : index
    %get3A_43 = arith.constant 0 : index
    %get3A_44 = vector.load %arg6[%get3A_42, %get3A_43] : memref<1x256xf32, #tpu.memory_space<vmem>>, vector<1x256xf32>
    %get3A_45 = arith.constant 0 : index
    %get3A_46 = arith.constant 0 : index
    %get3A_47 = vector.load %arg7[%get3A_45, %get3A_46] : memref<1x256xf32, #tpu.memory_space<vmem>>, vector<1x256xf32>
    %reduce_sum3A = arith.constant dense<0.000000e+00> : vector<512xf32>
    %reduce_sum3A_48 = vector.multi_reduction <add>, %add3A_41, %reduce_sum3A [1] : vector<512x256xf32> to vector<512xf32>
    %broadcast_in_dim3A = vector.shape_cast %reduce_sum3A_48 : vector<512xf32> to vector<512x1xf32>
    %div3A_49 = arith.constant 2.560000e+02 : f32
    %div3A_50 = vector.broadcast %div3A_49 : f32 to vector<512x1xf32>
    %div3A_51 = arith.divf %broadcast_in_dim3A, %div3A_50 : vector<512x1xf32>
    %sub3A = vector.broadcast %div3A_51 : vector<512x1xf32> to vector<512x256xf32>
    %sub3A_52 = arith.subf %add3A_41, %sub3A : vector<512x256xf32>
    %integer_pow3A = arith.mulf %sub3A_52, %sub3A_52 : vector<512x256xf32>
    %reduce_sum3A_53 = arith.constant dense<0.000000e+00> : vector<512xf32>
    %reduce_sum3A_54 = vector.multi_reduction <add>, %integer_pow3A, %reduce_sum3A_53 [1] : vector<512x256xf32> to vector<512xf32>
    %broadcast_in_dim3A_55 = vector.shape_cast %reduce_sum3A_54 : vector<512xf32> to vector<512x1xf32>
    %div3A_56 = arith.constant 2.560000e+02 : f32
    %div3A_57 = vector.broadcast %div3A_56 : f32 to vector<512x1xf32>
    %div3A_58 = arith.divf %broadcast_in_dim3A_55, %div3A_57 : vector<512x1xf32>
    %sub3A_59 = vector.broadcast %div3A_51 : vector<512x1xf32> to vector<512x256xf32>
    %sub3A_60 = arith.subf %add3A_41, %sub3A_59 : vector<512x256xf32>
    %add3A_61 = arith.constant 9.99999974E-6 : f32
    %add3A_62 = vector.broadcast %add3A_61 : f32 to vector<512x1xf32>
    %add3A_63 = arith.addf %div3A_58, %add3A_62 : vector<512x1xf32>
    %sqrt3A = math.sqrt %add3A_63 : vector<512x1xf32>
    %div3A_64 = vector.broadcast %sqrt3A : vector<512x1xf32> to vector<512x256xf32>
    %div3A_65 = arith.divf %sub3A_60, %div3A_64 : vector<512x256xf32>
    %mul3A = vector.broadcast %get3A_44 : vector<1x256xf32> to vector<512x256xf32>
    %mul3A_66 = arith.mulf %div3A_65, %mul3A : vector<512x256xf32>
    %add3A_67 = vector.broadcast %get3A_47 : vector<1x256xf32> to vector<512x256xf32>
    %add3A_68 = arith.addf %mul3A_66, %add3A_67 : vector<512x256xf32>
    %max3A = arith.constant 0.000000e+00 : f32
    %max3A_69 = vector.broadcast %max3A : f32 to vector<512x256xf32>
    %max3A_70 = arith.maximumf %add3A_68, %max3A_69 : vector<512x256xf32>
    %get3A_71 = arith.constant 0 : index
    %get3A_72 = arith.constant 0 : index
    %get3A_73 = vector.load %arg8[%get3A_71, %get3A_72] : memref<256x128xf32, #tpu.memory_space<vmem>>, vector<256x128xf32>
    %dot_general3A_74 = arith.constant dense<0.000000e+00> : vector<512x128xf32>
    %dot_general3A_75 = tpu.matmul %max3A_70, %get3A_73, %dot_general3A_74 {dimension_numbers = #tpu.dot_dimension_numbers<[1], [0], [0], [1], [0, 0, 1, 1], [], []>, transpose_lhs_hint = false} : vector<512x256xf32>, vector<256x128xf32>, vector<512x128xf32> -> vector<512x128xf32>
    %get3A_76 = arith.constant 0 : index
    %get3A_77 = arith.constant 0 : index
    %get3A_78 = vector.load %arg9[%get3A_76, %get3A_77] : memref<1x128xf32, #tpu.memory_space<vmem>>, vector<1x128xf32>
    %add3A_79 = vector.broadcast %get3A_78 : vector<1x128xf32> to vector<512x128xf32>
    %add3A_80 = arith.addf %dot_general3A_75, %add3A_79 : vector<512x128xf32>
    %get3A_81 = arith.constant 0 : index
    %get3A_82 = arith.constant 0 : index
    %get3A_83 = vector.load %arg10[%get3A_81, %get3A_82] : memref<1x128xf32, #tpu.memory_space<vmem>>, vector<1x128xf32>
    %get3A_84 = arith.constant 0 : index
    %get3A_85 = arith.constant 0 : index
    %get3A_86 = vector.load %arg11[%get3A_84, %get3A_85] : memref<1x128xf32, #tpu.memory_space<vmem>>, vector<1x128xf32>
    %reduce_sum3A_87 = arith.constant dense<0.000000e+00> : vector<512xf32>
    %reduce_sum3A_88 = vector.multi_reduction <add>, %add3A_80, %reduce_sum3A_87 [1] : vector<512x128xf32> to vector<512xf32>
    %broadcast_in_dim3A_89 = vector.shape_cast %reduce_sum3A_88 : vector<512xf32> to vector<512x1xf32>
    %div3A_90 = arith.constant 1.280000e+02 : f32
    %div3A_91 = vector.broadcast %div3A_90 : f32 to vector<512x1xf32>
    %div3A_92 = arith.divf %broadcast_in_dim3A_89, %div3A_91 : vector<512x1xf32>
    %sub3A_93 = vector.broadcast %div3A_92 : vector<512x1xf32> to vector<512x128xf32>
    %sub3A_94 = arith.subf %add3A_80, %sub3A_93 : vector<512x128xf32>
    %integer_pow3A_95 = arith.mulf %sub3A_94, %sub3A_94 : vector<512x128xf32>
    %reduce_sum3A_96 = arith.constant dense<0.000000e+00> : vector<512xf32>
    %reduce_sum3A_97 = vector.multi_reduction <add>, %integer_pow3A_95, %reduce_sum3A_96 [1] : vector<512x128xf32> to vector<512xf32>
    %broadcast_in_dim3A_98 = vector.shape_cast %reduce_sum3A_97 : vector<512xf32> to vector<512x1xf32>
    %div3A_99 = arith.constant 1.280000e+02 : f32
    %div3A_100 = vector.broadcast %div3A_99 : f32 to vector<512x1xf32>
    %div3A_101 = arith.divf %broadcast_in_dim3A_98, %div3A_100 : vector<512x1xf32>
    %sub3A_102 = vector.broadcast %div3A_92 : vector<512x1xf32> to vector<512x128xf32>
    %sub3A_103 = arith.subf %add3A_80, %sub3A_102 : vector<512x128xf32>
    %add3A_104 = arith.constant 9.99999974E-6 : f32
    %add3A_105 = vector.broadcast %add3A_104 : f32 to vector<512x1xf32>
    %add3A_106 = arith.addf %div3A_101, %add3A_105 : vector<512x1xf32>
    %sqrt3A_107 = math.sqrt %add3A_106 : vector<512x1xf32>
    %div3A_108 = vector.broadcast %sqrt3A_107 : vector<512x1xf32> to vector<512x128xf32>
    %div3A_109 = arith.divf %sub3A_103, %div3A_108 : vector<512x128xf32>
    %mul3A_110 = vector.broadcast %get3A_83 : vector<1x128xf32> to vector<512x128xf32>
    %mul3A_111 = arith.mulf %div3A_109, %mul3A_110 : vector<512x128xf32>
    %add3A_112 = vector.broadcast %get3A_86 : vector<1x128xf32> to vector<512x128xf32>
    %add3A_113 = arith.addf %mul3A_111, %add3A_112 : vector<512x128xf32>
    %max3A_114 = arith.constant 0.000000e+00 : f32
    %max3A_115 = vector.broadcast %max3A_114 : f32 to vector<512x128xf32>
    %max3A_116 = arith.maximumf %add3A_113, %max3A_115 : vector<512x128xf32>
    %add3A_117 = arith.addf %get3A_31, %max3A_116 : vector<512x128xf32>
    %swap3A = arith.constant 0 : index
    %swap3A_118 = arith.constant 0 : index
    %swap3A_119 = vector.load %arg12[%swap3A, %swap3A_118] : memref<512x128xf32, #tpu.memory_space<vmem>>, vector<512x128xf32>
    tpu.vector_store %arg12[%swap3A, %swap3A_118], %add3A_117 {strides = array<i32>} : memref<512x128xf32, #tpu.memory_space<vmem>>, vector<512x128xf32>,
    %max3A_120 = arith.constant 0.000000e+00 : f32
    %max3A_121 = vector.broadcast %max3A_120 : f32 to vector<512x128xf32>
    %max3A_122 = arith.maximumf %add3A_117, %max3A_121 : vector<512x128xf32>
    %add3A_123 = arith.constant 1.000000e-07 : f32
    %add3A_124 = vector.broadcast %add3A_123 : f32 to vector<512x128xf32>
    %add3A_125 = arith.addf %max3A_122, %add3A_124 : vector<512x128xf32>
    %get3A_126 = arith.constant 0 : index
    %get3A_127 = arith.constant 0 : index
    %get3A_128 = memref.load %arg1[%get3A_126, %get3A_127] : memref<1x1xf32, #tpu.memory_space<smem>>
    %mul3A_129 = vector.broadcast %get3A_128 : f32 to vector<512x128xf32>
    %mul3A_130 = arith.mulf %mul3A_129, %add3A_125 : vector<512x128xf32>
    %exp3A = math.exp %mul3A_130 : vector<512x128xf32>
    %mul3A_131 = arith.mulf %add3A_125, %exp3A : vector<512x128xf32>
    %slice3A = vector.extract_strided_slice %exp3A {offsets = [0, 0], sizes = [512, 64], strides = [1, 1]} : vector<512x128xf32> to vector<512x64xf32>
    %swap3A_132 = arith.constant 0 : index
    %swap3A_133 = arith.constant 0 : index
    %swap3A_134 = arith.constant 0 : index
    %swap3A_135 = arith.constant 0 : index
    %swap3A_136 = vector.load %arg13[%swap3A_132, %swap3A_133, %swap3A_134, %swap3A_135] : memref<2x2x512x64xf32, #tpu.memory_space<vmem>>, vector<1x1x512x64xf32>
    %swap3A_137 = vector.shape_cast %swap3A_136 : vector<1x1x512x64xf32> to vector<512x64xf32>
    %swap3A_138 = vector.shape_cast %slice3A : vector<512x64xf32> to vector<1x1x512x64xf32>
    tpu.vector_store %arg13[%swap3A_132, %swap3A_133, %swap3A_134, %swap3A_135], %swap3A_138 {strides = array<i32>} : memref<2x2x512x64xf32, #tpu.memory_space<vmem>>, vector<1x1x512x64xf32>,
    %slice3A_139 = vector.extract_strided_slice %exp3A {offsets = [0, 64], sizes = [512, 64], strides = [1, 1]} : vector<512x128xf32> to vector<512x64xf32>
    %swap3A_140 = arith.constant 0 : index
    %swap3A_141 = arith.constant 1 : index
    %swap3A_142 = arith.constant 0 : index
    %swap3A_143 = arith.constant 0 : index
    %swap3A_144 = vector.load %arg13[%swap3A_140, %swap3A_141, %swap3A_142, %swap3A_143] : memref<2x2x512x64xf32, #tpu.memory_space<vmem>>, vector<1x1x512x64xf32>
    %swap3A_145 = vector.shape_cast %swap3A_144 : vector<1x1x512x64xf32> to vector<512x64xf32>
    %swap3A_146 = vector.shape_cast %slice3A_139 : vector<512x64xf32> to vector<1x1x512x64xf32>
    tpu.vector_store %arg13[%swap3A_140, %swap3A_141, %swap3A_142, %swap3A_143], %swap3A_146 {strides = array<i32>} : memref<2x2x512x64xf32, #tpu.memory_space<vmem>>, vector<1x1x512x64xf32>,
    %slice3A_147 = vector.extract_strided_slice %mul3A_131 {offsets = [0, 0], sizes = [512, 64], strides = [1, 1]} : vector<512x128xf32> to vector<512x64xf32>
    %swap3A_148 = arith.constant 1 : index
    %swap3A_149 = arith.constant 0 : index
    %swap3A_150 = arith.constant 0 : index
    %swap3A_151 = arith.constant 0 : index
    %swap3A_152 = vector.load %arg13[%swap3A_148, %swap3A_149, %swap3A_150, %swap3A_151] : memref<2x2x512x64xf32, #tpu.memory_space<vmem>>, vector<1x1x512x64xf32>
    %swap3A_153 = vector.shape_cast %swap3A_152 : vector<1x1x512x64xf32> to vector<512x64xf32>
    %swap3A_154 = vector.shape_cast %slice3A_147 : vector<512x64xf32> to vector<1x1x512x64xf32>
    tpu.vector_store %arg13[%swap3A_148, %swap3A_149, %swap3A_150, %swap3A_151], %swap3A_154 {strides = array<i32>} : memref<2x2x512x64xf32, #tpu.memory_space<vmem>>, vector<1x1x512x64xf32>,
    %slice3A_155 = vector.extract_strided_slice %mul3A_131 {offsets = [0, 64], sizes = [512, 64], strides = [1, 1]} : vector<512x128xf32> to vector<512x64xf32>
    %swap3A_156 = arith.constant 1 : index
    %swap3A_157 = arith.constant 1 : index
    %swap3A_158 = arith.constant 0 : index
    %swap3A_159 = arith.constant 0 : index
    %swap3A_160 = vector.load %arg13[%swap3A_156, %swap3A_157, %swap3A_158, %swap3A_159] : memref<2x2x512x64xf32, #tpu.memory_space<vmem>>, vector<1x1x512x64xf32>
    %swap3A_161 = vector.shape_cast %swap3A_160 : vector<1x1x512x64xf32> to vector<512x64xf32>
    %swap3A_162 = vector.shape_cast %slice3A_155 : vector<512x64xf32> to vector<1x1x512x64xf32>
    tpu.vector_store %arg13[%swap3A_156, %swap3A_157, %swap3A_158, %swap3A_159], %swap3A_162 {strides = array<i32>} : memref<2x2x512x64xf32, #tpu.memory_space<vmem>>, vector<1x1x512x64xf32>,
    return
  }
  func.func @transform_0(%arg0: i32) -> (i32, i32) {
    %c0_i32 = arith.constant 0 : i32
    %c0_i32_0 = arith.constant 0 : i32
    %c0_i32_1 = arith.constant 0 : i32
    return %c0_i32, %c0_i32_0 : i32, i32
  }
  func.func @transform_1(%arg0: i32) -> (i32, i32) {
    %c0_i32 = arith.constant 0 : i32
    %c0_i32_0 = arith.constant 0 : i32
    return %arg0, %c0_i32 : i32, i32
  }
  func.func @transform_2(%arg0: i32) -> (i32, i32, i32, i32) {
    %c0_i32 = arith.constant 0 : i32
    %c0_i32_0 = arith.constant 0 : i32
    %c0_i32_1 = arith.constant 0 : i32
    %c0_i32_2 = arith.constant 0 : i32
    return %c0_i32, %c0_i32_0, %arg0, %c0_i32_1 : i32, i32, i32, i32
  }
  func.func @transform_3(%arg0: i32) -> (i32, i32) {
    %c0_i32 = arith.constant 0 : i32
    %c0_i32_0 = arith.constant 0 : i32
    %c0_i32_1 = arith.constant 0 : i32
    return %c0_i32, %c0_i32_0 : i32, i32
  }
  func.func @transform_4(%arg0: i32) -> (i32, i32) {
    %c0_i32 = arith.constant 0 : i32
    %c0_i32_0 = arith.constant 0 : i32
    %c0_i32_1 = arith.constant 0 : i32
    return %c0_i32, %c0_i32_0 : i32, i32
  }
  func.func @transform_5(%arg0: i32) -> (i32, i32) {
    %c0_i32 = arith.constant 0 : i32
    %c0_i32_0 = arith.constant 0 : i32
    %c0_i32_1 = arith.constant 0 : i32
    return %c0_i32, %c0_i32_0 : i32, i32
  }
  func.func @transform_6(%arg0: i32) -> (i32, i32) {
    %c0_i32 = arith.constant 0 : i32
    %c0_i32_0 = arith.constant 0 : i32
    %c0_i32_1 = arith.constant 0 : i32
    return %c0_i32, %c0_i32_0 : i32, i32
  }
  func.func @transform_7(%arg0: i32) -> (i32, i32) {
    %c0_i32 = arith.constant 0 : i32
    %c0_i32_0 = arith.constant 0 : i32
    %c0_i32_1 = arith.constant 0 : i32
    return %c0_i32, %c0_i32_0 : i32, i32
  }
  func.func @transform_8(%arg0: i32) -> (i32, i32) {
    %c0_i32 = arith.constant 0 : i32
    %c0_i32_0 = arith.constant 0 : i32
    %c0_i32_1 = arith.constant 0 : i32
    return %c0_i32, %c0_i32_0 : i32, i32
  }
  func.func @transform_9(%arg0: i32) -> (i32, i32) {
    %c0_i32 = arith.constant 0 : i32
    %c0_i32_0 = arith.constant 0 : i32
    %c0_i32_1 = arith.constant 0 : i32
    return %c0_i32, %c0_i32_0 : i32, i32
  }
  func.func @transform_10(%arg0: i32) -> (i32, i32) {
    %c0_i32 = arith.constant 0 : i32
    %c0_i32_0 = arith.constant 0 : i32
    %c0_i32_1 = arith.constant 0 : i32
    return %c0_i32, %c0_i32_0 : i32, i32
  }
  func.func @transform_11(%arg0: i32) -> (i32, i32) {
    %c0_i32 = arith.constant 0 : i32
    %c0_i32_0 = arith.constant 0 : i32
    return %arg0, %c0_i32 : i32, i32
  }
  func.func @transform_12(%arg0: i32) -> (i32, i32, i32, i32) {
    %c0_i32 = arith.constant 0 : i32
    %c0_i32_0 = arith.constant 0 : i32
    %c0_i32_1 = arith.constant 0 : i32
    %c0_i32_2 = arith.constant 0 : i32
    return %c0_i32, %c0_i32_0, %arg0, %c0_i32_1 : i32, i32, i32, i32
  }
}

module attributes {stable_mosaic.version = 14 : i64} {
  func.func @body(%arg0: i32, %arg1: memref<1x1xf32, #tpu.memory_space<smem>>, %arg2: memref<512x128xf32, #tpu.memory_space<vmem>>, %arg3: memref<2x2x512x64xf32, #tpu.memory_space<vmem>>, %arg4: memref<128x256xf32, #tpu.memory_space<vmem>>, %arg5: memref<1x256xf32, #tpu.memory_space<vmem>>, %arg6: memref<1x256xf32, #tpu.memory_space<vmem>>, %arg7: memref<1x256xf32, #tpu.memory_space<vmem>>, %arg8: memref<256x128xf32, #tpu.memory_space<vmem>>, %arg9: memref<1x128xf32, #tpu.memory_space<vmem>>, %arg10: memref<1x128xf32, #tpu.memory_space<vmem>>, %arg11: memref<1x128xf32, #tpu.memory_space<vmem>>, %arg12: memref<512x128xf32, #tpu.memory_space<vmem>>) attributes {dimension_semantics = [#tpu.dimension_semantics<arbitrary>], iteration_bounds = array<i64: 20>, scalar_prefetch = 0 : i64, scratch_operands = 0 : i64, tpu.core_type = #tpu.core_type<tc>, window_params = [{transform_indices = @transform_0, window_bounds = array<i64: 1, 1>}, {transform_indices = @transform_1, window_bounds = array<i64: 512, 128>}, {transform_indices = @transform_2, window_bounds = array<i64: 2, 2, 512, 64>}, {pipeline_mode = #tpu.pipeline_mode<synchronous>, transform_indices = @transform_3, window_bounds = array<i64: 128, 256>}, {pipeline_mode = #tpu.pipeline_mode<synchronous>, transform_indices = @transform_4, window_bounds = array<i64: 1, 256>}, {pipeline_mode = #tpu.pipeline_mode<synchronous>, transform_indices = @transform_5, window_bounds = array<i64: 1, 256>}, {pipeline_mode = #tpu.pipeline_mode<synchronous>, transform_indices = @transform_6, window_bounds = array<i64: 1, 256>}, {pipeline_mode = #tpu.pipeline_mode<synchronous>, transform_indices = @transform_7, window_bounds = array<i64: 256, 128>}, {pipeline_mode = #tpu.pipeline_mode<synchronous>, transform_indices = @transform_8, window_bounds = array<i64: 1, 128>}, {pipeline_mode = #tpu.pipeline_mode<synchronous>, transform_indices = @transform_9, window_bounds = array<i64: 1, 128>}, {pipeline_mode = #tpu.pipeline_mode<synchronous>, transform_indices = @transform_10, window_bounds = array<i64: 1, 128>}, {transform_indices = @transform_11, window_bounds = array<i64: 512, 128>}]} {
    %get3A = arith.constant 1 : index
    %get3A_0 = arith.constant 0 : index
    %get3A_1 = arith.constant 0 : index
    %get3A_2 = arith.constant 0 : index
    %get3A_3 = vector.load %arg3[%get3A, %get3A_0, %get3A_1, %get3A_2] : memref<2x2x512x64xf32, #tpu.memory_space<vmem>>, vector<1x1x512x64xf32>
    %get3A_4 = vector.shape_cast %get3A_3 : vector<1x1x512x64xf32> to vector<512x64xf32>
    %get3A_5 = arith.constant 0 : index
    %get3A_6 = arith.constant 0 : index
    %get3A_7 = arith.constant 0 : index
    %get3A_8 = arith.constant 0 : index
    %get3A_9 = vector.load %arg3[%get3A_5, %get3A_6, %get3A_7, %get3A_8] : memref<2x2x512x64xf32, #tpu.memory_space<vmem>>, vector<1x1x512x64xf32>
    %get3A_10 = vector.shape_cast %get3A_9 : vector<1x1x512x64xf32> to vector<512x64xf32>
    %add3A = arith.constant 1.000000e-16 : f32
    %add3A_11 = vector.broadcast %add3A : f32 to vector<512x64xf32>
    %add3A_12 = arith.addf %get3A_10, %add3A_11 : vector<512x64xf32>
    %div3A = arith.divf %get3A_4, %add3A_12 : vector<512x64xf32>
    %get3A_13 = arith.constant 1 : index
    %get3A_14 = arith.constant 1 : index
    %get3A_15 = arith.constant 0 : index
    %get3A_16 = arith.constant 0 : index
    %get3A_17 = vector.load %arg3[%get3A_13, %get3A_14, %get3A_15, %get3A_16] : memref<2x2x512x64xf32, #tpu.memory_space<vmem>>, vector<1x1x512x64xf32>
    %get3A_18 = vector.shape_cast %get3A_17 : vector<1x1x512x64xf32> to vector<512x64xf32>
    %get3A_19 = arith.constant 0 : index
    %get3A_20 = arith.constant 1 : index
    %get3A_21 = arith.constant 0 : index
    %get3A_22 = arith.constant 0 : index
    %get3A_23 = vector.load %arg3[%get3A_19, %get3A_20, %get3A_21, %get3A_22] : memref<2x2x512x64xf32, #tpu.memory_space<vmem>>, vector<1x1x512x64xf32>
    %get3A_24 = vector.shape_cast %get3A_23 : vector<1x1x512x64xf32> to vector<512x64xf32>
    %add3A_25 = arith.constant 1.000000e-16 : f32
    %add3A_26 = vector.broadcast %add3A_25 : f32 to vector<512x64xf32>
    %add3A_27 = arith.addf %get3A_24, %add3A_26 : vector<512x64xf32>
    %div3A_28 = arith.divf %get3A_18, %add3A_27 : vector<512x64xf32>
    %concatenate3A = tpu.concatenate %div3A, %div3A_28 in 1 : vector<512x64xf32>, vector<512x64xf32> -> vector<512x128xf32>
    %get3A_29 = arith.constant 0 : index
    %get3A_30 = arith.constant 0 : index
    %get3A_31 = vector.load %arg2[%get3A_29, %get3A_30] : memref<512x128xf32, #tpu.memory_space<vmem>>, vector<512x128xf32>
    %add3A_32 = arith.addf %concatenate3A, %get3A_31 : vector<512x128xf32>
    %get3A_33 = arith.constant 0 : index
    %get3A_34 = arith.constant 0 : index
    %get3A_35 = vector.load %arg4[%get3A_33, %get3A_34] : memref<128x256xf32, #tpu.memory_space<vmem>>, vector<128x256xf32>
    %dot_general3A = arith.constant dense<0.000000e+00> : vector<512x256xf32>
    %dot_general3A_36 = tpu.matmul %add3A_32, %get3A_35, %dot_general3A {dimension_numbers = #tpu.dot_dimension_numbers<[1], [0], [0], [1], [0, 0, 1, 1], [], []>, transpose_lhs_hint = false} : vector<512x128xf32>, vector<128x256xf32>, vector<512x256xf32> -> vector<512x256xf32>
    %get3A_37 = arith.constant 0 : index
    %get3A_38 = arith.constant 0 : index
    %get3A_39 = vector.load %arg5[%get3A_37, %get3A_38] : memref<1x256xf32, #tpu.memory_space<vmem>>, vector<1x256xf32>
    %add3A_40 = vector.broadcast %get3A_39 : vector<1x256xf32> to vector<512x256xf32>
    %add3A_41 = arith.addf %dot_general3A_36, %add3A_40 : vector<512x256xf32>
    %get3A_42 = arith.constant 0 : index
    %get3A_43 = arith.constant 0 : index
    %get3A_44 = vector.load %arg6[%get3A_42, %get3A_43] : memref<1x256xf32, #tpu.memory_space<vmem>>, vector<1x256xf32>
    %get3A_45 = arith.constant 0 : index
    %get3A_46 = arith.constant 0 : index
    %get3A_47 = vector.load %arg7[%get3A_45, %get3A_46] : memref<1x256xf32, #tpu.memory_space<vmem>>, vector<1x256xf32>
    %reduce_sum3A = arith.constant dense<0.000000e+00> : vector<512xf32>
    %reduce_sum3A_48 = vector.multi_reduction <add>, %add3A_41, %reduce_sum3A [1] : vector<512x256xf32> to vector<512xf32>
    %broadcast_in_dim3A = vector.shape_cast %reduce_sum3A_48 : vector<512xf32> to vector<512x1xf32>
    %div3A_49 = arith.constant 2.560000e+02 : f32
    %div3A_50 = vector.broadcast %div3A_49 : f32 to vector<512x1xf32>
    %div3A_51 = arith.divf %broadcast_in_dim3A, %div3A_50 : vector<512x1xf32>
    %sub3A = vector.broadcast %div3A_51 : vector<512x1xf32> to vector<512x256xf32>
    %sub3A_52 = arith.subf %add3A_41, %sub3A : vector<512x256xf32>
    %integer_pow3A = arith.mulf %sub3A_52, %sub3A_52 : vector<512x256xf32>
    %reduce_sum3A_53 = arith.constant dense<0.000000e+00> : vector<512xf32>
    %reduce_sum3A_54 = vector.multi_reduction <add>, %integer_pow3A, %reduce_sum3A_53 [1] : vector<512x256xf32> to vector<512xf32>
    %broadcast_in_dim3A_55 = vector.shape_cast %reduce_sum3A_54 : vector<512xf32> to vector<512x1xf32>
    %div3A_56 = arith.constant 2.560000e+02 : f32
    %div3A_57 = vector.broadcast %div3A_56 : f32 to vector<512x1xf32>
    %div3A_58 = arith.divf %broadcast_in_dim3A_55, %div3A_57 : vector<512x1xf32>
    %sub3A_59 = vector.broadcast %div3A_51 : vector<512x1xf32> to vector<512x256xf32>
    %sub3A_60 = arith.subf %add3A_41, %sub3A_59 : vector<512x256xf32>
    %add3A_61 = arith.constant 9.99999974E-6 : f32
    %add3A_62 = vector.broadcast %add3A_61 : f32 to vector<512x1xf32>
    %add3A_63 = arith.addf %div3A_58, %add3A_62 : vector<512x1xf32>
    %sqrt3A = math.sqrt %add3A_63 : vector<512x1xf32>
    %div3A_64 = vector.broadcast %sqrt3A : vector<512x1xf32> to vector<512x256xf32>
    %div3A_65 = arith.divf %sub3A_60, %div3A_64 : vector<512x256xf32>
    %mul3A = vector.broadcast %get3A_44 : vector<1x256xf32> to vector<512x256xf32>
    %mul3A_66 = arith.mulf %div3A_65, %mul3A : vector<512x256xf32>
    %add3A_67 = vector.broadcast %get3A_47 : vector<1x256xf32> to vector<512x256xf32>
    %add3A_68 = arith.addf %mul3A_66, %add3A_67 : vector<512x256xf32>
    %max3A = arith.constant 0.000000e+00 : f32
    %max3A_69 = vector.broadcast %max3A : f32 to vector<512x256xf32>
    %max3A_70 = arith.maximumf %add3A_68, %max3A_69 : vector<512x256xf32>
    %get3A_71 = arith.constant 0 : index
    %get3A_72 = arith.constant 0 : index
    %get3A_73 = vector.load %arg8[%get3A_71, %get3A_72] : memref<256x128xf32, #tpu.memory_space<vmem>>, vector<256x128xf32>
    %dot_general3A_74 = arith.constant dense<0.000000e+00> : vector<512x128xf32>
    %dot_general3A_75 = tpu.matmul %max3A_70, %get3A_73, %dot_general3A_74 {dimension_numbers = #tpu.dot_dimension_numbers<[1], [0], [0], [1], [0, 0, 1, 1], [], []>, transpose_lhs_hint = false} : vector<512x256xf32>, vector<256x128xf32>, vector<512x128xf32> -> vector<512x128xf32>
    %get3A_76 = arith.constant 0 : index
    %get3A_77 = arith.constant 0 : index
    %get3A_78 = vector.load %arg9[%get3A_76, %get3A_77] : memref<1x128xf32, #tpu.memory_space<vmem>>, vector<1x128xf32>
    %add3A_79 = vector.broadcast %get3A_78 : vector<1x128xf32> to vector<512x128xf32>
    %add3A_80 = arith.addf %dot_general3A_75, %add3A_79 : vector<512x128xf32>
    %get3A_81 = arith.constant 0 : index
    %get3A_82 = arith.constant 0 : index
    %get3A_83 = vector.load %arg10[%get3A_81, %get3A_82] : memref<1x128xf32, #tpu.memory_space<vmem>>, vector<1x128xf32>
    %get3A_84 = arith.constant 0 : index
    %get3A_85 = arith.constant 0 : index
    %get3A_86 = vector.load %arg11[%get3A_84, %get3A_85] : memref<1x128xf32, #tpu.memory_space<vmem>>, vector<1x128xf32>
    %reduce_sum3A_87 = arith.constant dense<0.000000e+00> : vector<512xf32>
    %reduce_sum3A_88 = vector.multi_reduction <add>, %add3A_80, %reduce_sum3A_87 [1] : vector<512x128xf32> to vector<512xf32>
    %broadcast_in_dim3A_89 = vector.shape_cast %reduce_sum3A_88 : vector<512xf32> to vector<512x1xf32>
    %div3A_90 = arith.constant 1.280000e+02 : f32
    %div3A_91 = vector.broadcast %div3A_90 : f32 to vector<512x1xf32>
    %div3A_92 = arith.divf %broadcast_in_dim3A_89, %div3A_91 : vector<512x1xf32>
    %sub3A_93 = vector.broadcast %div3A_92 : vector<512x1xf32> to vector<512x128xf32>
    %sub3A_94 = arith.subf %add3A_80, %sub3A_93 : vector<512x128xf32>
    %integer_pow3A_95 = arith.mulf %sub3A_94, %sub3A_94 : vector<512x128xf32>
    %reduce_sum3A_96 = arith.constant dense<0.000000e+00> : vector<512xf32>
    %reduce_sum3A_97 = vector.multi_reduction <add>, %integer_pow3A_95, %reduce_sum3A_96 [1] : vector<512x128xf32> to vector<512xf32>
    %broadcast_in_dim3A_98 = vector.shape_cast %reduce_sum3A_97 : vector<512xf32> to vector<512x1xf32>
    %div3A_99 = arith.constant 1.280000e+02 : f32
    %div3A_100 = vector.broadcast %div3A_99 : f32 to vector<512x1xf32>
    %div3A_101 = arith.divf %broadcast_in_dim3A_98, %div3A_100 : vector<512x1xf32>
    %sub3A_102 = vector.broadcast %div3A_92 : vector<512x1xf32> to vector<512x128xf32>
    %sub3A_103 = arith.subf %add3A_80, %sub3A_102 : vector<512x128xf32>
    %add3A_104 = arith.constant 9.99999974E-6 : f32
    %add3A_105 = vector.broadcast %add3A_104 : f32 to vector<512x1xf32>
    %add3A_106 = arith.addf %div3A_101, %add3A_105 : vector<512x1xf32>
    %sqrt3A_107 = math.sqrt %add3A_106 : vector<512x1xf32>
    %div3A_108 = vector.broadcast %sqrt3A_107 : vector<512x1xf32> to vector<512x128xf32>
    %div3A_109 = arith.divf %sub3A_103, %div3A_108 : vector<512x128xf32>
    %mul3A_110 = vector.broadcast %get3A_83 : vector<1x128xf32> to vector<512x128xf32>
    %mul3A_111 = arith.mulf %div3A_109, %mul3A_110 : vector<512x128xf32>
    %add3A_112 = vector.broadcast %get3A_86 : vector<1x128xf32> to vector<512x128xf32>
    %add3A_113 = arith.addf %mul3A_111, %add3A_112 : vector<512x128xf32>
    %max3A_114 = arith.constant 0.000000e+00 : f32
    %max3A_115 = vector.broadcast %max3A_114 : f32 to vector<512x128xf32>
    %max3A_116 = arith.maximumf %add3A_113, %max3A_115 : vector<512x128xf32>
    %add3A_117 = arith.addf %get3A_31, %max3A_116 : vector<512x128xf32>
    %swap3A = arith.constant 0 : index
    %swap3A_118 = arith.constant 0 : index
    %swap3A_119 = vector.load %arg12[%swap3A, %swap3A_118] : memref<512x128xf32, #tpu.memory_space<vmem>>, vector<512x128xf32>
    tpu.vector_store %arg12[%swap3A, %swap3A_118], %add3A_117 {strides = array<i32>} : memref<512x128xf32, #tpu.memory_space<vmem>>, vector<512x128xf32>,
    return
  }
  func.func @transform_0(%arg0: i32) -> (i32, i32) {
    %c0_i32 = arith.constant 0 : i32
    %c0_i32_0 = arith.constant 0 : i32
    %c0_i32_1 = arith.constant 0 : i32
    return %c0_i32, %c0_i32_0 : i32, i32
  }
  func.func @transform_1(%arg0: i32) -> (i32, i32) {
    %c0_i32 = arith.constant 0 : i32
    %c0_i32_0 = arith.constant 0 : i32
    return %arg0, %c0_i32 : i32, i32
  }
  func.func @transform_2(%arg0: i32) -> (i32, i32, i32, i32) {
    %c0_i32 = arith.constant 0 : i32
    %c0_i32_0 = arith.constant 0 : i32
    %c0_i32_1 = arith.constant 0 : i32
    %c0_i32_2 = arith.constant 0 : i32
    return %c0_i32, %c0_i32_0, %arg0, %c0_i32_1 : i32, i32, i32, i32
  }
  func.func @transform_3(%arg0: i32) -> (i32, i32) {
    %c0_i32 = arith.constant 0 : i32
    %c0_i32_0 = arith.constant 0 : i32
    %c0_i32_1 = arith.constant 0 : i32
    return %c0_i32, %c0_i32_0 : i32, i32
  }
  func.func @transform_4(%arg0: i32) -> (i32, i32) {
    %c0_i32 = arith.constant 0 : i32
    %c0_i32_0 = arith.constant 0 : i32
    %c0_i32_1 = arith.constant 0 : i32
    return %c0_i32, %c0_i32_0 : i32, i32
  }
  func.func @transform_5(%arg0: i32) -> (i32, i32) {
    %c0_i32 = arith.constant 0 : i32
    %c0_i32_0 = arith.constant 0 : i32
    %c0_i32_1 = arith.constant 0 : i32
    return %c0_i32, %c0_i32_0 : i32, i32
  }
  func.func @transform_6(%arg0: i32) -> (i32, i32) {
    %c0_i32 = arith.constant 0 : i32
    %c0_i32_0 = arith.constant 0 : i32
    %c0_i32_1 = arith.constant 0 : i32
    return %c0_i32, %c0_i32_0 : i32, i32
  }
  func.func @transform_7(%arg0: i32) -> (i32, i32) {
    %c0_i32 = arith.constant 0 : i32
    %c0_i32_0 = arith.constant 0 : i32
    %c0_i32_1 = arith.constant 0 : i32
    return %c0_i32, %c0_i32_0 : i32, i32
  }
  func.func @transform_8(%arg0: i32) -> (i32, i32) {
    %c0_i32 = arith.constant 0 : i32
    %c0_i32_0 = arith.constant 0 : i32
    %c0_i32_1 = arith.constant 0 : i32
    return %c0_i32, %c0_i32_0 : i32, i32
  }
  func.func @transform_9(%arg0: i32) -> (i32, i32) {
    %c0_i32 = arith.constant 0 : i32
    %c0_i32_0 = arith.constant 0 : i32
    %c0_i32_1 = arith.constant 0 : i32
    return %c0_i32, %c0_i32_0 : i32, i32
  }
  func.func @transform_10(%arg0: i32) -> (i32, i32) {
    %c0_i32 = arith.constant 0 : i32
    %c0_i32_0 = arith.constant 0 : i32
    %c0_i32_1 = arith.constant 0 : i32
    return %c0_i32, %c0_i32_0 : i32, i32
  }
  func.func @transform_11(%arg0: i32) -> (i32, i32) {
    %c0_i32 = arith.constant 0 : i32
    %c0_i32_0 = arith.constant 0 : i32
    return %arg0, %c0_i32 : i32, i32
  }
}

module attributes {stable_mosaic.version = 14 : i64} {
  func.func @body(%arg0: i32, %arg1: memref<512x128xf32, #tpu.memory_space<vmem>>, %arg2: memref<512x128xf32, #tpu.memory_space<vmem>>, %arg3: memref<512x128xf32, #tpu.memory_space<vmem>>, %arg4: memref<512x128xf32, #tpu.memory_space<vmem>>, %arg5: memref<512x512xf32, #tpu.memory_space<vmem>>, %arg6: memref<1x512xf32, #tpu.memory_space<vmem>>, %arg7: memref<512x512xf32, #tpu.memory_space<vmem>>, %arg8: memref<1x512xf32, #tpu.memory_space<vmem>>, %arg9: memref<512x512xf32, #tpu.memory_space<vmem>>, %arg10: memref<1x512xf32, #tpu.memory_space<vmem>>, %arg11: memref<512x1xf32, #tpu.memory_space<vmem>>, %arg12: memref<1x1xf32, #tpu.memory_space<vmem>>, %arg13: memref<512x512xf32, #tpu.memory_space<vmem>>, %arg14: memref<1x512xf32, #tpu.memory_space<vmem>>, %arg15: memref<512x1xf32, #tpu.memory_space<vmem>>, %arg16: memref<1x1xf32, #tpu.memory_space<vmem>>, %arg17: memref<1x1xf32, #tpu.memory_space<vmem>>, %arg18: memref<1x512xf32, #tpu.memory_space<vmem>>, %arg19: memref<1x1xf32, #tpu.memory_space<smem>>, %arg20: memref<1x1xf32, #tpu.memory_space<smem>>) attributes {dimension_semantics = [#tpu.dimension_semantics<arbitrary>], iteration_bounds = array<i64: 20>, scalar_prefetch = 0 : i64, scratch_operands = 3 : i64, tpu.core_type = #tpu.core_type<tc>, window_params = [{transform_indices = @transform_0, window_bounds = array<i64: 512, 128>}, {transform_indices = @transform_1, window_bounds = array<i64: 512, 128>}, {transform_indices = @transform_2, window_bounds = array<i64: 512, 128>}, {transform_indices = @transform_3, window_bounds = array<i64: 512, 128>}, {pipeline_mode = #tpu.pipeline_mode<synchronous>, transform_indices = @transform_4, window_bounds = array<i64: 512, 512>}, {pipeline_mode = #tpu.pipeline_mode<synchronous>, transform_indices = @transform_5, window_bounds = array<i64: 1, 512>}, {pipeline_mode = #tpu.pipeline_mode<synchronous>, transform_indices = @transform_6, window_bounds = array<i64: 512, 512>}, {pipeline_mode = #tpu.pipeline_mode<synchronous>, transform_indices = @transform_7, window_bounds = array<i64: 1, 512>}, {pipeline_mode = #tpu.pipeline_mode<synchronous>, transform_indices = @transform_8, window_bounds = array<i64: 512, 512>}, {pipeline_mode = #tpu.pipeline_mode<synchronous>, transform_indices = @transform_9, window_bounds = array<i64: 1, 512>}, {pipeline_mode = #tpu.pipeline_mode<synchronous>, transform_indices = @transform_10, window_bounds = array<i64: 512, 1>}, {pipeline_mode = #tpu.pipeline_mode<synchronous>, transform_indices = @transform_11, window_bounds = array<i64: 1, 1>}, {pipeline_mode = #tpu.pipeline_mode<synchronous>, transform_indices = @transform_12, window_bounds = array<i64: 512, 512>}, {pipeline_mode = #tpu.pipeline_mode<synchronous>, transform_indices = @transform_13, window_bounds = array<i64: 1, 512>}, {pipeline_mode = #tpu.pipeline_mode<synchronous>, transform_indices = @transform_14, window_bounds = array<i64: 512, 1>}, {pipeline_mode = #tpu.pipeline_mode<synchronous>, transform_indices = @transform_15, window_bounds = array<i64: 1, 1>}, {pipeline_mode = #tpu.pipeline_mode<synchronous>, transform_indices = @transform_16, window_bounds = array<i64: 1, 1>}]} {
    %eq3A = arith.constant 0 : i32
    %eq3A_0 = arith.cmpi eq, %arg0, %eq3A : i32
    %convert_element_type3A = arith.extui %eq3A_0 : i1 to i32
    %cond3A = arith.constant 0 : i32
    %cond3A_1 = arith.cmpi ne, %convert_element_type3A, %cond3A : i32
    scf.if %cond3A_1 {
      %swap3A_158 = arith.constant -1.000000e+30 : f32
      %swap3A_159 = arith.constant 0 : index
      %swap3A_160 = arith.constant 0 : index
      %swap3A_161 = memref.load %arg19[%swap3A_159, %swap3A_160] : memref<1x1xf32, #tpu.memory_space<smem>>
      memref.store %swap3A_158, %arg19[%swap3A_159, %swap3A_160] : memref<1x1xf32, #tpu.memory_space<smem>>
      %swap3A_162 = arith.constant 0.000000e+00 : f32
      %swap3A_163 = arith.constant 0 : index
      %swap3A_164 = arith.constant 0 : index
      %swap3A_165 = memref.load %arg20[%swap3A_163, %swap3A_164] : memref<1x1xf32, #tpu.memory_space<smem>>
      memref.store %swap3A_162, %arg20[%swap3A_163, %swap3A_164] : memref<1x1xf32, #tpu.memory_space<smem>>
      %broadcast_in_dim3A_166 = arith.constant 0.000000e+00 : f32
      %broadcast_in_dim3A_167 = vector.broadcast %broadcast_in_dim3A_166 : f32 to vector<1x512xf32>
      %swap3A_168 = arith.constant 0 : index
      %swap3A_169 = arith.constant 0 : index
      %swap3A_170 = vector.load %arg18[%swap3A_168, %swap3A_169] : memref<1x512xf32, #tpu.memory_space<vmem>>, vector<1x512xf32>
      tpu.vector_store %arg18[%swap3A_168, %swap3A_169], %broadcast_in_dim3A_167 {strides = array<i32>} : memref<1x512xf32, #tpu.memory_space<vmem>>, vector<1x512xf32>,
    } else {
    }
    %get3A = arith.constant 0 : index
    %get3A_2 = arith.constant 0 : index
    %get3A_3 = vector.load %arg1[%get3A, %get3A_2] : memref<512x128xf32, #tpu.memory_space<vmem>>, vector<512x128xf32>
    %get3A_4 = arith.constant 0 : index
    %get3A_5 = arith.constant 0 : index
    %get3A_6 = vector.load %arg5[%get3A_4, %get3A_5] : memref<512x512xf32, #tpu.memory_space<vmem>>, vector<128x512xf32>
    %dot_general3A = arith.constant dense<0.000000e+00> : vector<512x512xf32>
    %dot_general3A_7 = tpu.matmul %get3A_3, %get3A_6, %dot_general3A {dimension_numbers = #tpu.dot_dimension_numbers<[1], [0], [0], [1], [0, 0, 1, 1], [], []>, transpose_lhs_hint = false} : vector<512x128xf32>, vector<128x512xf32>, vector<512x512xf32> -> vector<512x512xf32>
    %get3A_8 = arith.constant 0 : index
    %get3A_9 = arith.constant 0 : index
    %get3A_10 = vector.load %arg2[%get3A_8, %get3A_9] : memref<512x128xf32, #tpu.memory_space<vmem>>, vector<512x128xf32>
    %get3A_11 = arith.constant 128 : index
    %get3A_12 = arith.constant 0 : index
    %get3A_13 = vector.load %arg5[%get3A_11, %get3A_12] : memref<512x512xf32, #tpu.memory_space<vmem>>, vector<128x512xf32>
    %dot_general3A_14 = arith.constant dense<0.000000e+00> : vector<512x512xf32>
    %dot_general3A_15 = tpu.matmul %get3A_10, %get3A_13, %dot_general3A_14 {dimension_numbers = #tpu.dot_dimension_numbers<[1], [0], [0], [1], [0, 0, 1, 1], [], []>, transpose_lhs_hint = false} : vector<512x128xf32>, vector<128x512xf32>, vector<512x512xf32> -> vector<512x512xf32>
    %add3A = arith.addf %dot_general3A_7, %dot_general3A_15 : vector<512x512xf32>
    %get3A_16 = arith.constant 0 : index
    %get3A_17 = arith.constant 0 : index
    %get3A_18 = vector.load %arg3[%get3A_16, %get3A_17] : memref<512x128xf32, #tpu.memory_space<vmem>>, vector<512x128xf32>
    %get3A_19 = arith.constant 256 : index
    %get3A_20 = arith.constant 0 : index
    %get3A_21 = vector.load %arg5[%get3A_19, %get3A_20] : memref<512x512xf32, #tpu.memory_space<vmem>>, vector<128x512xf32>
    %dot_general3A_22 = arith.constant dense<0.000000e+00> : vector<512x512xf32>
    %dot_general3A_23 = tpu.matmul %get3A_18, %get3A_21, %dot_general3A_22 {dimension_numbers = #tpu.dot_dimension_numbers<[1], [0], [0], [1], [0, 0, 1, 1], [], []>, transpose_lhs_hint = false} : vector<512x128xf32>, vector<128x512xf32>, vector<512x512xf32> -> vector<512x512xf32>
    %add3A_24 = arith.addf %add3A, %dot_general3A_23 : vector<512x512xf32>
    %get3A_25 = arith.constant 0 : index
    %get3A_26 = arith.constant 0 : index
    %get3A_27 = vector.load %arg4[%get3A_25, %get3A_26] : memref<512x128xf32, #tpu.memory_space<vmem>>, vector<512x128xf32>
    %get3A_28 = arith.constant 384 : index
    %get3A_29 = arith.constant 0 : index
    %get3A_30 = vector.load %arg5[%get3A_28, %get3A_29] : memref<512x512xf32, #tpu.memory_space<vmem>>, vector<128x512xf32>
    %dot_general3A_31 = arith.constant dense<0.000000e+00> : vector<512x512xf32>
    %dot_general3A_32 = tpu.matmul %get3A_27, %get3A_30, %dot_general3A_31 {dimension_numbers = #tpu.dot_dimension_numbers<[1], [0], [0], [1], [0, 0, 1, 1], [], []>, transpose_lhs_hint = false} : vector<512x128xf32>, vector<128x512xf32>, vector<512x512xf32> -> vector<512x512xf32>
    %add3A_33 = arith.addf %add3A_24, %dot_general3A_32 : vector<512x512xf32>
    %get3A_34 = arith.constant 0 : index
    %get3A_35 = arith.constant 0 : index
    %get3A_36 = vector.load %arg6[%get3A_34, %get3A_35] : memref<1x512xf32, #tpu.memory_space<vmem>>, vector<1x512xf32>
    %add3A_37 = vector.broadcast %get3A_36 : vector<1x512xf32> to vector<512x512xf32>
    %add3A_38 = arith.addf %add3A_33, %add3A_37 : vector<512x512xf32>
    %max3A = arith.constant 0.000000e+00 : f32
    %max3A_39 = vector.broadcast %max3A : f32 to vector<512x512xf32>
    %max3A_40 = arith.maximumf %add3A_38, %max3A_39 : vector<512x512xf32>
    %get3A_41 = arith.constant 0 : index
    %get3A_42 = arith.constant 0 : index
    %get3A_43 = vector.load %arg7[%get3A_41, %get3A_42] : memref<512x512xf32, #tpu.memory_space<vmem>>, vector<512x512xf32>
    %dot_general3A_44 = arith.constant dense<0.000000e+00> : vector<512x512xf32>
    %dot_general3A_45 = tpu.matmul %max3A_40, %get3A_43, %dot_general3A_44 {dimension_numbers = #tpu.dot_dimension_numbers<[1], [0], [0], [1], [0, 0, 1, 1], [], []>, transpose_lhs_hint = false} : vector<512x512xf32>, vector<512x512xf32>, vector<512x512xf32> -> vector<512x512xf32>
    %get3A_46 = arith.constant 0 : index
    %get3A_47 = arith.constant 0 : index
    %get3A_48 = vector.load %arg8[%get3A_46, %get3A_47] : memref<1x512xf32, #tpu.memory_space<vmem>>, vector<1x512xf32>
    %add3A_49 = vector.broadcast %get3A_48 : vector<1x512xf32> to vector<512x512xf32>
    %add3A_50 = arith.addf %dot_general3A_45, %add3A_49 : vector<512x512xf32>
    %tanh3A = math.tanh %add3A_50 : vector<512x512xf32>
    %get3A_51 = arith.constant 0 : index
    %get3A_52 = arith.constant 0 : index
    %get3A_53 = vector.load %arg9[%get3A_51, %get3A_52] : memref<512x512xf32, #tpu.memory_space<vmem>>, vector<512x512xf32>
    %dot_general3A_54 = arith.constant dense<0.000000e+00> : vector<512x512xf32>
    %dot_general3A_55 = tpu.matmul %max3A_40, %get3A_53, %dot_general3A_54 {dimension_numbers = #tpu.dot_dimension_numbers<[1], [0], [0], [1], [0, 0, 1, 1], [], []>, transpose_lhs_hint = false} : vector<512x512xf32>, vector<512x512xf32>, vector<512x512xf32> -> vector<512x512xf32>
    %get3A_56 = arith.constant 0 : index
    %get3A_57 = arith.constant 0 : index
    %get3A_58 = vector.load %arg10[%get3A_56, %get3A_57] : memref<1x512xf32, #tpu.memory_space<vmem>>, vector<1x512xf32>
    %add3A_59 = vector.broadcast %get3A_58 : vector<1x512xf32> to vector<512x512xf32>
    %add3A_60 = arith.addf %dot_general3A_55, %add3A_59 : vector<512x512xf32>
    %logistic3A = arith.negf %add3A_60 : vector<512x512xf32>
    %logistic3A_61 = math.exp %logistic3A : vector<512x512xf32>
    %logistic3A_62 = arith.constant 1.000000e+00 : f32
    %logistic3A_63 = vector.broadcast %logistic3A_62 : f32 to vector<512x512xf32>
    %logistic3A_64 = arith.addf %logistic3A_63, %logistic3A_61 : vector<512x512xf32>
    %logistic3A_65 = arith.divf %logistic3A_63, %logistic3A_64 : vector<512x512xf32>
    %mul3A = arith.mulf %tanh3A, %logistic3A_65 : vector<512x512xf32>
    %get3A_66 = arith.constant 0 : index
    %get3A_67 = arith.constant 0 : index
    %get3A_68 = vector.load %arg11[%get3A_66, %get3A_67] : memref<512x1xf32, #tpu.memory_space<vmem>>, vector<512x1xf32>
    %dot_general3A_69 = arith.constant dense<0.000000e+00> : vector<512x1xf32>
    %dot_general3A_70 = tpu.matmul %mul3A, %get3A_68, %dot_general3A_69 {dimension_numbers = #tpu.dot_dimension_numbers<[1], [0], [0], [1], [0, 0, 1, 1], [], []>, transpose_lhs_hint = false} : vector<512x512xf32>, vector<512x1xf32>, vector<512x1xf32> -> vector<512x1xf32>
    %get3A_71 = arith.constant 0 : index
    %get3A_72 = arith.constant 0 : index
    %get3A_73 = vector.load %arg12[%get3A_71, %get3A_72] : memref<1x1xf32, #tpu.memory_space<vmem>>, vector<1x1xf32>
    %add3A_74 = vector.broadcast %get3A_73 : vector<1x1xf32> to vector<512x1xf32>
    %add3A_75 = arith.addf %dot_general3A_70, %add3A_74 : vector<512x1xf32>
    %mul3A_76 = arith.constant 512 : i32
    %mul3A_77 = arith.muli %arg0, %mul3A_76 : i32
    %iota3A = tpu.iota {dimensions = array<i32: 0>} : vector<512x1xi32>
    %add3A_78 = vector.broadcast %mul3A_77 : i32 to vector<512x1xi32>
    %add3A_79 = arith.addi %add3A_78, %iota3A : vector<512x1xi32>
    %lt3A = arith.constant 10000 : i32
    %lt3A_80 = vector.broadcast %lt3A : i32 to vector<512x1xi32>
    %lt3A_81 = arith.cmpi slt, %add3A_79, %lt3A_80 : vector<512x1xi32>
    %jit3A = arith.constant -1.000000e+30 : f32
    %broadcast_in_dim3A = vector.broadcast %jit3A : f32 to vector<512x1xf32>
    %select_n3A = arith.select %lt3A_81, %add3A_75, %broadcast_in_dim3A : vector<512x1xi1>, vector<512x1xf32>
    %get3A_82 = arith.constant 0 : index
    %get3A_83 = arith.constant 0 : index
    %get3A_84 = memref.load %arg19[%get3A_82, %get3A_83] : memref<1x1xf32, #tpu.memory_space<smem>>
    %reduce_max3A = vector.shape_cast %select_n3A : vector<512x1xf32> to vector<1x512x1xf32>
    %reduce_max3A_85 = arith.constant dense<0xFF800000> : vector<1xf32>
    %reduce_max3A_86 = vector.multi_reduction <maximumf>, %reduce_max3A, %reduce_max3A_85 [1, 2] : vector<1x512x1xf32> to vector<1xf32>
    %reduce_max3A_87 = vector.shape_cast %reduce_max3A_86 : vector<1xf32> to vector<1x1x1xf32>
    %reduce_max3A_88 = vector.extract %reduce_max3A_87[0, 0, 0] : f32 from vector<1x1x1xf32>
    %max3A_89 = arith.maximumf %get3A_84, %reduce_max3A_88 : f32
    %sub3A = arith.subf %get3A_84, %max3A_89 : f32
    %exp3A = math.exp %sub3A : f32
    %sub3A_90 = vector.broadcast %max3A_89 : f32 to vector<512x1xf32>
    %sub3A_91 = arith.subf %select_n3A, %sub3A_90 : vector<512x1xf32>
    %exp3A_92 = math.exp %sub3A_91 : vector<512x1xf32>
    %get3A_93 = arith.constant 0 : index
    %get3A_94 = arith.constant 0 : index
    %get3A_95 = memref.load %arg20[%get3A_93, %get3A_94] : memref<1x1xf32, #tpu.memory_space<smem>>
    %mul3A_96 = arith.mulf %get3A_95, %exp3A : f32
    %reduce_sum3A = vector.shape_cast %exp3A_92 : vector<512x1xf32> to vector<1x512x1xf32>
    %reduce_sum3A_97 = arith.constant dense<0.000000e+00> : vector<1xf32>
    %reduce_sum3A_98 = vector.multi_reduction <add>, %reduce_sum3A, %reduce_sum3A_97 [1, 2] : vector<1x512x1xf32> to vector<1xf32>
    %reduce_sum3A_99 = vector.shape_cast %reduce_sum3A_98 : vector<1xf32> to vector<1x1x1xf32>
    %reduce_sum3A_100 = vector.extract %reduce_sum3A_99[0, 0, 0] : f32 from vector<1x1x1xf32>
    %add3A_101 = arith.addf %mul3A_96, %reduce_sum3A_100 : f32
    %swap3A = arith.constant 0 : index
    %swap3A_102 = arith.constant 0 : index
    %swap3A_103 = memref.load %arg20[%swap3A, %swap3A_102] : memref<1x1xf32, #tpu.memory_space<smem>>
    memref.store %add3A_101, %arg20[%swap3A, %swap3A_102] : memref<1x1xf32, #tpu.memory_space<smem>>
    %get3A_104 = arith.constant 0 : index
    %get3A_105 = arith.constant 0 : index
    %get3A_106 = vector.load %arg18[%get3A_104, %get3A_105] : memref<1x512xf32, #tpu.memory_space<vmem>>, vector<1x512xf32>
    %mul3A_107 = vector.broadcast %exp3A : f32 to vector<1x512xf32>
    %mul3A_108 = arith.mulf %get3A_106, %mul3A_107 : vector<1x512xf32>
    %mul3A_109 = vector.broadcast %exp3A_92 : vector<512x1xf32> to vector<512x512xf32>
    %mul3A_110 = arith.mulf %max3A_40, %mul3A_109 : vector<512x512xf32>
    %reduce_sum3A_111 = arith.constant dense<0.000000e+00> : vector<512xf32>
    %reduce_sum3A_112 = vector.multi_reduction <add>, %mul3A_110, %reduce_sum3A_111 [0] : vector<512x512xf32> to vector<512xf32>
    %broadcast_in_dim3A_113 = vector.shape_cast %reduce_sum3A_112 : vector<512xf32> to vector<1x512xf32>
    %add3A_114 = arith.addf %mul3A_108, %broadcast_in_dim3A_113 : vector<1x512xf32>
    %swap3A_115 = arith.constant 0 : index
    %swap3A_116 = arith.constant 0 : index
    %swap3A_117 = vector.load %arg18[%swap3A_115, %swap3A_116] : memref<1x512xf32, #tpu.memory_space<vmem>>, vector<1x512xf32>
    tpu.vector_store %arg18[%swap3A_115, %swap3A_116], %add3A_114 {strides = array<i32>} : memref<1x512xf32, #tpu.memory_space<vmem>>, vector<1x512xf32>,
    %swap3A_118 = arith.constant 0 : index
    %swap3A_119 = arith.constant 0 : index
    %swap3A_120 = memref.load %arg19[%swap3A_118, %swap3A_119] : memref<1x1xf32, #tpu.memory_space<smem>>
    memref.store %max3A_89, %arg19[%swap3A_118, %swap3A_119] : memref<1x1xf32, #tpu.memory_space<smem>>
    %get3A_121 = arith.constant 0 : index
    %get3A_122 = arith.constant 0 : index
    %get3A_123 = vector.load %arg18[%get3A_121, %get3A_122] : memref<1x512xf32, #tpu.memory_space<vmem>>, vector<1x512xf32>
    %get3A_124 = arith.constant 0 : index
    %get3A_125 = arith.constant 0 : index
    %get3A_126 = memref.load %arg20[%get3A_124, %get3A_125] : memref<1x1xf32, #tpu.memory_space<smem>>
    %div3A = vector.broadcast %get3A_126 : f32 to vector<1x512xf32>
    %div3A_127 = arith.divf %get3A_123, %div3A : vector<1x512xf32>
    %get3A_128 = arith.constant 0 : index
    %get3A_129 = arith.constant 0 : index
    %get3A_130 = vector.load %arg13[%get3A_128, %get3A_129] : memref<512x512xf32, #tpu.memory_space<vmem>>, vector<512x512xf32>
    %dot_general3A_131 = arith.constant dense<0.000000e+00> : vector<1x512xf32>
    %dot_general3A_132 = tpu.matmul %div3A_127, %get3A_130, %dot_general3A_131 {dimension_numbers = #tpu.dot_dimension_numbers<[1], [0], [0], [1], [0, 0, 1, 1], [], []>, transpose_lhs_hint = false} : vector<1x512xf32>, vector<512x512xf32>, vector<1x512xf32> -> vector<1x512xf32>
    %get3A_133 = arith.constant 0 : index
    %get3A_134 = arith.constant 0 : index
    %get3A_135 = vector.load %arg14[%get3A_133, %get3A_134] : memref<1x512xf32, #tpu.memory_space<vmem>>, vector<1x512xf32>
    %add3A_136 = arith.addf %dot_general3A_132, %get3A_135 : vector<1x512xf32>
    %max3A_137 = arith.constant 0.000000e+00 : f32
    %max3A_138 = vector.broadcast %max3A_137 : f32 to vector<1x512xf32>
    %max3A_139 = arith.maximumf %add3A_136, %max3A_138 : vector<1x512xf32>
    %get3A_140 = arith.constant 0 : index
    %get3A_141 = arith.constant 0 : index
    %get3A_142 = vector.load %arg15[%get3A_140, %get3A_141] : memref<512x1xf32, #tpu.memory_space<vmem>>, vector<512x1xf32>
    %dot_general3A_143 = arith.constant dense<0.000000e+00> : vector<1x1xf32>
    %dot_general3A_144 = tpu.matmul %max3A_139, %get3A_142, %dot_general3A_143 {dimension_numbers = #tpu.dot_dimension_numbers<[1], [0], [0], [1], [0, 0, 1, 1], [], []>, transpose_lhs_hint = false} : vector<1x512xf32>, vector<512x1xf32>, vector<1x1xf32> -> vector<1x1xf32>
    %get3A_145 = arith.constant 0 : index
    %get3A_146 = arith.constant 0 : index
    %get3A_147 = vector.load %arg16[%get3A_145, %get3A_146] : memref<1x1xf32, #tpu.memory_space<vmem>>, vector<1x1xf32>
    %add3A_148 = arith.addf %dot_general3A_144, %get3A_147 : vector<1x1xf32>
    %logistic3A_149 = arith.negf %add3A_148 : vector<1x1xf32>
    %logistic3A_150 = math.exp %logistic3A_149 : vector<1x1xf32>
    %logistic3A_151 = arith.constant 1.000000e+00 : f32
    %logistic3A_152 = vector.broadcast %logistic3A_151 : f32 to vector<1x1xf32>
    %logistic3A_153 = arith.addf %logistic3A_152, %logistic3A_150 : vector<1x1xf32>
    %logistic3A_154 = arith.divf %logistic3A_152, %logistic3A_153 : vector<1x1xf32>
    %swap3A_155 = arith.constant 0 : index
    %swap3A_156 = arith.constant 0 : index
    %swap3A_157 = vector.load %arg17[%swap3A_155, %swap3A_156] : memref<1x1xf32, #tpu.memory_space<vmem>>, vector<1x1xf32>
    tpu.vector_store %arg17[%swap3A_155, %swap3A_156], %logistic3A_154 {strides = array<i32>} : memref<1x1xf32, #tpu.memory_space<vmem>>, vector<1x1xf32>,
    return
  }
  func.func @transform_0(%arg0: i32) -> (i32, i32) {
    %c0_i32 = arith.constant 0 : i32
    %c0_i32_0 = arith.constant 0 : i32
    return %arg0, %c0_i32 : i32, i32
  }
  func.func @transform_1(%arg0: i32) -> (i32, i32) {
    %c0_i32 = arith.constant 0 : i32
    %c0_i32_0 = arith.constant 0 : i32
    return %arg0, %c0_i32 : i32, i32
  }
  func.func @transform_2(%arg0: i32) -> (i32, i32) {
    %c0_i32 = arith.constant 0 : i32
    %c0_i32_0 = arith.constant 0 : i32
    return %arg0, %c0_i32 : i32, i32
  }
  func.func @transform_3(%arg0: i32) -> (i32, i32) {
    %c0_i32 = arith.constant 0 : i32
    %c0_i32_0 = arith.constant 0 : i32
    return %arg0, %c0_i32 : i32, i32
  }
  func.func @transform_4(%arg0: i32) -> (i32, i32) {
    %c0_i32 = arith.constant 0 : i32
    %c0_i32_0 = arith.constant 0 : i32
    %c0_i32_1 = arith.constant 0 : i32
    return %c0_i32, %c0_i32_0 : i32, i32
  }
  func.func @transform_5(%arg0: i32) -> (i32, i32) {
    %c0_i32 = arith.constant 0 : i32
    %c0_i32_0 = arith.constant 0 : i32
    %c0_i32_1 = arith.constant 0 : i32
    return %c0_i32, %c0_i32_0 : i32, i32
  }
  func.func @transform_6(%arg0: i32) -> (i32, i32) {
    %c0_i32 = arith.constant 0 : i32
    %c0_i32_0 = arith.constant 0 : i32
    %c0_i32_1 = arith.constant 0 : i32
    return %c0_i32, %c0_i32_0 : i32, i32
  }
  func.func @transform_7(%arg0: i32) -> (i32, i32) {
    %c0_i32 = arith.constant 0 : i32
    %c0_i32_0 = arith.constant 0 : i32
    %c0_i32_1 = arith.constant 0 : i32
    return %c0_i32, %c0_i32_0 : i32, i32
  }
  func.func @transform_8(%arg0: i32) -> (i32, i32) {
    %c0_i32 = arith.constant 0 : i32
    %c0_i32_0 = arith.constant 0 : i32
    %c0_i32_1 = arith.constant 0 : i32
    return %c0_i32, %c0_i32_0 : i32, i32
  }
  func.func @transform_9(%arg0: i32) -> (i32, i32) {
    %c0_i32 = arith.constant 0 : i32
    %c0_i32_0 = arith.constant 0 : i32
    %c0_i32_1 = arith.constant 0 : i32
    return %c0_i32, %c0_i32_0 : i32, i32
  }
  func.func @transform_10(%arg0: i32) -> (i32, i32) {
    %c0_i32 = arith.constant 0 : i32
    %c0_i32_0 = arith.constant 0 : i32
    %c0_i32_1 = arith.constant 0 : i32
    return %c0_i32, %c0_i32_0 : i32, i32
  }
  func.func @transform_11(%arg0: i32) -> (i32, i32) {
    %c0_i32 = arith.constant 0 : i32
    %c0_i32_0 = arith.constant 0 : i32
    %c0_i32_1 = arith.constant 0 : i32
    return %c0_i32, %c0_i32_0 : i32, i32
  }
  func.func @transform_12(%arg0: i32) -> (i32, i32) {
    %c0_i32 = arith.constant 0 : i32
    %c0_i32_0 = arith.constant 0 : i32
    %c0_i32_1 = arith.constant 0 : i32
    return %c0_i32, %c0_i32_0 : i32, i32
  }
  func.func @transform_13(%arg0: i32) -> (i32, i32) {
    %c0_i32 = arith.constant 0 : i32
    %c0_i32_0 = arith.constant 0 : i32
    %c0_i32_1 = arith.constant 0 : i32
    return %c0_i32, %c0_i32_0 : i32, i32
  }
  func.func @transform_14(%arg0: i32) -> (i32, i32) {
    %c0_i32 = arith.constant 0 : i32
    %c0_i32_0 = arith.constant 0 : i32
    %c0_i32_1 = arith.constant 0 : i32
    return %c0_i32, %c0_i32_0 : i32, i32
  }
  func.func @transform_15(%arg0: i32) -> (i32, i32) {
    %c0_i32 = arith.constant 0 : i32
    %c0_i32_0 = arith.constant 0 : i32
    %c0_i32_1 = arith.constant 0 : i32
    return %c0_i32, %c0_i32_0 : i32, i32
  }
  func.func @transform_16(%arg0: i32) -> (i32, i32) {
    %c0_i32 = arith.constant 0 : i32
    %c0_i32_0 = arith.constant 0 : i32
    %c0_i32_1 = arith.constant 0 : i32
    return %c0_i32, %c0_i32_0 : i32, i32
  }
}

</mosaic_0001>

<sc_bundles>
// kernel: kernel.10.cloned.1.call-start
scs
__scs_entry_jumppad:
0x0: {  	(pc) =	sbr.rel $0x88, $3  }
0x1: {  	(tag) =	ssettag $0x0;
	lr =	simm.s32 $0x1  }
0x2: {  	[smem:$0x3F78] =	sst lr;
	_ =	strace $0xD0000000  }
0x3: {  	_ = 	snop  }
0x4: {  	_ = 	snop  }
0x5: {  	_ = 	snop  }
0x6: {  	_ = 	snop  }
0x7: {  	_ = 	snop  }
__scs_overlays_trampoline_lowered:
0x8: {  	[smem:$0x3F87] =	sst s0  }
0x9: {  	[smem:$0x3F88] =	sst s1  }
0xa: {  	[smem:$0x3F89] =	sst s2  }
0xb: {  	[smem:$0x3F8A] =	sst s3  }
0xc: {  	[smem:$0x3F8B] =	sst s4  }
0xd: {  	[smem:$0x3F8C] =	sst s5  }
0xe: {  	[smem:$0x3F8D] =	sst s6  }
0xf: {  	[smem:$0x3F8E] =	sst s7  }
0x10: {  	[smem:$0x3F8F] =	sst s8  }
0x11: {  	[smem:$0x3F90] =	sst s9;
	s0 =	simm.s32 @!p0 $0x0  }
0x12: {  	s1 =	sld [smem:$0x3F76];
	s0 =	simm.s32 @p0 $0x1  }
0x13: {  	[smem:$0x3F91] =	sst s0;
	s0 =	simm.s32 @!p1 $0x0  }
0x14: {  	s2 =	sld [smem:$0x3F75];
	s0 =	simm.s32 @p1 $0x1  }
0x15: {  	[smem:$0x3F92] =	sst s0;
	s0 =	simm.s32 @!p2 $0x0  }
0x16: {  	s3 =	sld [smem:$0x3FDB];
	s0 =	simm.s32 @p2 $0x1  }
0x17: {  	s4 =	simm.s32 $0x1BF5;
	[smem:$0x3F94] =	sst s0  }
0x18: {  	s0 =	sld [smem:$0x3F77];
	_ =	swait.ge [sflag:s4], $0x0  }
0x19: {  	s7 =	sld [smem:$0x3F78]  }
0x1a: {  	s8 =	sadd.s32 $0xFFFFE003, lr  }
0x1b: {  	s9 =	sadd.s32 $0xFFFFFEF7, lr;
	s5 =	simm.s32 $0xFFFFFFFF;
	p2 =	slt.u32 s8, $0xFFFFF086  }
0x1c: {  	p1 =	slt.u32 s9, $0xF7A;
	s5 =	simm.s32 @!p2 $0x0  }
0x1d: {  	s5 =	simm.s32 @p1 $0x1;
	p0 =	seq.s32 s7, s2  }
0x1e: {  	s7 =	smul.u32 @!p0 $0xF7A, s2;
	p2 =	seq.s32 @!p0 s5, $0x0  }
0x1f: {  	s9 =	smul.u32 $0xF7A, s1;
	s8 =	simm.s32 @!p0 $0x1BF5;
	p2 =	por !p2, p0  }
0x20: {  	[sflag:s8] =	ssyncset.s32 @!p0 $0xFFFFF086;
	s6 =	sadd.s32 @!p0 s3, s7;
	s7 =	simm.s32 @!p0 $0x108  }
0x21: {  	s3 =	sadd.s32 s3, s9;
	s6 =	sadd.s32 @!p0 $0x88, s6;
	s7 =	simm.s32 @p2 $0x1082  }
0x22: {  	[simem:s7], [sflag:s8] =	dma.local @!p0 [hbm:s6], $0xF7A  }
0x23: {  	s9 =	sor.u32 $0xD0000000, s2;
	s6 =	simm.s32 $0x108;
	_ =	swait.ge @!p0 [sflag:s8], $0x0  }
0x24: {  	s3 =	sadd.s32 $0x88, s3;
	s6 =	simm.s32 @!p1 $0x1082;
	[sflag:s4] =	ssyncset.s32 $0xFFFFF086  }
0x25: {  	[simem:s6], [sflag:s4] =	dma.local [hbm:s3], $0xF7A  }
0x26: {  	[smem:$0x3F78] =	sst s1;
	(tag) =	ssettag s2;
	_ =	strace s9  }
0x27: {  	s1 =	sld [smem:$0x3F88]  }
0x28: {  	s2 =	sld [smem:$0x3F89]  }
0x29: {  	s4 =	sld [smem:$0x3F8B]  }
0x2a: {  	p0 =	seq.s32 s5, $0x0;
	s5 =	sld [smem:$0x3F8C]  }
0x2b: {  	s6 =	sld [smem:$0x3F8D]  }
0x2c: {  	s7 =	sld [smem:$0x3F8E]  }
0x2d: {  	s3 =	simm.s32 $0x108;
	s8 =	sld [smem:$0x3F8F]  }
0x2e: {  	s3 =	simm.s32 @!p0 $0x1082;
	s9 =	sld [smem:$0x3F90]  }
0x2f: {  	lr =	sadd.s32 s0, s3;
	s0 =	sld [smem:$0x3F87]  }
0x30: {  	s3 =	sld [smem:$0x3F8A]  }
0x31: {  	[smem:$0x3F93] =	sst s10  }
0x32: {  	s10 =	sld [smem:$0x3F91];
	_ =	sdelay $0x3  }
0x33: {  	p0 =	seq.s32 s10, $0x1;
	s10 =	sld [smem:$0x3F93];
	_ =	sdelay $0x3  }
0x34: {  	[smem:$0x3F93] =	sst s10  }
0x35: {  	s10 =	sld [smem:$0x3F92];
	_ =	sdelay $0x3  }
0x36: {  	p1 =	seq.s32 s10, $0x1;
	s10 =	sld [smem:$0x3F93];
	_ =	sdelay $0x3  }
0x37: {  	[smem:$0x3F93] =	sst s10  }
0x38: {  	s10 =	sld [smem:$0x3F94]  }
0x39: {  	_ = 	snop;
	(pc) =	sbr.ind lr, $3  }
0x3a: {  	_ = 	snop  }
0x3b: {  	_ = 	snop  }
0x3c: {  	p2 =	seq.s32 s10, $0x1;
	s10 =	sld [smem:$0x3F93]  }
0x3d: {  	_ =	shalt  }
0x3e: {  	_ =	shalt  }
0x3f: {  	_ =	shalt  }
0x40: {  	_ =	shalt  }
0x41: {  	_ =	shalt  }
0x42: {  	_ =	shalt  }
0x43: {  	_ =	shalt  }
0x44: {  	_ =	shalt  }
0x45: {  	_ =	shalt  }
0x46: {  	_ =	shalt  }
0x47: {  	_ =	shalt  }
0x48: {  	_ =	shalt  }
0x49: {  	_ =	shalt  }
0x4a: {  	_ =	shalt  }
0x4b: {  	_ =	shalt  }
0x4c: {  	_ =	shalt  }
0x4d: {  	_ =	shalt  }
0x4e: {  	_ =	shalt  }
0x4f: {  	_ =	shalt  }
0x50: {  	_ =	shalt  }
0x51: {  	_ =	shalt  }
0x52: {  	_ =	shalt  }
0x53: {  	_ =	shalt  }
0x54: {  	_ =	shalt  }
0x55: {  	_ =	shalt  }
0x56: {  	_ =	shalt  }
0x57: {  	_ =	shalt  }
0x58: {  	_ =	shalt  }
0x59: {  	_ =	shalt  }
0x5a: {  	_ =	shalt  }
0x5b: {  	_ =	shalt  }
0x5c: {  	_ =	shalt  }
0x5d: {  	_ =	shalt  }
0x5e: {  	_ =	shalt  }
0x5f: {  	_ =	shalt  }
0x60: {  	_ =	shalt  }
0x61: {  	_ =	shalt  }
0x62: {  	_ =	shalt  }
0x63: {  	_ =	shalt  }
0x64: {  	_ =	shalt  }
0x65: {  	_ =	shalt  }
0x66: {  	_ =	shalt  }
0x67: {  	_ =	shalt  }
0x68: {  	_ =	shalt  }
0x69: {  	_ =	shalt  }
0x6a: {  	_ =	shalt  }
0x6b: {  	_ =	shalt  }
0x6c: {  	_ =	shalt  }
0x6d: {  	_ =	shalt  }
0x6e: {  	_ =	shalt  }
0x6f: {  	_ =	shalt  }
0x70: {  	_ =	shalt  }
0x71: {  	_ =	shalt  }
0x72: {  	_ =	shalt  }
0x73: {  	_ =	shalt  }
0x74: {  	_ =	shalt  }
0x75: {  	_ =	shalt  }
0x76: {  	_ =	shalt  }
0x77: {  	_ =	shalt  }
0x78: {  	_ =	shalt  }
0x79: {  	_ =	shalt  }
0x7a: {  	_ =	shalt  }
0x7b: {  	_ =	shalt  }
0x7c: {  	_ =	shalt  }
0x7d: {  	_ =	shalt  }
0x7e: {  	_ =	shalt  }
0x7f: {  	_ =	shalt  }
0x80: {  	_ =	shalt  }
0x81: {  	_ =	shalt  }
0x82: {  	_ =	shalt  }
0x83: {  	_ =	shalt  }
0x84: {  	_ =	shalt  }
0x85: {  	_ =	shalt  }
0x86: {  	_ =	shalt  }
0x87: {  	_ =	shalt  }
.Lfunc_end0:
.L_simem_size_0:
called_computation_lowered:
.L_overlay_start_0:
0x88: {  	s2 =	sld [smem:$0x3FD9]  }
0x89: {  	s3 =	sld [smem:$0x3FFE];
	_ =	sdelay $0x1  }
0x8a: {  	s1 =	srdreg.scid  }
0x8b: {  	s0 =	sand.u32 $0x1, s1  }
0x8c: {  	s16 =	sshll.u32 s0, $0xA;
	s2 =	sadd.s32 s3, s2  }
0x8d: {  	s2 =	sadd.s32 s2, s16  }
0x8e: {  	[smem:$0x3F9F] =	sst s2  }
0x8f: {  	_ = 	snop  }
0x90: {  	(tm) =	ssettm $0x1  }
0x91: {  	s17 =	sld [smem:$0x3FFB];
	_ =	sdelay $0x3  }
0x92: {  	_ =	strace s17  }
0x93: {  	s2 =	sld [smem:$0x3FFC];
	_ =	sdelay $0x3  }
0x94: {  	_ =	strace s2  }
0x95: {  	s2 =	sld [smem:$0x3FFD];
	_ =	sdelay $0x3  }
0x96: {  	_ =	strace s2  }
0x97: {  	_ =	strace $0x8FFFFFFF  }
0x98: {  	s18 =	sld [smem:$0x3FDB];
	_ =	sdelay $0x1  }
0x99: {  	s19 =	simm.s32 $_scs_section_size  }
0x9a: {  	s4 =	simm.s32 $_size__tile_overlayer_lowered;
	s5 =	simm.s32 $_tile_overlayer_lowered  }
0x9b: {  	s22 =	simm.s32 $0x1BFF;
	s21 =	sshll.u32 s5, $0x1;
	s2 =	sadd.s32 s19, s18  }
0x9c: {  	s6 =	simm.s32 $0x0;
	s20 =	sshll.u32 s4, $0x1;
	s4 =	sadd.s32 s21, s2  }
0x9d: {  	[timem:s6], [sflag:s22] =	dma.local [hbm:s4], s20  }
0x9e: {  	_ =	swait.ge [sflag:s22], s20  }
0x9f: {  	s3 =	ssub.s32 $0x0, s20;
	[sflag:s22] =	ssyncset.done $0x0  }
0xa0: {  	[sflag:s22] =	ssyncadd.s32 s3;
	_ =	sdelay $0x1  }
0xa1: {  	s23 =	simm.s32 $0x1B8B  }
0xa2: {  	_ =	swait.ge [sflag:s23], $0x1  }
0xa3: {  	[sflag:s23] =	ssyncset.done $0x0  }
0xa4: {  	s25 =	simm.s32 $0x1B8E;
	s24 =	sld [smem:$0x3FFE];
	[sflag:s23] =	ssyncadd.s32 $0xFFFFFFFF  }
0xa5: {  	s26 =	simm.s32 $execute0_lowered;
	[smem:$0x3FD2] =	sst s25  }
0xa6: {  	s4 =	sshll.u32 s26, $0x1;
	_ =	strace $0x80000046;
	[dreg:$0x1] =	wrdreg $0xFFFFFFFF  }
0xa7: {  	s28 =	simm.s32 $_size_execute0_lowered;
	s2 =	sadd.s32 s2, s4;
	[dreg:$0x0] =	wrdreg $0x0  }
0xa8: {  	s4 =	sshll.u32 s28, $0x1;
	[dreg:$0x2] =	wrdreg s2  }
0xa9: {  	[dreg:$0x3] =	wrdreg s4  }
0xaa: {  	[dreg:$0x4] =	wrdreg $0xC0  }
0xab: {  	_ =	task [dreg:s6], $0x5FFFF  }
0xac: {  	[dreg:$0x1] =	wrdreg $0xFFFFFFFF  }
0xad: {  	[dreg:$0x0] =	wrdreg $0x60  }
0xae: {  	[dreg:$0x2] =	wrdreg s24  }
0xaf: {  	[dreg:$0x3] =	wrdreg $0xFE000  }
0xb0: {  	[dreg:$0x4] =	wrdreg $0x9  }
0xb1: {  	_ =	task.clear_ibuf [dreg:s6], $0x5FFFF;
	_ =	strace $0x90000046  }
0xb2: {  	s29 =	simm.s32 $0x9;
	_ =	strace $0x80000048  }
0xb3: {  	_ =	swait.ge [sflag:s29], $0x1  }
0xb4: {  	[sflag:s29] =	ssyncadd.s32 $0xFFFFFFFF  }
0xb5: {  	_ =	strace $0x90000048  }
0xb6: {  	_ =	sfence  }
0xb7: {  	s30 =	sld [smem:$0x0];
	_ =	sdelay $0x2  }
0xb8: {  	s31 =	sshll.u32 s1, $0xD;
	s1 =	sshrl.u32 s1, $0x2  }
0xb9: {  	s3 =	sand.u32 $0x4000, s31;
	s1 =	sadd.s32 s1, s30  }
0xba: {  	s0 =	sor.u32 s3, s0;
	s1 =	sshll.u32 s1, $0x11  }
0xbb: {  	s0 =	sor.u32 s1, s0  }
0xbc: {  	s0 =	sadd.s32 $0x8F2B, s0  }
0xbd: {  	[sflag:s0] =	ssyncadd.remote.s32 $0x1  }
0xbe: {  	_ =	sfence.sel $0xFFFF  }
0xbf: {  	[dreg:$0x0] =	wrdreg $0xFFFFFFFF;
	(pc) =	sbr.abs _section_cstart, $3  }
0xc0: {  	[dreg:$0x1] =	wrdreg $0xFFFFFFFF  }
0xc1: {  	_ =	task.clear_ibuf [dreg:s6], $0x2FFFF;
	_ =	strace $0x9FFFFFFF  }
0xc2: {  	(tm) =	ssettm $0x7FFFFFFF  }
0xc3: {  	_ =	shalt  }
tec
execute0_lowered:
.L_overlay_start_1:
0x0: {  	(tag) =	ssettag $0x1  }
0x1: {  	s1 =	srdreg.scid;
	s5 =	rddreg [dreg:$0x0]  }
0x2: {  	s0 =	stileid.u32;
	s2 =	rddreg [dreg:$0x1]  }
0x3: {  	s3 =	simm.s32 $0x0;
	s16 =	simm.s32 $0x4F00;
	s17 =	simm.s32 $0x3  }
0x4: {  	s18 =	simm.s32 $0xDE00;
	s19 =	simm.s32 $0x80;
	s20 =	simm.s32 $0x9E00  }
0x5: {  	s21 =	simm.s32 $0xBE00;
	s22 =	simm.s32 $0x1;
	s7 =	smul.u32 $0x4F00, s0  }
0x6: {  	s23 =	simm.s32 $0x2;
	s24 =	simm.s32 $0x9D00;
	s8 =	smul.u32 $0xA000, s0  }
0x7: {  	s25 =	simm.s32 $0x9D80;
	s6 =	sand.u32 $0x1, s1;
	s29 =	smul.u32 $0x28000, s0  }
0x8: {  	s26 =	simm.s32 $0x0;
	[smem:$0x7FF] =	sst s3;
	s4 =	smul.u32 $0x9E000, s6  }
0x9: {  	s10 =	smul.u32 $0x140000, s6;
	_ =	strace $0x80000047;
	s6 =	ssub.s32 $0x2, s6  }
0xa: {  	s30 =	sshrl.u32 s6, $0x1;
	s31 =	sshrl.u32 s29, $0x2;
	s4 =	sadd.s32 s7, s4  }
0xb: {  	s7 =	sshrl.u32 s7, $0x3;
	s28 =	sadd.s32 s8, s10;
	s15 =	ssub.s32 s6, s30  }
0xc: {  	s11 =	sadd.s32 s31, s2;
	s9 =	sshrl.u32 s4, $0x3;
	s4 =	sadd.s32 $0xD6E00, s5  }
0xd: {  	s7 =	sadd.s32 s7, s5;
	s13 =	sadd.s32 s9, s5;
	s9 =	sshrl.u32 s28, $0x3  }
0xe: {  	s10 =	sadd.s32 $0x6000, s11;
	s15 =	smax.u32 s15, $0x1;
	s14 =	sadd.s32 s9, s5  }
0xf: {  	s5 =	sadd.s32 $0x2D000, s7;
	s6 =	sadd.s32 $0x5800, s13;
	s7 =	sadd.s32 s8, s2  }
0x10: {  	s8 =	sadd.s32 $0x2000, s11;
	s9 =	sadd.s32 $0x4000, s11;
	s11 =	sadd.s32 $0x8000, s11  }
0x11: {  	v0 =	vimm.f32 $0.0e+00;
	s13 =	sadd.s32 $0xF600, s13;
	s12 =	sadd.s32 $0x36E00, s14;
	s14 =	sadd.s32 $0x4AE00, s14  }
.LBB2_1:
0x12: {  	[tilespmem:s16], [sflag:$0x3] =	stream.linear.gather [hbm4b:s5+s3], $0x4F00, $0x38;
	[tilespmem:$0x19E00] =	vst v63  }
0x13: {  	_ =	swait.ge [sflag:s17], $0x4F00  }
0x14: {  	[sflag:s17] =	ssyncset.done $0x0  }
0x15: {  	s29 =	simm.s32 $0x100;
	s28 =	simm.s32 $0x0;
	[sflag:s17] =	ssyncadd.s32 $0xFFFFB100  }
.LBB2_2:
0x16: {  	p0 =	sne.s32 s29, $0x7F00;
	[tilespmem:s28+$0xDE30] =	vst v0;
	s30 =	smov.u32 s29;
	s29 =	sadd.s32 $0x100, s29  }
.Ltmp0:
0x17: {  	[tilespmem:s28+$0xDE20] =	vst v0;
	(pc) =	sbr.rel @p0 .LBB2_2-.Ltmp0, $3  }
0x18: {  	[tilespmem:s28+$0xDE00] =	vst v0  }
0x19: {  	[tilespmem:s28+$0xDE10] =	vst v0;
	_ =	sdelay $0x1  }
0x1a: {  	s28 =	sshra.s32 s30, $0x2  }
0x1b: {  	[tilespmem:s28+$0xDE30] =	vst v0  }
0x1c: {  	[tilespmem:s28+$0xDE20] =	vst v0  }
0x1d: {  	[tilespmem:s28+$0xDE00] =	vst v0  }
0x1e: {  	[tilespmem:s28+$0xDE10] =	vst v0;
	s28 =	simm.s32 $0x0  }
0x1f: {  	[tilespmem:s28], [sflag:$0x3] =	stream.linear.gather [hbm4b:s6+s28], $0x4F00, $0x38;
	[tilespmem:$0x19E00] =	vst v63  }
0x20: {  	_ =	swait.ge [sflag:s17], $0x4F00  }
0x21: {  	[sflag:s17] =	ssyncset.done $0x0  }
0x22: {  	[sflag:s17] =	ssyncadd.s32 $0xFFFFB100  }
0x23: {  	[spmem:s7] =	stream.linear.scatter [tilespmem:s18], [sflag:$0x3], $0x2000, $0x38;
	[tilespmem:$0x19E00] =	vst v63  }
0x24: {  	_ =	swait.ge [sflag:s17], $0x2000  }
0x25: {  	[sflag:s17] =	ssyncset.done $0x0  }
0x26: {  	[sflag:s17] =	ssyncadd.s32 $0xFFFFE000  }
0x27: {  	[spmem:s8] =	stream.linear.scatter [tilespmem:s18], [sflag:$0x3], $0x2000, $0x38;
	[tilespmem:$0x19E00] =	vst v63  }
0x28: {  	_ =	swait.ge [sflag:s17], $0x2000  }
0x29: {  	[sflag:s17] =	ssyncset.done $0x0  }
0x2a: {  	[sflag:s17] =	ssyncadd.s32 $0xFFFFE000  }
0x2b: {  	[spmem:s9] =	stream.linear.scatter [tilespmem:s18], [sflag:$0x3], $0x2000, $0x38;
	[tilespmem:$0x19E00] =	vst v63  }
0x2c: {  	_ =	swait.ge [sflag:s17], $0x2000  }
0x2d: {  	[sflag:s17] =	ssyncset.done $0x0  }
0x2e: {  	[sflag:s17] =	ssyncadd.s32 $0xFFFFE000  }
0x2f: {  	[spmem:s10] =	stream.linear.scatter [tilespmem:s18], [sflag:$0x3], $0x2000, $0x38;
	[tilespmem:$0x19E00] =	vst v63  }
0x30: {  	_ =	swait.ge [sflag:s17], $0x2000  }
0x31: {  	[sflag:s17] =	ssyncset.done $0x0  }
0x32: {  	[sflag:s17] =	ssyncadd.s32 $0xFFFFE000  }
0x33: {  	[spmem:s11] =	stream.linear.scatter [tilespmem:s18], [sflag:$0x3], $0x2000, $0x38;
	[tilespmem:$0x19E00] =	vst v63  }
0x34: {  	_ =	swait.ge [sflag:s17], $0x2000  }
0x35: {  	[sflag:s17] =	ssyncset.done $0x0  }
0x36: {  	[sflag:s17] =	ssyncadd.s32 $0xFFFFE000  }
0x37: {  	[bflag:$0x0] =	sbarrier.arrive $0xFFFF  }
0x38: {  	[tilespmem:s20], [sflag:$0x1] =	stream.indirect.gather [hbm4b:s4+s19], $0x40, s28, s19, $0xb8;
	[tilespmem:$0x19E00] =	vst v63  }
0x39: {  	_ = 	snop  }
0x3a: {  	[tilespmem:s21], [sflag:$0x2] =	stream.indirect.gather [hbm4b:s4+s19], $0x40, s19, s19, $0xb8;
	[tilespmem:$0x19E00] =	vst v63  }
0x3b: {  	_ =	swait.ge [sflag:s22], $0x2000  }
0x3c: {  	[sflag:s22] =	ssyncset.done $0x0  }
0x3d: {  	s28 =	simm.s32 $0x4F00;
	[sflag:s22] =	ssyncadd.s32 $0xFFFFE000  }
0x3e: {  	[spmem:s2] =	stream.indirect.scatter.add.f32 [tilespmem:s20], [sflag:$0x3], $0x40, s28, s19, $0xb8;
	[tilespmem:$0x19E00] =	vst v63  }
0x3f: {  	_ =	swait.ge [sflag:s17], $0x2000  }
0x40: {  	[sflag:s17] =	ssyncset.done $0x0  }
0x41: {  	s28 =	simm.s32 $0x100;
	[sflag:s17] =	ssyncadd.s32 $0xFFFFE000  }
0x42: {  	[tilespmem:s20], [sflag:$0x1] =	stream.indirect.gather [hbm4b:s4+s19], $0x40, s28, s19, $0xb8;
	[tilespmem:$0x19E00] =	vst v63  }
0x43: {  	_ =	swait.ge [sflag:s23], $0x2000  }
0x44: {  	[sflag:s23] =	ssyncset.done $0x0  }
0x45: {  	s28 =	simm.s32 $0x4F80;
	[sflag:s23] =	ssyncadd.s32 $0xFFFFE000  }
0x46: {  	[spmem:s2] =	stream.indirect.scatter.add.f32 [tilespmem:s21], [sflag:$0x3], $0x40, s28, s19, $0xb8;
	[tilespmem:$0x19E00] =	vst v63  }
0x47: {  	_ =	swait.ge [sflag:s17], $0x2000  }
0x48: {  	[sflag:s17] =	ssyncset.done $0x0  }
0x49: {  	s29 =	simm.s32 $0x180;
	s28 =	simm.s32 $0x400;
	[sflag:s17] =	ssyncadd.s32 $0xFFFFE000  }
.LBB2_4:
0x4a: {  	[tilespmem:s21], [sflag:$0x2] =	stream.indirect.gather [hbm4b:s4+s19], $0x40, s29, s19, $0xb8;
	[tilespmem:$0x19E00] =	vst v63  }
0x4b: {  	s29 =	smov.u32 s28  }
0x4c: {  	p0 =	sne.s32 s28, $0x13400;
	s28 =	sadd.s32 $0x400, s28;
	_ =	swait.ge [sflag:s22], $0x2000  }
0x4d: {  	s29 =	sshra.s32 s29, $0x2;
	[sflag:s22] =	ssyncset.done $0x0  }
0x4e: {  	s30 =	sadd.s32 $0x4F00, s29;
	[sflag:s22] =	ssyncadd.s32 $0xFFFFE000  }
0x4f: {  	[spmem:s2] =	stream.indirect.scatter.add.f32 [tilespmem:s20], [sflag:$0x3], $0x40, s30, s19, $0xb8;
	[tilespmem:$0x19E00] =	vst v63  }
0x50: {  	_ =	swait.ge [sflag:s17], $0x2000  }
0x51: {  	[sflag:s17] =	ssyncset.done $0x0  }
0x52: {  	s30 =	sadd.s32 $0x100, s29;
	[sflag:s17] =	ssyncadd.s32 $0xFFFFE000  }
0x53: {  	[tilespmem:s20], [sflag:$0x1] =	stream.indirect.gather [hbm4b:s4+s19], $0x40, s30, s19, $0xb8;
	[tilespmem:$0x19E00] =	vst v63  }
0x54: {  	_ =	swait.ge [sflag:s23], $0x2000  }
0x55: {  	[sflag:s23] =	ssyncset.done $0x0  }
.Ltmp1:
0x56: {  	s30 =	sadd.s32 $0x4F80, s29;
	[sflag:s23] =	ssyncadd.s32 $0xFFFFE000;
	(pc) =	sbr.rel @p0 .LBB2_4-.Ltmp1, $4  }
0x57: {  	[spmem:s2] =	stream.indirect.scatter.add.f32 [tilespmem:s21], [sflag:$0x3], $0x40, s30, s19, $0xb8;
	[tilespmem:$0x19E00] =	vst v63  }
0x58: {  	_ =	swait.ge [sflag:s17], $0x2000  }
0x59: {  	[sflag:s17] =	ssyncset.done $0x0  }
0x5a: {  	s29 =	sadd.s32 $0x180, s29;
	[sflag:s17] =	ssyncadd.s32 $0xFFFFE000  }
0x5b: {  	[tilespmem:s21], [sflag:$0x2] =	stream.indirect.gather [hbm4b:s4+s19], $0x40, s29, s19, $0xb8;
	[tilespmem:$0x19E00] =	vst v63  }
0x5c: {  	_ =	swait.ge [sflag:s22], $0x2000  }
0x5d: {  	[sflag:s22] =	ssyncset.done $0x0  }
0x5e: {  	[sflag:s22] =	ssyncadd.s32 $0xFFFFE000  }
0x5f: {  	[spmem:s2] =	stream.indirect.scatter.add.f32 [tilespmem:s20], [sflag:$0x3], $0x40, s24, s19, $0xb8;
	[tilespmem:$0x19E00] =	vst v63  }
0x60: {  	_ =	swait.ge [sflag:s17], $0x2000  }
0x61: {  	[sflag:s17] =	ssyncset.done $0x0  }
0x62: {  	[sflag:s17] =	ssyncadd.s32 $0xFFFFE000  }
0x63: {  	_ =	swait.ge [sflag:s23], $0x2000  }
0x64: {  	[sflag:s23] =	ssyncset.done $0x0  }
0x65: {  	[sflag:s23] =	ssyncadd.s32 $0xFFFFE000  }
0x66: {  	[spmem:s2] =	stream.indirect.scatter.add.f32 [tilespmem:s21], [sflag:$0x3], $0x40, s25, s19, $0xb8;
	[tilespmem:$0x19E00] =	vst v63  }
0x67: {  	_ =	swait.ge [sflag:s17], $0x2000  }
0x68: {  	[sflag:s17] =	ssyncset.done $0x0  }
0x69: {  	s28 =	sshll.u32 s0, $0x6;
	[sflag:s17] =	ssyncadd.s32 $0xFFFFE000  }
0x6a: {  	s29 =	sshrl.u32 s7, $0x3;
	s28 =	sor.u32 $0x1C03, s28;
	[bflag:$0x0] =	sbarrier.arrive $0xFFFF  }
0x6b: {  	[hbm:s12], [sflag:s28] =	dma.local [spmem:s29], $0x1400  }
0x6c: {  	_ =	swait.ge [sflag:s17], $0x1400  }
0x6d: {  	[sflag:s17] =	ssyncset.done $0x0  }
0x6e: {  	s30 =	simm.s32 $0x0;
	[sflag:s17] =	ssyncadd.s32 $0xFFFFEC00  }
0x6f: {  	[tilespmem:s30], [sflag:$0x3] =	stream.linear.gather [hbm4b:s13+s30], $0x4F00, $0x38;
	[tilespmem:$0x19E00] =	vst v63  }
0x70: {  	_ =	swait.ge [sflag:s17], $0x4F00  }
0x71: {  	[sflag:s17] =	ssyncset.done $0x0  }
0x72: {  	[sflag:s17] =	ssyncadd.s32 $0xFFFFB100  }
0x73: {  	[spmem:s7] =	stream.linear.scatter [tilespmem:s18], [sflag:$0x3], $0x2000, $0x38;
	[tilespmem:$0x19E00] =	vst v63  }
0x74: {  	_ =	swait.ge [sflag:s17], $0x2000  }
0x75: {  	[sflag:s17] =	ssyncset.done $0x0  }
0x76: {  	[sflag:s17] =	ssyncadd.s32 $0xFFFFE000  }
0x77: {  	[spmem:s8] =	stream.linear.scatter [tilespmem:s18], [sflag:$0x3], $0x2000, $0x38;
	[tilespmem:$0x19E00] =	vst v63  }
0x78: {  	_ =	swait.ge [sflag:s17], $0x2000  }
0x79: {  	[sflag:s17] =	ssyncset.done $0x0  }
0x7a: {  	[sflag:s17] =	ssyncadd.s32 $0xFFFFE000  }
0x7b: {  	[spmem:s9] =	stream.linear.scatter [tilespmem:s18], [sflag:$0x3], $0x2000, $0x38;
	[tilespmem:$0x19E00] =	vst v63  }
0x7c: {  	_ =	swait.ge [sflag:s17], $0x2000  }
0x7d: {  	[sflag:s17] =	ssyncset.done $0x0  }
0x7e: {  	[sflag:s17] =	ssyncadd.s32 $0xFFFFE000  }
0x7f: {  	[spmem:s10] =	stream.linear.scatter [tilespmem:s18], [sflag:$0x3], $0x2000, $0x38;
	[tilespmem:$0x19E00] =	vst v63  }
0x80: {  	_ =	swait.ge [sflag:s17], $0x2000  }
0x81: {  	[sflag:s17] =	ssyncset.done $0x0  }
0x82: {  	[sflag:s17] =	ssyncadd.s32 $0xFFFFE000  }
0x83: {  	[spmem:s11] =	stream.linear.scatter [tilespmem:s18], [sflag:$0x3], $0x2000, $0x38;
	[tilespmem:$0x19E00] =	vst v63  }
0x84: {  	_ =	swait.ge [sflag:s17], $0x2000  }
0x85: {  	[sflag:s17] =	ssyncset.done $0x0  }
0x86: {  	[sflag:s17] =	ssyncadd.s32 $0xFFFFE000  }
0x87: {  	[bflag:$0x0] =	sbarrier.arrive $0xFFFF  }
0x88: {  	[tilespmem:s20], [sflag:$0x1] =	stream.indirect.gather [hbm4b:s4+s19], $0x40, s30, s19, $0xb8;
	[tilespmem:$0x19E00] =	vst v63  }
0x89: {  	_ = 	snop  }
0x8a: {  	[tilespmem:s21], [sflag:$0x2] =	stream.indirect.gather [hbm4b:s4+s19], $0x40, s19, s19, $0xb8;
	[tilespmem:$0x19E00] =	vst v63  }
0x8b: {  	_ =	swait.ge [sflag:s22], $0x2000  }
0x8c: {  	[sflag:s22] =	ssyncset.done $0x0  }
0x8d: {  	s30 =	simm.s32 $0x4F00;
	[sflag:s22] =	ssyncadd.s32 $0xFFFFE000  }
0x8e: {  	[spmem:s2] =	stream.indirect.scatter.add.f32 [tilespmem:s20], [sflag:$0x3], $0x40, s30, s19, $0xb8;
	[tilespmem:$0x19E00] =	vst v63  }
0x8f: {  	_ =	swait.ge [sflag:s17], $0x2000  }
0x90: {  	[sflag:s17] =	ssyncset.done $0x0  }
0x91: {  	s30 =	simm.s32 $0x100;
	[sflag:s17] =	ssyncadd.s32 $0xFFFFE000  }
0x92: {  	[tilespmem:s20], [sflag:$0x1] =	stream.indirect.gather [hbm4b:s4+s19], $0x40, s30, s19, $0xb8;
	[tilespmem:$0x19E00] =	vst v63  }
0x93: {  	_ =	swait.ge [sflag:s23], $0x2000  }
0x94: {  	[sflag:s23] =	ssyncset.done $0x0  }
0x95: {  	s30 =	simm.s32 $0x4F80;
	[sflag:s23] =	ssyncadd.s32 $0xFFFFE000  }
0x96: {  	[spmem:s2] =	stream.indirect.scatter.add.f32 [tilespmem:s21], [sflag:$0x3], $0x40, s30, s19, $0xb8;
	[tilespmem:$0x19E00] =	vst v63  }
0x97: {  	_ =	swait.ge [sflag:s17], $0x2000  }
0x98: {  	[sflag:s17] =	ssyncset.done $0x0  }
0x99: {  	s31 =	simm.s32 $0x180;
	s30 =	simm.s32 $0x400;
	[sflag:s17] =	ssyncadd.s32 $0xFFFFE000  }
.LBB2_6:
0x9a: {  	[tilespmem:s21], [sflag:$0x2] =	stream.indirect.gather [hbm4b:s4+s19], $0x40, s31, s19, $0xb8;
	[tilespmem:$0x19E00] =	vst v63  }
0x9b: {  	s31 =	smov.u32 s30  }
0x9c: {  	p0 =	sne.s32 s30, $0x13400;
	s30 =	sadd.s32 $0x400, s30;
	_ =	swait.ge [sflag:s22], $0x2000  }
0x9d: {  	s31 =	sshra.s32 s31, $0x2;
	[sflag:s22] =	ssyncset.done $0x0  }
0x9e: {  	s1 =	sadd.s32 $0x4F00, s31;
	[sflag:s22] =	ssyncadd.s32 $0xFFFFE000  }
0x9f: {  	[spmem:s2] =	stream.indirect.scatter.add.f32 [tilespmem:s20], [sflag:$0x3], $0x40, s1, s19, $0xb8;
	[tilespmem:$0x19E00] =	vst v63  }
0xa0: {  	_ =	swait.ge [sflag:s17], $0x2000  }
0xa1: {  	[sflag:s17] =	ssyncset.done $0x0  }
0xa2: {  	s1 =	sadd.s32 $0x100, s31;
	[sflag:s17] =	ssyncadd.s32 $0xFFFFE000  }
0xa3: {  	[tilespmem:s20], [sflag:$0x1] =	stream.indirect.gather [hbm4b:s4+s19], $0x40, s1, s19, $0xb8;
	[tilespmem:$0x19E00] =	vst v63  }
0xa4: {  	_ =	swait.ge [sflag:s23], $0x2000  }
0xa5: {  	[sflag:s23] =	ssyncset.done $0x0  }
.Ltmp2:
0xa6: {  	s1 =	sadd.s32 $0x4F80, s31;
	[sflag:s23] =	ssyncadd.s32 $0xFFFFE000;
	(pc) =	sbr.rel @p0 .LBB2_6-.Ltmp2, $4  }
0xa7: {  	[spmem:s2] =	stream.indirect.scatter.add.f32 [tilespmem:s21], [sflag:$0x3], $0x40, s1, s19, $0xb8;
	[tilespmem:$0x19E00] =	vst v63  }
0xa8: {  	_ =	swait.ge [sflag:s17], $0x2000  }
0xa9: {  	[sflag:s17] =	ssyncset.done $0x0  }
0xaa: {  	s31 =	sadd.s32 $0x180, s31;
	[sflag:s17] =	ssyncadd.s32 $0xFFFFE000  }
0xab: {  	[tilespmem:s21], [sflag:$0x2] =	stream.indirect.gather [hbm4b:s4+s19], $0x40, s31, s19, $0xb8;
	[tilespmem:$0x19E00] =	vst v63  }
0xac: {  	_ =	swait.ge [sflag:s22], $0x2000  }
0xad: {  	[sflag:s22] =	ssyncset.done $0x0  }
0xae: {  	[sflag:s22] =	ssyncadd.s32 $0xFFFFE000  }
0xaf: {  	[spmem:s2] =	stream.indirect.scatter.add.f32 [tilespmem:s20], [sflag:$0x3], $0x40, s24, s19, $0xb8;
	[tilespmem:$0x19E00] =	vst v63  }
0xb0: {  	_ =	swait.ge [sflag:s17], $0x2000  }
0xb1: {  	[sflag:s17] =	ssyncset.done $0x0  }
0xb2: {  	[sflag:s17] =	ssyncadd.s32 $0xFFFFE000  }
0xb3: {  	_ =	swait.ge [sflag:s23], $0x2000  }
0xb4: {  	[sflag:s23] =	ssyncset.done $0x0  }
0xb5: {  	[sflag:s23] =	ssyncadd.s32 $0xFFFFE000  }
0xb6: {  	[spmem:s2] =	stream.indirect.scatter.add.f32 [tilespmem:s21], [sflag:$0x3], $0x40, s25, s19, $0xb8;
	[tilespmem:$0x19E00] =	vst v63  }
0xb7: {  	_ =	swait.ge [sflag:s17], $0x2000  }
0xb8: {  	s26 =	sadd.s32 $0x1, s26;
	[sflag:s17] =	ssyncset.done $0x0  }
0xb9: {  	p0 =	sne.s32 s26, s15;
	[sflag:s17] =	ssyncadd.s32 $0xFFFFE000  }
.Ltmp3:
0xba: {  	[bflag:$0x0] =	sbarrier.arrive $0xFFFF;
	(pc) =	sbr.rel @p0 .LBB2_1-.Ltmp3, $4  }
0xbb: {  	[hbm:s14], [sflag:s28] =	dma.local [spmem:s29], $0x1400  }
0xbc: {  	_ =	swait.ge [sflag:s17], $0x1400  }
0xbd: {  	[sflag:s17] =	ssyncset.done $0x0  }
0xbe: {  	[sflag:s17] =	ssyncadd.s32 $0xFFFFEC00  }
0xbf: {  	_ =	sfence.sel $0x180000  }
0xc0: {  	[bflag:$0x0] =	sbarrier.arrive $0xFFFF  }
0xc1: {  	_ =	strace $0x90000047  }
0xc2: {  	[bflag:$0x2] =	sbarrier.arrive $0xFFFF  }
0xc3: {  	p0 =	sne.s32 s0, $0x0;
	s0 =	rddreg [dreg:$0x2]  }
0xc4: {  	s0 =	sadd.s32 @!p0 $0x100000, s0  }
0xc5: {  	[sflag:s0] =	ssyncadd.tile.s32 @!p0 $0x1;
	_ =	shalt  }
.Lfunc_end2:
_tile_overlayer_lowered:
.L_overlay_start_2:
0xc6: {  	(tag) =	ssettag $0x2  }
0xc7: {  	s0 =	rddreg [dreg:$0x0];
	s2 =	stileid.u32  }
0xc8: {  	s1 =	rddreg [dreg:$0x1];
	p0 =	sne.s32 s2, $0x0  }
0xc9: {  	s3 =	rddreg [dreg:$0x2];
	[bflag:$0x3] =	sbarrier.arrive $0xFFFF;
	s2 =	simm.s32 @!p0 $0x1C03  }
0xca: {  	[timem:s3], [sflag:s2] =	dma.local @!p0 [hbm:s0], s1  }
0xcb: {  	s0 =	simm.s32 @!p0 $0x3  }
0xcc: {  	_ =	swait.ge @!p0 [sflag:s0], s1  }
0xcd: {  	s1 =	ssub.s32 @!p0 $0x0, s1;
	[sflag:s0] =	ssyncset.done @!p0 $0x0  }
0xce: {  	[sflag:s0] =	ssyncadd.s32 @!p0 s1  }
0xcf: {  	[bflag:$0x3] =	sbarrier.arrive $0xFFFF  }
0xd0: {  	_ =	shalt  }

// kernel: kernel.13.cloned.1.call-start
scs
__scs_entry_jumppad:
0x0: {  	(pc) =	sbr.rel $0x88, $3  }
0x1: {  	(tag) =	ssettag $0x0;
	lr =	simm.s32 $0x1  }
0x2: {  	[smem:$0x3F78] =	sst lr;
	_ =	strace $0xD0000000  }
0x3: {  	_ = 	snop  }
0x4: {  	_ = 	snop  }
0x5: {  	_ = 	snop  }
0x6: {  	_ = 	snop  }
0x7: {  	_ = 	snop  }
__scs_overlays_trampoline_lowered:
0x8: {  	[smem:$0x3F87] =	sst s0  }
0x9: {  	[smem:$0x3F88] =	sst s1  }
0xa: {  	[smem:$0x3F89] =	sst s2  }
0xb: {  	[smem:$0x3F8A] =	sst s3  }
0xc: {  	[smem:$0x3F8B] =	sst s4  }
0xd: {  	[smem:$0x3F8C] =	sst s5  }
0xe: {  	[smem:$0x3F8D] =	sst s6  }
0xf: {  	[smem:$0x3F8E] =	sst s7  }
0x10: {  	[smem:$0x3F8F] =	sst s8  }
0x11: {  	[smem:$0x3F90] =	sst s9;
	s0 =	simm.s32 @!p0 $0x0  }
0x12: {  	s1 =	sld [smem:$0x3F76];
	s0 =	simm.s32 @p0 $0x1  }
0x13: {  	[smem:$0x3F91] =	sst s0;
	s0 =	simm.s32 @!p1 $0x0  }
0x14: {  	s2 =	sld [smem:$0x3F75];
	s0 =	simm.s32 @p1 $0x1  }
0x15: {  	[smem:$0x3F92] =	sst s0;
	s0 =	simm.s32 @!p2 $0x0  }
0x16: {  	s3 =	sld [smem:$0x3FDB];
	s0 =	simm.s32 @p2 $0x1  }
0x17: {  	s4 =	simm.s32 $0x1BF5;
	[smem:$0x3F94] =	sst s0  }
0x18: {  	s0 =	sld [smem:$0x3F77];
	_ =	swait.ge [sflag:s4], $0x0  }
0x19: {  	s7 =	sld [smem:$0x3F78]  }
0x1a: {  	s8 =	sadd.s32 $0xFFFFE003, lr  }
0x1b: {  	s9 =	sadd.s32 $0xFFFFFEF7, lr;
	s5 =	simm.s32 $0xFFFFFFFF;
	p2 =	slt.u32 s8, $0xFFFFF086  }
0x1c: {  	p1 =	slt.u32 s9, $0xF7A;
	s5 =	simm.s32 @!p2 $0x0  }
0x1d: {  	s5 =	simm.s32 @p1 $0x1;
	p0 =	seq.s32 s7, s2  }
0x1e: {  	s7 =	smul.u32 @!p0 $0xF7A, s2;
	p2 =	seq.s32 @!p0 s5, $0x0  }
0x1f: {  	s9 =	smul.u32 $0xF7A, s1;
	s8 =	simm.s32 @!p0 $0x1BF5;
	p2 =	por !p2, p0  }
0x20: {  	[sflag:s8] =	ssyncset.s32 @!p0 $0xFFFFF086;
	s6 =	sadd.s32 @!p0 s3, s7;
	s7 =	simm.s32 @!p0 $0x108  }
0x21: {  	s3 =	sadd.s32 s3, s9;
	s6 =	sadd.s32 @!p0 $0x88, s6;
	s7 =	simm.s32 @p2 $0x1082  }
0x22: {  	[simem:s7], [sflag:s8] =	dma.local @!p0 [hbm:s6], $0xF7A  }
0x23: {  	s9 =	sor.u32 $0xD0000000, s2;
	s6 =	simm.s32 $0x108;
	_ =	swait.ge @!p0 [sflag:s8], $0x0  }
0x24: {  	s3 =	sadd.s32 $0x88, s3;
	s6 =	simm.s32 @!p1 $0x1082;
	[sflag:s4] =	ssyncset.s32 $0xFFFFF086  }
0x25: {  	[simem:s6], [sflag:s4] =	dma.local [hbm:s3], $0xF7A  }
0x26: {  	[smem:$0x3F78] =	sst s1;
	(tag) =	ssettag s2;
	_ =	strace s9  }
0x27: {  	s1 =	sld [smem:$0x3F88]  }
0x28: {  	s2 =	sld [smem:$0x3F89]  }
0x29: {  	s4 =	sld [smem:$0x3F8B]  }
0x2a: {  	p0 =	seq.s32 s5, $0x0;
	s5 =	sld [smem:$0x3F8C]  }
0x2b: {  	s6 =	sld [smem:$0x3F8D]  }
0x2c: {  	s7 =	sld [smem:$0x3F8E]  }
0x2d: {  	s3 =	simm.s32 $0x108;
	s8 =	sld [smem:$0x3F8F]  }
0x2e: {  	s3 =	simm.s32 @!p0 $0x1082;
	s9 =	sld [smem:$0x3F90]  }
0x2f: {  	lr =	sadd.s32 s0, s3;
	s0 =	sld [smem:$0x3F87]  }
0x30: {  	s3 =	sld [smem:$0x3F8A]  }
0x31: {  	[smem:$0x3F93] =	sst s10  }
0x32: {  	s10 =	sld [smem:$0x3F91];
	_ =	sdelay $0x3  }
0x33: {  	p0 =	seq.s32 s10, $0x1;
	s10 =	sld [smem:$0x3F93];
	_ =	sdelay $0x3  }
0x34: {  	[smem:$0x3F93] =	sst s10  }
0x35: {  	s10 =	sld [smem:$0x3F92];
	_ =	sdelay $0x3  }
0x36: {  	p1 =	seq.s32 s10, $0x1;
	s10 =	sld [smem:$0x3F93];
	_ =	sdelay $0x3  }
0x37: {  	[smem:$0x3F93] =	sst s10  }
0x38: {  	s10 =	sld [smem:$0x3F94]  }
0x39: {  	_ = 	snop;
	(pc) =	sbr.ind lr, $3  }
0x3a: {  	_ = 	snop  }
0x3b: {  	_ = 	snop  }
0x3c: {  	p2 =	seq.s32 s10, $0x1;
	s10 =	sld [smem:$0x3F93]  }
0x3d: {  	_ =	shalt  }
0x3e: {  	_ =	shalt  }
0x3f: {  	_ =	shalt  }
0x40: {  	_ =	shalt  }
0x41: {  	_ =	shalt  }
0x42: {  	_ =	shalt  }
0x43: {  	_ =	shalt  }
0x44: {  	_ =	shalt  }
0x45: {  	_ =	shalt  }
0x46: {  	_ =	shalt  }
0x47: {  	_ =	shalt  }
0x48: {  	_ =	shalt  }
0x49: {  	_ =	shalt  }
0x4a: {  	_ =	shalt  }
0x4b: {  	_ =	shalt  }
0x4c: {  	_ =	shalt  }
0x4d: {  	_ =	shalt  }
0x4e: {  	_ =	shalt  }
0x4f: {  	_ =	shalt  }
0x50: {  	_ =	shalt  }
0x51: {  	_ =	shalt  }
0x52: {  	_ =	shalt  }
0x53: {  	_ =	shalt  }
0x54: {  	_ =	shalt  }
0x55: {  	_ =	shalt  }
0x56: {  	_ =	shalt  }
0x57: {  	_ =	shalt  }
0x58: {  	_ =	shalt  }
0x59: {  	_ =	shalt  }
0x5a: {  	_ =	shalt  }
0x5b: {  	_ =	shalt  }
0x5c: {  	_ =	shalt  }
0x5d: {  	_ =	shalt  }
0x5e: {  	_ =	shalt  }
0x5f: {  	_ =	shalt  }
0x60: {  	_ =	shalt  }
0x61: {  	_ =	shalt  }
0x62: {  	_ =	shalt  }
0x63: {  	_ =	shalt  }
0x64: {  	_ =	shalt  }
0x65: {  	_ =	shalt  }
0x66: {  	_ =	shalt  }
0x67: {  	_ =	shalt  }
0x68: {  	_ =	shalt  }
0x69: {  	_ =	shalt  }
0x6a: {  	_ =	shalt  }
0x6b: {  	_ =	shalt  }
0x6c: {  	_ =	shalt  }
0x6d: {  	_ =	shalt  }
0x6e: {  	_ =	shalt  }
0x6f: {  	_ =	shalt  }
0x70: {  	_ =	shalt  }
0x71: {  	_ =	shalt  }
0x72: {  	_ =	shalt  }
0x73: {  	_ =	shalt  }
0x74: {  	_ =	shalt  }
0x75: {  	_ =	shalt  }
0x76: {  	_ =	shalt  }
0x77: {  	_ =	shalt  }
0x78: {  	_ =	shalt  }
0x79: {  	_ =	shalt  }
0x7a: {  	_ =	shalt  }
0x7b: {  	_ =	shalt  }
0x7c: {  	_ =	shalt  }
0x7d: {  	_ =	shalt  }
0x7e: {  	_ =	shalt  }
0x7f: {  	_ =	shalt  }
0x80: {  	_ =	shalt  }
0x81: {  	_ =	shalt  }
0x82: {  	_ =	shalt  }
0x83: {  	_ =	shalt  }
0x84: {  	_ =	shalt  }
0x85: {  	_ =	shalt  }
0x86: {  	_ =	shalt  }
0x87: {  	_ =	shalt  }
.Lfunc_end0:
.L_simem_size_0:
called_computation.1_lowered:
.L_overlay_start_0:
0x88: {  	s2 =	sld [smem:$0x3FD9]  }
0x89: {  	s3 =	sld [smem:$0x3FFE];
	_ =	sdelay $0x1  }
0x8a: {  	s1 =	srdreg.scid  }
0x8b: {  	s0 =	sand.u32 $0x1, s1  }
0x8c: {  	s16 =	sshll.u32 s0, $0xA;
	s2 =	sadd.s32 s3, s2  }
0x8d: {  	s2 =	sadd.s32 s2, s16  }
0x8e: {  	[smem:$0x3F9F] =	sst s2  }
0x8f: {  	_ = 	snop  }
0x90: {  	(tm) =	ssettm $0x1  }
0x91: {  	s17 =	sld [smem:$0x3FFB];
	_ =	sdelay $0x3  }
0x92: {  	_ =	strace s17  }
0x93: {  	s2 =	sld [smem:$0x3FFC];
	_ =	sdelay $0x3  }
0x94: {  	_ =	strace s2  }
0x95: {  	s2 =	sld [smem:$0x3FFD];
	_ =	sdelay $0x3  }
0x96: {  	_ =	strace s2  }
0x97: {  	_ =	strace $0x8FFFFFFF  }
0x98: {  	s18 =	sld [smem:$0x3FDB];
	_ =	sdelay $0x1  }
0x99: {  	s19 =	simm.s32 $_scs_section_size  }
0x9a: {  	s4 =	simm.s32 $_size__tile_overlayer_lowered;
	s5 =	simm.s32 $_tile_overlayer_lowered  }
0x9b: {  	s22 =	simm.s32 $0x1BFF;
	s21 =	sshll.u32 s5, $0x1;
	s2 =	sadd.s32 s19, s18  }
0x9c: {  	s6 =	simm.s32 $0x0;
	s20 =	sshll.u32 s4, $0x1;
	s4 =	sadd.s32 s21, s2  }
0x9d: {  	[timem:s6], [sflag:s22] =	dma.local [hbm:s4], s20  }
0x9e: {  	_ =	swait.ge [sflag:s22], s20  }
0x9f: {  	s3 =	ssub.s32 $0x0, s20;
	[sflag:s22] =	ssyncset.done $0x0  }
0xa0: {  	[sflag:s22] =	ssyncadd.s32 s3;
	_ =	sdelay $0x1  }
0xa1: {  	s23 =	simm.s32 $0x1B8B  }
0xa2: {  	_ =	swait.ge [sflag:s23], $0x1  }
0xa3: {  	[sflag:s23] =	ssyncset.done $0x0  }
0xa4: {  	s25 =	simm.s32 $0x1B8E;
	s24 =	sld [smem:$0x3FFE];
	[sflag:s23] =	ssyncadd.s32 $0xFFFFFFFF  }
0xa5: {  	s26 =	simm.s32 $execute0_lowered;
	[smem:$0x3FD2] =	sst s25  }
0xa6: {  	s4 =	sshll.u32 s26, $0x1;
	_ =	strace $0x80000049;
	[dreg:$0x1] =	wrdreg $0xFFFFFFFF  }
0xa7: {  	s28 =	simm.s32 $_size_execute0_lowered;
	s2 =	sadd.s32 s2, s4;
	[dreg:$0x0] =	wrdreg $0x0  }
0xa8: {  	s4 =	sshll.u32 s28, $0x1;
	[dreg:$0x2] =	wrdreg s2  }
0xa9: {  	[dreg:$0x3] =	wrdreg s4  }
0xaa: {  	[dreg:$0x4] =	wrdreg $0xC0  }
0xab: {  	_ =	task [dreg:s6], $0x5FFFF  }
0xac: {  	[dreg:$0x1] =	wrdreg $0xFFFFFFFF  }
0xad: {  	[dreg:$0x0] =	wrdreg $0x60  }
0xae: {  	[dreg:$0x2] =	wrdreg s24  }
0xaf: {  	[dreg:$0x3] =	wrdreg $0xFE000  }
0xb0: {  	[dreg:$0x4] =	wrdreg $0x9  }
0xb1: {  	_ =	task.clear_ibuf [dreg:s6], $0x5FFFF;
	_ =	strace $0x90000049  }
0xb2: {  	s29 =	simm.s32 $0x9;
	_ =	strace $0x8000004B  }
0xb3: {  	_ =	swait.ge [sflag:s29], $0x1  }
0xb4: {  	[sflag:s29] =	ssyncadd.s32 $0xFFFFFFFF  }
0xb5: {  	_ =	strace $0x9000004B  }
0xb6: {  	_ =	sfence  }
0xb7: {  	s30 =	sld [smem:$0x0];
	_ =	sdelay $0x2  }
0xb8: {  	s31 =	sshll.u32 s1, $0xD;
	s1 =	sshrl.u32 s1, $0x2  }
0xb9: {  	s3 =	sand.u32 $0x4000, s31;
	s1 =	sadd.s32 s1, s30  }
0xba: {  	s0 =	sor.u32 s3, s0;
	s1 =	sshll.u32 s1, $0x11  }
0xbb: {  	s0 =	sor.u32 s1, s0  }
0xbc: {  	s0 =	sadd.s32 $0x8F2B, s0  }
0xbd: {  	[sflag:s0] =	ssyncadd.remote.s32 $0x1  }
0xbe: {  	_ =	sfence.sel $0xFFFF  }
0xbf: {  	[dreg:$0x0] =	wrdreg $0xFFFFFFFF;
	(pc) =	sbr.abs _section_cstart, $3  }
0xc0: {  	[dreg:$0x1] =	wrdreg $0xFFFFFFFF  }
0xc1: {  	_ =	task.clear_ibuf [dreg:s6], $0x2FFFF;
	_ =	strace $0x9FFFFFFF  }
0xc2: {  	(tm) =	ssettm $0x7FFFFFFF  }
0xc3: {  	_ =	shalt  }
tec
execute0_lowered:
.L_overlay_start_1:
0x0: {  	(tag) =	ssettag $0x1  }
0x1: {  	s1 =	srdreg.scid;
	s5 =	rddreg [dreg:$0x0]  }
0x2: {  	s0 =	stileid.u32;
	s2 =	rddreg [dreg:$0x1]  }
0x3: {  	s3 =	simm.s32 $0x0;
	s16 =	simm.s32 $0x4F00;
	s17 =	simm.s32 $0x3  }
0x4: {  	s18 =	simm.s32 $0xDE00;
	s19 =	simm.s32 $0x80;
	s20 =	simm.s32 $0x9E00  }
0x5: {  	s21 =	simm.s32 $0xBE00;
	s22 =	simm.s32 $0x1;
	s7 =	smul.u32 $0x4F00, s0  }
0x6: {  	s23 =	simm.s32 $0x2;
	s24 =	simm.s32 $0x9D00;
	s8 =	smul.u32 $0xA000, s0  }
0x7: {  	s25 =	simm.s32 $0x9D80;
	s6 =	sand.u32 $0x1, s1;
	s29 =	smul.u32 $0x28000, s0  }
0x8: {  	s26 =	simm.s32 $0x0;
	[smem:$0x7FF] =	sst s3;
	s4 =	smul.u32 $0x9E000, s6  }
0x9: {  	s10 =	smul.u32 $0x140000, s6;
	_ =	strace $0x8000004A;
	s6 =	ssub.s32 $0x2, s6  }
0xa: {  	s30 =	sshrl.u32 s6, $0x1;
	s31 =	sshrl.u32 s29, $0x2;
	s4 =	sadd.s32 s7, s4  }
0xb: {  	s7 =	sshrl.u32 s7, $0x3;
	s28 =	sadd.s32 s8, s10;
	s15 =	ssub.s32 s6, s30  }
0xc: {  	s11 =	sadd.s32 s31, s2;
	s9 =	sshrl.u32 s4, $0x3;
	s4 =	sadd.s32 $0x36E00, s5  }
0xd: {  	s7 =	sadd.s32 s7, s5;
	s13 =	sadd.s32 s9, s5;
	s9 =	sshrl.u32 s28, $0x3  }
0xe: {  	s10 =	sadd.s32 $0x6000, s11;
	s15 =	smax.u32 s15, $0x1;
	s14 =	sadd.s32 s9, s5  }
0xf: {  	s5 =	sadd.s32 $0x2D000, s7;
	s6 =	sadd.s32 $0x5800, s13;
	s7 =	sadd.s32 s8, s2  }
0x10: {  	s8 =	sadd.s32 $0x2000, s11;
	s9 =	sadd.s32 $0x4000, s11;
	s11 =	sadd.s32 $0x8000, s11  }
0x11: {  	v0 =	vimm.f32 $0.0e+00;
	s13 =	sadd.s32 $0xF600, s13;
	s12 =	sadd.s32 $0x86E00, s14;
	s14 =	sadd.s32 $0x9AE00, s14  }
.LBB2_1:
0x12: {  	[tilespmem:s16], [sflag:$0x3] =	stream.linear.gather [hbm4b:s5+s3], $0x4F00, $0x38;
	[tilespmem:$0x19E00] =	vst v63  }
0x13: {  	_ =	swait.ge [sflag:s17], $0x4F00  }
0x14: {  	[sflag:s17] =	ssyncset.done $0x0  }
0x15: {  	s29 =	simm.s32 $0x100;
	s28 =	simm.s32 $0x0;
	[sflag:s17] =	ssyncadd.s32 $0xFFFFB100  }
.LBB2_2:
0x16: {  	p0 =	sne.s32 s29, $0x7F00;
	[tilespmem:s28+$0xDE30] =	vst v0;
	s30 =	smov.u32 s29;
	s29 =	sadd.s32 $0x100, s29  }
.Ltmp0:
0x17: {  	[tilespmem:s28+$0xDE20] =	vst v0;
	(pc) =	sbr.rel @p0 .LBB2_2-.Ltmp0, $3  }
0x18: {  	[tilespmem:s28+$0xDE00] =	vst v0  }
0x19: {  	[tilespmem:s28+$0xDE10] =	vst v0;
	_ =	sdelay $0x1  }
0x1a: {  	s28 =	sshra.s32 s30, $0x2  }
0x1b: {  	[tilespmem:s28+$0xDE30] =	vst v0  }
0x1c: {  	[tilespmem:s28+$0xDE20] =	vst v0  }
0x1d: {  	[tilespmem:s28+$0xDE00] =	vst v0  }
0x1e: {  	[tilespmem:s28+$0xDE10] =	vst v0;
	s28 =	simm.s32 $0x0  }
0x1f: {  	[tilespmem:s28], [sflag:$0x3] =	stream.linear.gather [hbm4b:s6+s28], $0x4F00, $0x38;
	[tilespmem:$0x19E00] =	vst v63  }
0x20: {  	_ =	swait.ge [sflag:s17], $0x4F00  }
0x21: {  	[sflag:s17] =	ssyncset.done $0x0  }
0x22: {  	[sflag:s17] =	ssyncadd.s32 $0xFFFFB100  }
0x23: {  	[spmem:s7] =	stream.linear.scatter [tilespmem:s18], [sflag:$0x3], $0x2000, $0x38;
	[tilespmem:$0x19E00] =	vst v63  }
0x24: {  	_ =	swait.ge [sflag:s17], $0x2000  }
0x25: {  	[sflag:s17] =	ssyncset.done $0x0  }
0x26: {  	[sflag:s17] =	ssyncadd.s32 $0xFFFFE000  }
0x27: {  	[spmem:s8] =	stream.linear.scatter [tilespmem:s18], [sflag:$0x3], $0x2000, $0x38;
	[tilespmem:$0x19E00] =	vst v63  }
0x28: {  	_ =	swait.ge [sflag:s17], $0x2000  }
0x29: {  	[sflag:s17] =	ssyncset.done $0x0  }
0x2a: {  	[sflag:s17] =	ssyncadd.s32 $0xFFFFE000  }
0x2b: {  	[spmem:s9] =	stream.linear.scatter [tilespmem:s18], [sflag:$0x3], $0x2000, $0x38;
	[tilespmem:$0x19E00] =	vst v63  }
0x2c: {  	_ =	swait.ge [sflag:s17], $0x2000  }
0x2d: {  	[sflag:s17] =	ssyncset.done $0x0  }
0x2e: {  	[sflag:s17] =	ssyncadd.s32 $0xFFFFE000  }
0x2f: {  	[spmem:s10] =	stream.linear.scatter [tilespmem:s18], [sflag:$0x3], $0x2000, $0x38;
	[tilespmem:$0x19E00] =	vst v63  }
0x30: {  	_ =	swait.ge [sflag:s17], $0x2000  }
0x31: {  	[sflag:s17] =	ssyncset.done $0x0  }
0x32: {  	[sflag:s17] =	ssyncadd.s32 $0xFFFFE000  }
0x33: {  	[spmem:s11] =	stream.linear.scatter [tilespmem:s18], [sflag:$0x3], $0x2000, $0x38;
	[tilespmem:$0x19E00] =	vst v63  }
0x34: {  	_ =	swait.ge [sflag:s17], $0x2000  }
0x35: {  	[sflag:s17] =	ssyncset.done $0x0  }
0x36: {  	[sflag:s17] =	ssyncadd.s32 $0xFFFFE000  }
0x37: {  	[bflag:$0x0] =	sbarrier.arrive $0xFFFF  }
0x38: {  	[tilespmem:s20], [sflag:$0x1] =	stream.indirect.gather [hbm4b:s4+s19], $0x40, s28, s19, $0xb8;
	[tilespmem:$0x19E00] =	vst v63  }
0x39: {  	_ = 	snop  }
0x3a: {  	[tilespmem:s21], [sflag:$0x2] =	stream.indirect.gather [hbm4b:s4+s19], $0x40, s19, s19, $0xb8;
	[tilespmem:$0x19E00] =	vst v63  }
0x3b: {  	_ =	swait.ge [sflag:s22], $0x2000  }
0x3c: {  	[sflag:s22] =	ssyncset.done $0x0  }
0x3d: {  	s28 =	simm.s32 $0x4F00;
	[sflag:s22] =	ssyncadd.s32 $0xFFFFE000  }
0x3e: {  	[spmem:s2] =	stream.indirect.scatter.add.f32 [tilespmem:s20], [sflag:$0x3], $0x40, s28, s19, $0xb8;
	[tilespmem:$0x19E00] =	vst v63  }
0x3f: {  	_ =	swait.ge [sflag:s17], $0x2000  }
0x40: {  	[sflag:s17] =	ssyncset.done $0x0  }
0x41: {  	s28 =	simm.s32 $0x100;
	[sflag:s17] =	ssyncadd.s32 $0xFFFFE000  }
0x42: {  	[tilespmem:s20], [sflag:$0x1] =	stream.indirect.gather [hbm4b:s4+s19], $0x40, s28, s19, $0xb8;
	[tilespmem:$0x19E00] =	vst v63  }
0x43: {  	_ =	swait.ge [sflag:s23], $0x2000  }
0x44: {  	[sflag:s23] =	ssyncset.done $0x0  }
0x45: {  	s28 =	simm.s32 $0x4F80;
	[sflag:s23] =	ssyncadd.s32 $0xFFFFE000  }
0x46: {  	[spmem:s2] =	stream.indirect.scatter.add.f32 [tilespmem:s21], [sflag:$0x3], $0x40, s28, s19, $0xb8;
	[tilespmem:$0x19E00] =	vst v63  }
0x47: {  	_ =	swait.ge [sflag:s17], $0x2000  }
0x48: {  	[sflag:s17] =	ssyncset.done $0x0  }
0x49: {  	s29 =	simm.s32 $0x180;
	s28 =	simm.s32 $0x400;
	[sflag:s17] =	ssyncadd.s32 $0xFFFFE000  }
.LBB2_4:
0x4a: {  	[tilespmem:s21], [sflag:$0x2] =	stream.indirect.gather [hbm4b:s4+s19], $0x40, s29, s19, $0xb8;
	[tilespmem:$0x19E00] =	vst v63  }
0x4b: {  	s29 =	smov.u32 s28  }
0x4c: {  	p0 =	sne.s32 s28, $0x13400;
	s28 =	sadd.s32 $0x400, s28;
	_ =	swait.ge [sflag:s22], $0x2000  }
0x4d: {  	s29 =	sshra.s32 s29, $0x2;
	[sflag:s22] =	ssyncset.done $0x0  }
0x4e: {  	s30 =	sadd.s32 $0x4F00, s29;
	[sflag:s22] =	ssyncadd.s32 $0xFFFFE000  }
0x4f: {  	[spmem:s2] =	stream.indirect.scatter.add.f32 [tilespmem:s20], [sflag:$0x3], $0x40, s30, s19, $0xb8;
	[tilespmem:$0x19E00] =	vst v63  }
0x50: {  	_ =	swait.ge [sflag:s17], $0x2000  }
0x51: {  	[sflag:s17] =	ssyncset.done $0x0  }
0x52: {  	s30 =	sadd.s32 $0x100, s29;
	[sflag:s17] =	ssyncadd.s32 $0xFFFFE000  }
0x53: {  	[tilespmem:s20], [sflag:$0x1] =	stream.indirect.gather [hbm4b:s4+s19], $0x40, s30, s19, $0xb8;
	[tilespmem:$0x19E00] =	vst v63  }
0x54: {  	_ =	swait.ge [sflag:s23], $0x2000  }
0x55: {  	[sflag:s23] =	ssyncset.done $0x0  }
.Ltmp1:
0x56: {  	s30 =	sadd.s32 $0x4F80, s29;
	[sflag:s23] =	ssyncadd.s32 $0xFFFFE000;
	(pc) =	sbr.rel @p0 .LBB2_4-.Ltmp1, $4  }
0x57: {  	[spmem:s2] =	stream.indirect.scatter.add.f32 [tilespmem:s21], [sflag:$0x3], $0x40, s30, s19, $0xb8;
	[tilespmem:$0x19E00] =	vst v63  }
0x58: {  	_ =	swait.ge [sflag:s17], $0x2000  }
0x59: {  	[sflag:s17] =	ssyncset.done $0x0  }
0x5a: {  	s29 =	sadd.s32 $0x180, s29;
	[sflag:s17] =	ssyncadd.s32 $0xFFFFE000  }
0x5b: {  	[tilespmem:s21], [sflag:$0x2] =	stream.indirect.gather [hbm4b:s4+s19], $0x40, s29, s19, $0xb8;
	[tilespmem:$0x19E00] =	vst v63  }
0x5c: {  	_ =	swait.ge [sflag:s22], $0x2000  }
0x5d: {  	[sflag:s22] =	ssyncset.done $0x0  }
0x5e: {  	[sflag:s22] =	ssyncadd.s32 $0xFFFFE000  }
0x5f: {  	[spmem:s2] =	stream.indirect.scatter.add.f32 [tilespmem:s20], [sflag:$0x3], $0x40, s24, s19, $0xb8;
	[tilespmem:$0x19E00] =	vst v63  }
0x60: {  	_ =	swait.ge [sflag:s17], $0x2000  }
0x61: {  	[sflag:s17] =	ssyncset.done $0x0  }
0x62: {  	[sflag:s17] =	ssyncadd.s32 $0xFFFFE000  }
0x63: {  	_ =	swait.ge [sflag:s23], $0x2000  }
0x64: {  	[sflag:s23] =	ssyncset.done $0x0  }
0x65: {  	[sflag:s23] =	ssyncadd.s32 $0xFFFFE000  }
0x66: {  	[spmem:s2] =	stream.indirect.scatter.add.f32 [tilespmem:s21], [sflag:$0x3], $0x40, s25, s19, $0xb8;
	[tilespmem:$0x19E00] =	vst v63  }
0x67: {  	_ =	swait.ge [sflag:s17], $0x2000  }
0x68: {  	[sflag:s17] =	ssyncset.done $0x0  }
0x69: {  	s28 =	sshll.u32 s0, $0x6;
	[sflag:s17] =	ssyncadd.s32 $0xFFFFE000  }
0x6a: {  	s29 =	sshrl.u32 s7, $0x3;
	s28 =	sor.u32 $0x1C03, s28;
	[bflag:$0x0] =	sbarrier.arrive $0xFFFF  }
0x6b: {  	[hbm:s12], [sflag:s28] =	dma.local [spmem:s29], $0x1400  }
0x6c: {  	_ =	swait.ge [sflag:s17], $0x1400  }
0x6d: {  	[sflag:s17] =	ssyncset.done $0x0  }
0x6e: {  	s30 =	simm.s32 $0x0;
	[sflag:s17] =	ssyncadd.s32 $0xFFFFEC00  }
0x6f: {  	[tilespmem:s30], [sflag:$0x3] =	stream.linear.gather [hbm4b:s13+s30], $0x4F00, $0x38;
	[tilespmem:$0x19E00] =	vst v63  }
0x70: {  	_ =	swait.ge [sflag:s17], $0x4F00  }
0x71: {  	[sflag:s17] =	ssyncset.done $0x0  }
0x72: {  	[sflag:s17] =	ssyncadd.s32 $0xFFFFB100  }
0x73: {  	[spmem:s7] =	stream.linear.scatter [tilespmem:s18], [sflag:$0x3], $0x2000, $0x38;
	[tilespmem:$0x19E00] =	vst v63  }
0x74: {  	_ =	swait.ge [sflag:s17], $0x2000  }
0x75: {  	[sflag:s17] =	ssyncset.done $0x0  }
0x76: {  	[sflag:s17] =	ssyncadd.s32 $0xFFFFE000  }
0x77: {  	[spmem:s8] =	stream.linear.scatter [tilespmem:s18], [sflag:$0x3], $0x2000, $0x38;
	[tilespmem:$0x19E00] =	vst v63  }
0x78: {  	_ =	swait.ge [sflag:s17], $0x2000  }
0x79: {  	[sflag:s17] =	ssyncset.done $0x0  }
0x7a: {  	[sflag:s17] =	ssyncadd.s32 $0xFFFFE000  }
0x7b: {  	[spmem:s9] =	stream.linear.scatter [tilespmem:s18], [sflag:$0x3], $0x2000, $0x38;
	[tilespmem:$0x19E00] =	vst v63  }
0x7c: {  	_ =	swait.ge [sflag:s17], $0x2000  }
0x7d: {  	[sflag:s17] =	ssyncset.done $0x0  }
0x7e: {  	[sflag:s17] =	ssyncadd.s32 $0xFFFFE000  }
0x7f: {  	[spmem:s10] =	stream.linear.scatter [tilespmem:s18], [sflag:$0x3], $0x2000, $0x38;
	[tilespmem:$0x19E00] =	vst v63  }
0x80: {  	_ =	swait.ge [sflag:s17], $0x2000  }
0x81: {  	[sflag:s17] =	ssyncset.done $0x0  }
0x82: {  	[sflag:s17] =	ssyncadd.s32 $0xFFFFE000  }
0x83: {  	[spmem:s11] =	stream.linear.scatter [tilespmem:s18], [sflag:$0x3], $0x2000, $0x38;
	[tilespmem:$0x19E00] =	vst v63  }
0x84: {  	_ =	swait.ge [sflag:s17], $0x2000  }
0x85: {  	[sflag:s17] =	ssyncset.done $0x0  }
0x86: {  	[sflag:s17] =	ssyncadd.s32 $0xFFFFE000  }
0x87: {  	[bflag:$0x0] =	sbarrier.arrive $0xFFFF  }
0x88: {  	[tilespmem:s20], [sflag:$0x1] =	stream.indirect.gather [hbm4b:s4+s19], $0x40, s30, s19, $0xb8;
	[tilespmem:$0x19E00] =	vst v63  }
0x89: {  	_ = 	snop  }
0x8a: {  	[tilespmem:s21], [sflag:$0x2] =	stream.indirect.gather [hbm4b:s4+s19], $0x40, s19, s19, $0xb8;
	[tilespmem:$0x19E00] =	vst v63  }
0x8b: {  	_ =	swait.ge [sflag:s22], $0x2000  }
0x8c: {  	[sflag:s22] =	ssyncset.done $0x0  }
0x8d: {  	s30 =	simm.s32 $0x4F00;
	[sflag:s22] =	ssyncadd.s32 $0xFFFFE000  }
0x8e: {  	[spmem:s2] =	stream.indirect.scatter.add.f32 [tilespmem:s20], [sflag:$0x3], $0x40, s30, s19, $0xb8;
	[tilespmem:$0x19E00] =	vst v63  }
0x8f: {  	_ =	swait.ge [sflag:s17], $0x2000  }
0x90: {  	[sflag:s17] =	ssyncset.done $0x0  }
0x91: {  	s30 =	simm.s32 $0x100;
	[sflag:s17] =	ssyncadd.s32 $0xFFFFE000  }
0x92: {  	[tilespmem:s20], [sflag:$0x1] =	stream.indirect.gather [hbm4b:s4+s19], $0x40, s30, s19, $0xb8;
	[tilespmem:$0x19E00] =	vst v63  }
0x93: {  	_ =	swait.ge [sflag:s23], $0x2000  }
0x94: {  	[sflag:s23] =	ssyncset.done $0x0  }
0x95: {  	s30 =	simm.s32 $0x4F80;
	[sflag:s23] =	ssyncadd.s32 $0xFFFFE000  }
0x96: {  	[spmem:s2] =	stream.indirect.scatter.add.f32 [tilespmem:s21], [sflag:$0x3], $0x40, s30, s19, $0xb8;
	[tilespmem:$0x19E00] =	vst v63  }
0x97: {  	_ =	swait.ge [sflag:s17], $0x2000  }
0x98: {  	[sflag:s17] =	ssyncset.done $0x0  }
0x99: {  	s31 =	simm.s32 $0x180;
	s30 =	simm.s32 $0x400;
	[sflag:s17] =	ssyncadd.s32 $0xFFFFE000  }
.LBB2_6:
0x9a: {  	[tilespmem:s21], [sflag:$0x2] =	stream.indirect.gather [hbm4b:s4+s19], $0x40, s31, s19, $0xb8;
	[tilespmem:$0x19E00] =	vst v63  }
0x9b: {  	s31 =	smov.u32 s30  }
0x9c: {  	p0 =	sne.s32 s30, $0x13400;
	s30 =	sadd.s32 $0x400, s30;
	_ =	swait.ge [sflag:s22], $0x2000  }
0x9d: {  	s31 =	sshra.s32 s31, $0x2;
	[sflag:s22] =	ssyncset.done $0x0  }
0x9e: {  	s1 =	sadd.s32 $0x4F00, s31;
	[sflag:s22] =	ssyncadd.s32 $0xFFFFE000  }
0x9f: {  	[spmem:s2] =	stream.indirect.scatter.add.f32 [tilespmem:s20], [sflag:$0x3], $0x40, s1, s19, $0xb8;
	[tilespmem:$0x19E00] =	vst v63  }
0xa0: {  	_ =	swait.ge [sflag:s17], $0x2000  }
0xa1: {  	[sflag:s17] =	ssyncset.done $0x0  }
0xa2: {  	s1 =	sadd.s32 $0x100, s31;
	[sflag:s17] =	ssyncadd.s32 $0xFFFFE000  }
0xa3: {  	[tilespmem:s20], [sflag:$0x1] =	stream.indirect.gather [hbm4b:s4+s19], $0x40, s1, s19, $0xb8;
	[tilespmem:$0x19E00] =	vst v63  }
0xa4: {  	_ =	swait.ge [sflag:s23], $0x2000  }
0xa5: {  	[sflag:s23] =	ssyncset.done $0x0  }
.Ltmp2:
0xa6: {  	s1 =	sadd.s32 $0x4F80, s31;
	[sflag:s23] =	ssyncadd.s32 $0xFFFFE000;
	(pc) =	sbr.rel @p0 .LBB2_6-.Ltmp2, $4  }
0xa7: {  	[spmem:s2] =	stream.indirect.scatter.add.f32 [tilespmem:s21], [sflag:$0x3], $0x40, s1, s19, $0xb8;
	[tilespmem:$0x19E00] =	vst v63  }
0xa8: {  	_ =	swait.ge [sflag:s17], $0x2000  }
0xa9: {  	[sflag:s17] =	ssyncset.done $0x0  }
0xaa: {  	s31 =	sadd.s32 $0x180, s31;
	[sflag:s17] =	ssyncadd.s32 $0xFFFFE000  }
0xab: {  	[tilespmem:s21], [sflag:$0x2] =	stream.indirect.gather [hbm4b:s4+s19], $0x40, s31, s19, $0xb8;
	[tilespmem:$0x19E00] =	vst v63  }
0xac: {  	_ =	swait.ge [sflag:s22], $0x2000  }
0xad: {  	[sflag:s22] =	ssyncset.done $0x0  }
0xae: {  	[sflag:s22] =	ssyncadd.s32 $0xFFFFE000  }
0xaf: {  	[spmem:s2] =	stream.indirect.scatter.add.f32 [tilespmem:s20], [sflag:$0x3], $0x40, s24, s19, $0xb8;
	[tilespmem:$0x19E00] =	vst v63  }
0xb0: {  	_ =	swait.ge [sflag:s17], $0x2000  }
0xb1: {  	[sflag:s17] =	ssyncset.done $0x0  }
0xb2: {  	[sflag:s17] =	ssyncadd.s32 $0xFFFFE000  }
0xb3: {  	_ =	swait.ge [sflag:s23], $0x2000  }
0xb4: {  	[sflag:s23] =	ssyncset.done $0x0  }
0xb5: {  	[sflag:s23] =	ssyncadd.s32 $0xFFFFE000  }
0xb6: {  	[spmem:s2] =	stream.indirect.scatter.add.f32 [tilespmem:s21], [sflag:$0x3], $0x40, s25, s19, $0xb8;
	[tilespmem:$0x19E00] =	vst v63  }
0xb7: {  	_ =	swait.ge [sflag:s17], $0x2000  }
0xb8: {  	s26 =	sadd.s32 $0x1, s26;
	[sflag:s17] =	ssyncset.done $0x0  }
0xb9: {  	p0 =	sne.s32 s26, s15;
	[sflag:s17] =	ssyncadd.s32 $0xFFFFE000  }
.Ltmp3:
0xba: {  	[bflag:$0x0] =	sbarrier.arrive $0xFFFF;
	(pc) =	sbr.rel @p0 .LBB2_1-.Ltmp3, $4  }
0xbb: {  	[hbm:s14], [sflag:s28] =	dma.local [spmem:s29], $0x1400  }
0xbc: {  	_ =	swait.ge [sflag:s17], $0x1400  }
0xbd: {  	[sflag:s17] =	ssyncset.done $0x0  }
0xbe: {  	[sflag:s17] =	ssyncadd.s32 $0xFFFFEC00  }
0xbf: {  	_ =	sfence.sel $0x180000  }
0xc0: {  	[bflag:$0x0] =	sbarrier.arrive $0xFFFF  }
0xc1: {  	_ =	strace $0x9000004A  }
0xc2: {  	[bflag:$0x2] =	sbarrier.arrive $0xFFFF  }
0xc3: {  	p0 =	sne.s32 s0, $0x0;
	s0 =	rddreg [dreg:$0x2]  }
0xc4: {  	s0 =	sadd.s32 @!p0 $0x100000, s0  }
0xc5: {  	[sflag:s0] =	ssyncadd.tile.s32 @!p0 $0x1;
	_ =	shalt  }
.Lfunc_end2:
_tile_overlayer_lowered:
.L_overlay_start_2:
0xc6: {  	(tag) =	ssettag $0x2  }
0xc7: {  	s0 =	rddreg [dreg:$0x0];
	s2 =	stileid.u32  }
0xc8: {  	s1 =	rddreg [dreg:$0x1];
	p0 =	sne.s32 s2, $0x0  }
0xc9: {  	s3 =	rddreg [dreg:$0x2];
	[bflag:$0x3] =	sbarrier.arrive $0xFFFF;
	s2 =	simm.s32 @!p0 $0x1C03  }
0xca: {  	[timem:s3], [sflag:s2] =	dma.local @!p0 [hbm:s0], s1  }
0xcb: {  	s0 =	simm.s32 @!p0 $0x3  }
0xcc: {  	_ =	swait.ge @!p0 [sflag:s0], s1  }
0xcd: {  	s1 =	ssub.s32 @!p0 $0x0, s1;
	[sflag:s0] =	ssyncset.done @!p0 $0x0  }
0xce: {  	[sflag:s0] =	ssyncadd.s32 @!p0 s1  }
0xcf: {  	[bflag:$0x3] =	sbarrier.arrive $0xFFFF  }
0xd0: {  	_ =	shalt  }

// kernel: kernel.16.cloned.1.call-start
scs
__scs_entry_jumppad:
0x0: {  	(pc) =	sbr.rel $0x88, $3  }
0x1: {  	(tag) =	ssettag $0x0;
	lr =	simm.s32 $0x1  }
0x2: {  	[smem:$0x3F78] =	sst lr;
	_ =	strace $0xD0000000  }
0x3: {  	_ = 	snop  }
0x4: {  	_ = 	snop  }
0x5: {  	_ = 	snop  }
0x6: {  	_ = 	snop  }
0x7: {  	_ = 	snop  }
__scs_overlays_trampoline_lowered:
0x8: {  	[smem:$0x3F87] =	sst s0  }
0x9: {  	[smem:$0x3F88] =	sst s1  }
0xa: {  	[smem:$0x3F89] =	sst s2  }
0xb: {  	[smem:$0x3F8A] =	sst s3  }
0xc: {  	[smem:$0x3F8B] =	sst s4  }
0xd: {  	[smem:$0x3F8C] =	sst s5  }
0xe: {  	[smem:$0x3F8D] =	sst s6  }
0xf: {  	[smem:$0x3F8E] =	sst s7  }
0x10: {  	[smem:$0x3F8F] =	sst s8  }
0x11: {  	[smem:$0x3F90] =	sst s9;
	s0 =	simm.s32 @!p0 $0x0  }
0x12: {  	s1 =	sld [smem:$0x3F76];
	s0 =	simm.s32 @p0 $0x1  }
0x13: {  	[smem:$0x3F91] =	sst s0;
	s0 =	simm.s32 @!p1 $0x0  }
0x14: {  	s2 =	sld [smem:$0x3F75];
	s0 =	simm.s32 @p1 $0x1  }
0x15: {  	[smem:$0x3F92] =	sst s0;
	s0 =	simm.s32 @!p2 $0x0  }
0x16: {  	s3 =	sld [smem:$0x3FDB];
	s0 =	simm.s32 @p2 $0x1  }
0x17: {  	s4 =	simm.s32 $0x1BF5;
	[smem:$0x3F94] =	sst s0  }
0x18: {  	s0 =	sld [smem:$0x3F77];
	_ =	swait.ge [sflag:s4], $0x0  }
0x19: {  	s7 =	sld [smem:$0x3F78]  }
0x1a: {  	s8 =	sadd.s32 $0xFFFFE003, lr  }
0x1b: {  	s9 =	sadd.s32 $0xFFFFFEF7, lr;
	s5 =	simm.s32 $0xFFFFFFFF;
	p2 =	slt.u32 s8, $0xFFFFF086  }
0x1c: {  	p1 =	slt.u32 s9, $0xF7A;
	s5 =	simm.s32 @!p2 $0x0  }
0x1d: {  	s5 =	simm.s32 @p1 $0x1;
	p0 =	seq.s32 s7, s2  }
0x1e: {  	s7 =	smul.u32 @!p0 $0xF7A, s2;
	p2 =	seq.s32 @!p0 s5, $0x0  }
0x1f: {  	s9 =	smul.u32 $0xF7A, s1;
	s8 =	simm.s32 @!p0 $0x1BF5;
	p2 =	por !p2, p0  }
0x20: {  	[sflag:s8] =	ssyncset.s32 @!p0 $0xFFFFF086;
	s6 =	sadd.s32 @!p0 s3, s7;
	s7 =	simm.s32 @!p0 $0x108  }
0x21: {  	s3 =	sadd.s32 s3, s9;
	s6 =	sadd.s32 @!p0 $0x88, s6;
	s7 =	simm.s32 @p2 $0x1082  }
0x22: {  	[simem:s7], [sflag:s8] =	dma.local @!p0 [hbm:s6], $0xF7A  }
0x23: {  	s9 =	sor.u32 $0xD0000000, s2;
	s6 =	simm.s32 $0x108;
	_ =	swait.ge @!p0 [sflag:s8], $0x0  }
0x24: {  	s3 =	sadd.s32 $0x88, s3;
	s6 =	simm.s32 @!p1 $0x1082;
	[sflag:s4] =	ssyncset.s32 $0xFFFFF086  }
0x25: {  	[simem:s6], [sflag:s4] =	dma.local [hbm:s3], $0xF7A  }
0x26: {  	[smem:$0x3F78] =	sst s1;
	(tag) =	ssettag s2;
	_ =	strace s9  }
0x27: {  	s1 =	sld [smem:$0x3F88]  }
0x28: {  	s2 =	sld [smem:$0x3F89]  }
0x29: {  	s4 =	sld [smem:$0x3F8B]  }
0x2a: {  	p0 =	seq.s32 s5, $0x0;
	s5 =	sld [smem:$0x3F8C]  }
0x2b: {  	s6 =	sld [smem:$0x3F8D]  }
0x2c: {  	s7 =	sld [smem:$0x3F8E]  }
0x2d: {  	s3 =	simm.s32 $0x108;
	s8 =	sld [smem:$0x3F8F]  }
0x2e: {  	s3 =	simm.s32 @!p0 $0x1082;
	s9 =	sld [smem:$0x3F90]  }
0x2f: {  	lr =	sadd.s32 s0, s3;
	s0 =	sld [smem:$0x3F87]  }
0x30: {  	s3 =	sld [smem:$0x3F8A]  }
0x31: {  	[smem:$0x3F93] =	sst s10  }
0x32: {  	s10 =	sld [smem:$0x3F91];
	_ =	sdelay $0x3  }
0x33: {  	p0 =	seq.s32 s10, $0x1;
	s10 =	sld [smem:$0x3F93];
	_ =	sdelay $0x3  }
0x34: {  	[smem:$0x3F93] =	sst s10  }
0x35: {  	s10 =	sld [smem:$0x3F92];
	_ =	sdelay $0x3  }
0x36: {  	p1 =	seq.s32 s10, $0x1;
	s10 =	sld [smem:$0x3F93];
	_ =	sdelay $0x3  }
0x37: {  	[smem:$0x3F93] =	sst s10  }
0x38: {  	s10 =	sld [smem:$0x3F94]  }
0x39: {  	_ = 	snop;
	(pc) =	sbr.ind lr, $3  }
0x3a: {  	_ = 	snop  }
0x3b: {  	_ = 	snop  }
0x3c: {  	p2 =	seq.s32 s10, $0x1;
	s10 =	sld [smem:$0x3F93]  }
0x3d: {  	_ =	shalt  }
0x3e: {  	_ =	shalt  }
0x3f: {  	_ =	shalt  }
0x40: {  	_ =	shalt  }
0x41: {  	_ =	shalt  }
0x42: {  	_ =	shalt  }
0x43: {  	_ =	shalt  }
0x44: {  	_ =	shalt  }
0x45: {  	_ =	shalt  }
0x46: {  	_ =	shalt  }
0x47: {  	_ =	shalt  }
0x48: {  	_ =	shalt  }
0x49: {  	_ =	shalt  }
0x4a: {  	_ =	shalt  }
0x4b: {  	_ =	shalt  }
0x4c: {  	_ =	shalt  }
0x4d: {  	_ =	shalt  }
0x4e: {  	_ =	shalt  }
0x4f: {  	_ =	shalt  }
0x50: {  	_ =	shalt  }
0x51: {  	_ =	shalt  }
0x52: {  	_ =	shalt  }
0x53: {  	_ =	shalt  }
0x54: {  	_ =	shalt  }
0x55: {  	_ =	shalt  }
0x56: {  	_ =	shalt  }
0x57: {  	_ =	shalt  }
0x58: {  	_ =	shalt  }
0x59: {  	_ =	shalt  }
0x5a: {  	_ =	shalt  }
0x5b: {  	_ =	shalt  }
0x5c: {  	_ =	shalt  }
0x5d: {  	_ =	shalt  }
0x5e: {  	_ =	shalt  }
0x5f: {  	_ =	shalt  }
0x60: {  	_ =	shalt  }
0x61: {  	_ =	shalt  }
0x62: {  	_ =	shalt  }
0x63: {  	_ =	shalt  }
0x64: {  	_ =	shalt  }
0x65: {  	_ =	shalt  }
0x66: {  	_ =	shalt  }
0x67: {  	_ =	shalt  }
0x68: {  	_ =	shalt  }
0x69: {  	_ =	shalt  }
0x6a: {  	_ =	shalt  }
0x6b: {  	_ =	shalt  }
0x6c: {  	_ =	shalt  }
0x6d: {  	_ =	shalt  }
0x6e: {  	_ =	shalt  }
0x6f: {  	_ =	shalt  }
0x70: {  	_ =	shalt  }
0x71: {  	_ =	shalt  }
0x72: {  	_ =	shalt  }
0x73: {  	_ =	shalt  }
0x74: {  	_ =	shalt  }
0x75: {  	_ =	shalt  }
0x76: {  	_ =	shalt  }
0x77: {  	_ =	shalt  }
0x78: {  	_ =	shalt  }
0x79: {  	_ =	shalt  }
0x7a: {  	_ =	shalt  }
0x7b: {  	_ =	shalt  }
0x7c: {  	_ =	shalt  }
0x7d: {  	_ =	shalt  }
0x7e: {  	_ =	shalt  }
0x7f: {  	_ =	shalt  }
0x80: {  	_ =	shalt  }
0x81: {  	_ =	shalt  }
0x82: {  	_ =	shalt  }
0x83: {  	_ =	shalt  }
0x84: {  	_ =	shalt  }
0x85: {  	_ =	shalt  }
0x86: {  	_ =	shalt  }
0x87: {  	_ =	shalt  }
.Lfunc_end0:
.L_simem_size_0:
called_computation.2_lowered:
.L_overlay_start_0:
0x88: {  	s2 =	sld [smem:$0x3FD9]  }
0x89: {  	s3 =	sld [smem:$0x3FFE];
	_ =	sdelay $0x1  }
0x8a: {  	s1 =	srdreg.scid  }
0x8b: {  	s0 =	sand.u32 $0x1, s1  }
0x8c: {  	s16 =	sshll.u32 s0, $0xA;
	s2 =	sadd.s32 s3, s2  }
0x8d: {  	s2 =	sadd.s32 s2, s16  }
0x8e: {  	[smem:$0x3F9F] =	sst s2  }
0x8f: {  	_ = 	snop  }
0x90: {  	(tm) =	ssettm $0x1  }
0x91: {  	s17 =	sld [smem:$0x3FFB];
	_ =	sdelay $0x3  }
0x92: {  	_ =	strace s17  }
0x93: {  	s2 =	sld [smem:$0x3FFC];
	_ =	sdelay $0x3  }
0x94: {  	_ =	strace s2  }
0x95: {  	s2 =	sld [smem:$0x3FFD];
	_ =	sdelay $0x3  }
0x96: {  	_ =	strace s2  }
0x97: {  	_ =	strace $0x8FFFFFFF  }
0x98: {  	s18 =	sld [smem:$0x3FDB];
	_ =	sdelay $0x1  }
0x99: {  	s19 =	simm.s32 $_scs_section_size  }
0x9a: {  	s4 =	simm.s32 $_size__tile_overlayer_lowered;
	s5 =	simm.s32 $_tile_overlayer_lowered  }
0x9b: {  	s22 =	simm.s32 $0x1BFF;
	s21 =	sshll.u32 s5, $0x1;
	s2 =	sadd.s32 s19, s18  }
0x9c: {  	s6 =	simm.s32 $0x0;
	s20 =	sshll.u32 s4, $0x1;
	s4 =	sadd.s32 s21, s2  }
0x9d: {  	[timem:s6], [sflag:s22] =	dma.local [hbm:s4], s20  }
0x9e: {  	_ =	swait.ge [sflag:s22], s20  }
0x9f: {  	s3 =	ssub.s32 $0x0, s20;
	[sflag:s22] =	ssyncset.done $0x0  }
0xa0: {  	[sflag:s22] =	ssyncadd.s32 s3;
	_ =	sdelay $0x1  }
0xa1: {  	s23 =	simm.s32 $0x1B8B  }
0xa2: {  	_ =	swait.ge [sflag:s23], $0x1  }
0xa3: {  	[sflag:s23] =	ssyncset.done $0x0  }
0xa4: {  	s25 =	simm.s32 $0x1B8E;
	s24 =	sld [smem:$0x3FFE];
	[sflag:s23] =	ssyncadd.s32 $0xFFFFFFFF  }
0xa5: {  	s26 =	simm.s32 $execute0_lowered;
	[smem:$0x3FD2] =	sst s25  }
0xa6: {  	s4 =	sshll.u32 s26, $0x1;
	_ =	strace $0x8000004C;
	[dreg:$0x1] =	wrdreg $0xFFFFFFFF  }
0xa7: {  	s28 =	simm.s32 $_size_execute0_lowered;
	s2 =	sadd.s32 s2, s4;
	[dreg:$0x0] =	wrdreg $0x0  }
0xa8: {  	s4 =	sshll.u32 s28, $0x1;
	[dreg:$0x2] =	wrdreg s2  }
0xa9: {  	[dreg:$0x3] =	wrdreg s4  }
0xaa: {  	[dreg:$0x4] =	wrdreg $0xC0  }
0xab: {  	_ =	task [dreg:s6], $0x5FFFF  }
0xac: {  	[dreg:$0x1] =	wrdreg $0xFFFFFFFF  }
0xad: {  	[dreg:$0x0] =	wrdreg $0x60  }
0xae: {  	[dreg:$0x2] =	wrdreg s24  }
0xaf: {  	[dreg:$0x3] =	wrdreg $0xFE000  }
0xb0: {  	[dreg:$0x4] =	wrdreg $0x9  }
0xb1: {  	_ =	task.clear_ibuf [dreg:s6], $0x5FFFF;
	_ =	strace $0x9000004C  }
0xb2: {  	s29 =	simm.s32 $0x9;
	_ =	strace $0x8000004E  }
0xb3: {  	_ =	swait.ge [sflag:s29], $0x1  }
0xb4: {  	[sflag:s29] =	ssyncadd.s32 $0xFFFFFFFF  }
0xb5: {  	_ =	strace $0x9000004E  }
0xb6: {  	_ =	sfence  }
0xb7: {  	s30 =	sld [smem:$0x0];
	_ =	sdelay $0x2  }
0xb8: {  	s31 =	sshll.u32 s1, $0xD;
	s1 =	sshrl.u32 s1, $0x2  }
0xb9: {  	s3 =	sand.u32 $0x4000, s31;
	s1 =	sadd.s32 s1, s30  }
0xba: {  	s0 =	sor.u32 s3, s0;
	s1 =	sshll.u32 s1, $0x11  }
0xbb: {  	s0 =	sor.u32 s1, s0  }
0xbc: {  	s0 =	sadd.s32 $0x8F2B, s0  }
0xbd: {  	[sflag:s0] =	ssyncadd.remote.s32 $0x1  }
0xbe: {  	_ =	sfence.sel $0xFFFF  }
0xbf: {  	[dreg:$0x0] =	wrdreg $0xFFFFFFFF;
	(pc) =	sbr.abs _section_cstart, $3  }
0xc0: {  	[dreg:$0x1] =	wrdreg $0xFFFFFFFF  }
0xc1: {  	_ =	task.clear_ibuf [dreg:s6], $0x2FFFF;
	_ =	strace $0x9FFFFFFF  }
0xc2: {  	(tm) =	ssettm $0x7FFFFFFF  }
0xc3: {  	_ =	shalt  }
tec
execute0_lowered:
.L_overlay_start_1:
0x0: {  	(tag) =	ssettag $0x1  }
0x1: {  	s1 =	srdreg.scid;
	s5 =	rddreg [dreg:$0x0]  }
0x2: {  	s0 =	stileid.u32;
	s2 =	rddreg [dreg:$0x1]  }
0x3: {  	s3 =	simm.s32 $0x0;
	s16 =	simm.s32 $0x4F00;
	s17 =	simm.s32 $0x3  }
0x4: {  	s18 =	simm.s32 $0xDE00;
	s19 =	simm.s32 $0x80;
	s20 =	simm.s32 $0x9E00  }
0x5: {  	s21 =	simm.s32 $0xBE00;
	s22 =	simm.s32 $0x1;
	s7 =	smul.u32 $0x4F00, s0  }
0x6: {  	s23 =	simm.s32 $0x2;
	s24 =	simm.s32 $0x9D00;
	s8 =	smul.u32 $0xA000, s0  }
0x7: {  	s25 =	simm.s32 $0x9D80;
	s6 =	sand.u32 $0x1, s1;
	s29 =	smul.u32 $0x28000, s0  }
0x8: {  	s26 =	simm.s32 $0x0;
	[smem:$0x7FF] =	sst s3;
	s4 =	smul.u32 $0x9E000, s6  }
0x9: {  	s10 =	smul.u32 $0x140000, s6;
	_ =	strace $0x8000004D;
	s6 =	ssub.s32 $0x2, s6  }
0xa: {  	s30 =	sshrl.u32 s6, $0x1;
	s31 =	sshrl.u32 s29, $0x2;
	s4 =	sadd.s32 s7, s4  }
0xb: {  	s7 =	sshrl.u32 s7, $0x3;
	s28 =	sadd.s32 s8, s10;
	s15 =	ssub.s32 s6, s30  }
0xc: {  	s11 =	sadd.s32 s31, s2;
	s9 =	sshrl.u32 s4, $0x3;
	s4 =	sadd.s32 $0xD6E00, s5  }
0xd: {  	s7 =	sadd.s32 s7, s5;
	s13 =	sadd.s32 s9, s5;
	s9 =	sshrl.u32 s28, $0x3  }
0xe: {  	s10 =	sadd.s32 $0x6000, s11;
	s15 =	smax.u32 s15, $0x1;
	s14 =	sadd.s32 s9, s5  }
0xf: {  	s5 =	sadd.s32 $0x2D000, s7;
	s6 =	sadd.s32 $0x5800, s13;
	s7 =	sadd.s32 s8, s2  }
0x10: {  	s8 =	sadd.s32 $0x2000, s11;
	s9 =	sadd.s32 $0x4000, s11;
	s11 =	sadd.s32 $0x8000, s11  }
0x11: {  	v0 =	vimm.f32 $0.0e+00;
	s13 =	sadd.s32 $0xF600, s13;
	s12 =	sadd.s32 $0x36E00, s14;
	s14 =	sadd.s32 $0x4AE00, s14  }
.LBB2_1:
0x12: {  	[tilespmem:s16], [sflag:$0x3] =	stream.linear.gather [hbm4b:s5+s3], $0x4F00, $0x38;
	[tilespmem:$0x19E00] =	vst v63  }
0x13: {  	_ =	swait.ge [sflag:s17], $0x4F00  }
0x14: {  	[sflag:s17] =	ssyncset.done $0x0  }
0x15: {  	s29 =	simm.s32 $0x100;
	s28 =	simm.s32 $0x0;
	[sflag:s17] =	ssyncadd.s32 $0xFFFFB100  }
.LBB2_2:
0x16: {  	p0 =	sne.s32 s29, $0x7F00;
	[tilespmem:s28+$0xDE30] =	vst v0;
	s30 =	smov.u32 s29;
	s29 =	sadd.s32 $0x100, s29  }
.Ltmp0:
0x17: {  	[tilespmem:s28+$0xDE20] =	vst v0;
	(pc) =	sbr.rel @p0 .LBB2_2-.Ltmp0, $3  }
0x18: {  	[tilespmem:s28+$0xDE00] =	vst v0  }
0x19: {  	[tilespmem:s28+$0xDE10] =	vst v0;
	_ =	sdelay $0x1  }
0x1a: {  	s28 =	sshra.s32 s30, $0x2  }
0x1b: {  	[tilespmem:s28+$0xDE30] =	vst v0  }
0x1c: {  	[tilespmem:s28+$0xDE20] =	vst v0  }
0x1d: {  	[tilespmem:s28+$0xDE00] =	vst v0  }
0x1e: {  	[tilespmem:s28+$0xDE10] =	vst v0;
	s28 =	simm.s32 $0x0  }
0x1f: {  	[tilespmem:s28], [sflag:$0x3] =	stream.linear.gather [hbm4b:s6+s28], $0x4F00, $0x38;
	[tilespmem:$0x19E00] =	vst v63  }
0x20: {  	_ =	swait.ge [sflag:s17], $0x4F00  }
0x21: {  	[sflag:s17] =	ssyncset.done $0x0  }
0x22: {  	[sflag:s17] =	ssyncadd.s32 $0xFFFFB100  }
0x23: {  	[spmem:s7] =	stream.linear.scatter [tilespmem:s18], [sflag:$0x3], $0x2000, $0x38;
	[tilespmem:$0x19E00] =	vst v63  }
0x24: {  	_ =	swait.ge [sflag:s17], $0x2000  }
0x25: {  	[sflag:s17] =	ssyncset.done $0x0  }
0x26: {  	[sflag:s17] =	ssyncadd.s32 $0xFFFFE000  }
0x27: {  	[spmem:s8] =	stream.linear.scatter [tilespmem:s18], [sflag:$0x3], $0x2000, $0x38;
	[tilespmem:$0x19E00] =	vst v63  }
0x28: {  	_ =	swait.ge [sflag:s17], $0x2000  }
0x29: {  	[sflag:s17] =	ssyncset.done $0x0  }
0x2a: {  	[sflag:s17] =	ssyncadd.s32 $0xFFFFE000  }
0x2b: {  	[spmem:s9] =	stream.linear.scatter [tilespmem:s18], [sflag:$0x3], $0x2000, $0x38;
	[tilespmem:$0x19E00] =	vst v63  }
0x2c: {  	_ =	swait.ge [sflag:s17], $0x2000  }
0x2d: {  	[sflag:s17] =	ssyncset.done $0x0  }
0x2e: {  	[sflag:s17] =	ssyncadd.s32 $0xFFFFE000  }
0x2f: {  	[spmem:s10] =	stream.linear.scatter [tilespmem:s18], [sflag:$0x3], $0x2000, $0x38;
	[tilespmem:$0x19E00] =	vst v63  }
0x30: {  	_ =	swait.ge [sflag:s17], $0x2000  }
0x31: {  	[sflag:s17] =	ssyncset.done $0x0  }
0x32: {  	[sflag:s17] =	ssyncadd.s32 $0xFFFFE000  }
0x33: {  	[spmem:s11] =	stream.linear.scatter [tilespmem:s18], [sflag:$0x3], $0x2000, $0x38;
	[tilespmem:$0x19E00] =	vst v63  }
0x34: {  	_ =	swait.ge [sflag:s17], $0x2000  }
0x35: {  	[sflag:s17] =	ssyncset.done $0x0  }
0x36: {  	[sflag:s17] =	ssyncadd.s32 $0xFFFFE000  }
0x37: {  	[bflag:$0x0] =	sbarrier.arrive $0xFFFF  }
0x38: {  	[tilespmem:s20], [sflag:$0x1] =	stream.indirect.gather [hbm4b:s4+s19], $0x40, s28, s19, $0xb8;
	[tilespmem:$0x19E00] =	vst v63  }
0x39: {  	_ = 	snop  }
0x3a: {  	[tilespmem:s21], [sflag:$0x2] =	stream.indirect.gather [hbm4b:s4+s19], $0x40, s19, s19, $0xb8;
	[tilespmem:$0x19E00] =	vst v63  }
0x3b: {  	_ =	swait.ge [sflag:s22], $0x2000  }
0x3c: {  	[sflag:s22] =	ssyncset.done $0x0  }
0x3d: {  	s28 =	simm.s32 $0x4F00;
	[sflag:s22] =	ssyncadd.s32 $0xFFFFE000  }
0x3e: {  	[spmem:s2] =	stream.indirect.scatter.add.f32 [tilespmem:s20], [sflag:$0x3], $0x40, s28, s19, $0xb8;
	[tilespmem:$0x19E00] =	vst v63  }
0x3f: {  	_ =	swait.ge [sflag:s17], $0x2000  }
0x40: {  	[sflag:s17] =	ssyncset.done $0x0  }
0x41: {  	s28 =	simm.s32 $0x100;
	[sflag:s17] =	ssyncadd.s32 $0xFFFFE000  }
0x42: {  	[tilespmem:s20], [sflag:$0x1] =	stream.indirect.gather [hbm4b:s4+s19], $0x40, s28, s19, $0xb8;
	[tilespmem:$0x19E00] =	vst v63  }
0x43: {  	_ =	swait.ge [sflag:s23], $0x2000  }
0x44: {  	[sflag:s23] =	ssyncset.done $0x0  }
0x45: {  	s28 =	simm.s32 $0x4F80;
	[sflag:s23] =	ssyncadd.s32 $0xFFFFE000  }
0x46: {  	[spmem:s2] =	stream.indirect.scatter.add.f32 [tilespmem:s21], [sflag:$0x3], $0x40, s28, s19, $0xb8;
	[tilespmem:$0x19E00] =	vst v63  }
0x47: {  	_ =	swait.ge [sflag:s17], $0x2000  }
0x48: {  	[sflag:s17] =	ssyncset.done $0x0  }
0x49: {  	s29 =	simm.s32 $0x180;
	s28 =	simm.s32 $0x400;
	[sflag:s17] =	ssyncadd.s32 $0xFFFFE000  }
.LBB2_4:
0x4a: {  	[tilespmem:s21], [sflag:$0x2] =	stream.indirect.gather [hbm4b:s4+s19], $0x40, s29, s19, $0xb8;
	[tilespmem:$0x19E00] =	vst v63  }
0x4b: {  	s29 =	smov.u32 s28  }
0x4c: {  	p0 =	sne.s32 s28, $0x13400;
	s28 =	sadd.s32 $0x400, s28;
	_ =	swait.ge [sflag:s22], $0x2000  }
0x4d: {  	s29 =	sshra.s32 s29, $0x2;
	[sflag:s22] =	ssyncset.done $0x0  }
0x4e: {  	s30 =	sadd.s32 $0x4F00, s29;
	[sflag:s22] =	ssyncadd.s32 $0xFFFFE000  }
0x4f: {  	[spmem:s2] =	stream.indirect.scatter.add.f32 [tilespmem:s20], [sflag:$0x3], $0x40, s30, s19, $0xb8;
	[tilespmem:$0x19E00] =	vst v63  }
0x50: {  	_ =	swait.ge [sflag:s17], $0x2000  }
0x51: {  	[sflag:s17] =	ssyncset.done $0x0  }
0x52: {  	s30 =	sadd.s32 $0x100, s29;
	[sflag:s17] =	ssyncadd.s32 $0xFFFFE000  }
0x53: {  	[tilespmem:s20], [sflag:$0x1] =	stream.indirect.gather [hbm4b:s4+s19], $0x40, s30, s19, $0xb8;
	[tilespmem:$0x19E00] =	vst v63  }
0x54: {  	_ =	swait.ge [sflag:s23], $0x2000  }
0x55: {  	[sflag:s23] =	ssyncset.done $0x0  }
.Ltmp1:
0x56: {  	s30 =	sadd.s32 $0x4F80, s29;
	[sflag:s23] =	ssyncadd.s32 $0xFFFFE000;
	(pc) =	sbr.rel @p0 .LBB2_4-.Ltmp1, $4  }
0x57: {  	[spmem:s2] =	stream.indirect.scatter.add.f32 [tilespmem:s21], [sflag:$0x3], $0x40, s30, s19, $0xb8;
	[tilespmem:$0x19E00] =	vst v63  }
0x58: {  	_ =	swait.ge [sflag:s17], $0x2000  }
0x59: {  	[sflag:s17] =	ssyncset.done $0x0  }
0x5a: {  	s29 =	sadd.s32 $0x180, s29;
	[sflag:s17] =	ssyncadd.s32 $0xFFFFE000  }
0x5b: {  	[tilespmem:s21], [sflag:$0x2] =	stream.indirect.gather [hbm4b:s4+s19], $0x40, s29, s19, $0xb8;
	[tilespmem:$0x19E00] =	vst v63  }
0x5c: {  	_ =	swait.ge [sflag:s22], $0x2000  }
0x5d: {  	[sflag:s22] =	ssyncset.done $0x0  }
0x5e: {  	[sflag:s22] =	ssyncadd.s32 $0xFFFFE000  }
0x5f: {  	[spmem:s2] =	stream.indirect.scatter.add.f32 [tilespmem:s20], [sflag:$0x3], $0x40, s24, s19, $0xb8;
	[tilespmem:$0x19E00] =	vst v63  }
0x60: {  	_ =	swait.ge [sflag:s17], $0x2000  }
0x61: {  	[sflag:s17] =	ssyncset.done $0x0  }
0x62: {  	[sflag:s17] =	ssyncadd.s32 $0xFFFFE000  }
0x63: {  	_ =	swait.ge [sflag:s23], $0x2000  }
0x64: {  	[sflag:s23] =	ssyncset.done $0x0  }
0x65: {  	[sflag:s23] =	ssyncadd.s32 $0xFFFFE000  }
0x66: {  	[spmem:s2] =	stream.indirect.scatter.add.f32 [tilespmem:s21], [sflag:$0x3], $0x40, s25, s19, $0xb8;
	[tilespmem:$0x19E00] =	vst v63  }
0x67: {  	_ =	swait.ge [sflag:s17], $0x2000  }
0x68: {  	[sflag:s17] =	ssyncset.done $0x0  }
0x69: {  	s28 =	sshll.u32 s0, $0x6;
	[sflag:s17] =	ssyncadd.s32 $0xFFFFE000  }
0x6a: {  	s29 =	sshrl.u32 s7, $0x3;
	s28 =	sor.u32 $0x1C03, s28;
	[bflag:$0x0] =	sbarrier.arrive $0xFFFF  }
0x6b: {  	[hbm:s12], [sflag:s28] =	dma.local [spmem:s29], $0x1400  }
0x6c: {  	_ =	swait.ge [sflag:s17], $0x1400  }
0x6d: {  	[sflag:s17] =	ssyncset.done $0x0  }
0x6e: {  	s30 =	simm.s32 $0x0;
	[sflag:s17] =	ssyncadd.s32 $0xFFFFEC00  }
0x6f: {  	[tilespmem:s30], [sflag:$0x3] =	stream.linear.gather [hbm4b:s13+s30], $0x4F00, $0x38;
	[tilespmem:$0x19E00] =	vst v63  }
0x70: {  	_ =	swait.ge [sflag:s17], $0x4F00  }
0x71: {  	[sflag:s17] =	ssyncset.done $0x0  }
0x72: {  	[sflag:s17] =	ssyncadd.s32 $0xFFFFB100  }
0x73: {  	[spmem:s7] =	stream.linear.scatter [tilespmem:s18], [sflag:$0x3], $0x2000, $0x38;
	[tilespmem:$0x19E00] =	vst v63  }
0x74: {  	_ =	swait.ge [sflag:s17], $0x2000  }
0x75: {  	[sflag:s17] =	ssyncset.done $0x0  }
0x76: {  	[sflag:s17] =	ssyncadd.s32 $0xFFFFE000  }
0x77: {  	[spmem:s8] =	stream.linear.scatter [tilespmem:s18], [sflag:$0x3], $0x2000, $0x38;
	[tilespmem:$0x19E00] =	vst v63  }
0x78: {  	_ =	swait.ge [sflag:s17], $0x2000  }
0x79: {  	[sflag:s17] =	ssyncset.done $0x0  }
0x7a: {  	[sflag:s17] =	ssyncadd.s32 $0xFFFFE000  }
0x7b: {  	[spmem:s9] =	stream.linear.scatter [tilespmem:s18], [sflag:$0x3], $0x2000, $0x38;
	[tilespmem:$0x19E00] =	vst v63  }
0x7c: {  	_ =	swait.ge [sflag:s17], $0x2000  }
0x7d: {  	[sflag:s17] =	ssyncset.done $0x0  }
0x7e: {  	[sflag:s17] =	ssyncadd.s32 $0xFFFFE000  }
0x7f: {  	[spmem:s10] =	stream.linear.scatter [tilespmem:s18], [sflag:$0x3], $0x2000, $0x38;
	[tilespmem:$0x19E00] =	vst v63  }
0x80: {  	_ =	swait.ge [sflag:s17], $0x2000  }
0x81: {  	[sflag:s17] =	ssyncset.done $0x0  }
0x82: {  	[sflag:s17] =	ssyncadd.s32 $0xFFFFE000  }
0x83: {  	[spmem:s11] =	stream.linear.scatter [tilespmem:s18], [sflag:$0x3], $0x2000, $0x38;
	[tilespmem:$0x19E00] =	vst v63  }
0x84: {  	_ =	swait.ge [sflag:s17], $0x2000  }
0x85: {  	[sflag:s17] =	ssyncset.done $0x0  }
0x86: {  	[sflag:s17] =	ssyncadd.s32 $0xFFFFE000  }
0x87: {  	[bflag:$0x0] =	sbarrier.arrive $0xFFFF  }
0x88: {  	[tilespmem:s20], [sflag:$0x1] =	stream.indirect.gather [hbm4b:s4+s19], $0x40, s30, s19, $0xb8;
	[tilespmem:$0x19E00] =	vst v63  }
0x89: {  	_ = 	snop  }
0x8a: {  	[tilespmem:s21], [sflag:$0x2] =	stream.indirect.gather [hbm4b:s4+s19], $0x40, s19, s19, $0xb8;
	[tilespmem:$0x19E00] =	vst v63  }
0x8b: {  	_ =	swait.ge [sflag:s22], $0x2000  }
0x8c: {  	[sflag:s22] =	ssyncset.done $0x0  }
0x8d: {  	s30 =	simm.s32 $0x4F00;
	[sflag:s22] =	ssyncadd.s32 $0xFFFFE000  }
0x8e: {  	[spmem:s2] =	stream.indirect.scatter.add.f32 [tilespmem:s20], [sflag:$0x3], $0x40, s30, s19, $0xb8;
	[tilespmem:$0x19E00] =	vst v63  }
0x8f: {  	_ =	swait.ge [sflag:s17], $0x2000  }
0x90: {  	[sflag:s17] =	ssyncset.done $0x0  }
0x91: {  	s30 =	simm.s32 $0x100;
	[sflag:s17] =	ssyncadd.s32 $0xFFFFE000  }
0x92: {  	[tilespmem:s20], [sflag:$0x1] =	stream.indirect.gather [hbm4b:s4+s19], $0x40, s30, s19, $0xb8;
	[tilespmem:$0x19E00] =	vst v63  }
0x93: {  	_ =	swait.ge [sflag:s23], $0x2000  }
0x94: {  	[sflag:s23] =	ssyncset.done $0x0  }
0x95: {  	s30 =	simm.s32 $0x4F80;
	[sflag:s23] =	ssyncadd.s32 $0xFFFFE000  }
0x96: {  	[spmem:s2] =	stream.indirect.scatter.add.f32 [tilespmem:s21], [sflag:$0x3], $0x40, s30, s19, $0xb8;
	[tilespmem:$0x19E00] =	vst v63  }
0x97: {  	_ =	swait.ge [sflag:s17], $0x2000  }
0x98: {  	[sflag:s17] =	ssyncset.done $0x0  }
0x99: {  	s31 =	simm.s32 $0x180;
	s30 =	simm.s32 $0x400;
	[sflag:s17] =	ssyncadd.s32 $0xFFFFE000  }
.LBB2_6:
0x9a: {  	[tilespmem:s21], [sflag:$0x2] =	stream.indirect.gather [hbm4b:s4+s19], $0x40, s31, s19, $0xb8;
	[tilespmem:$0x19E00] =	vst v63  }
0x9b: {  	s31 =	smov.u32 s30  }
0x9c: {  	p0 =	sne.s32 s30, $0x13400;
	s30 =	sadd.s32 $0x400, s30;
	_ =	swait.ge [sflag:s22], $0x2000  }
0x9d: {  	s31 =	sshra.s32 s31, $0x2;
	[sflag:s22] =	ssyncset.done $0x0  }
0x9e: {  	s1 =	sadd.s32 $0x4F00, s31;
	[sflag:s22] =	ssyncadd.s32 $0xFFFFE000  }
0x9f: {  	[spmem:s2] =	stream.indirect.scatter.add.f32 [tilespmem:s20], [sflag:$0x3], $0x40, s1, s19, $0xb8;
	[tilespmem:$0x19E00] =	vst v63  }
0xa0: {  	_ =	swait.ge [sflag:s17], $0x2000  }
0xa1: {  	[sflag:s17] =	ssyncset.done $0x0  }
0xa2: {  	s1 =	sadd.s32 $0x100, s31;
	[sflag:s17] =	ssyncadd.s32 $0xFFFFE000  }
0xa3: {  	[tilespmem:s20], [sflag:$0x1] =	stream.indirect.gather [hbm4b:s4+s19], $0x40, s1, s19, $0xb8;
	[tilespmem:$0x19E00] =	vst v63  }
0xa4: {  	_ =	swait.ge [sflag:s23], $0x2000  }
0xa5: {  	[sflag:s23] =	ssyncset.done $0x0  }
.Ltmp2:
0xa6: {  	s1 =	sadd.s32 $0x4F80, s31;
	[sflag:s23] =	ssyncadd.s32 $0xFFFFE000;
	(pc) =	sbr.rel @p0 .LBB2_6-.Ltmp2, $4  }
0xa7: {  	[spmem:s2] =	stream.indirect.scatter.add.f32 [tilespmem:s21], [sflag:$0x3], $0x40, s1, s19, $0xb8;
	[tilespmem:$0x19E00] =	vst v63  }
0xa8: {  	_ =	swait.ge [sflag:s17], $0x2000  }
0xa9: {  	[sflag:s17] =	ssyncset.done $0x0  }
0xaa: {  	s31 =	sadd.s32 $0x180, s31;
	[sflag:s17] =	ssyncadd.s32 $0xFFFFE000  }
0xab: {  	[tilespmem:s21], [sflag:$0x2] =	stream.indirect.gather [hbm4b:s4+s19], $0x40, s31, s19, $0xb8;
	[tilespmem:$0x19E00] =	vst v63  }
0xac: {  	_ =	swait.ge [sflag:s22], $0x2000  }
0xad: {  	[sflag:s22] =	ssyncset.done $0x0  }
0xae: {  	[sflag:s22] =	ssyncadd.s32 $0xFFFFE000  }
0xaf: {  	[spmem:s2] =	stream.indirect.scatter.add.f32 [tilespmem:s20], [sflag:$0x3], $0x40, s24, s19, $0xb8;
	[tilespmem:$0x19E00] =	vst v63  }
0xb0: {  	_ =	swait.ge [sflag:s17], $0x2000  }
0xb1: {  	[sflag:s17] =	ssyncset.done $0x0  }
0xb2: {  	[sflag:s17] =	ssyncadd.s32 $0xFFFFE000  }
0xb3: {  	_ =	swait.ge [sflag:s23], $0x2000  }
0xb4: {  	[sflag:s23] =	ssyncset.done $0x0  }
0xb5: {  	[sflag:s23] =	ssyncadd.s32 $0xFFFFE000  }
0xb6: {  	[spmem:s2] =	stream.indirect.scatter.add.f32 [tilespmem:s21], [sflag:$0x3], $0x40, s25, s19, $0xb8;
	[tilespmem:$0x19E00] =	vst v63  }
0xb7: {  	_ =	swait.ge [sflag:s17], $0x2000  }
0xb8: {  	s26 =	sadd.s32 $0x1, s26;
	[sflag:s17] =	ssyncset.done $0x0  }
0xb9: {  	p0 =	sne.s32 s26, s15;
	[sflag:s17] =	ssyncadd.s32 $0xFFFFE000  }
.Ltmp3:
0xba: {  	[bflag:$0x0] =	sbarrier.arrive $0xFFFF;
	(pc) =	sbr.rel @p0 .LBB2_1-.Ltmp3, $4  }
0xbb: {  	[hbm:s14], [sflag:s28] =	dma.local [spmem:s29], $0x1400  }
0xbc: {  	_ =	swait.ge [sflag:s17], $0x1400  }
0xbd: {  	[sflag:s17] =	ssyncset.done $0x0  }
0xbe: {  	[sflag:s17] =	ssyncadd.s32 $0xFFFFEC00  }
0xbf: {  	_ =	sfence.sel $0x180000  }
0xc0: {  	[bflag:$0x0] =	sbarrier.arrive $0xFFFF  }
0xc1: {  	_ =	strace $0x9000004D  }
0xc2: {  	[bflag:$0x2] =	sbarrier.arrive $0xFFFF  }
0xc3: {  	p0 =	sne.s32 s0, $0x0;
	s0 =	rddreg [dreg:$0x2]  }
0xc4: {  	s0 =	sadd.s32 @!p0 $0x100000, s0  }
0xc5: {  	[sflag:s0] =	ssyncadd.tile.s32 @!p0 $0x1;
	_ =	shalt  }
.Lfunc_end2:
_tile_overlayer_lowered:
.L_overlay_start_2:
0xc6: {  	(tag) =	ssettag $0x2  }
0xc7: {  	s0 =	rddreg [dreg:$0x0];
	s2 =	stileid.u32  }
0xc8: {  	s1 =	rddreg [dreg:$0x1];
	p0 =	sne.s32 s2, $0x0  }
0xc9: {  	s3 =	rddreg [dreg:$0x2];
	[bflag:$0x3] =	sbarrier.arrive $0xFFFF;
	s2 =	simm.s32 @!p0 $0x1C03  }
0xca: {  	[timem:s3], [sflag:s2] =	dma.local @!p0 [hbm:s0], s1  }
0xcb: {  	s0 =	simm.s32 @!p0 $0x3  }
0xcc: {  	_ =	swait.ge @!p0 [sflag:s0], s1  }
0xcd: {  	s1 =	ssub.s32 @!p0 $0x0, s1;
	[sflag:s0] =	ssyncset.done @!p0 $0x0  }
0xce: {  	[sflag:s0] =	ssyncadd.s32 @!p0 s1  }
0xcf: {  	[bflag:$0x3] =	sbarrier.arrive $0xFFFF  }
0xd0: {  	_ =	shalt  }

</sc_bundles>
